<compile_context>
chip_gen: v7x
topology: tpu7x:2x2x1
jax: 0.10.2.dev20260603
libtpu: 0.0.44.dev20260713+nightly
codegen_flags: <defaults>
</compile_context>

<pallas_src>
import functools

import jax
import jax.numpy as jnp
from jax import lax
from jax.experimental import pallas as pl
from jax.experimental.pallas import tpu as pltpu
from jax.experimental.pallas import tpu_sc as plsc

_N, _E, _F_IN, _H, _C, _G = 10000, 320000, 128, 64, 10, 128
_NP = 10240
_PAD = _N

_NC, _NS = 2, 16
_NW = _NC * _NS
_K = 128
_J0 = 80
_J1 = 80
_JMAX = max(_J0, _J1)
_CAP0 = _NS * _J0 * _K
_CAP1 = _NS * _J1 * _K
_EPT = _JMAX * _K
_RPT = _NP // _NS

_R = 1280
_GRID = _NP // _R

@functools.cache
def _sc_kernels():
    mesh = plsc.VectorSubcoreMesh(core_axis_name="c", subcore_axis_name="s",
                                  num_cores=_NC, num_subcores=_NS)

    @functools.partial(
        pl.kernel,
        out_type=jax.ShapeDtypeStruct((_NW * _NP,), jnp.float32),
        mesh=mesh,
        compiler_params=pltpu.CompilerParams(needs_layout_passes=False),
        scratch_types=[
            pltpu.VMEM((_EPT,), jnp.int32),
            pltpu.VMEM((_NP,), jnp.float32),
        ],
    )
    def deg_kernel(dst_hbm, out_hbm, dst_v, hist_v):
        cid = lax.axis_index("c")
        sid = lax.axis_index("s")
        wid = cid * _NS + sid
        pltpu.sync_copy(dst_hbm.at[wid], dst_v)

        zeros16 = jnp.zeros((16,), jnp.float32)

        @pl.loop(0, _NP // 16)
        def _zero(i):
            hist_v[pl.ds(i * 16, 16)] = zeros16

        ones16 = jnp.ones((16,), jnp.float32)

        def hist_chunks(jt):
            @pl.loop(0, jt * (_K // 16))
            def _hist(i):
                idx = dst_v[pl.ds(i * 16, 16)]
                plsc.addupdate_scatter(hist_v, [idx], ones16)

        if _J0 == _J1:
            hist_chunks(_J0)
        else:
            pl.when(cid == 0)(lambda: hist_chunks(_J0))
            pl.when(cid != 0)(lambda: hist_chunks(_J1))

        pltpu.sync_copy(hist_v, out_hbm.at[pl.ds(wid * _NP, _NP)])

    @functools.partial(
        pl.kernel,
        out_type=jax.ShapeDtypeStruct((_NC * _NP, _H), jnp.float32),
        mesh=mesh,
        compiler_params=pltpu.CompilerParams(needs_layout_passes=False,
                                             use_tc_tiling_on_sc=False),
        scratch_types=[
            pltpu.VMEM((_JMAX, _K), jnp.int32),
            pltpu.VMEM((_JMAX, _K), jnp.int32),
            pltpu.VMEM((8, _K, _H), jnp.float32),
            pltpu.VMEM_SHARED((_NP, _H), jnp.float32),
        ] + [pltpu.SemaphoreType.DMA] * 8,
    )
    def edge_kernel(u_hbm, src_hbm, dst_hbm, zeros_hbm, out_hbm,
                    src_v, dst_v, rows8, accum, *sems):
        cid = lax.axis_index("c")
        sid = lax.axis_index("s")
        wid = cid * _NS + sid
        r0 = sid * _RPT

        @pl.when(cid == 0)
        def _():
            pltpu.sync_copy(u_hbm.at[pl.ds(r0, _RPT)],
                            accum.at[pl.ds(r0, _RPT)])

        @pl.when(cid != 0)
        def _():
            pltpu.sync_copy(zeros_hbm.at[pl.ds(r0, _RPT)],
                            accum.at[pl.ds(r0, _RPT)])

        pltpu.sync_copy(src_hbm.at[wid], src_v)
        pltpu.sync_copy(dst_hbm.at[wid], dst_v)
        plsc.subcore_barrier()

        def edge_chunks(jt):
            @pl.loop(0, jt // 8)
            def _edges(i):
                j = 8 * i
                for b in range(8):
                    pltpu.async_copy(u_hbm.at[src_v.at[j + b]],
                                     rows8.at[b], sems[b])
                for b in range(8):
                    pltpu.make_async_copy(u_hbm.at[src_v.at[j + b]],
                                          rows8.at[b], sems[b]).wait()
                    pltpu.sync_copy(rows8.at[b], accum.at[dst_v.at[j + b]],
                                    add=True)

        if _J0 == _J1:
            edge_chunks(_J0)
        else:
            pl.when(cid == 0)(lambda: edge_chunks(_J0))
            pl.when(cid != 0)(lambda: edge_chunks(_J1))

        plsc.subcore_barrier()
        pltpu.sync_copy(accum.at[pl.ds(r0, _RPT)],
                        out_hbm.at[pl.ds(cid * _NP + r0, _RPT)])

    return deg_kernel, edge_kernel


def _prep_body(hist_ref, x_ref, w_ref, u_ref, dinv_ref):
    deg = jnp.sum(hist_ref[...], axis=0) + 1.0
    dinv = lax.rsqrt(deg)[:, None]
    dinv_ref[...] = dinv
    xw = jnp.dot(x_ref[...], w_ref[...], preferred_element_type=jnp.float32)
    u_ref[...] = xw * dinv


def _prep_call(hists, x_p, w0):
    return pl.pallas_call(
        _prep_body,
        grid=(_GRID,),
        in_specs=[
            pl.BlockSpec((_NW, _R), lambda j: (0, j)),
            pl.BlockSpec((_R, _F_IN), lambda j: (j, 0)),
            pl.BlockSpec((_F_IN, _H), lambda j: (0, 0)),
        ],
        out_specs=[
            pl.BlockSpec((_R, _H), lambda j: (j, 0)),
            pl.BlockSpec((_R, 1), lambda j: (j, 0)),
        ],
        out_shape=[
            jax.ShapeDtypeStruct((_NP, _H), jnp.float32),
            jax.ShapeDtypeStruct((_NP, 1), jnp.float32),
        ],
    )(hists, x_p, w0)


def _bn_relu(p, dinv, b, g, be, m, v):
    h = dinv * p + b
    h = g * (h - m) * lax.rsqrt(v + 1e-5) + be
    return jnp.maximum(h, 0.0)


def _mid_body(p_ref, dinv_ref, b_ref, g_ref, be_ref, m_ref, v_ref, w_ref,
              u_ref):
    p = p_ref[0] + p_ref[1]
    dinv = dinv_ref[...]
    h = _bn_relu(p, dinv, b_ref[...], g_ref[...], be_ref[...], m_ref[...],
                 v_ref[...])
    hw = jnp.dot(h, w_ref[...], preferred_element_type=jnp.float32)
    u_ref[...] = hw * dinv


def _mid_call(p, dinv, b, g, be, m, v, w):
    vec = pl.BlockSpec((1, _H), lambda j: (0, 0))
    return pl.pallas_call(
        _mid_body,
        grid=(_GRID,),
        in_specs=[
            pl.BlockSpec((_NC, _R, _H), lambda j: (0, j, 0)),
            pl.BlockSpec((_R, 1), lambda j: (j, 0)),
            vec, vec, vec, vec, vec,
            pl.BlockSpec((_H, _H), lambda j: (0, 0)),
        ],
        out_specs=pl.BlockSpec((_R, _H), lambda j: (j, 0)),
        out_shape=jax.ShapeDtypeStruct((_NP, _H), jnp.float32),
    )(p, dinv, b, g, be, m, v, w)


def _final_body(p_ref, dinv_ref, b_ref, g_ref, be_ref, m_ref, v_ref,
                batch_ref, cw1_ref, cb1_ref, cw2_ref, cb2_ref,
                out_ref, acc_ref):
    j = pl.program_id(0)

    @pl.when(j == 0)
    def _init():
        acc_ref[...] = jnp.zeros_like(acc_ref)

    p = p_ref[0] + p_ref[1]
    h = _bn_relu(p, dinv_ref[...], b_ref[...], g_ref[...], be_ref[...],
                 m_ref[...], v_ref[...])
    ids = lax.broadcasted_iota(jnp.int32, (1, _G), 1)
    onehot = (batch_ref[...] == ids).astype(jnp.float32)
    hext = jnp.concatenate([h, jnp.ones((_R, 1), jnp.float32)], axis=1)
    acc_ref[...] += lax.dot_general(onehot, hext, (((0,), (0,)), ((), ())),
                                    preferred_element_type=jnp.float32)

    @pl.when(j == _GRID - 1)
    def _finish():
        acc = acc_ref[...]
        counts = jnp.maximum(acc[:, _H:_H + 1], 1.0)
        pooled = acc[:, :_H] / counts
        hc = jnp.maximum(
            jnp.dot(pooled, cw1_ref[...],
                    preferred_element_type=jnp.float32) + cb1_ref[...], 0.0)
        out_ref[...] = jnp.dot(
            hc, cw2_ref[...], preferred_element_type=jnp.float32) + cb2_ref[...]


def _final_call(p, dinv, b, g, be, m, v, batch_p, cw1, cb1, cw2, cb2):
    vec = pl.BlockSpec((1, _H), lambda j: (0, 0))
    return pl.pallas_call(
        _final_body,
        grid=(_GRID,),
        in_specs=[
            pl.BlockSpec((_NC, _R, _H), lambda j: (0, j, 0)),
            pl.BlockSpec((_R, 1), lambda j: (j, 0)),
            vec, vec, vec, vec, vec,
            pl.BlockSpec((_R, 1), lambda j: (j, 0)),
            pl.BlockSpec((_H, _H), lambda j: (0, 0)),
            vec,
            pl.BlockSpec((_H, _C), lambda j: (0, 0)),
            pl.BlockSpec((1, _C), lambda j: (0, 0)),
        ],
        out_specs=pl.BlockSpec((_G, _C), lambda j: (0, 0)),
        out_shape=jax.ShapeDtypeStruct((_G, _C), jnp.float32),
        scratch_shapes=[pltpu.VMEM((_G, _H + 1), jnp.float32)],
    )(p, dinv, b, g, be, m, v, batch_p, cw1, cb1, cw2, cb2)


def kernel(x, edge_index, batch, W0, b0, W1, b1, W2, b2,
           g0, be0, m0, v0, g1, be1, m1, v1, g2, be2, m2, v2,
           cW1, cb1, cW2, cb2):
    npad = _CAP0 + _CAP1 - _E
    pad_src = jnp.arange(npad, dtype=jnp.int32) % _NP
    pad_dst = _N + (jnp.arange(npad, dtype=jnp.int32) % (_NP - _N))

    def shard(idx, pad_idx):
        flat = jnp.concatenate([idx, pad_idx])
        s0 = flat[:_CAP0].reshape(_NS, _J0, _K)
        s1 = flat[_CAP0:].reshape(_NS, _J1, _K)
        padj = lambda a, j: jnp.pad(a, ((0, 0), (0, _JMAX - j), (0, 0)),
                                    constant_values=_PAD)
        return jnp.concatenate([padj(s0, _J0), padj(s1, _J1)], axis=0)

    src = shard(edge_index[0], pad_src)
    dst = shard(edge_index[1], pad_dst)

    x_p = jnp.pad(x, ((0, _NP - _N), (0, 0)))
    zeros = jnp.zeros((_NP, _H), jnp.float32)
    batch_p = jnp.pad(batch, (0, _NP - _N), constant_values=_G)[:, None]

    r1 = lambda a: a.reshape(1, -1)
    bn = [(r1(b0), r1(g0), r1(be0), r1(m0), r1(v0)),
          (r1(b1), r1(g1), r1(be1), r1(m1), r1(v1)),
          (r1(b2), r1(g2), r1(be2), r1(m2), r1(v2))]

    deg_kernel, edge_kernel = _sc_kernels()
    hists = deg_kernel(dst.reshape(_NW, _EPT * 1)).reshape(_NW, _NP)
    u, dinv = _prep_call(hists, x_p, W0)

    for li, w_next in ((0, W1), (1, W2)):
        p = edge_kernel(u, src, dst, zeros).reshape(_NC, _NP, _H)
        u = _mid_call(p, dinv, *bn[li], w_next)

    p = edge_kernel(u, src, dst, zeros).reshape(_NC, _NP, _H)
    return _final_call(p, dinv, *bn[2], batch_p, cW1, r1(cb1), cW2, r1(cb2))

# --- scband reference (transcript-rebuilt; emitter-appended) ---
"""Pipeline reference for scband-gcn-graph-classification-25572235280972 (READ-ONLY COPY).

The authoritative reference and input builder live on the scoring server;
editing this copy changes nothing except your own understanding.
"""

import jax, jax.numpy as jnp
import numpy as np

N, E, F_IN, H, C, G = 10000, 320000, 128, 64, 10, 128


def setup_inputs(seed: int = 0) -> dict:
    key = jax.random.key(seed)
    ks = jax.random.split(key, 16)
    inp = {}
    inp["x"] = jax.random.normal(ks[0], (N, F_IN), dtype=jnp.float32)
    inp["edge_index"] = jax.random.randint(ks[1], (2, E), 0, N, dtype=jnp.int32)
    inp["batch"] = jnp.sort(jax.random.randint(ks[2], (N,), 0, G, dtype=jnp.int32))
    # GCN conv weights
    inp["W0"] = jax.random.normal(ks[3], (F_IN, H), dtype=jnp.float32) * 0.05
    inp["b0"] = jnp.zeros((H,), dtype=jnp.float32)
    inp["W1"] = jax.random.normal(ks[4], (H, H), dtype=jnp.float32) * 0.05
    inp["b1"] = jnp.zeros((H,), dtype=jnp.float32)
    inp["W2"] = jax.random.normal(ks[5], (H, H), dtype=jnp.float32) * 0.05
    inp["b2"] = jnp.zeros((H,), dtype=jnp.float32)
    # BatchNorm params (eval mode: running stats)
    for i in range(3):
        inp[f"g{i}"] = jnp.ones((H,), dtype=jnp.float32)
        inp[f"be{i}"] = jnp.zeros((H,), dtype=jnp.float32)
        inp[f"m{i}"] = jnp.zeros((H,), dtype=jnp.float32)
        inp[f"v{i}"] = jnp.ones((H,), dtype=jnp.float32)
    # classifier
    inp["cW1"] = jax.random.normal(ks[6], (H, H), dtype=jnp.float32) * 0.05
    inp["cb1"] = jnp.zeros((H,), dtype=jnp.float32)
    inp["cW2"] = jax.random.normal(ks[7], (H, C), dtype=jnp.float32) * 0.05
    inp["cb2"] = jnp.zeros((C,), dtype=jnp.float32)
    return inp


def _gcn_conv(x, src, dst, dinv, W, b):
    norm = dinv[src] * dinv[dst]
    xw = x @ W
    msg = xw[src] * norm[:, None]
    out = jnp.zeros((x.shape[0], W.shape[1]), x.dtype).at[dst].add(msg)
    return out + b


def _bn(x, g, be, m, v):
    return g * (x - m) * jax.lax.rsqrt(v + 1e-5) + be


def reference(x, edge_index, batch, W0, b0, W1, b1, W2, b2, g0, be0, m0, v0, g1, be1, m1, v1, g2, be2, m2, v2, cW1, cb1, cW2, cb2):
    n = x.shape[0]
    loop = jnp.arange(n, dtype=edge_index.dtype)
    src = jnp.concatenate([edge_index[0], loop])
    dst = jnp.concatenate([edge_index[1], loop])
    deg = jnp.zeros((n,), x.dtype).at[dst].add(1.0)
    dinv = jax.lax.rsqrt(jnp.clip(deg, 1.0))
    h = x
    params = [(W0, b0, g0, be0, m0, v0), (W1, b1, g1, be1, m1, v1), (W2, b2, g2, be2, m2, v2)]
    for (W, b, g, be, m, v) in params:
        h = _gcn_conv(h, src, dst, dinv, W, b)
        h = _bn(h, g, be, m, v)
        h = jax.nn.relu(h)
        # dropout: identity in eval mode
    sums = jax.ops.segment_sum(h, batch, num_segments=G)
    counts = jax.ops.segment_sum(jnp.ones((n,), h.dtype), batch, num_segments=G)
    pooled = sums / jnp.clip(counts, 1.0)[:, None]
    hc = jax.nn.relu(pooled @ cW1 + cb1)
    out = hc @ cW2 + cb2
    return out

if __name__ == "__main__":
    import jax
    _d = setup_inputs()
    print(jax.jit(kernel)(*tuple(_d.values())))

</pallas_src>

<mosaic_0001>
#map = affine_map<(d0, d1) -> (0, 0)>
#map1 = affine_map<(d0, d1) -> (0)>
module attributes {stable_mosaic.version = 14 : i64} {
  func.func @deg_kernel(%arg0: i32, %arg1: i32, %arg2: memref<32x10240xi32, #tpu.memory_space<hbm>>, %arg3: memref<327680xf32, #tpu.memory_space<hbm>>, %arg4: memref<10240xi32, #tpu.memory_space<vmem>>, %arg5: memref<10240xf32, #tpu.memory_space<vmem>>) attributes {dimension_semantics = [#tpu.dimension_semantics<core_parallel>, #tpu.dimension_semantics<subcore_parallel>], iteration_bounds = array<i64: 2, 16>, scalar_prefetch = 0 : i64, scratch_operands = 2 : i64, tpu.core_type = #tpu.core_type<sc_vector_subcore>, window_params = [{transform_indices = #map}, {transform_indices = #map1}]} {
    %mul3A = arith.constant 16 : i32
    %mul3A_0 = arith.muli %arg0, %mul3A : i32
    %add3A = arith.addi %mul3A_0, %arg1 : i32
    "tpu.region"() ({
      %run_scoped3A = tpu.sem_alloc : memref<!tpu.dma_semaphore, #tpu.memory_space<semaphore_mem>>
      %dma_start3A = arith.constant 0 : i32
      %dma_start3A_15 = tpu.memref_slice %arg2[%add3A, %dma_start3A] : memref<32x10240xi32, #tpu.memory_space<hbm>> -> memref<1x10240xi32, #tpu.memory_space<hbm>>
      %dma_start3A_16 = tpu.memref_squeeze %dma_start3A_15 : memref<1x10240xi32, #tpu.memory_space<hbm>> -> memref<10240xi32, #tpu.memory_space<hbm>>
      %dma_start3A_17 = arith.constant 0 : i32
      %dma_start3A_18 = tpu.memref_slice %arg2[%add3A, %dma_start3A_17] : memref<32x10240xi32, #tpu.memory_space<hbm>> -> memref<1x10240xi32, #tpu.memory_space<hbm>>
      %dma_start3A_19 = tpu.memref_squeeze %dma_start3A_18 : memref<1x10240xi32, #tpu.memory_space<hbm>> -> memref<10240xi32, #tpu.memory_space<hbm>>
      tpu.enqueue_dma source(%dma_start3A_19 : memref<10240xi32, #tpu.memory_space<hbm>>) target(%arg4 : memref<10240xi32, #tpu.memory_space<vmem>>) target_semaphore(%run_scoped3A : memref<!tpu.dma_semaphore, #tpu.memory_space<semaphore_mem>>)
      %dma_wait3A = arith.constant 0 : i32
      %dma_wait3A_20 = tpu.memref_slice %arg2[%add3A, %dma_wait3A] : memref<32x10240xi32, #tpu.memory_space<hbm>> -> memref<1x10240xi32, #tpu.memory_space<hbm>>
      %dma_wait3A_21 = tpu.memref_squeeze %dma_wait3A_20 : memref<1x10240xi32, #tpu.memory_space<hbm>> -> memref<10240xi32, #tpu.memory_space<hbm>>
      %dma_wait3A_22 = arith.constant 0 : i32
      %dma_wait3A_23 = tpu.memref_slice %arg2[%add3A, %dma_wait3A_22] : memref<32x10240xi32, #tpu.memory_space<hbm>> -> memref<1x10240xi32, #tpu.memory_space<hbm>>
      %dma_wait3A_24 = tpu.memref_squeeze %dma_wait3A_23 : memref<1x10240xi32, #tpu.memory_space<hbm>> -> memref<10240xi32, #tpu.memory_space<hbm>>
      tpu.wait_dma2 semaphore(%run_scoped3A : memref<!tpu.dma_semaphore, #tpu.memory_space<semaphore_mem>>) src(%dma_wait3A_24 : memref<10240xi32, #tpu.memory_space<hbm>>) dst(%arg4 : memref<10240xi32, #tpu.memory_space<vmem>>)
      tpu.yield
    }) : () -> ()
    %broadcast_in_dim3A = arith.constant 0.000000e+00 : f32
    %broadcast_in_dim3A_1 = vector.broadcast %broadcast_in_dim3A : f32 to vector<16xf32>
    %scan3A = arith.constant 0 : i32
    %scan3A_2 = arith.constant 640 : i32
    %scan3A_3 = arith.addi %scan3A, %scan3A_2 : i32
    %scan3A_4 = arith.constant 1 : i32
    scf.for %scan3A_15 = %scan3A to %scan3A_3 step %scan3A_4  : i32 {
      %mul3A_16 = arith.constant 1 : i32
      %mul3A_17 = arith.muli %scan3A_15, %mul3A_16 : i32
      %add3A_18 = arith.constant 0 : i32
      %add3A_19 = arith.addi %add3A_18, %mul3A_17 : i32
      %mul3A_20 = arith.constant 16 : i32
      %mul3A_21 = arith.muli %add3A_19, %mul3A_20 : i32
      %swap3A = arith.index_cast %mul3A_21 : i32 to index
      %swap3A_22 = tpu.vector_load %arg5[%swap3A] {strides = array<i32>} : memref<10240xf32, #tpu.memory_space<vmem>>, vector<16xf32>,
      tpu.vector_store %arg5[%swap3A], %broadcast_in_dim3A_1 {strides = array<i32>} : memref<10240xf32, #tpu.memory_space<vmem>>, vector<16xf32>,
    }
    %scan3A_5 = arith.constant 640 : i32
    %broadcast_in_dim3A_6 = arith.constant 1.000000e+00 : f32
    %broadcast_in_dim3A_7 = vector.broadcast %broadcast_in_dim3A_6 : f32 to vector<16xf32>
    %scan3A_8 = arith.constant 0 : i32
    %scan3A_9 = arith.constant 640 : i32
    %scan3A_10 = arith.addi %scan3A_8, %scan3A_9 : i32
    %scan3A_11 = arith.constant 1 : i32
    scf.for %scan3A_15 = %scan3A_8 to %scan3A_10 step %scan3A_11  : i32 {
      %mul3A_16 = arith.constant 1 : i32
      %mul3A_17 = arith.muli %scan3A_15, %mul3A_16 : i32
      %add3A_18 = arith.constant 0 : i32
      %add3A_19 = arith.addi %add3A_18, %mul3A_17 : i32
      %mul3A_20 = arith.constant 16 : i32
      %mul3A_21 = arith.muli %add3A_19, %mul3A_20 : i32
      %get3A = arith.index_cast %mul3A_21 : i32 to index
      %get3A_22 = tpu.vector_load %arg4[%get3A] {strides = array<i32>} : memref<10240xi32, #tpu.memory_space<vmem>>, vector<16xi32>,
      tpu.vector_store_idx %arg5[%get3A_22], %broadcast_in_dim3A_7 {add = true} : memref<10240xf32, #tpu.memory_space<vmem>>[vector<16xi32>], vector<16xf32>,
    }
    %scan3A_12 = arith.constant 640 : i32
    %mul3A_13 = arith.constant 10240 : i32
    %mul3A_14 = arith.muli %add3A, %mul3A_13 : i32
    "tpu.region"() ({
      %run_scoped3A = tpu.sem_alloc : memref<!tpu.dma_semaphore, #tpu.memory_space<semaphore_mem>>
      %dma_start3A = tpu.memref_slice %arg3[%mul3A_14] : memref<327680xf32, #tpu.memory_space<hbm>> -> memref<10240xf32, #tpu.memory_space<hbm>>
      %dma_start3A_15 = tpu.memref_slice %arg3[%mul3A_14] : memref<327680xf32, #tpu.memory_space<hbm>> -> memref<10240xf32, #tpu.memory_space<hbm>>
      tpu.enqueue_dma source(%arg5 : memref<10240xf32, #tpu.memory_space<vmem>>) target(%dma_start3A_15 : memref<10240xf32, #tpu.memory_space<hbm>>) target_semaphore(%run_scoped3A : memref<!tpu.dma_semaphore, #tpu.memory_space<semaphore_mem>>)
      %dma_wait3A = tpu.memref_slice %arg3[%mul3A_14] : memref<327680xf32, #tpu.memory_space<hbm>> -> memref<10240xf32, #tpu.memory_space<hbm>>
      %dma_wait3A_16 = tpu.memref_slice %arg3[%mul3A_14] : memref<327680xf32, #tpu.memory_space<hbm>> -> memref<10240xf32, #tpu.memory_space<hbm>>
      tpu.wait_dma2 semaphore(%run_scoped3A : memref<!tpu.dma_semaphore, #tpu.memory_space<semaphore_mem>>) src(%arg5 : memref<10240xf32, #tpu.memory_space<vmem>>) dst(%dma_wait3A_16 : memref<10240xf32, #tpu.memory_space<hbm>>)
      tpu.yield
    }) : () -> ()
    return
  }
}

#map = affine_map<(d0, d1) -> (0, 0)>
#map1 = affine_map<(d0, d1) -> (0, 0, 0)>
module attributes {stable_mosaic.version = 14 : i64} {
  func.func @edge_kernel(%arg0: i32, %arg1: i32, %arg2: memref<10240x64xf32, #tpu.memory_space<hbm>>, %arg3: memref<32x80x128xi32, #tpu.memory_space<hbm>>, %arg4: memref<32x80x128xi32, #tpu.memory_space<hbm>>, %arg5: memref<10240x64xf32, #tpu.memory_space<hbm>>, %arg6: memref<20480x64xf32, #tpu.memory_space<hbm>>, %arg7: memref<80x128xi32, #tpu.memory_space<vmem>>, %arg8: memref<80x128xi32, #tpu.memory_space<vmem>>, %arg9: memref<8x128x64xf32, #tpu.memory_space<vmem>>, %arg10: memref<10240x64xf32, #tpu.memory_space<vmem_shared>>, %arg11: memref<!tpu.dma_semaphore, #tpu.memory_space<semaphore_mem>>, %arg12: memref<!tpu.dma_semaphore, #tpu.memory_space<semaphore_mem>>, %arg13: memref<!tpu.dma_semaphore, #tpu.memory_space<semaphore_mem>>, %arg14: memref<!tpu.dma_semaphore, #tpu.memory_space<semaphore_mem>>, %arg15: memref<!tpu.dma_semaphore, #tpu.memory_space<semaphore_mem>>, %arg16: memref<!tpu.dma_semaphore, #tpu.memory_space<semaphore_mem>>, %arg17: memref<!tpu.dma_semaphore, #tpu.memory_space<semaphore_mem>>, %arg18: memref<!tpu.dma_semaphore, #tpu.memory_space<semaphore_mem>>) attributes {dimension_semantics = [#tpu.dimension_semantics<core_parallel>, #tpu.dimension_semantics<subcore_parallel>], iteration_bounds = array<i64: 2, 16>, scalar_prefetch = 0 : i64, scratch_operands = 12 : i64, tpu.core_type = #tpu.core_type<sc_vector_subcore>, window_params = [{transform_indices = #map}, {transform_indices = #map1}, {transform_indices = #map1}, {transform_indices = #map}, {transform_indices = #map}]} {
    %mul3A = arith.constant 16 : i32
    %mul3A_0 = arith.muli %arg0, %mul3A : i32
    %add3A = arith.addi %mul3A_0, %arg1 : i32
    %mul3A_1 = arith.constant 640 : i32
    %mul3A_2 = arith.muli %arg1, %mul3A_1 : i32
    %eq3A = arith.constant 0 : i32
    %eq3A_3 = arith.cmpi eq, %arg0, %eq3A : i32
    %convert_element_type3A = arith.extui %eq3A_3 : i1 to i32
    %cond3A = arith.constant 0 : i32
    %cond3A_4 = arith.cmpi ne, %convert_element_type3A, %cond3A : i32
    scf.if %cond3A_4 {
      "tpu.region"() ({
        %run_scoped3A = tpu.sem_alloc : memref<!tpu.dma_semaphore, #tpu.memory_space<semaphore_mem>>
        %dma_start3A = arith.constant 0 : i32
        %dma_start3A_17 = tpu.memref_slice %arg10[%mul3A_2, %dma_start3A] : memref<10240x64xf32, #tpu.memory_space<vmem_shared>> -> memref<640x64xf32, #tpu.memory_space<vmem_shared>>
        %dma_start3A_18 = arith.constant 0 : i32
        %dma_start3A_19 = tpu.memref_slice %arg2[%mul3A_2, %dma_start3A_18] : memref<10240x64xf32, #tpu.memory_space<hbm>> -> memref<640x64xf32, #tpu.memory_space<hbm>>
        tpu.enqueue_dma source(%dma_start3A_19 : memref<640x64xf32, #tpu.memory_space<hbm>>) target(%dma_start3A_17 : memref<640x64xf32, #tpu.memory_space<vmem_shared>>) target_semaphore(%run_scoped3A : memref<!tpu.dma_semaphore, #tpu.memory_space<semaphore_mem>>)
        %dma_wait3A = arith.constant 0 : i32
        %dma_wait3A_20 = tpu.memref_slice %arg10[%mul3A_2, %dma_wait3A] : memref<10240x64xf32, #tpu.memory_space<vmem_shared>> -> memref<640x64xf32, #tpu.memory_space<vmem_shared>>
        %dma_wait3A_21 = arith.constant 0 : i32
        %dma_wait3A_22 = tpu.memref_slice %arg2[%mul3A_2, %dma_wait3A_21] : memref<10240x64xf32, #tpu.memory_space<hbm>> -> memref<640x64xf32, #tpu.memory_space<hbm>>
        tpu.wait_dma2 semaphore(%run_scoped3A : memref<!tpu.dma_semaphore, #tpu.memory_space<semaphore_mem>>) src(%dma_wait3A_22 : memref<640x64xf32, #tpu.memory_space<hbm>>) dst(%dma_wait3A_20 : memref<640x64xf32, #tpu.memory_space<vmem_shared>>)
        tpu.yield
      }) : () -> ()
    } else {
    }
    %ne3A = arith.constant 0 : i32
    %ne3A_5 = arith.cmpi ne, %arg0, %ne3A : i32
    %convert_element_type3A_6 = arith.extui %ne3A_5 : i1 to i32
    %cond3A_7 = arith.constant 0 : i32
    %cond3A_8 = arith.cmpi ne, %convert_element_type3A_6, %cond3A_7 : i32
    scf.if %cond3A_8 {
      "tpu.region"() ({
        %run_scoped3A = tpu.sem_alloc : memref<!tpu.dma_semaphore, #tpu.memory_space<semaphore_mem>>
        %dma_start3A = arith.constant 0 : i32
        %dma_start3A_17 = tpu.memref_slice %arg10[%mul3A_2, %dma_start3A] : memref<10240x64xf32, #tpu.memory_space<vmem_shared>> -> memref<640x64xf32, #tpu.memory_space<vmem_shared>>
        %dma_start3A_18 = arith.constant 0 : i32
        %dma_start3A_19 = tpu.memref_slice %arg5[%mul3A_2, %dma_start3A_18] : memref<10240x64xf32, #tpu.memory_space<hbm>> -> memref<640x64xf32, #tpu.memory_space<hbm>>
        tpu.enqueue_dma source(%dma_start3A_19 : memref<640x64xf32, #tpu.memory_space<hbm>>) target(%dma_start3A_17 : memref<640x64xf32, #tpu.memory_space<vmem_shared>>) target_semaphore(%run_scoped3A : memref<!tpu.dma_semaphore, #tpu.memory_space<semaphore_mem>>)
        %dma_wait3A = arith.constant 0 : i32
        %dma_wait3A_20 = tpu.memref_slice %arg10[%mul3A_2, %dma_wait3A] : memref<10240x64xf32, #tpu.memory_space<vmem_shared>> -> memref<640x64xf32, #tpu.memory_space<vmem_shared>>
        %dma_wait3A_21 = arith.constant 0 : i32
        %dma_wait3A_22 = tpu.memref_slice %arg5[%mul3A_2, %dma_wait3A_21] : memref<10240x64xf32, #tpu.memory_space<hbm>> -> memref<640x64xf32, #tpu.memory_space<hbm>>
        tpu.wait_dma2 semaphore(%run_scoped3A : memref<!tpu.dma_semaphore, #tpu.memory_space<semaphore_mem>>) src(%dma_wait3A_22 : memref<640x64xf32, #tpu.memory_space<hbm>>) dst(%dma_wait3A_20 : memref<640x64xf32, #tpu.memory_space<vmem_shared>>)
        tpu.yield
      }) : () -> ()
    } else {
    }
    "tpu.region"() ({
      %run_scoped3A = tpu.sem_alloc : memref<!tpu.dma_semaphore, #tpu.memory_space<semaphore_mem>>
      %dma_start3A = arith.constant 0 : i32
      %dma_start3A_17 = arith.constant 0 : i32
      %dma_start3A_18 = tpu.memref_slice %arg3[%add3A, %dma_start3A, %dma_start3A_17] : memref<32x80x128xi32, #tpu.memory_space<hbm>> -> memref<1x80x128xi32, #tpu.memory_space<hbm>>
      %dma_start3A_19 = tpu.memref_squeeze %dma_start3A_18 : memref<1x80x128xi32, #tpu.memory_space<hbm>> -> memref<80x128xi32, #tpu.memory_space<hbm>>
      %dma_start3A_20 = arith.constant 0 : i32
      %dma_start3A_21 = arith.constant 0 : i32
      %dma_start3A_22 = tpu.memref_slice %arg3[%add3A, %dma_start3A_20, %dma_start3A_21] : memref<32x80x128xi32, #tpu.memory_space<hbm>> -> memref<1x80x128xi32, #tpu.memory_space<hbm>>
      %dma_start3A_23 = tpu.memref_squeeze %dma_start3A_22 : memref<1x80x128xi32, #tpu.memory_space<hbm>> -> memref<80x128xi32, #tpu.memory_space<hbm>>
      tpu.enqueue_dma source(%dma_start3A_23 : memref<80x128xi32, #tpu.memory_space<hbm>>) target(%arg7 : memref<80x128xi32, #tpu.memory_space<vmem>>) target_semaphore(%run_scoped3A : memref<!tpu.dma_semaphore, #tpu.memory_space<semaphore_mem>>)
      %dma_wait3A = arith.constant 0 : i32
      %dma_wait3A_24 = arith.constant 0 : i32
      %dma_wait3A_25 = tpu.memref_slice %arg3[%add3A, %dma_wait3A, %dma_wait3A_24] : memref<32x80x128xi32, #tpu.memory_space<hbm>> -> memref<1x80x128xi32, #tpu.memory_space<hbm>>
      %dma_wait3A_26 = tpu.memref_squeeze %dma_wait3A_25 : memref<1x80x128xi32, #tpu.memory_space<hbm>> -> memref<80x128xi32, #tpu.memory_space<hbm>>
      %dma_wait3A_27 = arith.constant 0 : i32
      %dma_wait3A_28 = arith.constant 0 : i32
      %dma_wait3A_29 = tpu.memref_slice %arg3[%add3A, %dma_wait3A_27, %dma_wait3A_28] : memref<32x80x128xi32, #tpu.memory_space<hbm>> -> memref<1x80x128xi32, #tpu.memory_space<hbm>>
      %dma_wait3A_30 = tpu.memref_squeeze %dma_wait3A_29 : memref<1x80x128xi32, #tpu.memory_space<hbm>> -> memref<80x128xi32, #tpu.memory_space<hbm>>
      tpu.wait_dma2 semaphore(%run_scoped3A : memref<!tpu.dma_semaphore, #tpu.memory_space<semaphore_mem>>) src(%dma_wait3A_30 : memref<80x128xi32, #tpu.memory_space<hbm>>) dst(%arg7 : memref<80x128xi32, #tpu.memory_space<vmem>>)
      tpu.yield
    }) : () -> ()
    "tpu.region"() ({
      %run_scoped3A = tpu.sem_alloc : memref<!tpu.dma_semaphore, #tpu.memory_space<semaphore_mem>>
      %dma_start3A = arith.constant 0 : i32
      %dma_start3A_17 = arith.constant 0 : i32
      %dma_start3A_18 = tpu.memref_slice %arg4[%add3A, %dma_start3A, %dma_start3A_17] : memref<32x80x128xi32, #tpu.memory_space<hbm>> -> memref<1x80x128xi32, #tpu.memory_space<hbm>>
      %dma_start3A_19 = tpu.memref_squeeze %dma_start3A_18 : memref<1x80x128xi32, #tpu.memory_space<hbm>> -> memref<80x128xi32, #tpu.memory_space<hbm>>
      %dma_start3A_20 = arith.constant 0 : i32
      %dma_start3A_21 = arith.constant 0 : i32
      %dma_start3A_22 = tpu.memref_slice %arg4[%add3A, %dma_start3A_20, %dma_start3A_21] : memref<32x80x128xi32, #tpu.memory_space<hbm>> -> memref<1x80x128xi32, #tpu.memory_space<hbm>>
      %dma_start3A_23 = tpu.memref_squeeze %dma_start3A_22 : memref<1x80x128xi32, #tpu.memory_space<hbm>> -> memref<80x128xi32, #tpu.memory_space<hbm>>
      tpu.enqueue_dma source(%dma_start3A_23 : memref<80x128xi32, #tpu.memory_space<hbm>>) target(%arg8 : memref<80x128xi32, #tpu.memory_space<vmem>>) target_semaphore(%run_scoped3A : memref<!tpu.dma_semaphore, #tpu.memory_space<semaphore_mem>>)
      %dma_wait3A = arith.constant 0 : i32
      %dma_wait3A_24 = arith.constant 0 : i32
      %dma_wait3A_25 = tpu.memref_slice %arg4[%add3A, %dma_wait3A, %dma_wait3A_24] : memref<32x80x128xi32, #tpu.memory_space<hbm>> -> memref<1x80x128xi32, #tpu.memory_space<hbm>>
      %dma_wait3A_26 = tpu.memref_squeeze %dma_wait3A_25 : memref<1x80x128xi32, #tpu.memory_space<hbm>> -> memref<80x128xi32, #tpu.memory_space<hbm>>
      %dma_wait3A_27 = arith.constant 0 : i32
      %dma_wait3A_28 = arith.constant 0 : i32
      %dma_wait3A_29 = tpu.memref_slice %arg4[%add3A, %dma_wait3A_27, %dma_wait3A_28] : memref<32x80x128xi32, #tpu.memory_space<hbm>> -> memref<1x80x128xi32, #tpu.memory_space<hbm>>
      %dma_wait3A_30 = tpu.memref_squeeze %dma_wait3A_29 : memref<1x80x128xi32, #tpu.memory_space<hbm>> -> memref<80x128xi32, #tpu.memory_space<hbm>>
      tpu.wait_dma2 semaphore(%run_scoped3A : memref<!tpu.dma_semaphore, #tpu.memory_space<semaphore_mem>>) src(%dma_wait3A_30 : memref<80x128xi32, #tpu.memory_space<hbm>>) dst(%arg8 : memref<80x128xi32, #tpu.memory_space<vmem>>)
      tpu.yield
    }) : () -> ()
    %barrier3A = arith.constant 0 : index
    tpu.barrier barrier_id(%barrier3A)
    %scan3A = arith.constant 0 : i32
    %scan3A_9 = arith.constant 10 : i32
    %scan3A_10 = arith.addi %scan3A, %scan3A_9 : i32
    %scan3A_11 = arith.constant 1 : i32
    scf.for %scan3A_17 = %scan3A to %scan3A_10 step %scan3A_11  : i32 {
      %mul3A_18 = arith.constant 1 : i32
      %mul3A_19 = arith.muli %scan3A_17, %mul3A_18 : i32
      %add3A_20 = arith.constant 0 : i32
      %add3A_21 = arith.addi %add3A_20, %mul3A_19 : i32
      %mul3A_22 = arith.constant 8 : i32
      %mul3A_23 = arith.muli %mul3A_22, %add3A_21 : i32
      %add3A_24 = arith.constant 0 : i32
      %add3A_25 = arith.addi %mul3A_23, %add3A_24 : i32
      %dma_start3A = arith.constant 0 : i32
      %dma_start3A_26 = arith.constant 0 : i32
      %dma_start3A_27 = arith.constant 0 : i32
      %dma_start3A_28 = tpu.memref_slice %arg9[%dma_start3A, %dma_start3A_26, %dma_start3A_27] : memref<8x128x64xf32, #tpu.memory_space<vmem>> -> memref<1x128x64xf32, #tpu.memory_space<vmem>>
      %dma_start3A_29 = tpu.memref_squeeze %dma_start3A_28 : memref<1x128x64xf32, #tpu.memory_space<vmem>> -> memref<128x64xf32, #tpu.memory_space<vmem>>
      %dma_start3A_30 = arith.constant 0 : i32
      %dma_start3A_31 = tpu.memref_slice %arg7[%add3A_25, %dma_start3A_30] : memref<80x128xi32, #tpu.memory_space<vmem>> -> memref<1x128xi32, #tpu.memory_space<vmem>>
      %dma_start3A_32 = tpu.memref_squeeze %dma_start3A_31 : memref<1x128xi32, #tpu.memory_space<vmem>> -> memref<128xi32, #tpu.memory_space<vmem>>
      %dma_start3A_33 = arith.constant 0 : i32
      %dma_start3A_34 = arith.constant 0 : i32
      %dma_start3A_35 = tpu.memref_slice %arg2[%dma_start3A_33, %dma_start3A_34] : memref<10240x64xf32, #tpu.memory_space<hbm>> -> memref<10240x64xf32, #tpu.memory_space<hbm>>
      tpu.enqueue_indirect_dma source(%dma_start3A_35 : memref<10240x64xf32, #tpu.memory_space<hbm>>) target(%dma_start3A_29 : memref<128x64xf32, #tpu.memory_space<vmem>>) offsets(%dma_start3A_32 : memref<128xi32, #tpu.memory_space<vmem>>) semaphore(%arg11 : memref<!tpu.dma_semaphore, #tpu.memory_space<semaphore_mem>>)
      %add3A_36 = arith.constant 1 : i32
      %add3A_37 = arith.addi %mul3A_23, %add3A_36 : i32
      %dma_start3A_38 = arith.constant 1 : i32
      %dma_start3A_39 = arith.constant 0 : i32
      %dma_start3A_40 = arith.constant 0 : i32
      %dma_start3A_41 = tpu.memref_slice %arg9[%dma_start3A_38, %dma_start3A_39, %dma_start3A_40] : memref<8x128x64xf32, #tpu.memory_space<vmem>> -> memref<1x128x64xf32, #tpu.memory_space<vmem>>
      %dma_start3A_42 = tpu.memref_squeeze %dma_start3A_41 : memref<1x128x64xf32, #tpu.memory_space<vmem>> -> memref<128x64xf32, #tpu.memory_space<vmem>>
      %dma_start3A_43 = arith.constant 0 : i32
      %dma_start3A_44 = tpu.memref_slice %arg7[%add3A_37, %dma_start3A_43] : memref<80x128xi32, #tpu.memory_space<vmem>> -> memref<1x128xi32, #tpu.memory_space<vmem>>
      %dma_start3A_45 = tpu.memref_squeeze %dma_start3A_44 : memref<1x128xi32, #tpu.memory_space<vmem>> -> memref<128xi32, #tpu.memory_space<vmem>>
      %dma_start3A_46 = arith.constant 0 : i32
      %dma_start3A_47 = arith.constant 0 : i32
      %dma_start3A_48 = tpu.memref_slice %arg2[%dma_start3A_46, %dma_start3A_47] : memref<10240x64xf32, #tpu.memory_space<hbm>> -> memref<10240x64xf32, #tpu.memory_space<hbm>>
      tpu.enqueue_indirect_dma source(%dma_start3A_48 : memref<10240x64xf32, #tpu.memory_space<hbm>>) target(%dma_start3A_42 : memref<128x64xf32, #tpu.memory_space<vmem>>) offsets(%dma_start3A_45 : memref<128xi32, #tpu.memory_space<vmem>>) semaphore(%arg12 : memref<!tpu.dma_semaphore, #tpu.memory_space<semaphore_mem>>)
      %add3A_49 = arith.constant 2 : i32
      %add3A_50 = arith.addi %mul3A_23, %add3A_49 : i32
      %dma_start3A_51 = arith.constant 2 : i32
      %dma_start3A_52 = arith.constant 0 : i32
      %dma_start3A_53 = arith.constant 0 : i32
      %dma_start3A_54 = tpu.memref_slice %arg9[%dma_start3A_51, %dma_start3A_52, %dma_start3A_53] : memref<8x128x64xf32, #tpu.memory_space<vmem>> -> memref<1x128x64xf32, #tpu.memory_space<vmem>>
      %dma_start3A_55 = tpu.memref_squeeze %dma_start3A_54 : memref<1x128x64xf32, #tpu.memory_space<vmem>> -> memref<128x64xf32, #tpu.memory_space<vmem>>
      %dma_start3A_56 = arith.constant 0 : i32
      %dma_start3A_57 = tpu.memref_slice %arg7[%add3A_50, %dma_start3A_56] : memref<80x128xi32, #tpu.memory_space<vmem>> -> memref<1x128xi32, #tpu.memory_space<vmem>>
      %dma_start3A_58 = tpu.memref_squeeze %dma_start3A_57 : memref<1x128xi32, #tpu.memory_space<vmem>> -> memref<128xi32, #tpu.memory_space<vmem>>
      %dma_start3A_59 = arith.constant 0 : i32
      %dma_start3A_60 = arith.constant 0 : i32
      %dma_start3A_61 = tpu.memref_slice %arg2[%dma_start3A_59, %dma_start3A_60] : memref<10240x64xf32, #tpu.memory_space<hbm>> -> memref<10240x64xf32, #tpu.memory_space<hbm>>
      tpu.enqueue_indirect_dma source(%dma_start3A_61 : memref<10240x64xf32, #tpu.memory_space<hbm>>) target(%dma_start3A_55 : memref<128x64xf32, #tpu.memory_space<vmem>>) offsets(%dma_start3A_58 : memref<128xi32, #tpu.memory_space<vmem>>) semaphore(%arg13 : memref<!tpu.dma_semaphore, #tpu.memory_space<semaphore_mem>>)
      %add3A_62 = arith.constant 3 : i32
      %add3A_63 = arith.addi %mul3A_23, %add3A_62 : i32
      %dma_start3A_64 = arith.constant 3 : i32
      %dma_start3A_65 = arith.constant 0 : i32
      %dma_start3A_66 = arith.constant 0 : i32
      %dma_start3A_67 = tpu.memref_slice %arg9[%dma_start3A_64, %dma_start3A_65, %dma_start3A_66] : memref<8x128x64xf32, #tpu.memory_space<vmem>> -> memref<1x128x64xf32, #tpu.memory_space<vmem>>
      %dma_start3A_68 = tpu.memref_squeeze %dma_start3A_67 : memref<1x128x64xf32, #tpu.memory_space<vmem>> -> memref<128x64xf32, #tpu.memory_space<vmem>>
      %dma_start3A_69 = arith.constant 0 : i32
      %dma_start3A_70 = tpu.memref_slice %arg7[%add3A_63, %dma_start3A_69] : memref<80x128xi32, #tpu.memory_space<vmem>> -> memref<1x128xi32, #tpu.memory_space<vmem>>
      %dma_start3A_71 = tpu.memref_squeeze %dma_start3A_70 : memref<1x128xi32, #tpu.memory_space<vmem>> -> memref<128xi32, #tpu.memory_space<vmem>>
      %dma_start3A_72 = arith.constant 0 : i32
      %dma_start3A_73 = arith.constant 0 : i32
      %dma_start3A_74 = tpu.memref_slice %arg2[%dma_start3A_72, %dma_start3A_73] : memref<10240x64xf32, #tpu.memory_space<hbm>> -> memref<10240x64xf32, #tpu.memory_space<hbm>>
      tpu.enqueue_indirect_dma source(%dma_start3A_74 : memref<10240x64xf32, #tpu.memory_space<hbm>>) target(%dma_start3A_68 : memref<128x64xf32, #tpu.memory_space<vmem>>) offsets(%dma_start3A_71 : memref<128xi32, #tpu.memory_space<vmem>>) semaphore(%arg14 : memref<!tpu.dma_semaphore, #tpu.memory_space<semaphore_mem>>)
      %add3A_75 = arith.constant 4 : i32
      %add3A_76 = arith.addi %mul3A_23, %add3A_75 : i32
      %dma_start3A_77 = arith.constant 4 : i32
      %dma_start3A_78 = arith.constant 0 : i32
      %dma_start3A_79 = arith.constant 0 : i32
      %dma_start3A_80 = tpu.memref_slice %arg9[%dma_start3A_77, %dma_start3A_78, %dma_start3A_79] : memref<8x128x64xf32, #tpu.memory_space<vmem>> -> memref<1x128x64xf32, #tpu.memory_space<vmem>>
      %dma_start3A_81 = tpu.memref_squeeze %dma_start3A_80 : memref<1x128x64xf32, #tpu.memory_space<vmem>> -> memref<128x64xf32, #tpu.memory_space<vmem>>
      %dma_start3A_82 = arith.constant 0 : i32
      %dma_start3A_83 = tpu.memref_slice %arg7[%add3A_76, %dma_start3A_82] : memref<80x128xi32, #tpu.memory_space<vmem>> -> memref<1x128xi32, #tpu.memory_space<vmem>>
      %dma_start3A_84 = tpu.memref_squeeze %dma_start3A_83 : memref<1x128xi32, #tpu.memory_space<vmem>> -> memref<128xi32, #tpu.memory_space<vmem>>
      %dma_start3A_85 = arith.constant 0 : i32
      %dma_start3A_86 = arith.constant 0 : i32
      %dma_start3A_87 = tpu.memref_slice %arg2[%dma_start3A_85, %dma_start3A_86] : memref<10240x64xf32, #tpu.memory_space<hbm>> -> memref<10240x64xf32, #tpu.memory_space<hbm>>
      tpu.enqueue_indirect_dma source(%dma_start3A_87 : memref<10240x64xf32, #tpu.memory_space<hbm>>) target(%dma_start3A_81 : memref<128x64xf32, #tpu.memory_space<vmem>>) offsets(%dma_start3A_84 : memref<128xi32, #tpu.memory_space<vmem>>) semaphore(%arg15 : memref<!tpu.dma_semaphore, #tpu.memory_space<semaphore_mem>>)
      %add3A_88 = arith.constant 5 : i32
      %add3A_89 = arith.addi %mul3A_23, %add3A_88 : i32
      %dma_start3A_90 = arith.constant 5 : i32
      %dma_start3A_91 = arith.constant 0 : i32
      %dma_start3A_92 = arith.constant 0 : i32
      %dma_start3A_93 = tpu.memref_slice %arg9[%dma_start3A_90, %dma_start3A_91, %dma_start3A_92] : memref<8x128x64xf32, #tpu.memory_space<vmem>> -> memref<1x128x64xf32, #tpu.memory_space<vmem>>
      %dma_start3A_94 = tpu.memref_squeeze %dma_start3A_93 : memref<1x128x64xf32, #tpu.memory_space<vmem>> -> memref<128x64xf32, #tpu.memory_space<vmem>>
      %dma_start3A_95 = arith.constant 0 : i32
      %dma_start3A_96 = tpu.memref_slice %arg7[%add3A_89, %dma_start3A_95] : memref<80x128xi32, #tpu.memory_space<vmem>> -> memref<1x128xi32, #tpu.memory_space<vmem>>
      %dma_start3A_97 = tpu.memref_squeeze %dma_start3A_96 : memref<1x128xi32, #tpu.memory_space<vmem>> -> memref<128xi32, #tpu.memory_space<vmem>>
      %dma_start3A_98 = arith.constant 0 : i32
      %dma_start3A_99 = arith.constant 0 : i32
      %dma_start3A_100 = tpu.memref_slice %arg2[%dma_start3A_98, %dma_start3A_99] : memref<10240x64xf32, #tpu.memory_space<hbm>> -> memref<10240x64xf32, #tpu.memory_space<hbm>>
      tpu.enqueue_indirect_dma source(%dma_start3A_100 : memref<10240x64xf32, #tpu.memory_space<hbm>>) target(%dma_start3A_94 : memref<128x64xf32, #tpu.memory_space<vmem>>) offsets(%dma_start3A_97 : memref<128xi32, #tpu.memory_space<vmem>>) semaphore(%arg16 : memref<!tpu.dma_semaphore, #tpu.memory_space<semaphore_mem>>)
      %add3A_101 = arith.constant 6 : i32
      %add3A_102 = arith.addi %mul3A_23, %add3A_101 : i32
      %dma_start3A_103 = arith.constant 6 : i32
      %dma_start3A_104 = arith.constant 0 : i32
      %dma_start3A_105 = arith.constant 0 : i32
      %dma_start3A_106 = tpu.memref_slice %arg9[%dma_start3A_103, %dma_start3A_104, %dma_start3A_105] : memref<8x128x64xf32, #tpu.memory_space<vmem>> -> memref<1x128x64xf32, #tpu.memory_space<vmem>>
      %dma_start3A_107 = tpu.memref_squeeze %dma_start3A_106 : memref<1x128x64xf32, #tpu.memory_space<vmem>> -> memref<128x64xf32, #tpu.memory_space<vmem>>
      %dma_start3A_108 = arith.constant 0 : i32
      %dma_start3A_109 = tpu.memref_slice %arg7[%add3A_102, %dma_start3A_108] : memref<80x128xi32, #tpu.memory_space<vmem>> -> memref<1x128xi32, #tpu.memory_space<vmem>>
      %dma_start3A_110 = tpu.memref_squeeze %dma_start3A_109 : memref<1x128xi32, #tpu.memory_space<vmem>> -> memref<128xi32, #tpu.memory_space<vmem>>
      %dma_start3A_111 = arith.constant 0 : i32
      %dma_start3A_112 = arith.constant 0 : i32
      %dma_start3A_113 = tpu.memref_slice %arg2[%dma_start3A_111, %dma_start3A_112] : memref<10240x64xf32, #tpu.memory_space<hbm>> -> memref<10240x64xf32, #tpu.memory_space<hbm>>
      tpu.enqueue_indirect_dma source(%dma_start3A_113 : memref<10240x64xf32, #tpu.memory_space<hbm>>) target(%dma_start3A_107 : memref<128x64xf32, #tpu.memory_space<vmem>>) offsets(%dma_start3A_110 : memref<128xi32, #tpu.memory_space<vmem>>) semaphore(%arg17 : memref<!tpu.dma_semaphore, #tpu.memory_space<semaphore_mem>>)
      %add3A_114 = arith.constant 7 : i32
      %add3A_115 = arith.addi %mul3A_23, %add3A_114 : i32
      %dma_start3A_116 = arith.constant 7 : i32
      %dma_start3A_117 = arith.constant 0 : i32
      %dma_start3A_118 = arith.constant 0 : i32
      %dma_start3A_119 = tpu.memref_slice %arg9[%dma_start3A_116, %dma_start3A_117, %dma_start3A_118] : memref<8x128x64xf32, #tpu.memory_space<vmem>> -> memref<1x128x64xf32, #tpu.memory_space<vmem>>
      %dma_start3A_120 = tpu.memref_squeeze %dma_start3A_119 : memref<1x128x64xf32, #tpu.memory_space<vmem>> -> memref<128x64xf32, #tpu.memory_space<vmem>>
      %dma_start3A_121 = arith.constant 0 : i32
      %dma_start3A_122 = tpu.memref_slice %arg7[%add3A_115, %dma_start3A_121] : memref<80x128xi32, #tpu.memory_space<vmem>> -> memref<1x128xi32, #tpu.memory_space<vmem>>
      %dma_start3A_123 = tpu.memref_squeeze %dma_start3A_122 : memref<1x128xi32, #tpu.memory_space<vmem>> -> memref<128xi32, #tpu.memory_space<vmem>>
      %dma_start3A_124 = arith.constant 0 : i32
      %dma_start3A_125 = arith.constant 0 : i32
      %dma_start3A_126 = tpu.memref_slice %arg2[%dma_start3A_124, %dma_start3A_125] : memref<10240x64xf32, #tpu.memory_space<hbm>> -> memref<10240x64xf32, #tpu.memory_space<hbm>>
      tpu.enqueue_indirect_dma source(%dma_start3A_126 : memref<10240x64xf32, #tpu.memory_space<hbm>>) target(%dma_start3A_120 : memref<128x64xf32, #tpu.memory_space<vmem>>) offsets(%dma_start3A_123 : memref<128xi32, #tpu.memory_space<vmem>>) semaphore(%arg18 : memref<!tpu.dma_semaphore, #tpu.memory_space<semaphore_mem>>)
      %add3A_127 = arith.constant 0 : i32
      %add3A_128 = arith.addi %mul3A_23, %add3A_127 : i32
      %dma_wait3A = arith.constant 0 : i32
      %dma_wait3A_129 = arith.constant 0 : i32
      %dma_wait3A_130 = arith.constant 0 : i32
      %dma_wait3A_131 = tpu.memref_slice %arg9[%dma_wait3A, %dma_wait3A_129, %dma_wait3A_130] : memref<8x128x64xf32, #tpu.memory_space<vmem>> -> memref<1x128x64xf32, #tpu.memory_space<vmem>>
      %dma_wait3A_132 = tpu.memref_squeeze %dma_wait3A_131 : memref<1x128x64xf32, #tpu.memory_space<vmem>> -> memref<128x64xf32, #tpu.memory_space<vmem>>
      %dma_wait3A_133 = arith.constant 0 : i32
      %dma_wait3A_134 = tpu.memref_slice %arg7[%add3A_128, %dma_wait3A_133] : memref<80x128xi32, #tpu.memory_space<vmem>> -> memref<1x128xi32, #tpu.memory_space<vmem>>
      %dma_wait3A_135 = tpu.memref_squeeze %dma_wait3A_134 : memref<1x128xi32, #tpu.memory_space<vmem>> -> memref<128xi32, #tpu.memory_space<vmem>>
      %dma_wait3A_136 = arith.constant 0 : i32
      %dma_wait3A_137 = arith.constant 0 : i32
      %dma_wait3A_138 = tpu.memref_slice %arg2[%dma_wait3A_136, %dma_wait3A_137] : memref<10240x64xf32, #tpu.memory_space<hbm>> -> memref<10240x64xf32, #tpu.memory_space<hbm>>
      tpu.wait_indirect_dma semaphore(%arg11 : memref<!tpu.dma_semaphore, #tpu.memory_space<semaphore_mem>>) src(%dma_wait3A_138 : memref<10240x64xf32, #tpu.memory_space<hbm>>) dst(%dma_wait3A_132 : memref<128x64xf32, #tpu.memory_space<vmem>>)
      %add3A_139 = arith.constant 0 : i32
      %add3A_140 = arith.addi %mul3A_23, %add3A_139 : i32
      %run_scoped3A = arith.constant 0 : i32
      "tpu.region"() ({
        %run_scoped3A_253 = tpu.sem_alloc : memref<!tpu.dma_semaphore, #tpu.memory_space<semaphore_mem>>
        %dma_start3A_254 = arith.constant 0 : i32
        %dma_start3A_255 = arith.constant 0 : i32
        %dma_start3A_256 = tpu.memref_slice %arg9[%run_scoped3A, %dma_start3A_254, %dma_start3A_255] : memref<8x128x64xf32, #tpu.memory_space<vmem>> -> memref<1x128x64xf32, #tpu.memory_space<vmem>>
        %dma_start3A_257 = tpu.memref_squeeze %dma_start3A_256 : memref<1x128x64xf32, #tpu.memory_space<vmem>> -> memref<128x64xf32, #tpu.memory_space<vmem>>
        %dma_start3A_258 = arith.constant 0 : i32
        %dma_start3A_259 = tpu.memref_slice %arg8[%add3A_140, %dma_start3A_258] : memref<80x128xi32, #tpu.memory_space<vmem>> -> memref<1x128xi32, #tpu.memory_space<vmem>>
        %dma_start3A_260 = tpu.memref_squeeze %dma_start3A_259 : memref<1x128xi32, #tpu.memory_space<vmem>> -> memref<128xi32, #tpu.memory_space<vmem>>
        %dma_start3A_261 = arith.constant 0 : i32
        %dma_start3A_262 = arith.constant 0 : i32
        %dma_start3A_263 = tpu.memref_slice %arg10[%dma_start3A_261, %dma_start3A_262] : memref<10240x64xf32, #tpu.memory_space<vmem_shared>> -> memref<10240x64xf32, #tpu.memory_space<vmem_shared>>
        tpu.enqueue_indirect_dma source(%dma_start3A_257 : memref<128x64xf32, #tpu.memory_space<vmem>>) target(%dma_start3A_263 : memref<10240x64xf32, #tpu.memory_space<vmem_shared>>) offsets(%dma_start3A_260 : memref<128xi32, #tpu.memory_space<vmem>>) semaphore(%run_scoped3A_253 : memref<!tpu.dma_semaphore, #tpu.memory_space<semaphore_mem>>) {add = true}
        %dma_wait3A_264 = arith.constant 0 : i32
        %dma_wait3A_265 = arith.constant 0 : i32
        %dma_wait3A_266 = tpu.memref_slice %arg9[%run_scoped3A, %dma_wait3A_264, %dma_wait3A_265] : memref<8x128x64xf32, #tpu.memory_space<vmem>> -> memref<1x128x64xf32, #tpu.memory_space<vmem>>
        %dma_wait3A_267 = tpu.memref_squeeze %dma_wait3A_266 : memref<1x128x64xf32, #tpu.memory_space<vmem>> -> memref<128x64xf32, #tpu.memory_space<vmem>>
        %dma_wait3A_268 = arith.constant 0 : i32
        %dma_wait3A_269 = tpu.memref_slice %arg8[%add3A_140, %dma_wait3A_268] : memref<80x128xi32, #tpu.memory_space<vmem>> -> memref<1x128xi32, #tpu.memory_space<vmem>>
        %dma_wait3A_270 = tpu.memref_squeeze %dma_wait3A_269 : memref<1x128xi32, #tpu.memory_space<vmem>> -> memref<128xi32, #tpu.memory_space<vmem>>
        %dma_wait3A_271 = arith.constant 0 : i32
        %dma_wait3A_272 = arith.constant 0 : i32
        %dma_wait3A_273 = tpu.memref_slice %arg10[%dma_wait3A_271, %dma_wait3A_272] : memref<10240x64xf32, #tpu.memory_space<vmem_shared>> -> memref<10240x64xf32, #tpu.memory_space<vmem_shared>>
        tpu.wait_indirect_dma semaphore(%run_scoped3A_253 : memref<!tpu.dma_semaphore, #tpu.memory_space<semaphore_mem>>) src(%dma_wait3A_267 : memref<128x64xf32, #tpu.memory_space<vmem>>) dst(%dma_wait3A_273 : memref<10240x64xf32, #tpu.memory_space<vmem_shared>>)
        tpu.yield
      }) : () -> ()
      %add3A_141 = arith.constant 1 : i32
      %add3A_142 = arith.addi %mul3A_23, %add3A_141 : i32
      %dma_wait3A_143 = arith.constant 1 : i32
      %dma_wait3A_144 = arith.constant 0 : i32
      %dma_wait3A_145 = arith.constant 0 : i32
      %dma_wait3A_146 = tpu.memref_slice %arg9[%dma_wait3A_143, %dma_wait3A_144, %dma_wait3A_145] : memref<8x128x64xf32, #tpu.memory_space<vmem>> -> memref<1x128x64xf32, #tpu.memory_space<vmem>>
      %dma_wait3A_147 = tpu.memref_squeeze %dma_wait3A_146 : memref<1x128x64xf32, #tpu.memory_space<vmem>> -> memref<128x64xf32, #tpu.memory_space<vmem>>
      %dma_wait3A_148 = arith.constant 0 : i32
      %dma_wait3A_149 = tpu.memref_slice %arg7[%add3A_142, %dma_wait3A_148] : memref<80x128xi32, #tpu.memory_space<vmem>> -> memref<1x128xi32, #tpu.memory_space<vmem>>
      %dma_wait3A_150 = tpu.memref_squeeze %dma_wait3A_149 : memref<1x128xi32, #tpu.memory_space<vmem>> -> memref<128xi32, #tpu.memory_space<vmem>>
      %dma_wait3A_151 = arith.constant 0 : i32
      %dma_wait3A_152 = arith.constant 0 : i32
      %dma_wait3A_153 = tpu.memref_slice %arg2[%dma_wait3A_151, %dma_wait3A_152] : memref<10240x64xf32, #tpu.memory_space<hbm>> -> memref<10240x64xf32, #tpu.memory_space<hbm>>
      tpu.wait_indirect_dma semaphore(%arg12 : memref<!tpu.dma_semaphore, #tpu.memory_space<semaphore_mem>>) src(%dma_wait3A_153 : memref<10240x64xf32, #tpu.memory_space<hbm>>) dst(%dma_wait3A_147 : memref<128x64xf32, #tpu.memory_space<vmem>>)
      %add3A_154 = arith.constant 1 : i32
      %add3A_155 = arith.addi %mul3A_23, %add3A_154 : i32
      %run_scoped3A_156 = arith.constant 1 : i32
      "tpu.region"() ({
        %run_scoped3A_253 = tpu.sem_alloc : memref<!tpu.dma_semaphore, #tpu.memory_space<semaphore_mem>>
        %dma_start3A_254 = arith.constant 0 : i32
        %dma_start3A_255 = arith.constant 0 : i32
        %dma_start3A_256 = tpu.memref_slice %arg9[%run_scoped3A_156, %dma_start3A_254, %dma_start3A_255] : memref<8x128x64xf32, #tpu.memory_space<vmem>> -> memref<1x128x64xf32, #tpu.memory_space<vmem>>
        %dma_start3A_257 = tpu.memref_squeeze %dma_start3A_256 : memref<1x128x64xf32, #tpu.memory_space<vmem>> -> memref<128x64xf32, #tpu.memory_space<vmem>>
        %dma_start3A_258 = arith.constant 0 : i32
        %dma_start3A_259 = tpu.memref_slice %arg8[%add3A_155, %dma_start3A_258] : memref<80x128xi32, #tpu.memory_space<vmem>> -> memref<1x128xi32, #tpu.memory_space<vmem>>
        %dma_start3A_260 = tpu.memref_squeeze %dma_start3A_259 : memref<1x128xi32, #tpu.memory_space<vmem>> -> memref<128xi32, #tpu.memory_space<vmem>>
        %dma_start3A_261 = arith.constant 0 : i32
        %dma_start3A_262 = arith.constant 0 : i32
        %dma_start3A_263 = tpu.memref_slice %arg10[%dma_start3A_261, %dma_start3A_262] : memref<10240x64xf32, #tpu.memory_space<vmem_shared>> -> memref<10240x64xf32, #tpu.memory_space<vmem_shared>>
        tpu.enqueue_indirect_dma source(%dma_start3A_257 : memref<128x64xf32, #tpu.memory_space<vmem>>) target(%dma_start3A_263 : memref<10240x64xf32, #tpu.memory_space<vmem_shared>>) offsets(%dma_start3A_260 : memref<128xi32, #tpu.memory_space<vmem>>) semaphore(%run_scoped3A_253 : memref<!tpu.dma_semaphore, #tpu.memory_space<semaphore_mem>>) {add = true}
        %dma_wait3A_264 = arith.constant 0 : i32
        %dma_wait3A_265 = arith.constant 0 : i32
        %dma_wait3A_266 = tpu.memref_slice %arg9[%run_scoped3A_156, %dma_wait3A_264, %dma_wait3A_265] : memref<8x128x64xf32, #tpu.memory_space<vmem>> -> memref<1x128x64xf32, #tpu.memory_space<vmem>>
        %dma_wait3A_267 = tpu.memref_squeeze %dma_wait3A_266 : memref<1x128x64xf32, #tpu.memory_space<vmem>> -> memref<128x64xf32, #tpu.memory_space<vmem>>
        %dma_wait3A_268 = arith.constant 0 : i32
        %dma_wait3A_269 = tpu.memref_slice %arg8[%add3A_155, %dma_wait3A_268] : memref<80x128xi32, #tpu.memory_space<vmem>> -> memref<1x128xi32, #tpu.memory_space<vmem>>
        %dma_wait3A_270 = tpu.memref_squeeze %dma_wait3A_269 : memref<1x128xi32, #tpu.memory_space<vmem>> -> memref<128xi32, #tpu.memory_space<vmem>>
        %dma_wait3A_271 = arith.constant 0 : i32
        %dma_wait3A_272 = arith.constant 0 : i32
        %dma_wait3A_273 = tpu.memref_slice %arg10[%dma_wait3A_271, %dma_wait3A_272] : memref<10240x64xf32, #tpu.memory_space<vmem_shared>> -> memref<10240x64xf32, #tpu.memory_space<vmem_shared>>
        tpu.wait_indirect_dma semaphore(%run_scoped3A_253 : memref<!tpu.dma_semaphore, #tpu.memory_space<semaphore_mem>>) src(%dma_wait3A_267 : memref<128x64xf32, #tpu.memory_space<vmem>>) dst(%dma_wait3A_273 : memref<10240x64xf32, #tpu.memory_space<vmem_shared>>)
        tpu.yield
      }) : () -> ()
      %add3A_157 = arith.constant 2 : i32
      %add3A_158 = arith.addi %mul3A_23, %add3A_157 : i32
      %dma_wait3A_159 = arith.constant 2 : i32
      %dma_wait3A_160 = arith.constant 0 : i32
      %dma_wait3A_161 = arith.constant 0 : i32
      %dma_wait3A_162 = tpu.memref_slice %arg9[%dma_wait3A_159, %dma_wait3A_160, %dma_wait3A_161] : memref<8x128x64xf32, #tpu.memory_space<vmem>> -> memref<1x128x64xf32, #tpu.memory_space<vmem>>
      %dma_wait3A_163 = tpu.memref_squeeze %dma_wait3A_162 : memref<1x128x64xf32, #tpu.memory_space<vmem>> -> memref<128x64xf32, #tpu.memory_space<vmem>>
      %dma_wait3A_164 = arith.constant 0 : i32
      %dma_wait3A_165 = tpu.memref_slice %arg7[%add3A_158, %dma_wait3A_164] : memref<80x128xi32, #tpu.memory_space<vmem>> -> memref<1x128xi32, #tpu.memory_space<vmem>>
      %dma_wait3A_166 = tpu.memref_squeeze %dma_wait3A_165 : memref<1x128xi32, #tpu.memory_space<vmem>> -> memref<128xi32, #tpu.memory_space<vmem>>
      %dma_wait3A_167 = arith.constant 0 : i32
      %dma_wait3A_168 = arith.constant 0 : i32
      %dma_wait3A_169 = tpu.memref_slice %arg2[%dma_wait3A_167, %dma_wait3A_168] : memref<10240x64xf32, #tpu.memory_space<hbm>> -> memref<10240x64xf32, #tpu.memory_space<hbm>>
      tpu.wait_indirect_dma semaphore(%arg13 : memref<!tpu.dma_semaphore, #tpu.memory_space<semaphore_mem>>) src(%dma_wait3A_169 : memref<10240x64xf32, #tpu.memory_space<hbm>>) dst(%dma_wait3A_163 : memref<128x64xf32, #tpu.memory_space<vmem>>)
      %add3A_170 = arith.constant 2 : i32
      %add3A_171 = arith.addi %mul3A_23, %add3A_170 : i32
      %run_scoped3A_172 = arith.constant 2 : i32
      "tpu.region"() ({
        %run_scoped3A_253 = tpu.sem_alloc : memref<!tpu.dma_semaphore, #tpu.memory_space<semaphore_mem>>
        %dma_start3A_254 = arith.constant 0 : i32
        %dma_start3A_255 = arith.constant 0 : i32
        %dma_start3A_256 = tpu.memref_slice %arg9[%run_scoped3A_172, %dma_start3A_254, %dma_start3A_255] : memref<8x128x64xf32, #tpu.memory_space<vmem>> -> memref<1x128x64xf32, #tpu.memory_space<vmem>>
        %dma_start3A_257 = tpu.memref_squeeze %dma_start3A_256 : memref<1x128x64xf32, #tpu.memory_space<vmem>> -> memref<128x64xf32, #tpu.memory_space<vmem>>
        %dma_start3A_258 = arith.constant 0 : i32
        %dma_start3A_259 = tpu.memref_slice %arg8[%add3A_171, %dma_start3A_258] : memref<80x128xi32, #tpu.memory_space<vmem>> -> memref<1x128xi32, #tpu.memory_space<vmem>>
        %dma_start3A_260 = tpu.memref_squeeze %dma_start3A_259 : memref<1x128xi32, #tpu.memory_space<vmem>> -> memref<128xi32, #tpu.memory_space<vmem>>
        %dma_start3A_261 = arith.constant 0 : i32
        %dma_start3A_262 = arith.constant 0 : i32
        %dma_start3A_263 = tpu.memref_slice %arg10[%dma_start3A_261, %dma_start3A_262] : memref<10240x64xf32, #tpu.memory_space<vmem_shared>> -> memref<10240x64xf32, #tpu.memory_space<vmem_shared>>
        tpu.enqueue_indirect_dma source(%dma_start3A_257 : memref<128x64xf32, #tpu.memory_space<vmem>>) target(%dma_start3A_263 : memref<10240x64xf32, #tpu.memory_space<vmem_shared>>) offsets(%dma_start3A_260 : memref<128xi32, #tpu.memory_space<vmem>>) semaphore(%run_scoped3A_253 : memref<!tpu.dma_semaphore, #tpu.memory_space<semaphore_mem>>) {add = true}
        %dma_wait3A_264 = arith.constant 0 : i32
        %dma_wait3A_265 = arith.constant 0 : i32
        %dma_wait3A_266 = tpu.memref_slice %arg9[%run_scoped3A_172, %dma_wait3A_264, %dma_wait3A_265] : memref<8x128x64xf32, #tpu.memory_space<vmem>> -> memref<1x128x64xf32, #tpu.memory_space<vmem>>
        %dma_wait3A_267 = tpu.memref_squeeze %dma_wait3A_266 : memref<1x128x64xf32, #tpu.memory_space<vmem>> -> memref<128x64xf32, #tpu.memory_space<vmem>>
        %dma_wait3A_268 = arith.constant 0 : i32
        %dma_wait3A_269 = tpu.memref_slice %arg8[%add3A_171, %dma_wait3A_268] : memref<80x128xi32, #tpu.memory_space<vmem>> -> memref<1x128xi32, #tpu.memory_space<vmem>>
        %dma_wait3A_270 = tpu.memref_squeeze %dma_wait3A_269 : memref<1x128xi32, #tpu.memory_space<vmem>> -> memref<128xi32, #tpu.memory_space<vmem>>
        %dma_wait3A_271 = arith.constant 0 : i32
        %dma_wait3A_272 = arith.constant 0 : i32
        %dma_wait3A_273 = tpu.memref_slice %arg10[%dma_wait3A_271, %dma_wait3A_272] : memref<10240x64xf32, #tpu.memory_space<vmem_shared>> -> memref<10240x64xf32, #tpu.memory_space<vmem_shared>>
        tpu.wait_indirect_dma semaphore(%run_scoped3A_253 : memref<!tpu.dma_semaphore, #tpu.memory_space<semaphore_mem>>) src(%dma_wait3A_267 : memref<128x64xf32, #tpu.memory_space<vmem>>) dst(%dma_wait3A_273 : memref<10240x64xf32, #tpu.memory_space<vmem_shared>>)
        tpu.yield
      }) : () -> ()
      %add3A_173 = arith.constant 3 : i32
      %add3A_174 = arith.addi %mul3A_23, %add3A_173 : i32
      %dma_wait3A_175 = arith.constant 3 : i32
      %dma_wait3A_176 = arith.constant 0 : i32
      %dma_wait3A_177 = arith.constant 0 : i32
      %dma_wait3A_178 = tpu.memref_slice %arg9[%dma_wait3A_175, %dma_wait3A_176, %dma_wait3A_177] : memref<8x128x64xf32, #tpu.memory_space<vmem>> -> memref<1x128x64xf32, #tpu.memory_space<vmem>>
      %dma_wait3A_179 = tpu.memref_squeeze %dma_wait3A_178 : memref<1x128x64xf32, #tpu.memory_space<vmem>> -> memref<128x64xf32, #tpu.memory_space<vmem>>
      %dma_wait3A_180 = arith.constant 0 : i32
      %dma_wait3A_181 = tpu.memref_slice %arg7[%add3A_174, %dma_wait3A_180] : memref<80x128xi32, #tpu.memory_space<vmem>> -> memref<1x128xi32, #tpu.memory_space<vmem>>
      %dma_wait3A_182 = tpu.memref_squeeze %dma_wait3A_181 : memref<1x128xi32, #tpu.memory_space<vmem>> -> memref<128xi32, #tpu.memory_space<vmem>>
      %dma_wait3A_183 = arith.constant 0 : i32
      %dma_wait3A_184 = arith.constant 0 : i32
      %dma_wait3A_185 = tpu.memref_slice %arg2[%dma_wait3A_183, %dma_wait3A_184] : memref<10240x64xf32, #tpu.memory_space<hbm>> -> memref<10240x64xf32, #tpu.memory_space<hbm>>
      tpu.wait_indirect_dma semaphore(%arg14 : memref<!tpu.dma_semaphore, #tpu.memory_space<semaphore_mem>>) src(%dma_wait3A_185 : memref<10240x64xf32, #tpu.memory_space<hbm>>) dst(%dma_wait3A_179 : memref<128x64xf32, #tpu.memory_space<vmem>>)
      %add3A_186 = arith.constant 3 : i32
      %add3A_187 = arith.addi %mul3A_23, %add3A_186 : i32
      %run_scoped3A_188 = arith.constant 3 : i32
      "tpu.region"() ({
        %run_scoped3A_253 = tpu.sem_alloc : memref<!tpu.dma_semaphore, #tpu.memory_space<semaphore_mem>>
        %dma_start3A_254 = arith.constant 0 : i32
        %dma_start3A_255 = arith.constant 0 : i32
        %dma_start3A_256 = tpu.memref_slice %arg9[%run_scoped3A_188, %dma_start3A_254, %dma_start3A_255] : memref<8x128x64xf32, #tpu.memory_space<vmem>> -> memref<1x128x64xf32, #tpu.memory_space<vmem>>
        %dma_start3A_257 = tpu.memref_squeeze %dma_start3A_256 : memref<1x128x64xf32, #tpu.memory_space<vmem>> -> memref<128x64xf32, #tpu.memory_space<vmem>>
        %dma_start3A_258 = arith.constant 0 : i32
        %dma_start3A_259 = tpu.memref_slice %arg8[%add3A_187, %dma_start3A_258] : memref<80x128xi32, #tpu.memory_space<vmem>> -> memref<1x128xi32, #tpu.memory_space<vmem>>
        %dma_start3A_260 = tpu.memref_squeeze %dma_start3A_259 : memref<1x128xi32, #tpu.memory_space<vmem>> -> memref<128xi32, #tpu.memory_space<vmem>>
        %dma_start3A_261 = arith.constant 0 : i32
        %dma_start3A_262 = arith.constant 0 : i32
        %dma_start3A_263 = tpu.memref_slice %arg10[%dma_start3A_261, %dma_start3A_262] : memref<10240x64xf32, #tpu.memory_space<vmem_shared>> -> memref<10240x64xf32, #tpu.memory_space<vmem_shared>>
        tpu.enqueue_indirect_dma source(%dma_start3A_257 : memref<128x64xf32, #tpu.memory_space<vmem>>) target(%dma_start3A_263 : memref<10240x64xf32, #tpu.memory_space<vmem_shared>>) offsets(%dma_start3A_260 : memref<128xi32, #tpu.memory_space<vmem>>) semaphore(%run_scoped3A_253 : memref<!tpu.dma_semaphore, #tpu.memory_space<semaphore_mem>>) {add = true}
        %dma_wait3A_264 = arith.constant 0 : i32
        %dma_wait3A_265 = arith.constant 0 : i32
        %dma_wait3A_266 = tpu.memref_slice %arg9[%run_scoped3A_188, %dma_wait3A_264, %dma_wait3A_265] : memref<8x128x64xf32, #tpu.memory_space<vmem>> -> memref<1x128x64xf32, #tpu.memory_space<vmem>>
        %dma_wait3A_267 = tpu.memref_squeeze %dma_wait3A_266 : memref<1x128x64xf32, #tpu.memory_space<vmem>> -> memref<128x64xf32, #tpu.memory_space<vmem>>
        %dma_wait3A_268 = arith.constant 0 : i32
        %dma_wait3A_269 = tpu.memref_slice %arg8[%add3A_187, %dma_wait3A_268] : memref<80x128xi32, #tpu.memory_space<vmem>> -> memref<1x128xi32, #tpu.memory_space<vmem>>
        %dma_wait3A_270 = tpu.memref_squeeze %dma_wait3A_269 : memref<1x128xi32, #tpu.memory_space<vmem>> -> memref<128xi32, #tpu.memory_space<vmem>>
        %dma_wait3A_271 = arith.constant 0 : i32
        %dma_wait3A_272 = arith.constant 0 : i32
        %dma_wait3A_273 = tpu.memref_slice %arg10[%dma_wait3A_271, %dma_wait3A_272] : memref<10240x64xf32, #tpu.memory_space<vmem_shared>> -> memref<10240x64xf32, #tpu.memory_space<vmem_shared>>
        tpu.wait_indirect_dma semaphore(%run_scoped3A_253 : memref<!tpu.dma_semaphore, #tpu.memory_space<semaphore_mem>>) src(%dma_wait3A_267 : memref<128x64xf32, #tpu.memory_space<vmem>>) dst(%dma_wait3A_273 : memref<10240x64xf32, #tpu.memory_space<vmem_shared>>)
        tpu.yield
      }) : () -> ()
      %add3A_189 = arith.constant 4 : i32
      %add3A_190 = arith.addi %mul3A_23, %add3A_189 : i32
      %dma_wait3A_191 = arith.constant 4 : i32
      %dma_wait3A_192 = arith.constant 0 : i32
      %dma_wait3A_193 = arith.constant 0 : i32
      %dma_wait3A_194 = tpu.memref_slice %arg9[%dma_wait3A_191, %dma_wait3A_192, %dma_wait3A_193] : memref<8x128x64xf32, #tpu.memory_space<vmem>> -> memref<1x128x64xf32, #tpu.memory_space<vmem>>
      %dma_wait3A_195 = tpu.memref_squeeze %dma_wait3A_194 : memref<1x128x64xf32, #tpu.memory_space<vmem>> -> memref<128x64xf32, #tpu.memory_space<vmem>>
      %dma_wait3A_196 = arith.constant 0 : i32
      %dma_wait3A_197 = tpu.memref_slice %arg7[%add3A_190, %dma_wait3A_196] : memref<80x128xi32, #tpu.memory_space<vmem>> -> memref<1x128xi32, #tpu.memory_space<vmem>>
      %dma_wait3A_198 = tpu.memref_squeeze %dma_wait3A_197 : memref<1x128xi32, #tpu.memory_space<vmem>> -> memref<128xi32, #tpu.memory_space<vmem>>
      %dma_wait3A_199 = arith.constant 0 : i32
      %dma_wait3A_200 = arith.constant 0 : i32
      %dma_wait3A_201 = tpu.memref_slice %arg2[%dma_wait3A_199, %dma_wait3A_200] : memref<10240x64xf32, #tpu.memory_space<hbm>> -> memref<10240x64xf32, #tpu.memory_space<hbm>>
      tpu.wait_indirect_dma semaphore(%arg15 : memref<!tpu.dma_semaphore, #tpu.memory_space<semaphore_mem>>) src(%dma_wait3A_201 : memref<10240x64xf32, #tpu.memory_space<hbm>>) dst(%dma_wait3A_195 : memref<128x64xf32, #tpu.memory_space<vmem>>)
      %add3A_202 = arith.constant 4 : i32
      %add3A_203 = arith.addi %mul3A_23, %add3A_202 : i32
      %run_scoped3A_204 = arith.constant 4 : i32
      "tpu.region"() ({
        %run_scoped3A_253 = tpu.sem_alloc : memref<!tpu.dma_semaphore, #tpu.memory_space<semaphore_mem>>
        %dma_start3A_254 = arith.constant 0 : i32
        %dma_start3A_255 = arith.constant 0 : i32
        %dma_start3A_256 = tpu.memref_slice %arg9[%run_scoped3A_204, %dma_start3A_254, %dma_start3A_255] : memref<8x128x64xf32, #tpu.memory_space<vmem>> -> memref<1x128x64xf32, #tpu.memory_space<vmem>>
        %dma_start3A_257 = tpu.memref_squeeze %dma_start3A_256 : memref<1x128x64xf32, #tpu.memory_space<vmem>> -> memref<128x64xf32, #tpu.memory_space<vmem>>
        %dma_start3A_258 = arith.constant 0 : i32
        %dma_start3A_259 = tpu.memref_slice %arg8[%add3A_203, %dma_start3A_258] : memref<80x128xi32, #tpu.memory_space<vmem>> -> memref<1x128xi32, #tpu.memory_space<vmem>>
        %dma_start3A_260 = tpu.memref_squeeze %dma_start3A_259 : memref<1x128xi32, #tpu.memory_space<vmem>> -> memref<128xi32, #tpu.memory_space<vmem>>
        %dma_start3A_261 = arith.constant 0 : i32
        %dma_start3A_262 = arith.constant 0 : i32
        %dma_start3A_263 = tpu.memref_slice %arg10[%dma_start3A_261, %dma_start3A_262] : memref<10240x64xf32, #tpu.memory_space<vmem_shared>> -> memref<10240x64xf32, #tpu.memory_space<vmem_shared>>
        tpu.enqueue_indirect_dma source(%dma_start3A_257 : memref<128x64xf32, #tpu.memory_space<vmem>>) target(%dma_start3A_263 : memref<10240x64xf32, #tpu.memory_space<vmem_shared>>) offsets(%dma_start3A_260 : memref<128xi32, #tpu.memory_space<vmem>>) semaphore(%run_scoped3A_253 : memref<!tpu.dma_semaphore, #tpu.memory_space<semaphore_mem>>) {add = true}
        %dma_wait3A_264 = arith.constant 0 : i32
        %dma_wait3A_265 = arith.constant 0 : i32
        %dma_wait3A_266 = tpu.memref_slice %arg9[%run_scoped3A_204, %dma_wait3A_264, %dma_wait3A_265] : memref<8x128x64xf32, #tpu.memory_space<vmem>> -> memref<1x128x64xf32, #tpu.memory_space<vmem>>
        %dma_wait3A_267 = tpu.memref_squeeze %dma_wait3A_266 : memref<1x128x64xf32, #tpu.memory_space<vmem>> -> memref<128x64xf32, #tpu.memory_space<vmem>>
        %dma_wait3A_268 = arith.constant 0 : i32
        %dma_wait3A_269 = tpu.memref_slice %arg8[%add3A_203, %dma_wait3A_268] : memref<80x128xi32, #tpu.memory_space<vmem>> -> memref<1x128xi32, #tpu.memory_space<vmem>>
        %dma_wait3A_270 = tpu.memref_squeeze %dma_wait3A_269 : memref<1x128xi32, #tpu.memory_space<vmem>> -> memref<128xi32, #tpu.memory_space<vmem>>
        %dma_wait3A_271 = arith.constant 0 : i32
        %dma_wait3A_272 = arith.constant 0 : i32
        %dma_wait3A_273 = tpu.memref_slice %arg10[%dma_wait3A_271, %dma_wait3A_272] : memref<10240x64xf32, #tpu.memory_space<vmem_shared>> -> memref<10240x64xf32, #tpu.memory_space<vmem_shared>>
        tpu.wait_indirect_dma semaphore(%run_scoped3A_253 : memref<!tpu.dma_semaphore, #tpu.memory_space<semaphore_mem>>) src(%dma_wait3A_267 : memref<128x64xf32, #tpu.memory_space<vmem>>) dst(%dma_wait3A_273 : memref<10240x64xf32, #tpu.memory_space<vmem_shared>>)
        tpu.yield
      }) : () -> ()
      %add3A_205 = arith.constant 5 : i32
      %add3A_206 = arith.addi %mul3A_23, %add3A_205 : i32
      %dma_wait3A_207 = arith.constant 5 : i32
      %dma_wait3A_208 = arith.constant 0 : i32
      %dma_wait3A_209 = arith.constant 0 : i32
      %dma_wait3A_210 = tpu.memref_slice %arg9[%dma_wait3A_207, %dma_wait3A_208, %dma_wait3A_209] : memref<8x128x64xf32, #tpu.memory_space<vmem>> -> memref<1x128x64xf32, #tpu.memory_space<vmem>>
      %dma_wait3A_211 = tpu.memref_squeeze %dma_wait3A_210 : memref<1x128x64xf32, #tpu.memory_space<vmem>> -> memref<128x64xf32, #tpu.memory_space<vmem>>
      %dma_wait3A_212 = arith.constant 0 : i32
      %dma_wait3A_213 = tpu.memref_slice %arg7[%add3A_206, %dma_wait3A_212] : memref<80x128xi32, #tpu.memory_space<vmem>> -> memref<1x128xi32, #tpu.memory_space<vmem>>
      %dma_wait3A_214 = tpu.memref_squeeze %dma_wait3A_213 : memref<1x128xi32, #tpu.memory_space<vmem>> -> memref<128xi32, #tpu.memory_space<vmem>>
      %dma_wait3A_215 = arith.constant 0 : i32
      %dma_wait3A_216 = arith.constant 0 : i32
      %dma_wait3A_217 = tpu.memref_slice %arg2[%dma_wait3A_215, %dma_wait3A_216] : memref<10240x64xf32, #tpu.memory_space<hbm>> -> memref<10240x64xf32, #tpu.memory_space<hbm>>
      tpu.wait_indirect_dma semaphore(%arg16 : memref<!tpu.dma_semaphore, #tpu.memory_space<semaphore_mem>>) src(%dma_wait3A_217 : memref<10240x64xf32, #tpu.memory_space<hbm>>) dst(%dma_wait3A_211 : memref<128x64xf32, #tpu.memory_space<vmem>>)
      %add3A_218 = arith.constant 5 : i32
      %add3A_219 = arith.addi %mul3A_23, %add3A_218 : i32
      %run_scoped3A_220 = arith.constant 5 : i32
      "tpu.region"() ({
        %run_scoped3A_253 = tpu.sem_alloc : memref<!tpu.dma_semaphore, #tpu.memory_space<semaphore_mem>>
        %dma_start3A_254 = arith.constant 0 : i32
        %dma_start3A_255 = arith.constant 0 : i32
        %dma_start3A_256 = tpu.memref_slice %arg9[%run_scoped3A_220, %dma_start3A_254, %dma_start3A_255] : memref<8x128x64xf32, #tpu.memory_space<vmem>> -> memref<1x128x64xf32, #tpu.memory_space<vmem>>
        %dma_start3A_257 = tpu.memref_squeeze %dma_start3A_256 : memref<1x128x64xf32, #tpu.memory_space<vmem>> -> memref<128x64xf32, #tpu.memory_space<vmem>>
        %dma_start3A_258 = arith.constant 0 : i32
        %dma_start3A_259 = tpu.memref_slice %arg8[%add3A_219, %dma_start3A_258] : memref<80x128xi32, #tpu.memory_space<vmem>> -> memref<1x128xi32, #tpu.memory_space<vmem>>
        %dma_start3A_260 = tpu.memref_squeeze %dma_start3A_259 : memref<1x128xi32, #tpu.memory_space<vmem>> -> memref<128xi32, #tpu.memory_space<vmem>>
        %dma_start3A_261 = arith.constant 0 : i32
        %dma_start3A_262 = arith.constant 0 : i32
        %dma_start3A_263 = tpu.memref_slice %arg10[%dma_start3A_261, %dma_start3A_262] : memref<10240x64xf32, #tpu.memory_space<vmem_shared>> -> memref<10240x64xf32, #tpu.memory_space<vmem_shared>>
        tpu.enqueue_indirect_dma source(%dma_start3A_257 : memref<128x64xf32, #tpu.memory_space<vmem>>) target(%dma_start3A_263 : memref<10240x64xf32, #tpu.memory_space<vmem_shared>>) offsets(%dma_start3A_260 : memref<128xi32, #tpu.memory_space<vmem>>) semaphore(%run_scoped3A_253 : memref<!tpu.dma_semaphore, #tpu.memory_space<semaphore_mem>>) {add = true}
        %dma_wait3A_264 = arith.constant 0 : i32
        %dma_wait3A_265 = arith.constant 0 : i32
        %dma_wait3A_266 = tpu.memref_slice %arg9[%run_scoped3A_220, %dma_wait3A_264, %dma_wait3A_265] : memref<8x128x64xf32, #tpu.memory_space<vmem>> -> memref<1x128x64xf32, #tpu.memory_space<vmem>>
        %dma_wait3A_267 = tpu.memref_squeeze %dma_wait3A_266 : memref<1x128x64xf32, #tpu.memory_space<vmem>> -> memref<128x64xf32, #tpu.memory_space<vmem>>
        %dma_wait3A_268 = arith.constant 0 : i32
        %dma_wait3A_269 = tpu.memref_slice %arg8[%add3A_219, %dma_wait3A_268] : memref<80x128xi32, #tpu.memory_space<vmem>> -> memref<1x128xi32, #tpu.memory_space<vmem>>
        %dma_wait3A_270 = tpu.memref_squeeze %dma_wait3A_269 : memref<1x128xi32, #tpu.memory_space<vmem>> -> memref<128xi32, #tpu.memory_space<vmem>>
        %dma_wait3A_271 = arith.constant 0 : i32
        %dma_wait3A_272 = arith.constant 0 : i32
        %dma_wait3A_273 = tpu.memref_slice %arg10[%dma_wait3A_271, %dma_wait3A_272] : memref<10240x64xf32, #tpu.memory_space<vmem_shared>> -> memref<10240x64xf32, #tpu.memory_space<vmem_shared>>
        tpu.wait_indirect_dma semaphore(%run_scoped3A_253 : memref<!tpu.dma_semaphore, #tpu.memory_space<semaphore_mem>>) src(%dma_wait3A_267 : memref<128x64xf32, #tpu.memory_space<vmem>>) dst(%dma_wait3A_273 : memref<10240x64xf32, #tpu.memory_space<vmem_shared>>)
        tpu.yield
      }) : () -> ()
      %add3A_221 = arith.constant 6 : i32
      %add3A_222 = arith.addi %mul3A_23, %add3A_221 : i32
      %dma_wait3A_223 = arith.constant 6 : i32
      %dma_wait3A_224 = arith.constant 0 : i32
      %dma_wait3A_225 = arith.constant 0 : i32
      %dma_wait3A_226 = tpu.memref_slice %arg9[%dma_wait3A_223, %dma_wait3A_224, %dma_wait3A_225] : memref<8x128x64xf32, #tpu.memory_space<vmem>> -> memref<1x128x64xf32, #tpu.memory_space<vmem>>
      %dma_wait3A_227 = tpu.memref_squeeze %dma_wait3A_226 : memref<1x128x64xf32, #tpu.memory_space<vmem>> -> memref<128x64xf32, #tpu.memory_space<vmem>>
      %dma_wait3A_228 = arith.constant 0 : i32
      %dma_wait3A_229 = tpu.memref_slice %arg7[%add3A_222, %dma_wait3A_228] : memref<80x128xi32, #tpu.memory_space<vmem>> -> memref<1x128xi32, #tpu.memory_space<vmem>>
      %dma_wait3A_230 = tpu.memref_squeeze %dma_wait3A_229 : memref<1x128xi32, #tpu.memory_space<vmem>> -> memref<128xi32, #tpu.memory_space<vmem>>
      %dma_wait3A_231 = arith.constant 0 : i32
      %dma_wait3A_232 = arith.constant 0 : i32
      %dma_wait3A_233 = tpu.memref_slice %arg2[%dma_wait3A_231, %dma_wait3A_232] : memref<10240x64xf32, #tpu.memory_space<hbm>> -> memref<10240x64xf32, #tpu.memory_space<hbm>>
      tpu.wait_indirect_dma semaphore(%arg17 : memref<!tpu.dma_semaphore, #tpu.memory_space<semaphore_mem>>) src(%dma_wait3A_233 : memref<10240x64xf32, #tpu.memory_space<hbm>>) dst(%dma_wait3A_227 : memref<128x64xf32, #tpu.memory_space<vmem>>)
      %add3A_234 = arith.constant 6 : i32
      %add3A_235 = arith.addi %mul3A_23, %add3A_234 : i32
      %run_scoped3A_236 = arith.constant 6 : i32
      "tpu.region"() ({
        %run_scoped3A_253 = tpu.sem_alloc : memref<!tpu.dma_semaphore, #tpu.memory_space<semaphore_mem>>
        %dma_start3A_254 = arith.constant 0 : i32
        %dma_start3A_255 = arith.constant 0 : i32
        %dma_start3A_256 = tpu.memref_slice %arg9[%run_scoped3A_236, %dma_start3A_254, %dma_start3A_255] : memref<8x128x64xf32, #tpu.memory_space<vmem>> -> memref<1x128x64xf32, #tpu.memory_space<vmem>>
        %dma_start3A_257 = tpu.memref_squeeze %dma_start3A_256 : memref<1x128x64xf32, #tpu.memory_space<vmem>> -> memref<128x64xf32, #tpu.memory_space<vmem>>
        %dma_start3A_258 = arith.constant 0 : i32
        %dma_start3A_259 = tpu.memref_slice %arg8[%add3A_235, %dma_start3A_258] : memref<80x128xi32, #tpu.memory_space<vmem>> -> memref<1x128xi32, #tpu.memory_space<vmem>>
        %dma_start3A_260 = tpu.memref_squeeze %dma_start3A_259 : memref<1x128xi32, #tpu.memory_space<vmem>> -> memref<128xi32, #tpu.memory_space<vmem>>
        %dma_start3A_261 = arith.constant 0 : i32
        %dma_start3A_262 = arith.constant 0 : i32
        %dma_start3A_263 = tpu.memref_slice %arg10[%dma_start3A_261, %dma_start3A_262] : memref<10240x64xf32, #tpu.memory_space<vmem_shared>> -> memref<10240x64xf32, #tpu.memory_space<vmem_shared>>
        tpu.enqueue_indirect_dma source(%dma_start3A_257 : memref<128x64xf32, #tpu.memory_space<vmem>>) target(%dma_start3A_263 : memref<10240x64xf32, #tpu.memory_space<vmem_shared>>) offsets(%dma_start3A_260 : memref<128xi32, #tpu.memory_space<vmem>>) semaphore(%run_scoped3A_253 : memref<!tpu.dma_semaphore, #tpu.memory_space<semaphore_mem>>) {add = true}
        %dma_wait3A_264 = arith.constant 0 : i32
        %dma_wait3A_265 = arith.constant 0 : i32
        %dma_wait3A_266 = tpu.memref_slice %arg9[%run_scoped3A_236, %dma_wait3A_264, %dma_wait3A_265] : memref<8x128x64xf32, #tpu.memory_space<vmem>> -> memref<1x128x64xf32, #tpu.memory_space<vmem>>
        %dma_wait3A_267 = tpu.memref_squeeze %dma_wait3A_266 : memref<1x128x64xf32, #tpu.memory_space<vmem>> -> memref<128x64xf32, #tpu.memory_space<vmem>>
        %dma_wait3A_268 = arith.constant 0 : i32
        %dma_wait3A_269 = tpu.memref_slice %arg8[%add3A_235, %dma_wait3A_268] : memref<80x128xi32, #tpu.memory_space<vmem>> -> memref<1x128xi32, #tpu.memory_space<vmem>>
        %dma_wait3A_270 = tpu.memref_squeeze %dma_wait3A_269 : memref<1x128xi32, #tpu.memory_space<vmem>> -> memref<128xi32, #tpu.memory_space<vmem>>
        %dma_wait3A_271 = arith.constant 0 : i32
        %dma_wait3A_272 = arith.constant 0 : i32
        %dma_wait3A_273 = tpu.memref_slice %arg10[%dma_wait3A_271, %dma_wait3A_272] : memref<10240x64xf32, #tpu.memory_space<vmem_shared>> -> memref<10240x64xf32, #tpu.memory_space<vmem_shared>>
        tpu.wait_indirect_dma semaphore(%run_scoped3A_253 : memref<!tpu.dma_semaphore, #tpu.memory_space<semaphore_mem>>) src(%dma_wait3A_267 : memref<128x64xf32, #tpu.memory_space<vmem>>) dst(%dma_wait3A_273 : memref<10240x64xf32, #tpu.memory_space<vmem_shared>>)
        tpu.yield
      }) : () -> ()
      %add3A_237 = arith.constant 7 : i32
      %add3A_238 = arith.addi %mul3A_23, %add3A_237 : i32
      %dma_wait3A_239 = arith.constant 7 : i32
      %dma_wait3A_240 = arith.constant 0 : i32
      %dma_wait3A_241 = arith.constant 0 : i32
      %dma_wait3A_242 = tpu.memref_slice %arg9[%dma_wait3A_239, %dma_wait3A_240, %dma_wait3A_241] : memref<8x128x64xf32, #tpu.memory_space<vmem>> -> memref<1x128x64xf32, #tpu.memory_space<vmem>>
      %dma_wait3A_243 = tpu.memref_squeeze %dma_wait3A_242 : memref<1x128x64xf32, #tpu.memory_space<vmem>> -> memref<128x64xf32, #tpu.memory_space<vmem>>
      %dma_wait3A_244 = arith.constant 0 : i32
      %dma_wait3A_245 = tpu.memref_slice %arg7[%add3A_238, %dma_wait3A_244] : memref<80x128xi32, #tpu.memory_space<vmem>> -> memref<1x128xi32, #tpu.memory_space<vmem>>
      %dma_wait3A_246 = tpu.memref_squeeze %dma_wait3A_245 : memref<1x128xi32, #tpu.memory_space<vmem>> -> memref<128xi32, #tpu.memory_space<vmem>>
      %dma_wait3A_247 = arith.constant 0 : i32
      %dma_wait3A_248 = arith.constant 0 : i32
      %dma_wait3A_249 = tpu.memref_slice %arg2[%dma_wait3A_247, %dma_wait3A_248] : memref<10240x64xf32, #tpu.memory_space<hbm>> -> memref<10240x64xf32, #tpu.memory_space<hbm>>
      tpu.wait_indirect_dma semaphore(%arg18 : memref<!tpu.dma_semaphore, #tpu.memory_space<semaphore_mem>>) src(%dma_wait3A_249 : memref<10240x64xf32, #tpu.memory_space<hbm>>) dst(%dma_wait3A_243 : memref<128x64xf32, #tpu.memory_space<vmem>>)
      %add3A_250 = arith.constant 7 : i32
      %add3A_251 = arith.addi %mul3A_23, %add3A_250 : i32
      %run_scoped3A_252 = arith.constant 7 : i32
      "tpu.region"() ({
        %run_scoped3A_253 = tpu.sem_alloc : memref<!tpu.dma_semaphore, #tpu.memory_space<semaphore_mem>>
        %dma_start3A_254 = arith.constant 0 : i32
        %dma_start3A_255 = arith.constant 0 : i32
        %dma_start3A_256 = tpu.memref_slice %arg9[%run_scoped3A_252, %dma_start3A_254, %dma_start3A_255] : memref<8x128x64xf32, #tpu.memory_space<vmem>> -> memref<1x128x64xf32, #tpu.memory_space<vmem>>
        %dma_start3A_257 = tpu.memref_squeeze %dma_start3A_256 : memref<1x128x64xf32, #tpu.memory_space<vmem>> -> memref<128x64xf32, #tpu.memory_space<vmem>>
        %dma_start3A_258 = arith.constant 0 : i32
        %dma_start3A_259 = tpu.memref_slice %arg8[%add3A_251, %dma_start3A_258] : memref<80x128xi32, #tpu.memory_space<vmem>> -> memref<1x128xi32, #tpu.memory_space<vmem>>
        %dma_start3A_260 = tpu.memref_squeeze %dma_start3A_259 : memref<1x128xi32, #tpu.memory_space<vmem>> -> memref<128xi32, #tpu.memory_space<vmem>>
        %dma_start3A_261 = arith.constant 0 : i32
        %dma_start3A_262 = arith.constant 0 : i32
        %dma_start3A_263 = tpu.memref_slice %arg10[%dma_start3A_261, %dma_start3A_262] : memref<10240x64xf32, #tpu.memory_space<vmem_shared>> -> memref<10240x64xf32, #tpu.memory_space<vmem_shared>>
        tpu.enqueue_indirect_dma source(%dma_start3A_257 : memref<128x64xf32, #tpu.memory_space<vmem>>) target(%dma_start3A_263 : memref<10240x64xf32, #tpu.memory_space<vmem_shared>>) offsets(%dma_start3A_260 : memref<128xi32, #tpu.memory_space<vmem>>) semaphore(%run_scoped3A_253 : memref<!tpu.dma_semaphore, #tpu.memory_space<semaphore_mem>>) {add = true}
        %dma_wait3A_264 = arith.constant 0 : i32
        %dma_wait3A_265 = arith.constant 0 : i32
        %dma_wait3A_266 = tpu.memref_slice %arg9[%run_scoped3A_252, %dma_wait3A_264, %dma_wait3A_265] : memref<8x128x64xf32, #tpu.memory_space<vmem>> -> memref<1x128x64xf32, #tpu.memory_space<vmem>>
        %dma_wait3A_267 = tpu.memref_squeeze %dma_wait3A_266 : memref<1x128x64xf32, #tpu.memory_space<vmem>> -> memref<128x64xf32, #tpu.memory_space<vmem>>
        %dma_wait3A_268 = arith.constant 0 : i32
        %dma_wait3A_269 = tpu.memref_slice %arg8[%add3A_251, %dma_wait3A_268] : memref<80x128xi32, #tpu.memory_space<vmem>> -> memref<1x128xi32, #tpu.memory_space<vmem>>
        %dma_wait3A_270 = tpu.memref_squeeze %dma_wait3A_269 : memref<1x128xi32, #tpu.memory_space<vmem>> -> memref<128xi32, #tpu.memory_space<vmem>>
        %dma_wait3A_271 = arith.constant 0 : i32
        %dma_wait3A_272 = arith.constant 0 : i32
        %dma_wait3A_273 = tpu.memref_slice %arg10[%dma_wait3A_271, %dma_wait3A_272] : memref<10240x64xf32, #tpu.memory_space<vmem_shared>> -> memref<10240x64xf32, #tpu.memory_space<vmem_shared>>
        tpu.wait_indirect_dma semaphore(%run_scoped3A_253 : memref<!tpu.dma_semaphore, #tpu.memory_space<semaphore_mem>>) src(%dma_wait3A_267 : memref<128x64xf32, #tpu.memory_space<vmem>>) dst(%dma_wait3A_273 : memref<10240x64xf32, #tpu.memory_space<vmem_shared>>)
        tpu.yield
      }) : () -> ()
    }
    %scan3A_12 = arith.constant 10 : i32
    %barrier3A_13 = arith.constant 0 : index
    tpu.barrier barrier_id(%barrier3A_13)
    %mul3A_14 = arith.constant 10240 : i32
    %mul3A_15 = arith.muli %arg0, %mul3A_14 : i32
    %add3A_16 = arith.addi %mul3A_15, %mul3A_2 : i32
    "tpu.region"() ({
      %run_scoped3A = tpu.sem_alloc : memref<!tpu.dma_semaphore, #tpu.memory_space<semaphore_mem>>
      %dma_start3A = arith.constant 0 : i32
      %dma_start3A_17 = tpu.memref_slice %arg6[%add3A_16, %dma_start3A] : memref<20480x64xf32, #tpu.memory_space<hbm>> -> memref<640x64xf32, #tpu.memory_space<hbm>>
      %dma_start3A_18 = arith.constant 0 : i32
      %dma_start3A_19 = tpu.memref_slice %arg10[%mul3A_2, %dma_start3A_18] : memref<10240x64xf32, #tpu.memory_space<vmem_shared>> -> memref<640x64xf32, #tpu.memory_space<vmem_shared>>
      tpu.enqueue_dma source(%dma_start3A_19 : memref<640x64xf32, #tpu.memory_space<vmem_shared>>) target(%dma_start3A_17 : memref<640x64xf32, #tpu.memory_space<hbm>>) target_semaphore(%run_scoped3A : memref<!tpu.dma_semaphore, #tpu.memory_space<semaphore_mem>>)
      %dma_wait3A = arith.constant 0 : i32
      %dma_wait3A_20 = tpu.memref_slice %arg6[%add3A_16, %dma_wait3A] : memref<20480x64xf32, #tpu.memory_space<hbm>> -> memref<640x64xf32, #tpu.memory_space<hbm>>
      %dma_wait3A_21 = arith.constant 0 : i32
      %dma_wait3A_22 = tpu.memref_slice %arg10[%mul3A_2, %dma_wait3A_21] : memref<10240x64xf32, #tpu.memory_space<vmem_shared>> -> memref<640x64xf32, #tpu.memory_space<vmem_shared>>
      tpu.wait_dma2 semaphore(%run_scoped3A : memref<!tpu.dma_semaphore, #tpu.memory_space<semaphore_mem>>) src(%dma_wait3A_22 : memref<640x64xf32, #tpu.memory_space<vmem_shared>>) dst(%dma_wait3A_20 : memref<640x64xf32, #tpu.memory_space<hbm>>)
      tpu.yield
    }) : () -> ()
    return
  }
}

#map = affine_map<(d0, d1) -> (0, 0)>
#map1 = affine_map<(d0, d1) -> (0, 0, 0)>
module attributes {stable_mosaic.version = 14 : i64} {
  func.func @edge_kernel(%arg0: i32, %arg1: i32, %arg2: memref<10240x64xf32, #tpu.memory_space<hbm>>, %arg3: memref<32x80x128xi32, #tpu.memory_space<hbm>>, %arg4: memref<32x80x128xi32, #tpu.memory_space<hbm>>, %arg5: memref<10240x64xf32, #tpu.memory_space<hbm>>, %arg6: memref<20480x64xf32, #tpu.memory_space<hbm>>, %arg7: memref<80x128xi32, #tpu.memory_space<vmem>>, %arg8: memref<80x128xi32, #tpu.memory_space<vmem>>, %arg9: memref<8x128x64xf32, #tpu.memory_space<vmem>>, %arg10: memref<10240x64xf32, #tpu.memory_space<vmem_shared>>, %arg11: memref<!tpu.dma_semaphore, #tpu.memory_space<semaphore_mem>>, %arg12: memref<!tpu.dma_semaphore, #tpu.memory_space<semaphore_mem>>, %arg13: memref<!tpu.dma_semaphore, #tpu.memory_space<semaphore_mem>>, %arg14: memref<!tpu.dma_semaphore, #tpu.memory_space<semaphore_mem>>, %arg15: memref<!tpu.dma_semaphore, #tpu.memory_space<semaphore_mem>>, %arg16: memref<!tpu.dma_semaphore, #tpu.memory_space<semaphore_mem>>, %arg17: memref<!tpu.dma_semaphore, #tpu.memory_space<semaphore_mem>>, %arg18: memref<!tpu.dma_semaphore, #tpu.memory_space<semaphore_mem>>) attributes {dimension_semantics = [#tpu.dimension_semantics<core_parallel>, #tpu.dimension_semantics<subcore_parallel>], iteration_bounds = array<i64: 2, 16>, scalar_prefetch = 0 : i64, scratch_operands = 12 : i64, tpu.core_type = #tpu.core_type<sc_vector_subcore>, window_params = [{transform_indices = #map}, {transform_indices = #map1}, {transform_indices = #map1}, {transform_indices = #map}, {transform_indices = #map}]} {
    %mul3A = arith.constant 16 : i32
    %mul3A_0 = arith.muli %arg0, %mul3A : i32
    %add3A = arith.addi %mul3A_0, %arg1 : i32
    %mul3A_1 = arith.constant 640 : i32
    %mul3A_2 = arith.muli %arg1, %mul3A_1 : i32
    %eq3A = arith.constant 0 : i32
    %eq3A_3 = arith.cmpi eq, %arg0, %eq3A : i32
    %convert_element_type3A = arith.extui %eq3A_3 : i1 to i32
    %cond3A = arith.constant 0 : i32
    %cond3A_4 = arith.cmpi ne, %convert_element_type3A, %cond3A : i32
    scf.if %cond3A_4 {
      "tpu.region"() ({
        %run_scoped3A = tpu.sem_alloc : memref<!tpu.dma_semaphore, #tpu.memory_space<semaphore_mem>>
        %dma_start3A = arith.constant 0 : i32
        %dma_start3A_17 = tpu.memref_slice %arg10[%mul3A_2, %dma_start3A] : memref<10240x64xf32, #tpu.memory_space<vmem_shared>> -> memref<640x64xf32, #tpu.memory_space<vmem_shared>>
        %dma_start3A_18 = arith.constant 0 : i32
        %dma_start3A_19 = tpu.memref_slice %arg2[%mul3A_2, %dma_start3A_18] : memref<10240x64xf32, #tpu.memory_space<hbm>> -> memref<640x64xf32, #tpu.memory_space<hbm>>
        tpu.enqueue_dma source(%dma_start3A_19 : memref<640x64xf32, #tpu.memory_space<hbm>>) target(%dma_start3A_17 : memref<640x64xf32, #tpu.memory_space<vmem_shared>>) target_semaphore(%run_scoped3A : memref<!tpu.dma_semaphore, #tpu.memory_space<semaphore_mem>>)
        %dma_wait3A = arith.constant 0 : i32
        %dma_wait3A_20 = tpu.memref_slice %arg10[%mul3A_2, %dma_wait3A] : memref<10240x64xf32, #tpu.memory_space<vmem_shared>> -> memref<640x64xf32, #tpu.memory_space<vmem_shared>>
        %dma_wait3A_21 = arith.constant 0 : i32
        %dma_wait3A_22 = tpu.memref_slice %arg2[%mul3A_2, %dma_wait3A_21] : memref<10240x64xf32, #tpu.memory_space<hbm>> -> memref<640x64xf32, #tpu.memory_space<hbm>>
        tpu.wait_dma2 semaphore(%run_scoped3A : memref<!tpu.dma_semaphore, #tpu.memory_space<semaphore_mem>>) src(%dma_wait3A_22 : memref<640x64xf32, #tpu.memory_space<hbm>>) dst(%dma_wait3A_20 : memref<640x64xf32, #tpu.memory_space<vmem_shared>>)
        tpu.yield
      }) : () -> ()
    } else {
    }
    %ne3A = arith.constant 0 : i32
    %ne3A_5 = arith.cmpi ne, %arg0, %ne3A : i32
    %convert_element_type3A_6 = arith.extui %ne3A_5 : i1 to i32
    %cond3A_7 = arith.constant 0 : i32
    %cond3A_8 = arith.cmpi ne, %convert_element_type3A_6, %cond3A_7 : i32
    scf.if %cond3A_8 {
      "tpu.region"() ({
        %run_scoped3A = tpu.sem_alloc : memref<!tpu.dma_semaphore, #tpu.memory_space<semaphore_mem>>
        %dma_start3A = arith.constant 0 : i32
        %dma_start3A_17 = tpu.memref_slice %arg10[%mul3A_2, %dma_start3A] : memref<10240x64xf32, #tpu.memory_space<vmem_shared>> -> memref<640x64xf32, #tpu.memory_space<vmem_shared>>
        %dma_start3A_18 = arith.constant 0 : i32
        %dma_start3A_19 = tpu.memref_slice %arg5[%mul3A_2, %dma_start3A_18] : memref<10240x64xf32, #tpu.memory_space<hbm>> -> memref<640x64xf32, #tpu.memory_space<hbm>>
        tpu.enqueue_dma source(%dma_start3A_19 : memref<640x64xf32, #tpu.memory_space<hbm>>) target(%dma_start3A_17 : memref<640x64xf32, #tpu.memory_space<vmem_shared>>) target_semaphore(%run_scoped3A : memref<!tpu.dma_semaphore, #tpu.memory_space<semaphore_mem>>)
        %dma_wait3A = arith.constant 0 : i32
        %dma_wait3A_20 = tpu.memref_slice %arg10[%mul3A_2, %dma_wait3A] : memref<10240x64xf32, #tpu.memory_space<vmem_shared>> -> memref<640x64xf32, #tpu.memory_space<vmem_shared>>
        %dma_wait3A_21 = arith.constant 0 : i32
        %dma_wait3A_22 = tpu.memref_slice %arg5[%mul3A_2, %dma_wait3A_21] : memref<10240x64xf32, #tpu.memory_space<hbm>> -> memref<640x64xf32, #tpu.memory_space<hbm>>
        tpu.wait_dma2 semaphore(%run_scoped3A : memref<!tpu.dma_semaphore, #tpu.memory_space<semaphore_mem>>) src(%dma_wait3A_22 : memref<640x64xf32, #tpu.memory_space<hbm>>) dst(%dma_wait3A_20 : memref<640x64xf32, #tpu.memory_space<vmem_shared>>)
        tpu.yield
      }) : () -> ()
    } else {
    }
    "tpu.region"() ({
      %run_scoped3A = tpu.sem_alloc : memref<!tpu.dma_semaphore, #tpu.memory_space<semaphore_mem>>
      %dma_start3A = arith.constant 0 : i32
      %dma_start3A_17 = arith.constant 0 : i32
      %dma_start3A_18 = tpu.memref_slice %arg3[%add3A, %dma_start3A, %dma_start3A_17] : memref<32x80x128xi32, #tpu.memory_space<hbm>> -> memref<1x80x128xi32, #tpu.memory_space<hbm>>
      %dma_start3A_19 = tpu.memref_squeeze %dma_start3A_18 : memref<1x80x128xi32, #tpu.memory_space<hbm>> -> memref<80x128xi32, #tpu.memory_space<hbm>>
      %dma_start3A_20 = arith.constant 0 : i32
      %dma_start3A_21 = arith.constant 0 : i32
      %dma_start3A_22 = tpu.memref_slice %arg3[%add3A, %dma_start3A_20, %dma_start3A_21] : memref<32x80x128xi32, #tpu.memory_space<hbm>> -> memref<1x80x128xi32, #tpu.memory_space<hbm>>
      %dma_start3A_23 = tpu.memref_squeeze %dma_start3A_22 : memref<1x80x128xi32, #tpu.memory_space<hbm>> -> memref<80x128xi32, #tpu.memory_space<hbm>>
      tpu.enqueue_dma source(%dma_start3A_23 : memref<80x128xi32, #tpu.memory_space<hbm>>) target(%arg7 : memref<80x128xi32, #tpu.memory_space<vmem>>) target_semaphore(%run_scoped3A : memref<!tpu.dma_semaphore, #tpu.memory_space<semaphore_mem>>)
      %dma_wait3A = arith.constant 0 : i32
      %dma_wait3A_24 = arith.constant 0 : i32
      %dma_wait3A_25 = tpu.memref_slice %arg3[%add3A, %dma_wait3A, %dma_wait3A_24] : memref<32x80x128xi32, #tpu.memory_space<hbm>> -> memref<1x80x128xi32, #tpu.memory_space<hbm>>
      %dma_wait3A_26 = tpu.memref_squeeze %dma_wait3A_25 : memref<1x80x128xi32, #tpu.memory_space<hbm>> -> memref<80x128xi32, #tpu.memory_space<hbm>>
      %dma_wait3A_27 = arith.constant 0 : i32
      %dma_wait3A_28 = arith.constant 0 : i32
      %dma_wait3A_29 = tpu.memref_slice %arg3[%add3A, %dma_wait3A_27, %dma_wait3A_28] : memref<32x80x128xi32, #tpu.memory_space<hbm>> -> memref<1x80x128xi32, #tpu.memory_space<hbm>>
      %dma_wait3A_30 = tpu.memref_squeeze %dma_wait3A_29 : memref<1x80x128xi32, #tpu.memory_space<hbm>> -> memref<80x128xi32, #tpu.memory_space<hbm>>
      tpu.wait_dma2 semaphore(%run_scoped3A : memref<!tpu.dma_semaphore, #tpu.memory_space<semaphore_mem>>) src(%dma_wait3A_30 : memref<80x128xi32, #tpu.memory_space<hbm>>) dst(%arg7 : memref<80x128xi32, #tpu.memory_space<vmem>>)
      tpu.yield
    }) : () -> ()
    "tpu.region"() ({
      %run_scoped3A = tpu.sem_alloc : memref<!tpu.dma_semaphore, #tpu.memory_space<semaphore_mem>>
      %dma_start3A = arith.constant 0 : i32
      %dma_start3A_17 = arith.constant 0 : i32
      %dma_start3A_18 = tpu.memref_slice %arg4[%add3A, %dma_start3A, %dma_start3A_17] : memref<32x80x128xi32, #tpu.memory_space<hbm>> -> memref<1x80x128xi32, #tpu.memory_space<hbm>>
      %dma_start3A_19 = tpu.memref_squeeze %dma_start3A_18 : memref<1x80x128xi32, #tpu.memory_space<hbm>> -> memref<80x128xi32, #tpu.memory_space<hbm>>
      %dma_start3A_20 = arith.constant 0 : i32
      %dma_start3A_21 = arith.constant 0 : i32
      %dma_start3A_22 = tpu.memref_slice %arg4[%add3A, %dma_start3A_20, %dma_start3A_21] : memref<32x80x128xi32, #tpu.memory_space<hbm>> -> memref<1x80x128xi32, #tpu.memory_space<hbm>>
      %dma_start3A_23 = tpu.memref_squeeze %dma_start3A_22 : memref<1x80x128xi32, #tpu.memory_space<hbm>> -> memref<80x128xi32, #tpu.memory_space<hbm>>
      tpu.enqueue_dma source(%dma_start3A_23 : memref<80x128xi32, #tpu.memory_space<hbm>>) target(%arg8 : memref<80x128xi32, #tpu.memory_space<vmem>>) target_semaphore(%run_scoped3A : memref<!tpu.dma_semaphore, #tpu.memory_space<semaphore_mem>>)
      %dma_wait3A = arith.constant 0 : i32
      %dma_wait3A_24 = arith.constant 0 : i32
      %dma_wait3A_25 = tpu.memref_slice %arg4[%add3A, %dma_wait3A, %dma_wait3A_24] : memref<32x80x128xi32, #tpu.memory_space<hbm>> -> memref<1x80x128xi32, #tpu.memory_space<hbm>>
      %dma_wait3A_26 = tpu.memref_squeeze %dma_wait3A_25 : memref<1x80x128xi32, #tpu.memory_space<hbm>> -> memref<80x128xi32, #tpu.memory_space<hbm>>
      %dma_wait3A_27 = arith.constant 0 : i32
      %dma_wait3A_28 = arith.constant 0 : i32
      %dma_wait3A_29 = tpu.memref_slice %arg4[%add3A, %dma_wait3A_27, %dma_wait3A_28] : memref<32x80x128xi32, #tpu.memory_space<hbm>> -> memref<1x80x128xi32, #tpu.memory_space<hbm>>
      %dma_wait3A_30 = tpu.memref_squeeze %dma_wait3A_29 : memref<1x80x128xi32, #tpu.memory_space<hbm>> -> memref<80x128xi32, #tpu.memory_space<hbm>>
      tpu.wait_dma2 semaphore(%run_scoped3A : memref<!tpu.dma_semaphore, #tpu.memory_space<semaphore_mem>>) src(%dma_wait3A_30 : memref<80x128xi32, #tpu.memory_space<hbm>>) dst(%arg8 : memref<80x128xi32, #tpu.memory_space<vmem>>)
      tpu.yield
    }) : () -> ()
    %barrier3A = arith.constant 0 : index
    tpu.barrier barrier_id(%barrier3A)
    %scan3A = arith.constant 0 : i32
    %scan3A_9 = arith.constant 10 : i32
    %scan3A_10 = arith.addi %scan3A, %scan3A_9 : i32
    %scan3A_11 = arith.constant 1 : i32
    scf.for %scan3A_17 = %scan3A to %scan3A_10 step %scan3A_11  : i32 {
      %mul3A_18 = arith.constant 1 : i32
      %mul3A_19 = arith.muli %scan3A_17, %mul3A_18 : i32
      %add3A_20 = arith.constant 0 : i32
      %add3A_21 = arith.addi %add3A_20, %mul3A_19 : i32
      %mul3A_22 = arith.constant 8 : i32
      %mul3A_23 = arith.muli %mul3A_22, %add3A_21 : i32
      %add3A_24 = arith.constant 0 : i32
      %add3A_25 = arith.addi %mul3A_23, %add3A_24 : i32
      %dma_start3A = arith.constant 0 : i32
      %dma_start3A_26 = arith.constant 0 : i32
      %dma_start3A_27 = arith.constant 0 : i32
      %dma_start3A_28 = tpu.memref_slice %arg9[%dma_start3A, %dma_start3A_26, %dma_start3A_27] : memref<8x128x64xf32, #tpu.memory_space<vmem>> -> memref<1x128x64xf32, #tpu.memory_space<vmem>>
      %dma_start3A_29 = tpu.memref_squeeze %dma_start3A_28 : memref<1x128x64xf32, #tpu.memory_space<vmem>> -> memref<128x64xf32, #tpu.memory_space<vmem>>
      %dma_start3A_30 = arith.constant 0 : i32
      %dma_start3A_31 = tpu.memref_slice %arg7[%add3A_25, %dma_start3A_30] : memref<80x128xi32, #tpu.memory_space<vmem>> -> memref<1x128xi32, #tpu.memory_space<vmem>>
      %dma_start3A_32 = tpu.memref_squeeze %dma_start3A_31 : memref<1x128xi32, #tpu.memory_space<vmem>> -> memref<128xi32, #tpu.memory_space<vmem>>
      %dma_start3A_33 = arith.constant 0 : i32
      %dma_start3A_34 = arith.constant 0 : i32
      %dma_start3A_35 = tpu.memref_slice %arg2[%dma_start3A_33, %dma_start3A_34] : memref<10240x64xf32, #tpu.memory_space<hbm>> -> memref<10240x64xf32, #tpu.memory_space<hbm>>
      tpu.enqueue_indirect_dma source(%dma_start3A_35 : memref<10240x64xf32, #tpu.memory_space<hbm>>) target(%dma_start3A_29 : memref<128x64xf32, #tpu.memory_space<vmem>>) offsets(%dma_start3A_32 : memref<128xi32, #tpu.memory_space<vmem>>) semaphore(%arg11 : memref<!tpu.dma_semaphore, #tpu.memory_space<semaphore_mem>>)
      %add3A_36 = arith.constant 1 : i32
      %add3A_37 = arith.addi %mul3A_23, %add3A_36 : i32
      %dma_start3A_38 = arith.constant 1 : i32
      %dma_start3A_39 = arith.constant 0 : i32
      %dma_start3A_40 = arith.constant 0 : i32
      %dma_start3A_41 = tpu.memref_slice %arg9[%dma_start3A_38, %dma_start3A_39, %dma_start3A_40] : memref<8x128x64xf32, #tpu.memory_space<vmem>> -> memref<1x128x64xf32, #tpu.memory_space<vmem>>
      %dma_start3A_42 = tpu.memref_squeeze %dma_start3A_41 : memref<1x128x64xf32, #tpu.memory_space<vmem>> -> memref<128x64xf32, #tpu.memory_space<vmem>>
      %dma_start3A_43 = arith.constant 0 : i32
      %dma_start3A_44 = tpu.memref_slice %arg7[%add3A_37, %dma_start3A_43] : memref<80x128xi32, #tpu.memory_space<vmem>> -> memref<1x128xi32, #tpu.memory_space<vmem>>
      %dma_start3A_45 = tpu.memref_squeeze %dma_start3A_44 : memref<1x128xi32, #tpu.memory_space<vmem>> -> memref<128xi32, #tpu.memory_space<vmem>>
      %dma_start3A_46 = arith.constant 0 : i32
      %dma_start3A_47 = arith.constant 0 : i32
      %dma_start3A_48 = tpu.memref_slice %arg2[%dma_start3A_46, %dma_start3A_47] : memref<10240x64xf32, #tpu.memory_space<hbm>> -> memref<10240x64xf32, #tpu.memory_space<hbm>>
      tpu.enqueue_indirect_dma source(%dma_start3A_48 : memref<10240x64xf32, #tpu.memory_space<hbm>>) target(%dma_start3A_42 : memref<128x64xf32, #tpu.memory_space<vmem>>) offsets(%dma_start3A_45 : memref<128xi32, #tpu.memory_space<vmem>>) semaphore(%arg12 : memref<!tpu.dma_semaphore, #tpu.memory_space<semaphore_mem>>)
      %add3A_49 = arith.constant 2 : i32
      %add3A_50 = arith.addi %mul3A_23, %add3A_49 : i32
      %dma_start3A_51 = arith.constant 2 : i32
      %dma_start3A_52 = arith.constant 0 : i32
      %dma_start3A_53 = arith.constant 0 : i32
      %dma_start3A_54 = tpu.memref_slice %arg9[%dma_start3A_51, %dma_start3A_52, %dma_start3A_53] : memref<8x128x64xf32, #tpu.memory_space<vmem>> -> memref<1x128x64xf32, #tpu.memory_space<vmem>>
      %dma_start3A_55 = tpu.memref_squeeze %dma_start3A_54 : memref<1x128x64xf32, #tpu.memory_space<vmem>> -> memref<128x64xf32, #tpu.memory_space<vmem>>
      %dma_start3A_56 = arith.constant 0 : i32
      %dma_start3A_57 = tpu.memref_slice %arg7[%add3A_50, %dma_start3A_56] : memref<80x128xi32, #tpu.memory_space<vmem>> -> memref<1x128xi32, #tpu.memory_space<vmem>>
      %dma_start3A_58 = tpu.memref_squeeze %dma_start3A_57 : memref<1x128xi32, #tpu.memory_space<vmem>> -> memref<128xi32, #tpu.memory_space<vmem>>
      %dma_start3A_59 = arith.constant 0 : i32
      %dma_start3A_60 = arith.constant 0 : i32
      %dma_start3A_61 = tpu.memref_slice %arg2[%dma_start3A_59, %dma_start3A_60] : memref<10240x64xf32, #tpu.memory_space<hbm>> -> memref<10240x64xf32, #tpu.memory_space<hbm>>
      tpu.enqueue_indirect_dma source(%dma_start3A_61 : memref<10240x64xf32, #tpu.memory_space<hbm>>) target(%dma_start3A_55 : memref<128x64xf32, #tpu.memory_space<vmem>>) offsets(%dma_start3A_58 : memref<128xi32, #tpu.memory_space<vmem>>) semaphore(%arg13 : memref<!tpu.dma_semaphore, #tpu.memory_space<semaphore_mem>>)
      %add3A_62 = arith.constant 3 : i32
      %add3A_63 = arith.addi %mul3A_23, %add3A_62 : i32
      %dma_start3A_64 = arith.constant 3 : i32
      %dma_start3A_65 = arith.constant 0 : i32
      %dma_start3A_66 = arith.constant 0 : i32
      %dma_start3A_67 = tpu.memref_slice %arg9[%dma_start3A_64, %dma_start3A_65, %dma_start3A_66] : memref<8x128x64xf32, #tpu.memory_space<vmem>> -> memref<1x128x64xf32, #tpu.memory_space<vmem>>
      %dma_start3A_68 = tpu.memref_squeeze %dma_start3A_67 : memref<1x128x64xf32, #tpu.memory_space<vmem>> -> memref<128x64xf32, #tpu.memory_space<vmem>>
      %dma_start3A_69 = arith.constant 0 : i32
      %dma_start3A_70 = tpu.memref_slice %arg7[%add3A_63, %dma_start3A_69] : memref<80x128xi32, #tpu.memory_space<vmem>> -> memref<1x128xi32, #tpu.memory_space<vmem>>
      %dma_start3A_71 = tpu.memref_squeeze %dma_start3A_70 : memref<1x128xi32, #tpu.memory_space<vmem>> -> memref<128xi32, #tpu.memory_space<vmem>>
      %dma_start3A_72 = arith.constant 0 : i32
      %dma_start3A_73 = arith.constant 0 : i32
      %dma_start3A_74 = tpu.memref_slice %arg2[%dma_start3A_72, %dma_start3A_73] : memref<10240x64xf32, #tpu.memory_space<hbm>> -> memref<10240x64xf32, #tpu.memory_space<hbm>>
      tpu.enqueue_indirect_dma source(%dma_start3A_74 : memref<10240x64xf32, #tpu.memory_space<hbm>>) target(%dma_start3A_68 : memref<128x64xf32, #tpu.memory_space<vmem>>) offsets(%dma_start3A_71 : memref<128xi32, #tpu.memory_space<vmem>>) semaphore(%arg14 : memref<!tpu.dma_semaphore, #tpu.memory_space<semaphore_mem>>)
      %add3A_75 = arith.constant 4 : i32
      %add3A_76 = arith.addi %mul3A_23, %add3A_75 : i32
      %dma_start3A_77 = arith.constant 4 : i32
      %dma_start3A_78 = arith.constant 0 : i32
      %dma_start3A_79 = arith.constant 0 : i32
      %dma_start3A_80 = tpu.memref_slice %arg9[%dma_start3A_77, %dma_start3A_78, %dma_start3A_79] : memref<8x128x64xf32, #tpu.memory_space<vmem>> -> memref<1x128x64xf32, #tpu.memory_space<vmem>>
      %dma_start3A_81 = tpu.memref_squeeze %dma_start3A_80 : memref<1x128x64xf32, #tpu.memory_space<vmem>> -> memref<128x64xf32, #tpu.memory_space<vmem>>
      %dma_start3A_82 = arith.constant 0 : i32
      %dma_start3A_83 = tpu.memref_slice %arg7[%add3A_76, %dma_start3A_82] : memref<80x128xi32, #tpu.memory_space<vmem>> -> memref<1x128xi32, #tpu.memory_space<vmem>>
      %dma_start3A_84 = tpu.memref_squeeze %dma_start3A_83 : memref<1x128xi32, #tpu.memory_space<vmem>> -> memref<128xi32, #tpu.memory_space<vmem>>
      %dma_start3A_85 = arith.constant 0 : i32
      %dma_start3A_86 = arith.constant 0 : i32
      %dma_start3A_87 = tpu.memref_slice %arg2[%dma_start3A_85, %dma_start3A_86] : memref<10240x64xf32, #tpu.memory_space<hbm>> -> memref<10240x64xf32, #tpu.memory_space<hbm>>
      tpu.enqueue_indirect_dma source(%dma_start3A_87 : memref<10240x64xf32, #tpu.memory_space<hbm>>) target(%dma_start3A_81 : memref<128x64xf32, #tpu.memory_space<vmem>>) offsets(%dma_start3A_84 : memref<128xi32, #tpu.memory_space<vmem>>) semaphore(%arg15 : memref<!tpu.dma_semaphore, #tpu.memory_space<semaphore_mem>>)
      %add3A_88 = arith.constant 5 : i32
      %add3A_89 = arith.addi %mul3A_23, %add3A_88 : i32
      %dma_start3A_90 = arith.constant 5 : i32
      %dma_start3A_91 = arith.constant 0 : i32
      %dma_start3A_92 = arith.constant 0 : i32
      %dma_start3A_93 = tpu.memref_slice %arg9[%dma_start3A_90, %dma_start3A_91, %dma_start3A_92] : memref<8x128x64xf32, #tpu.memory_space<vmem>> -> memref<1x128x64xf32, #tpu.memory_space<vmem>>
      %dma_start3A_94 = tpu.memref_squeeze %dma_start3A_93 : memref<1x128x64xf32, #tpu.memory_space<vmem>> -> memref<128x64xf32, #tpu.memory_space<vmem>>
      %dma_start3A_95 = arith.constant 0 : i32
      %dma_start3A_96 = tpu.memref_slice %arg7[%add3A_89, %dma_start3A_95] : memref<80x128xi32, #tpu.memory_space<vmem>> -> memref<1x128xi32, #tpu.memory_space<vmem>>
      %dma_start3A_97 = tpu.memref_squeeze %dma_start3A_96 : memref<1x128xi32, #tpu.memory_space<vmem>> -> memref<128xi32, #tpu.memory_space<vmem>>
      %dma_start3A_98 = arith.constant 0 : i32
      %dma_start3A_99 = arith.constant 0 : i32
      %dma_start3A_100 = tpu.memref_slice %arg2[%dma_start3A_98, %dma_start3A_99] : memref<10240x64xf32, #tpu.memory_space<hbm>> -> memref<10240x64xf32, #tpu.memory_space<hbm>>
      tpu.enqueue_indirect_dma source(%dma_start3A_100 : memref<10240x64xf32, #tpu.memory_space<hbm>>) target(%dma_start3A_94 : memref<128x64xf32, #tpu.memory_space<vmem>>) offsets(%dma_start3A_97 : memref<128xi32, #tpu.memory_space<vmem>>) semaphore(%arg16 : memref<!tpu.dma_semaphore, #tpu.memory_space<semaphore_mem>>)
      %add3A_101 = arith.constant 6 : i32
      %add3A_102 = arith.addi %mul3A_23, %add3A_101 : i32
      %dma_start3A_103 = arith.constant 6 : i32
      %dma_start3A_104 = arith.constant 0 : i32
      %dma_start3A_105 = arith.constant 0 : i32
      %dma_start3A_106 = tpu.memref_slice %arg9[%dma_start3A_103, %dma_start3A_104, %dma_start3A_105] : memref<8x128x64xf32, #tpu.memory_space<vmem>> -> memref<1x128x64xf32, #tpu.memory_space<vmem>>
      %dma_start3A_107 = tpu.memref_squeeze %dma_start3A_106 : memref<1x128x64xf32, #tpu.memory_space<vmem>> -> memref<128x64xf32, #tpu.memory_space<vmem>>
      %dma_start3A_108 = arith.constant 0 : i32
      %dma_start3A_109 = tpu.memref_slice %arg7[%add3A_102, %dma_start3A_108] : memref<80x128xi32, #tpu.memory_space<vmem>> -> memref<1x128xi32, #tpu.memory_space<vmem>>
      %dma_start3A_110 = tpu.memref_squeeze %dma_start3A_109 : memref<1x128xi32, #tpu.memory_space<vmem>> -> memref<128xi32, #tpu.memory_space<vmem>>
      %dma_start3A_111 = arith.constant 0 : i32
      %dma_start3A_112 = arith.constant 0 : i32
      %dma_start3A_113 = tpu.memref_slice %arg2[%dma_start3A_111, %dma_start3A_112] : memref<10240x64xf32, #tpu.memory_space<hbm>> -> memref<10240x64xf32, #tpu.memory_space<hbm>>
      tpu.enqueue_indirect_dma source(%dma_start3A_113 : memref<10240x64xf32, #tpu.memory_space<hbm>>) target(%dma_start3A_107 : memref<128x64xf32, #tpu.memory_space<vmem>>) offsets(%dma_start3A_110 : memref<128xi32, #tpu.memory_space<vmem>>) semaphore(%arg17 : memref<!tpu.dma_semaphore, #tpu.memory_space<semaphore_mem>>)
      %add3A_114 = arith.constant 7 : i32
      %add3A_115 = arith.addi %mul3A_23, %add3A_114 : i32
      %dma_start3A_116 = arith.constant 7 : i32
      %dma_start3A_117 = arith.constant 0 : i32
      %dma_start3A_118 = arith.constant 0 : i32
      %dma_start3A_119 = tpu.memref_slice %arg9[%dma_start3A_116, %dma_start3A_117, %dma_start3A_118] : memref<8x128x64xf32, #tpu.memory_space<vmem>> -> memref<1x128x64xf32, #tpu.memory_space<vmem>>
      %dma_start3A_120 = tpu.memref_squeeze %dma_start3A_119 : memref<1x128x64xf32, #tpu.memory_space<vmem>> -> memref<128x64xf32, #tpu.memory_space<vmem>>
      %dma_start3A_121 = arith.constant 0 : i32
      %dma_start3A_122 = tpu.memref_slice %arg7[%add3A_115, %dma_start3A_121] : memref<80x128xi32, #tpu.memory_space<vmem>> -> memref<1x128xi32, #tpu.memory_space<vmem>>
      %dma_start3A_123 = tpu.memref_squeeze %dma_start3A_122 : memref<1x128xi32, #tpu.memory_space<vmem>> -> memref<128xi32, #tpu.memory_space<vmem>>
      %dma_start3A_124 = arith.constant 0 : i32
      %dma_start3A_125 = arith.constant 0 : i32
      %dma_start3A_126 = tpu.memref_slice %arg2[%dma_start3A_124, %dma_start3A_125] : memref<10240x64xf32, #tpu.memory_space<hbm>> -> memref<10240x64xf32, #tpu.memory_space<hbm>>
      tpu.enqueue_indirect_dma source(%dma_start3A_126 : memref<10240x64xf32, #tpu.memory_space<hbm>>) target(%dma_start3A_120 : memref<128x64xf32, #tpu.memory_space<vmem>>) offsets(%dma_start3A_123 : memref<128xi32, #tpu.memory_space<vmem>>) semaphore(%arg18 : memref<!tpu.dma_semaphore, #tpu.memory_space<semaphore_mem>>)
      %add3A_127 = arith.constant 0 : i32
      %add3A_128 = arith.addi %mul3A_23, %add3A_127 : i32
      %dma_wait3A = arith.constant 0 : i32
      %dma_wait3A_129 = arith.constant 0 : i32
      %dma_wait3A_130 = arith.constant 0 : i32
      %dma_wait3A_131 = tpu.memref_slice %arg9[%dma_wait3A, %dma_wait3A_129, %dma_wait3A_130] : memref<8x128x64xf32, #tpu.memory_space<vmem>> -> memref<1x128x64xf32, #tpu.memory_space<vmem>>
      %dma_wait3A_132 = tpu.memref_squeeze %dma_wait3A_131 : memref<1x128x64xf32, #tpu.memory_space<vmem>> -> memref<128x64xf32, #tpu.memory_space<vmem>>
      %dma_wait3A_133 = arith.constant 0 : i32
      %dma_wait3A_134 = tpu.memref_slice %arg7[%add3A_128, %dma_wait3A_133] : memref<80x128xi32, #tpu.memory_space<vmem>> -> memref<1x128xi32, #tpu.memory_space<vmem>>
      %dma_wait3A_135 = tpu.memref_squeeze %dma_wait3A_134 : memref<1x128xi32, #tpu.memory_space<vmem>> -> memref<128xi32, #tpu.memory_space<vmem>>
      %dma_wait3A_136 = arith.constant 0 : i32
      %dma_wait3A_137 = arith.constant 0 : i32
      %dma_wait3A_138 = tpu.memref_slice %arg2[%dma_wait3A_136, %dma_wait3A_137] : memref<10240x64xf32, #tpu.memory_space<hbm>> -> memref<10240x64xf32, #tpu.memory_space<hbm>>
      tpu.wait_indirect_dma semaphore(%arg11 : memref<!tpu.dma_semaphore, #tpu.memory_space<semaphore_mem>>) src(%dma_wait3A_138 : memref<10240x64xf32, #tpu.memory_space<hbm>>) dst(%dma_wait3A_132 : memref<128x64xf32, #tpu.memory_space<vmem>>)
      %add3A_139 = arith.constant 0 : i32
      %add3A_140 = arith.addi %mul3A_23, %add3A_139 : i32
      %run_scoped3A = arith.constant 0 : i32
      "tpu.region"() ({
        %run_scoped3A_253 = tpu.sem_alloc : memref<!tpu.dma_semaphore, #tpu.memory_space<semaphore_mem>>
        %dma_start3A_254 = arith.constant 0 : i32
        %dma_start3A_255 = arith.constant 0 : i32
        %dma_start3A_256 = tpu.memref_slice %arg9[%run_scoped3A, %dma_start3A_254, %dma_start3A_255] : memref<8x128x64xf32, #tpu.memory_space<vmem>> -> memref<1x128x64xf32, #tpu.memory_space<vmem>>
        %dma_start3A_257 = tpu.memref_squeeze %dma_start3A_256 : memref<1x128x64xf32, #tpu.memory_space<vmem>> -> memref<128x64xf32, #tpu.memory_space<vmem>>
        %dma_start3A_258 = arith.constant 0 : i32
        %dma_start3A_259 = tpu.memref_slice %arg8[%add3A_140, %dma_start3A_258] : memref<80x128xi32, #tpu.memory_space<vmem>> -> memref<1x128xi32, #tpu.memory_space<vmem>>
        %dma_start3A_260 = tpu.memref_squeeze %dma_start3A_259 : memref<1x128xi32, #tpu.memory_space<vmem>> -> memref<128xi32, #tpu.memory_space<vmem>>
        %dma_start3A_261 = arith.constant 0 : i32
        %dma_start3A_262 = arith.constant 0 : i32
        %dma_start3A_263 = tpu.memref_slice %arg10[%dma_start3A_261, %dma_start3A_262] : memref<10240x64xf32, #tpu.memory_space<vmem_shared>> -> memref<10240x64xf32, #tpu.memory_space<vmem_shared>>
        tpu.enqueue_indirect_dma source(%dma_start3A_257 : memref<128x64xf32, #tpu.memory_space<vmem>>) target(%dma_start3A_263 : memref<10240x64xf32, #tpu.memory_space<vmem_shared>>) offsets(%dma_start3A_260 : memref<128xi32, #tpu.memory_space<vmem>>) semaphore(%run_scoped3A_253 : memref<!tpu.dma_semaphore, #tpu.memory_space<semaphore_mem>>) {add = true}
        %dma_wait3A_264 = arith.constant 0 : i32
        %dma_wait3A_265 = arith.constant 0 : i32
        %dma_wait3A_266 = tpu.memref_slice %arg9[%run_scoped3A, %dma_wait3A_264, %dma_wait3A_265] : memref<8x128x64xf32, #tpu.memory_space<vmem>> -> memref<1x128x64xf32, #tpu.memory_space<vmem>>
        %dma_wait3A_267 = tpu.memref_squeeze %dma_wait3A_266 : memref<1x128x64xf32, #tpu.memory_space<vmem>> -> memref<128x64xf32, #tpu.memory_space<vmem>>
        %dma_wait3A_268 = arith.constant 0 : i32
        %dma_wait3A_269 = tpu.memref_slice %arg8[%add3A_140, %dma_wait3A_268] : memref<80x128xi32, #tpu.memory_space<vmem>> -> memref<1x128xi32, #tpu.memory_space<vmem>>
        %dma_wait3A_270 = tpu.memref_squeeze %dma_wait3A_269 : memref<1x128xi32, #tpu.memory_space<vmem>> -> memref<128xi32, #tpu.memory_space<vmem>>
        %dma_wait3A_271 = arith.constant 0 : i32
        %dma_wait3A_272 = arith.constant 0 : i32
        %dma_wait3A_273 = tpu.memref_slice %arg10[%dma_wait3A_271, %dma_wait3A_272] : memref<10240x64xf32, #tpu.memory_space<vmem_shared>> -> memref<10240x64xf32, #tpu.memory_space<vmem_shared>>
        tpu.wait_indirect_dma semaphore(%run_scoped3A_253 : memref<!tpu.dma_semaphore, #tpu.memory_space<semaphore_mem>>) src(%dma_wait3A_267 : memref<128x64xf32, #tpu.memory_space<vmem>>) dst(%dma_wait3A_273 : memref<10240x64xf32, #tpu.memory_space<vmem_shared>>)
        tpu.yield
      }) : () -> ()
      %add3A_141 = arith.constant 1 : i32
      %add3A_142 = arith.addi %mul3A_23, %add3A_141 : i32
      %dma_wait3A_143 = arith.constant 1 : i32
      %dma_wait3A_144 = arith.constant 0 : i32
      %dma_wait3A_145 = arith.constant 0 : i32
      %dma_wait3A_146 = tpu.memref_slice %arg9[%dma_wait3A_143, %dma_wait3A_144, %dma_wait3A_145] : memref<8x128x64xf32, #tpu.memory_space<vmem>> -> memref<1x128x64xf32, #tpu.memory_space<vmem>>
      %dma_wait3A_147 = tpu.memref_squeeze %dma_wait3A_146 : memref<1x128x64xf32, #tpu.memory_space<vmem>> -> memref<128x64xf32, #tpu.memory_space<vmem>>
      %dma_wait3A_148 = arith.constant 0 : i32
      %dma_wait3A_149 = tpu.memref_slice %arg7[%add3A_142, %dma_wait3A_148] : memref<80x128xi32, #tpu.memory_space<vmem>> -> memref<1x128xi32, #tpu.memory_space<vmem>>
      %dma_wait3A_150 = tpu.memref_squeeze %dma_wait3A_149 : memref<1x128xi32, #tpu.memory_space<vmem>> -> memref<128xi32, #tpu.memory_space<vmem>>
      %dma_wait3A_151 = arith.constant 0 : i32
      %dma_wait3A_152 = arith.constant 0 : i32
      %dma_wait3A_153 = tpu.memref_slice %arg2[%dma_wait3A_151, %dma_wait3A_152] : memref<10240x64xf32, #tpu.memory_space<hbm>> -> memref<10240x64xf32, #tpu.memory_space<hbm>>
      tpu.wait_indirect_dma semaphore(%arg12 : memref<!tpu.dma_semaphore, #tpu.memory_space<semaphore_mem>>) src(%dma_wait3A_153 : memref<10240x64xf32, #tpu.memory_space<hbm>>) dst(%dma_wait3A_147 : memref<128x64xf32, #tpu.memory_space<vmem>>)
      %add3A_154 = arith.constant 1 : i32
      %add3A_155 = arith.addi %mul3A_23, %add3A_154 : i32
      %run_scoped3A_156 = arith.constant 1 : i32
      "tpu.region"() ({
        %run_scoped3A_253 = tpu.sem_alloc : memref<!tpu.dma_semaphore, #tpu.memory_space<semaphore_mem>>
        %dma_start3A_254 = arith.constant 0 : i32
        %dma_start3A_255 = arith.constant 0 : i32
        %dma_start3A_256 = tpu.memref_slice %arg9[%run_scoped3A_156, %dma_start3A_254, %dma_start3A_255] : memref<8x128x64xf32, #tpu.memory_space<vmem>> -> memref<1x128x64xf32, #tpu.memory_space<vmem>>
        %dma_start3A_257 = tpu.memref_squeeze %dma_start3A_256 : memref<1x128x64xf32, #tpu.memory_space<vmem>> -> memref<128x64xf32, #tpu.memory_space<vmem>>
        %dma_start3A_258 = arith.constant 0 : i32
        %dma_start3A_259 = tpu.memref_slice %arg8[%add3A_155, %dma_start3A_258] : memref<80x128xi32, #tpu.memory_space<vmem>> -> memref<1x128xi32, #tpu.memory_space<vmem>>
        %dma_start3A_260 = tpu.memref_squeeze %dma_start3A_259 : memref<1x128xi32, #tpu.memory_space<vmem>> -> memref<128xi32, #tpu.memory_space<vmem>>
        %dma_start3A_261 = arith.constant 0 : i32
        %dma_start3A_262 = arith.constant 0 : i32
        %dma_start3A_263 = tpu.memref_slice %arg10[%dma_start3A_261, %dma_start3A_262] : memref<10240x64xf32, #tpu.memory_space<vmem_shared>> -> memref<10240x64xf32, #tpu.memory_space<vmem_shared>>
        tpu.enqueue_indirect_dma source(%dma_start3A_257 : memref<128x64xf32, #tpu.memory_space<vmem>>) target(%dma_start3A_263 : memref<10240x64xf32, #tpu.memory_space<vmem_shared>>) offsets(%dma_start3A_260 : memref<128xi32, #tpu.memory_space<vmem>>) semaphore(%run_scoped3A_253 : memref<!tpu.dma_semaphore, #tpu.memory_space<semaphore_mem>>) {add = true}
        %dma_wait3A_264 = arith.constant 0 : i32
        %dma_wait3A_265 = arith.constant 0 : i32
        %dma_wait3A_266 = tpu.memref_slice %arg9[%run_scoped3A_156, %dma_wait3A_264, %dma_wait3A_265] : memref<8x128x64xf32, #tpu.memory_space<vmem>> -> memref<1x128x64xf32, #tpu.memory_space<vmem>>
        %dma_wait3A_267 = tpu.memref_squeeze %dma_wait3A_266 : memref<1x128x64xf32, #tpu.memory_space<vmem>> -> memref<128x64xf32, #tpu.memory_space<vmem>>
        %dma_wait3A_268 = arith.constant 0 : i32
        %dma_wait3A_269 = tpu.memref_slice %arg8[%add3A_155, %dma_wait3A_268] : memref<80x128xi32, #tpu.memory_space<vmem>> -> memref<1x128xi32, #tpu.memory_space<vmem>>
        %dma_wait3A_270 = tpu.memref_squeeze %dma_wait3A_269 : memref<1x128xi32, #tpu.memory_space<vmem>> -> memref<128xi32, #tpu.memory_space<vmem>>
        %dma_wait3A_271 = arith.constant 0 : i32
        %dma_wait3A_272 = arith.constant 0 : i32
        %dma_wait3A_273 = tpu.memref_slice %arg10[%dma_wait3A_271, %dma_wait3A_272] : memref<10240x64xf32, #tpu.memory_space<vmem_shared>> -> memref<10240x64xf32, #tpu.memory_space<vmem_shared>>
        tpu.wait_indirect_dma semaphore(%run_scoped3A_253 : memref<!tpu.dma_semaphore, #tpu.memory_space<semaphore_mem>>) src(%dma_wait3A_267 : memref<128x64xf32, #tpu.memory_space<vmem>>) dst(%dma_wait3A_273 : memref<10240x64xf32, #tpu.memory_space<vmem_shared>>)
        tpu.yield
      }) : () -> ()
      %add3A_157 = arith.constant 2 : i32
      %add3A_158 = arith.addi %mul3A_23, %add3A_157 : i32
      %dma_wait3A_159 = arith.constant 2 : i32
      %dma_wait3A_160 = arith.constant 0 : i32
      %dma_wait3A_161 = arith.constant 0 : i32
      %dma_wait3A_162 = tpu.memref_slice %arg9[%dma_wait3A_159, %dma_wait3A_160, %dma_wait3A_161] : memref<8x128x64xf32, #tpu.memory_space<vmem>> -> memref<1x128x64xf32, #tpu.memory_space<vmem>>
      %dma_wait3A_163 = tpu.memref_squeeze %dma_wait3A_162 : memref<1x128x64xf32, #tpu.memory_space<vmem>> -> memref<128x64xf32, #tpu.memory_space<vmem>>
      %dma_wait3A_164 = arith.constant 0 : i32
      %dma_wait3A_165 = tpu.memref_slice %arg7[%add3A_158, %dma_wait3A_164] : memref<80x128xi32, #tpu.memory_space<vmem>> -> memref<1x128xi32, #tpu.memory_space<vmem>>
      %dma_wait3A_166 = tpu.memref_squeeze %dma_wait3A_165 : memref<1x128xi32, #tpu.memory_space<vmem>> -> memref<128xi32, #tpu.memory_space<vmem>>
      %dma_wait3A_167 = arith.constant 0 : i32
      %dma_wait3A_168 = arith.constant 0 : i32
      %dma_wait3A_169 = tpu.memref_slice %arg2[%dma_wait3A_167, %dma_wait3A_168] : memref<10240x64xf32, #tpu.memory_space<hbm>> -> memref<10240x64xf32, #tpu.memory_space<hbm>>
      tpu.wait_indirect_dma semaphore(%arg13 : memref<!tpu.dma_semaphore, #tpu.memory_space<semaphore_mem>>) src(%dma_wait3A_169 : memref<10240x64xf32, #tpu.memory_space<hbm>>) dst(%dma_wait3A_163 : memref<128x64xf32, #tpu.memory_space<vmem>>)
      %add3A_170 = arith.constant 2 : i32
      %add3A_171 = arith.addi %mul3A_23, %add3A_170 : i32
      %run_scoped3A_172 = arith.constant 2 : i32
      "tpu.region"() ({
        %run_scoped3A_253 = tpu.sem_alloc : memref<!tpu.dma_semaphore, #tpu.memory_space<semaphore_mem>>
        %dma_start3A_254 = arith.constant 0 : i32
        %dma_start3A_255 = arith.constant 0 : i32
        %dma_start3A_256 = tpu.memref_slice %arg9[%run_scoped3A_172, %dma_start3A_254, %dma_start3A_255] : memref<8x128x64xf32, #tpu.memory_space<vmem>> -> memref<1x128x64xf32, #tpu.memory_space<vmem>>
        %dma_start3A_257 = tpu.memref_squeeze %dma_start3A_256 : memref<1x128x64xf32, #tpu.memory_space<vmem>> -> memref<128x64xf32, #tpu.memory_space<vmem>>
        %dma_start3A_258 = arith.constant 0 : i32
        %dma_start3A_259 = tpu.memref_slice %arg8[%add3A_171, %dma_start3A_258] : memref<80x128xi32, #tpu.memory_space<vmem>> -> memref<1x128xi32, #tpu.memory_space<vmem>>
        %dma_start3A_260 = tpu.memref_squeeze %dma_start3A_259 : memref<1x128xi32, #tpu.memory_space<vmem>> -> memref<128xi32, #tpu.memory_space<vmem>>
        %dma_start3A_261 = arith.constant 0 : i32
        %dma_start3A_262 = arith.constant 0 : i32
        %dma_start3A_263 = tpu.memref_slice %arg10[%dma_start3A_261, %dma_start3A_262] : memref<10240x64xf32, #tpu.memory_space<vmem_shared>> -> memref<10240x64xf32, #tpu.memory_space<vmem_shared>>
        tpu.enqueue_indirect_dma source(%dma_start3A_257 : memref<128x64xf32, #tpu.memory_space<vmem>>) target(%dma_start3A_263 : memref<10240x64xf32, #tpu.memory_space<vmem_shared>>) offsets(%dma_start3A_260 : memref<128xi32, #tpu.memory_space<vmem>>) semaphore(%run_scoped3A_253 : memref<!tpu.dma_semaphore, #tpu.memory_space<semaphore_mem>>) {add = true}
        %dma_wait3A_264 = arith.constant 0 : i32
        %dma_wait3A_265 = arith.constant 0 : i32
        %dma_wait3A_266 = tpu.memref_slice %arg9[%run_scoped3A_172, %dma_wait3A_264, %dma_wait3A_265] : memref<8x128x64xf32, #tpu.memory_space<vmem>> -> memref<1x128x64xf32, #tpu.memory_space<vmem>>
        %dma_wait3A_267 = tpu.memref_squeeze %dma_wait3A_266 : memref<1x128x64xf32, #tpu.memory_space<vmem>> -> memref<128x64xf32, #tpu.memory_space<vmem>>
        %dma_wait3A_268 = arith.constant 0 : i32
        %dma_wait3A_269 = tpu.memref_slice %arg8[%add3A_171, %dma_wait3A_268] : memref<80x128xi32, #tpu.memory_space<vmem>> -> memref<1x128xi32, #tpu.memory_space<vmem>>
        %dma_wait3A_270 = tpu.memref_squeeze %dma_wait3A_269 : memref<1x128xi32, #tpu.memory_space<vmem>> -> memref<128xi32, #tpu.memory_space<vmem>>
        %dma_wait3A_271 = arith.constant 0 : i32
        %dma_wait3A_272 = arith.constant 0 : i32
        %dma_wait3A_273 = tpu.memref_slice %arg10[%dma_wait3A_271, %dma_wait3A_272] : memref<10240x64xf32, #tpu.memory_space<vmem_shared>> -> memref<10240x64xf32, #tpu.memory_space<vmem_shared>>
        tpu.wait_indirect_dma semaphore(%run_scoped3A_253 : memref<!tpu.dma_semaphore, #tpu.memory_space<semaphore_mem>>) src(%dma_wait3A_267 : memref<128x64xf32, #tpu.memory_space<vmem>>) dst(%dma_wait3A_273 : memref<10240x64xf32, #tpu.memory_space<vmem_shared>>)
        tpu.yield
      }) : () -> ()
      %add3A_173 = arith.constant 3 : i32
      %add3A_174 = arith.addi %mul3A_23, %add3A_173 : i32
      %dma_wait3A_175 = arith.constant 3 : i32
      %dma_wait3A_176 = arith.constant 0 : i32
      %dma_wait3A_177 = arith.constant 0 : i32
      %dma_wait3A_178 = tpu.memref_slice %arg9[%dma_wait3A_175, %dma_wait3A_176, %dma_wait3A_177] : memref<8x128x64xf32, #tpu.memory_space<vmem>> -> memref<1x128x64xf32, #tpu.memory_space<vmem>>
      %dma_wait3A_179 = tpu.memref_squeeze %dma_wait3A_178 : memref<1x128x64xf32, #tpu.memory_space<vmem>> -> memref<128x64xf32, #tpu.memory_space<vmem>>
      %dma_wait3A_180 = arith.constant 0 : i32
      %dma_wait3A_181 = tpu.memref_slice %arg7[%add3A_174, %dma_wait3A_180] : memref<80x128xi32, #tpu.memory_space<vmem>> -> memref<1x128xi32, #tpu.memory_space<vmem>>
      %dma_wait3A_182 = tpu.memref_squeeze %dma_wait3A_181 : memref<1x128xi32, #tpu.memory_space<vmem>> -> memref<128xi32, #tpu.memory_space<vmem>>
      %dma_wait3A_183 = arith.constant 0 : i32
      %dma_wait3A_184 = arith.constant 0 : i32
      %dma_wait3A_185 = tpu.memref_slice %arg2[%dma_wait3A_183, %dma_wait3A_184] : memref<10240x64xf32, #tpu.memory_space<hbm>> -> memref<10240x64xf32, #tpu.memory_space<hbm>>
      tpu.wait_indirect_dma semaphore(%arg14 : memref<!tpu.dma_semaphore, #tpu.memory_space<semaphore_mem>>) src(%dma_wait3A_185 : memref<10240x64xf32, #tpu.memory_space<hbm>>) dst(%dma_wait3A_179 : memref<128x64xf32, #tpu.memory_space<vmem>>)
      %add3A_186 = arith.constant 3 : i32
      %add3A_187 = arith.addi %mul3A_23, %add3A_186 : i32
      %run_scoped3A_188 = arith.constant 3 : i32
      "tpu.region"() ({
        %run_scoped3A_253 = tpu.sem_alloc : memref<!tpu.dma_semaphore, #tpu.memory_space<semaphore_mem>>
        %dma_start3A_254 = arith.constant 0 : i32
        %dma_start3A_255 = arith.constant 0 : i32
        %dma_start3A_256 = tpu.memref_slice %arg9[%run_scoped3A_188, %dma_start3A_254, %dma_start3A_255] : memref<8x128x64xf32, #tpu.memory_space<vmem>> -> memref<1x128x64xf32, #tpu.memory_space<vmem>>
        %dma_start3A_257 = tpu.memref_squeeze %dma_start3A_256 : memref<1x128x64xf32, #tpu.memory_space<vmem>> -> memref<128x64xf32, #tpu.memory_space<vmem>>
        %dma_start3A_258 = arith.constant 0 : i32
        %dma_start3A_259 = tpu.memref_slice %arg8[%add3A_187, %dma_start3A_258] : memref<80x128xi32, #tpu.memory_space<vmem>> -> memref<1x128xi32, #tpu.memory_space<vmem>>
        %dma_start3A_260 = tpu.memref_squeeze %dma_start3A_259 : memref<1x128xi32, #tpu.memory_space<vmem>> -> memref<128xi32, #tpu.memory_space<vmem>>
        %dma_start3A_261 = arith.constant 0 : i32
        %dma_start3A_262 = arith.constant 0 : i32
        %dma_start3A_263 = tpu.memref_slice %arg10[%dma_start3A_261, %dma_start3A_262] : memref<10240x64xf32, #tpu.memory_space<vmem_shared>> -> memref<10240x64xf32, #tpu.memory_space<vmem_shared>>
        tpu.enqueue_indirect_dma source(%dma_start3A_257 : memref<128x64xf32, #tpu.memory_space<vmem>>) target(%dma_start3A_263 : memref<10240x64xf32, #tpu.memory_space<vmem_shared>>) offsets(%dma_start3A_260 : memref<128xi32, #tpu.memory_space<vmem>>) semaphore(%run_scoped3A_253 : memref<!tpu.dma_semaphore, #tpu.memory_space<semaphore_mem>>) {add = true}
        %dma_wait3A_264 = arith.constant 0 : i32
        %dma_wait3A_265 = arith.constant 0 : i32
        %dma_wait3A_266 = tpu.memref_slice %arg9[%run_scoped3A_188, %dma_wait3A_264, %dma_wait3A_265] : memref<8x128x64xf32, #tpu.memory_space<vmem>> -> memref<1x128x64xf32, #tpu.memory_space<vmem>>
        %dma_wait3A_267 = tpu.memref_squeeze %dma_wait3A_266 : memref<1x128x64xf32, #tpu.memory_space<vmem>> -> memref<128x64xf32, #tpu.memory_space<vmem>>
        %dma_wait3A_268 = arith.constant 0 : i32
        %dma_wait3A_269 = tpu.memref_slice %arg8[%add3A_187, %dma_wait3A_268] : memref<80x128xi32, #tpu.memory_space<vmem>> -> memref<1x128xi32, #tpu.memory_space<vmem>>
        %dma_wait3A_270 = tpu.memref_squeeze %dma_wait3A_269 : memref<1x128xi32, #tpu.memory_space<vmem>> -> memref<128xi32, #tpu.memory_space<vmem>>
        %dma_wait3A_271 = arith.constant 0 : i32
        %dma_wait3A_272 = arith.constant 0 : i32
        %dma_wait3A_273 = tpu.memref_slice %arg10[%dma_wait3A_271, %dma_wait3A_272] : memref<10240x64xf32, #tpu.memory_space<vmem_shared>> -> memref<10240x64xf32, #tpu.memory_space<vmem_shared>>
        tpu.wait_indirect_dma semaphore(%run_scoped3A_253 : memref<!tpu.dma_semaphore, #tpu.memory_space<semaphore_mem>>) src(%dma_wait3A_267 : memref<128x64xf32, #tpu.memory_space<vmem>>) dst(%dma_wait3A_273 : memref<10240x64xf32, #tpu.memory_space<vmem_shared>>)
        tpu.yield
      }) : () -> ()
      %add3A_189 = arith.constant 4 : i32
      %add3A_190 = arith.addi %mul3A_23, %add3A_189 : i32
      %dma_wait3A_191 = arith.constant 4 : i32
      %dma_wait3A_192 = arith.constant 0 : i32
      %dma_wait3A_193 = arith.constant 0 : i32
      %dma_wait3A_194 = tpu.memref_slice %arg9[%dma_wait3A_191, %dma_wait3A_192, %dma_wait3A_193] : memref<8x128x64xf32, #tpu.memory_space<vmem>> -> memref<1x128x64xf32, #tpu.memory_space<vmem>>
      %dma_wait3A_195 = tpu.memref_squeeze %dma_wait3A_194 : memref<1x128x64xf32, #tpu.memory_space<vmem>> -> memref<128x64xf32, #tpu.memory_space<vmem>>
      %dma_wait3A_196 = arith.constant 0 : i32
      %dma_wait3A_197 = tpu.memref_slice %arg7[%add3A_190, %dma_wait3A_196] : memref<80x128xi32, #tpu.memory_space<vmem>> -> memref<1x128xi32, #tpu.memory_space<vmem>>
      %dma_wait3A_198 = tpu.memref_squeeze %dma_wait3A_197 : memref<1x128xi32, #tpu.memory_space<vmem>> -> memref<128xi32, #tpu.memory_space<vmem>>
      %dma_wait3A_199 = arith.constant 0 : i32
      %dma_wait3A_200 = arith.constant 0 : i32
      %dma_wait3A_201 = tpu.memref_slice %arg2[%dma_wait3A_199, %dma_wait3A_200] : memref<10240x64xf32, #tpu.memory_space<hbm>> -> memref<10240x64xf32, #tpu.memory_space<hbm>>
      tpu.wait_indirect_dma semaphore(%arg15 : memref<!tpu.dma_semaphore, #tpu.memory_space<semaphore_mem>>) src(%dma_wait3A_201 : memref<10240x64xf32, #tpu.memory_space<hbm>>) dst(%dma_wait3A_195 : memref<128x64xf32, #tpu.memory_space<vmem>>)
      %add3A_202 = arith.constant 4 : i32
      %add3A_203 = arith.addi %mul3A_23, %add3A_202 : i32
      %run_scoped3A_204 = arith.constant 4 : i32
      "tpu.region"() ({
        %run_scoped3A_253 = tpu.sem_alloc : memref<!tpu.dma_semaphore, #tpu.memory_space<semaphore_mem>>
        %dma_start3A_254 = arith.constant 0 : i32
        %dma_start3A_255 = arith.constant 0 : i32
        %dma_start3A_256 = tpu.memref_slice %arg9[%run_scoped3A_204, %dma_start3A_254, %dma_start3A_255] : memref<8x128x64xf32, #tpu.memory_space<vmem>> -> memref<1x128x64xf32, #tpu.memory_space<vmem>>
        %dma_start3A_257 = tpu.memref_squeeze %dma_start3A_256 : memref<1x128x64xf32, #tpu.memory_space<vmem>> -> memref<128x64xf32, #tpu.memory_space<vmem>>
        %dma_start3A_258 = arith.constant 0 : i32
        %dma_start3A_259 = tpu.memref_slice %arg8[%add3A_203, %dma_start3A_258] : memref<80x128xi32, #tpu.memory_space<vmem>> -> memref<1x128xi32, #tpu.memory_space<vmem>>
        %dma_start3A_260 = tpu.memref_squeeze %dma_start3A_259 : memref<1x128xi32, #tpu.memory_space<vmem>> -> memref<128xi32, #tpu.memory_space<vmem>>
        %dma_start3A_261 = arith.constant 0 : i32
        %dma_start3A_262 = arith.constant 0 : i32
        %dma_start3A_263 = tpu.memref_slice %arg10[%dma_start3A_261, %dma_start3A_262] : memref<10240x64xf32, #tpu.memory_space<vmem_shared>> -> memref<10240x64xf32, #tpu.memory_space<vmem_shared>>
        tpu.enqueue_indirect_dma source(%dma_start3A_257 : memref<128x64xf32, #tpu.memory_space<vmem>>) target(%dma_start3A_263 : memref<10240x64xf32, #tpu.memory_space<vmem_shared>>) offsets(%dma_start3A_260 : memref<128xi32, #tpu.memory_space<vmem>>) semaphore(%run_scoped3A_253 : memref<!tpu.dma_semaphore, #tpu.memory_space<semaphore_mem>>) {add = true}
        %dma_wait3A_264 = arith.constant 0 : i32
        %dma_wait3A_265 = arith.constant 0 : i32
        %dma_wait3A_266 = tpu.memref_slice %arg9[%run_scoped3A_204, %dma_wait3A_264, %dma_wait3A_265] : memref<8x128x64xf32, #tpu.memory_space<vmem>> -> memref<1x128x64xf32, #tpu.memory_space<vmem>>
        %dma_wait3A_267 = tpu.memref_squeeze %dma_wait3A_266 : memref<1x128x64xf32, #tpu.memory_space<vmem>> -> memref<128x64xf32, #tpu.memory_space<vmem>>
        %dma_wait3A_268 = arith.constant 0 : i32
        %dma_wait3A_269 = tpu.memref_slice %arg8[%add3A_203, %dma_wait3A_268] : memref<80x128xi32, #tpu.memory_space<vmem>> -> memref<1x128xi32, #tpu.memory_space<vmem>>
        %dma_wait3A_270 = tpu.memref_squeeze %dma_wait3A_269 : memref<1x128xi32, #tpu.memory_space<vmem>> -> memref<128xi32, #tpu.memory_space<vmem>>
        %dma_wait3A_271 = arith.constant 0 : i32
        %dma_wait3A_272 = arith.constant 0 : i32
        %dma_wait3A_273 = tpu.memref_slice %arg10[%dma_wait3A_271, %dma_wait3A_272] : memref<10240x64xf32, #tpu.memory_space<vmem_shared>> -> memref<10240x64xf32, #tpu.memory_space<vmem_shared>>
        tpu.wait_indirect_dma semaphore(%run_scoped3A_253 : memref<!tpu.dma_semaphore, #tpu.memory_space<semaphore_mem>>) src(%dma_wait3A_267 : memref<128x64xf32, #tpu.memory_space<vmem>>) dst(%dma_wait3A_273 : memref<10240x64xf32, #tpu.memory_space<vmem_shared>>)
        tpu.yield
      }) : () -> ()
      %add3A_205 = arith.constant 5 : i32
      %add3A_206 = arith.addi %mul3A_23, %add3A_205 : i32
      %dma_wait3A_207 = arith.constant 5 : i32
      %dma_wait3A_208 = arith.constant 0 : i32
      %dma_wait3A_209 = arith.constant 0 : i32
      %dma_wait3A_210 = tpu.memref_slice %arg9[%dma_wait3A_207, %dma_wait3A_208, %dma_wait3A_209] : memref<8x128x64xf32, #tpu.memory_space<vmem>> -> memref<1x128x64xf32, #tpu.memory_space<vmem>>
      %dma_wait3A_211 = tpu.memref_squeeze %dma_wait3A_210 : memref<1x128x64xf32, #tpu.memory_space<vmem>> -> memref<128x64xf32, #tpu.memory_space<vmem>>
      %dma_wait3A_212 = arith.constant 0 : i32
      %dma_wait3A_213 = tpu.memref_slice %arg7[%add3A_206, %dma_wait3A_212] : memref<80x128xi32, #tpu.memory_space<vmem>> -> memref<1x128xi32, #tpu.memory_space<vmem>>
      %dma_wait3A_214 = tpu.memref_squeeze %dma_wait3A_213 : memref<1x128xi32, #tpu.memory_space<vmem>> -> memref<128xi32, #tpu.memory_space<vmem>>
      %dma_wait3A_215 = arith.constant 0 : i32
      %dma_wait3A_216 = arith.constant 0 : i32
      %dma_wait3A_217 = tpu.memref_slice %arg2[%dma_wait3A_215, %dma_wait3A_216] : memref<10240x64xf32, #tpu.memory_space<hbm>> -> memref<10240x64xf32, #tpu.memory_space<hbm>>
      tpu.wait_indirect_dma semaphore(%arg16 : memref<!tpu.dma_semaphore, #tpu.memory_space<semaphore_mem>>) src(%dma_wait3A_217 : memref<10240x64xf32, #tpu.memory_space<hbm>>) dst(%dma_wait3A_211 : memref<128x64xf32, #tpu.memory_space<vmem>>)
      %add3A_218 = arith.constant 5 : i32
      %add3A_219 = arith.addi %mul3A_23, %add3A_218 : i32
      %run_scoped3A_220 = arith.constant 5 : i32
      "tpu.region"() ({
        %run_scoped3A_253 = tpu.sem_alloc : memref<!tpu.dma_semaphore, #tpu.memory_space<semaphore_mem>>
        %dma_start3A_254 = arith.constant 0 : i32
        %dma_start3A_255 = arith.constant 0 : i32
        %dma_start3A_256 = tpu.memref_slice %arg9[%run_scoped3A_220, %dma_start3A_254, %dma_start3A_255] : memref<8x128x64xf32, #tpu.memory_space<vmem>> -> memref<1x128x64xf32, #tpu.memory_space<vmem>>
        %dma_start3A_257 = tpu.memref_squeeze %dma_start3A_256 : memref<1x128x64xf32, #tpu.memory_space<vmem>> -> memref<128x64xf32, #tpu.memory_space<vmem>>
        %dma_start3A_258 = arith.constant 0 : i32
        %dma_start3A_259 = tpu.memref_slice %arg8[%add3A_219, %dma_start3A_258] : memref<80x128xi32, #tpu.memory_space<vmem>> -> memref<1x128xi32, #tpu.memory_space<vmem>>
        %dma_start3A_260 = tpu.memref_squeeze %dma_start3A_259 : memref<1x128xi32, #tpu.memory_space<vmem>> -> memref<128xi32, #tpu.memory_space<vmem>>
        %dma_start3A_261 = arith.constant 0 : i32
        %dma_start3A_262 = arith.constant 0 : i32
        %dma_start3A_263 = tpu.memref_slice %arg10[%dma_start3A_261, %dma_start3A_262] : memref<10240x64xf32, #tpu.memory_space<vmem_shared>> -> memref<10240x64xf32, #tpu.memory_space<vmem_shared>>
        tpu.enqueue_indirect_dma source(%dma_start3A_257 : memref<128x64xf32, #tpu.memory_space<vmem>>) target(%dma_start3A_263 : memref<10240x64xf32, #tpu.memory_space<vmem_shared>>) offsets(%dma_start3A_260 : memref<128xi32, #tpu.memory_space<vmem>>) semaphore(%run_scoped3A_253 : memref<!tpu.dma_semaphore, #tpu.memory_space<semaphore_mem>>) {add = true}
        %dma_wait3A_264 = arith.constant 0 : i32
        %dma_wait3A_265 = arith.constant 0 : i32
        %dma_wait3A_266 = tpu.memref_slice %arg9[%run_scoped3A_220, %dma_wait3A_264, %dma_wait3A_265] : memref<8x128x64xf32, #tpu.memory_space<vmem>> -> memref<1x128x64xf32, #tpu.memory_space<vmem>>
        %dma_wait3A_267 = tpu.memref_squeeze %dma_wait3A_266 : memref<1x128x64xf32, #tpu.memory_space<vmem>> -> memref<128x64xf32, #tpu.memory_space<vmem>>
        %dma_wait3A_268 = arith.constant 0 : i32
        %dma_wait3A_269 = tpu.memref_slice %arg8[%add3A_219, %dma_wait3A_268] : memref<80x128xi32, #tpu.memory_space<vmem>> -> memref<1x128xi32, #tpu.memory_space<vmem>>
        %dma_wait3A_270 = tpu.memref_squeeze %dma_wait3A_269 : memref<1x128xi32, #tpu.memory_space<vmem>> -> memref<128xi32, #tpu.memory_space<vmem>>
        %dma_wait3A_271 = arith.constant 0 : i32
        %dma_wait3A_272 = arith.constant 0 : i32
        %dma_wait3A_273 = tpu.memref_slice %arg10[%dma_wait3A_271, %dma_wait3A_272] : memref<10240x64xf32, #tpu.memory_space<vmem_shared>> -> memref<10240x64xf32, #tpu.memory_space<vmem_shared>>
        tpu.wait_indirect_dma semaphore(%run_scoped3A_253 : memref<!tpu.dma_semaphore, #tpu.memory_space<semaphore_mem>>) src(%dma_wait3A_267 : memref<128x64xf32, #tpu.memory_space<vmem>>) dst(%dma_wait3A_273 : memref<10240x64xf32, #tpu.memory_space<vmem_shared>>)
        tpu.yield
      }) : () -> ()
      %add3A_221 = arith.constant 6 : i32
      %add3A_222 = arith.addi %mul3A_23, %add3A_221 : i32
      %dma_wait3A_223 = arith.constant 6 : i32
      %dma_wait3A_224 = arith.constant 0 : i32
      %dma_wait3A_225 = arith.constant 0 : i32
      %dma_wait3A_226 = tpu.memref_slice %arg9[%dma_wait3A_223, %dma_wait3A_224, %dma_wait3A_225] : memref<8x128x64xf32, #tpu.memory_space<vmem>> -> memref<1x128x64xf32, #tpu.memory_space<vmem>>
      %dma_wait3A_227 = tpu.memref_squeeze %dma_wait3A_226 : memref<1x128x64xf32, #tpu.memory_space<vmem>> -> memref<128x64xf32, #tpu.memory_space<vmem>>
      %dma_wait3A_228 = arith.constant 0 : i32
      %dma_wait3A_229 = tpu.memref_slice %arg7[%add3A_222, %dma_wait3A_228] : memref<80x128xi32, #tpu.memory_space<vmem>> -> memref<1x128xi32, #tpu.memory_space<vmem>>
      %dma_wait3A_230 = tpu.memref_squeeze %dma_wait3A_229 : memref<1x128xi32, #tpu.memory_space<vmem>> -> memref<128xi32, #tpu.memory_space<vmem>>
      %dma_wait3A_231 = arith.constant 0 : i32
      %dma_wait3A_232 = arith.constant 0 : i32
      %dma_wait3A_233 = tpu.memref_slice %arg2[%dma_wait3A_231, %dma_wait3A_232] : memref<10240x64xf32, #tpu.memory_space<hbm>> -> memref<10240x64xf32, #tpu.memory_space<hbm>>
      tpu.wait_indirect_dma semaphore(%arg17 : memref<!tpu.dma_semaphore, #tpu.memory_space<semaphore_mem>>) src(%dma_wait3A_233 : memref<10240x64xf32, #tpu.memory_space<hbm>>) dst(%dma_wait3A_227 : memref<128x64xf32, #tpu.memory_space<vmem>>)
      %add3A_234 = arith.constant 6 : i32
      %add3A_235 = arith.addi %mul3A_23, %add3A_234 : i32
      %run_scoped3A_236 = arith.constant 6 : i32
      "tpu.region"() ({
        %run_scoped3A_253 = tpu.sem_alloc : memref<!tpu.dma_semaphore, #tpu.memory_space<semaphore_mem>>
        %dma_start3A_254 = arith.constant 0 : i32
        %dma_start3A_255 = arith.constant 0 : i32
        %dma_start3A_256 = tpu.memref_slice %arg9[%run_scoped3A_236, %dma_start3A_254, %dma_start3A_255] : memref<8x128x64xf32, #tpu.memory_space<vmem>> -> memref<1x128x64xf32, #tpu.memory_space<vmem>>
        %dma_start3A_257 = tpu.memref_squeeze %dma_start3A_256 : memref<1x128x64xf32, #tpu.memory_space<vmem>> -> memref<128x64xf32, #tpu.memory_space<vmem>>
        %dma_start3A_258 = arith.constant 0 : i32
        %dma_start3A_259 = tpu.memref_slice %arg8[%add3A_235, %dma_start3A_258] : memref<80x128xi32, #tpu.memory_space<vmem>> -> memref<1x128xi32, #tpu.memory_space<vmem>>
        %dma_start3A_260 = tpu.memref_squeeze %dma_start3A_259 : memref<1x128xi32, #tpu.memory_space<vmem>> -> memref<128xi32, #tpu.memory_space<vmem>>
        %dma_start3A_261 = arith.constant 0 : i32
        %dma_start3A_262 = arith.constant 0 : i32
        %dma_start3A_263 = tpu.memref_slice %arg10[%dma_start3A_261, %dma_start3A_262] : memref<10240x64xf32, #tpu.memory_space<vmem_shared>> -> memref<10240x64xf32, #tpu.memory_space<vmem_shared>>
        tpu.enqueue_indirect_dma source(%dma_start3A_257 : memref<128x64xf32, #tpu.memory_space<vmem>>) target(%dma_start3A_263 : memref<10240x64xf32, #tpu.memory_space<vmem_shared>>) offsets(%dma_start3A_260 : memref<128xi32, #tpu.memory_space<vmem>>) semaphore(%run_scoped3A_253 : memref<!tpu.dma_semaphore, #tpu.memory_space<semaphore_mem>>) {add = true}
        %dma_wait3A_264 = arith.constant 0 : i32
        %dma_wait3A_265 = arith.constant 0 : i32
        %dma_wait3A_266 = tpu.memref_slice %arg9[%run_scoped3A_236, %dma_wait3A_264, %dma_wait3A_265] : memref<8x128x64xf32, #tpu.memory_space<vmem>> -> memref<1x128x64xf32, #tpu.memory_space<vmem>>
        %dma_wait3A_267 = tpu.memref_squeeze %dma_wait3A_266 : memref<1x128x64xf32, #tpu.memory_space<vmem>> -> memref<128x64xf32, #tpu.memory_space<vmem>>
        %dma_wait3A_268 = arith.constant 0 : i32
        %dma_wait3A_269 = tpu.memref_slice %arg8[%add3A_235, %dma_wait3A_268] : memref<80x128xi32, #tpu.memory_space<vmem>> -> memref<1x128xi32, #tpu.memory_space<vmem>>
        %dma_wait3A_270 = tpu.memref_squeeze %dma_wait3A_269 : memref<1x128xi32, #tpu.memory_space<vmem>> -> memref<128xi32, #tpu.memory_space<vmem>>
        %dma_wait3A_271 = arith.constant 0 : i32
        %dma_wait3A_272 = arith.constant 0 : i32
        %dma_wait3A_273 = tpu.memref_slice %arg10[%dma_wait3A_271, %dma_wait3A_272] : memref<10240x64xf32, #tpu.memory_space<vmem_shared>> -> memref<10240x64xf32, #tpu.memory_space<vmem_shared>>
        tpu.wait_indirect_dma semaphore(%run_scoped3A_253 : memref<!tpu.dma_semaphore, #tpu.memory_space<semaphore_mem>>) src(%dma_wait3A_267 : memref<128x64xf32, #tpu.memory_space<vmem>>) dst(%dma_wait3A_273 : memref<10240x64xf32, #tpu.memory_space<vmem_shared>>)
        tpu.yield
      }) : () -> ()
      %add3A_237 = arith.constant 7 : i32
      %add3A_238 = arith.addi %mul3A_23, %add3A_237 : i32
      %dma_wait3A_239 = arith.constant 7 : i32
      %dma_wait3A_240 = arith.constant 0 : i32
      %dma_wait3A_241 = arith.constant 0 : i32
      %dma_wait3A_242 = tpu.memref_slice %arg9[%dma_wait3A_239, %dma_wait3A_240, %dma_wait3A_241] : memref<8x128x64xf32, #tpu.memory_space<vmem>> -> memref<1x128x64xf32, #tpu.memory_space<vmem>>
      %dma_wait3A_243 = tpu.memref_squeeze %dma_wait3A_242 : memref<1x128x64xf32, #tpu.memory_space<vmem>> -> memref<128x64xf32, #tpu.memory_space<vmem>>
      %dma_wait3A_244 = arith.constant 0 : i32
      %dma_wait3A_245 = tpu.memref_slice %arg7[%add3A_238, %dma_wait3A_244] : memref<80x128xi32, #tpu.memory_space<vmem>> -> memref<1x128xi32, #tpu.memory_space<vmem>>
      %dma_wait3A_246 = tpu.memref_squeeze %dma_wait3A_245 : memref<1x128xi32, #tpu.memory_space<vmem>> -> memref<128xi32, #tpu.memory_space<vmem>>
      %dma_wait3A_247 = arith.constant 0 : i32
      %dma_wait3A_248 = arith.constant 0 : i32
      %dma_wait3A_249 = tpu.memref_slice %arg2[%dma_wait3A_247, %dma_wait3A_248] : memref<10240x64xf32, #tpu.memory_space<hbm>> -> memref<10240x64xf32, #tpu.memory_space<hbm>>
      tpu.wait_indirect_dma semaphore(%arg18 : memref<!tpu.dma_semaphore, #tpu.memory_space<semaphore_mem>>) src(%dma_wait3A_249 : memref<10240x64xf32, #tpu.memory_space<hbm>>) dst(%dma_wait3A_243 : memref<128x64xf32, #tpu.memory_space<vmem>>)
      %add3A_250 = arith.constant 7 : i32
      %add3A_251 = arith.addi %mul3A_23, %add3A_250 : i32
      %run_scoped3A_252 = arith.constant 7 : i32
      "tpu.region"() ({
        %run_scoped3A_253 = tpu.sem_alloc : memref<!tpu.dma_semaphore, #tpu.memory_space<semaphore_mem>>
        %dma_start3A_254 = arith.constant 0 : i32
        %dma_start3A_255 = arith.constant 0 : i32
        %dma_start3A_256 = tpu.memref_slice %arg9[%run_scoped3A_252, %dma_start3A_254, %dma_start3A_255] : memref<8x128x64xf32, #tpu.memory_space<vmem>> -> memref<1x128x64xf32, #tpu.memory_space<vmem>>
        %dma_start3A_257 = tpu.memref_squeeze %dma_start3A_256 : memref<1x128x64xf32, #tpu.memory_space<vmem>> -> memref<128x64xf32, #tpu.memory_space<vmem>>
        %dma_start3A_258 = arith.constant 0 : i32
        %dma_start3A_259 = tpu.memref_slice %arg8[%add3A_251, %dma_start3A_258] : memref<80x128xi32, #tpu.memory_space<vmem>> -> memref<1x128xi32, #tpu.memory_space<vmem>>
        %dma_start3A_260 = tpu.memref_squeeze %dma_start3A_259 : memref<1x128xi32, #tpu.memory_space<vmem>> -> memref<128xi32, #tpu.memory_space<vmem>>
        %dma_start3A_261 = arith.constant 0 : i32
        %dma_start3A_262 = arith.constant 0 : i32
        %dma_start3A_263 = tpu.memref_slice %arg10[%dma_start3A_261, %dma_start3A_262] : memref<10240x64xf32, #tpu.memory_space<vmem_shared>> -> memref<10240x64xf32, #tpu.memory_space<vmem_shared>>
        tpu.enqueue_indirect_dma source(%dma_start3A_257 : memref<128x64xf32, #tpu.memory_space<vmem>>) target(%dma_start3A_263 : memref<10240x64xf32, #tpu.memory_space<vmem_shared>>) offsets(%dma_start3A_260 : memref<128xi32, #tpu.memory_space<vmem>>) semaphore(%run_scoped3A_253 : memref<!tpu.dma_semaphore, #tpu.memory_space<semaphore_mem>>) {add = true}
        %dma_wait3A_264 = arith.constant 0 : i32
        %dma_wait3A_265 = arith.constant 0 : i32
        %dma_wait3A_266 = tpu.memref_slice %arg9[%run_scoped3A_252, %dma_wait3A_264, %dma_wait3A_265] : memref<8x128x64xf32, #tpu.memory_space<vmem>> -> memref<1x128x64xf32, #tpu.memory_space<vmem>>
        %dma_wait3A_267 = tpu.memref_squeeze %dma_wait3A_266 : memref<1x128x64xf32, #tpu.memory_space<vmem>> -> memref<128x64xf32, #tpu.memory_space<vmem>>
        %dma_wait3A_268 = arith.constant 0 : i32
        %dma_wait3A_269 = tpu.memref_slice %arg8[%add3A_251, %dma_wait3A_268] : memref<80x128xi32, #tpu.memory_space<vmem>> -> memref<1x128xi32, #tpu.memory_space<vmem>>
        %dma_wait3A_270 = tpu.memref_squeeze %dma_wait3A_269 : memref<1x128xi32, #tpu.memory_space<vmem>> -> memref<128xi32, #tpu.memory_space<vmem>>
        %dma_wait3A_271 = arith.constant 0 : i32
        %dma_wait3A_272 = arith.constant 0 : i32
        %dma_wait3A_273 = tpu.memref_slice %arg10[%dma_wait3A_271, %dma_wait3A_272] : memref<10240x64xf32, #tpu.memory_space<vmem_shared>> -> memref<10240x64xf32, #tpu.memory_space<vmem_shared>>
        tpu.wait_indirect_dma semaphore(%run_scoped3A_253 : memref<!tpu.dma_semaphore, #tpu.memory_space<semaphore_mem>>) src(%dma_wait3A_267 : memref<128x64xf32, #tpu.memory_space<vmem>>) dst(%dma_wait3A_273 : memref<10240x64xf32, #tpu.memory_space<vmem_shared>>)
        tpu.yield
      }) : () -> ()
    }
    %scan3A_12 = arith.constant 10 : i32
    %barrier3A_13 = arith.constant 0 : index
    tpu.barrier barrier_id(%barrier3A_13)
    %mul3A_14 = arith.constant 10240 : i32
    %mul3A_15 = arith.muli %arg0, %mul3A_14 : i32
    %add3A_16 = arith.addi %mul3A_15, %mul3A_2 : i32
    "tpu.region"() ({
      %run_scoped3A = tpu.sem_alloc : memref<!tpu.dma_semaphore, #tpu.memory_space<semaphore_mem>>
      %dma_start3A = arith.constant 0 : i32
      %dma_start3A_17 = tpu.memref_slice %arg6[%add3A_16, %dma_start3A] : memref<20480x64xf32, #tpu.memory_space<hbm>> -> memref<640x64xf32, #tpu.memory_space<hbm>>
      %dma_start3A_18 = arith.constant 0 : i32
      %dma_start3A_19 = tpu.memref_slice %arg10[%mul3A_2, %dma_start3A_18] : memref<10240x64xf32, #tpu.memory_space<vmem_shared>> -> memref<640x64xf32, #tpu.memory_space<vmem_shared>>
      tpu.enqueue_dma source(%dma_start3A_19 : memref<640x64xf32, #tpu.memory_space<vmem_shared>>) target(%dma_start3A_17 : memref<640x64xf32, #tpu.memory_space<hbm>>) target_semaphore(%run_scoped3A : memref<!tpu.dma_semaphore, #tpu.memory_space<semaphore_mem>>)
      %dma_wait3A = arith.constant 0 : i32
      %dma_wait3A_20 = tpu.memref_slice %arg6[%add3A_16, %dma_wait3A] : memref<20480x64xf32, #tpu.memory_space<hbm>> -> memref<640x64xf32, #tpu.memory_space<hbm>>
      %dma_wait3A_21 = arith.constant 0 : i32
      %dma_wait3A_22 = tpu.memref_slice %arg10[%mul3A_2, %dma_wait3A_21] : memref<10240x64xf32, #tpu.memory_space<vmem_shared>> -> memref<640x64xf32, #tpu.memory_space<vmem_shared>>
      tpu.wait_dma2 semaphore(%run_scoped3A : memref<!tpu.dma_semaphore, #tpu.memory_space<semaphore_mem>>) src(%dma_wait3A_22 : memref<640x64xf32, #tpu.memory_space<vmem_shared>>) dst(%dma_wait3A_20 : memref<640x64xf32, #tpu.memory_space<hbm>>)
      tpu.yield
    }) : () -> ()
    return
  }
}

#map = affine_map<(d0, d1) -> (0, 0)>
#map1 = affine_map<(d0, d1) -> (0, 0, 0)>
module attributes {stable_mosaic.version = 14 : i64} {
  func.func @edge_kernel(%arg0: i32, %arg1: i32, %arg2: memref<10240x64xf32, #tpu.memory_space<hbm>>, %arg3: memref<32x80x128xi32, #tpu.memory_space<hbm>>, %arg4: memref<32x80x128xi32, #tpu.memory_space<hbm>>, %arg5: memref<10240x64xf32, #tpu.memory_space<hbm>>, %arg6: memref<20480x64xf32, #tpu.memory_space<hbm>>, %arg7: memref<80x128xi32, #tpu.memory_space<vmem>>, %arg8: memref<80x128xi32, #tpu.memory_space<vmem>>, %arg9: memref<8x128x64xf32, #tpu.memory_space<vmem>>, %arg10: memref<10240x64xf32, #tpu.memory_space<vmem_shared>>, %arg11: memref<!tpu.dma_semaphore, #tpu.memory_space<semaphore_mem>>, %arg12: memref<!tpu.dma_semaphore, #tpu.memory_space<semaphore_mem>>, %arg13: memref<!tpu.dma_semaphore, #tpu.memory_space<semaphore_mem>>, %arg14: memref<!tpu.dma_semaphore, #tpu.memory_space<semaphore_mem>>, %arg15: memref<!tpu.dma_semaphore, #tpu.memory_space<semaphore_mem>>, %arg16: memref<!tpu.dma_semaphore, #tpu.memory_space<semaphore_mem>>, %arg17: memref<!tpu.dma_semaphore, #tpu.memory_space<semaphore_mem>>, %arg18: memref<!tpu.dma_semaphore, #tpu.memory_space<semaphore_mem>>) attributes {dimension_semantics = [#tpu.dimension_semantics<core_parallel>, #tpu.dimension_semantics<subcore_parallel>], iteration_bounds = array<i64: 2, 16>, scalar_prefetch = 0 : i64, scratch_operands = 12 : i64, tpu.core_type = #tpu.core_type<sc_vector_subcore>, window_params = [{transform_indices = #map}, {transform_indices = #map1}, {transform_indices = #map1}, {transform_indices = #map}, {transform_indices = #map}]} {
    %mul3A = arith.constant 16 : i32
    %mul3A_0 = arith.muli %arg0, %mul3A : i32
    %add3A = arith.addi %mul3A_0, %arg1 : i32
    %mul3A_1 = arith.constant 640 : i32
    %mul3A_2 = arith.muli %arg1, %mul3A_1 : i32
    %eq3A = arith.constant 0 : i32
    %eq3A_3 = arith.cmpi eq, %arg0, %eq3A : i32
    %convert_element_type3A = arith.extui %eq3A_3 : i1 to i32
    %cond3A = arith.constant 0 : i32
    %cond3A_4 = arith.cmpi ne, %convert_element_type3A, %cond3A : i32
    scf.if %cond3A_4 {
      "tpu.region"() ({
        %run_scoped3A = tpu.sem_alloc : memref<!tpu.dma_semaphore, #tpu.memory_space<semaphore_mem>>
        %dma_start3A = arith.constant 0 : i32
        %dma_start3A_17 = tpu.memref_slice %arg10[%mul3A_2, %dma_start3A] : memref<10240x64xf32, #tpu.memory_space<vmem_shared>> -> memref<640x64xf32, #tpu.memory_space<vmem_shared>>
        %dma_start3A_18 = arith.constant 0 : i32
        %dma_start3A_19 = tpu.memref_slice %arg2[%mul3A_2, %dma_start3A_18] : memref<10240x64xf32, #tpu.memory_space<hbm>> -> memref<640x64xf32, #tpu.memory_space<hbm>>
        tpu.enqueue_dma source(%dma_start3A_19 : memref<640x64xf32, #tpu.memory_space<hbm>>) target(%dma_start3A_17 : memref<640x64xf32, #tpu.memory_space<vmem_shared>>) target_semaphore(%run_scoped3A : memref<!tpu.dma_semaphore, #tpu.memory_space<semaphore_mem>>)
        %dma_wait3A = arith.constant 0 : i32
        %dma_wait3A_20 = tpu.memref_slice %arg10[%mul3A_2, %dma_wait3A] : memref<10240x64xf32, #tpu.memory_space<vmem_shared>> -> memref<640x64xf32, #tpu.memory_space<vmem_shared>>
        %dma_wait3A_21 = arith.constant 0 : i32
        %dma_wait3A_22 = tpu.memref_slice %arg2[%mul3A_2, %dma_wait3A_21] : memref<10240x64xf32, #tpu.memory_space<hbm>> -> memref<640x64xf32, #tpu.memory_space<hbm>>
        tpu.wait_dma2 semaphore(%run_scoped3A : memref<!tpu.dma_semaphore, #tpu.memory_space<semaphore_mem>>) src(%dma_wait3A_22 : memref<640x64xf32, #tpu.memory_space<hbm>>) dst(%dma_wait3A_20 : memref<640x64xf32, #tpu.memory_space<vmem_shared>>)
        tpu.yield
      }) : () -> ()
    } else {
    }
    %ne3A = arith.constant 0 : i32
    %ne3A_5 = arith.cmpi ne, %arg0, %ne3A : i32
    %convert_element_type3A_6 = arith.extui %ne3A_5 : i1 to i32
    %cond3A_7 = arith.constant 0 : i32
    %cond3A_8 = arith.cmpi ne, %convert_element_type3A_6, %cond3A_7 : i32
    scf.if %cond3A_8 {
      "tpu.region"() ({
        %run_scoped3A = tpu.sem_alloc : memref<!tpu.dma_semaphore, #tpu.memory_space<semaphore_mem>>
        %dma_start3A = arith.constant 0 : i32
        %dma_start3A_17 = tpu.memref_slice %arg10[%mul3A_2, %dma_start3A] : memref<10240x64xf32, #tpu.memory_space<vmem_shared>> -> memref<640x64xf32, #tpu.memory_space<vmem_shared>>
        %dma_start3A_18 = arith.constant 0 : i32
        %dma_start3A_19 = tpu.memref_slice %arg5[%mul3A_2, %dma_start3A_18] : memref<10240x64xf32, #tpu.memory_space<hbm>> -> memref<640x64xf32, #tpu.memory_space<hbm>>
        tpu.enqueue_dma source(%dma_start3A_19 : memref<640x64xf32, #tpu.memory_space<hbm>>) target(%dma_start3A_17 : memref<640x64xf32, #tpu.memory_space<vmem_shared>>) target_semaphore(%run_scoped3A : memref<!tpu.dma_semaphore, #tpu.memory_space<semaphore_mem>>)
        %dma_wait3A = arith.constant 0 : i32
        %dma_wait3A_20 = tpu.memref_slice %arg10[%mul3A_2, %dma_wait3A] : memref<10240x64xf32, #tpu.memory_space<vmem_shared>> -> memref<640x64xf32, #tpu.memory_space<vmem_shared>>
        %dma_wait3A_21 = arith.constant 0 : i32
        %dma_wait3A_22 = tpu.memref_slice %arg5[%mul3A_2, %dma_wait3A_21] : memref<10240x64xf32, #tpu.memory_space<hbm>> -> memref<640x64xf32, #tpu.memory_space<hbm>>
        tpu.wait_dma2 semaphore(%run_scoped3A : memref<!tpu.dma_semaphore, #tpu.memory_space<semaphore_mem>>) src(%dma_wait3A_22 : memref<640x64xf32, #tpu.memory_space<hbm>>) dst(%dma_wait3A_20 : memref<640x64xf32, #tpu.memory_space<vmem_shared>>)
        tpu.yield
      }) : () -> ()
    } else {
    }
    "tpu.region"() ({
      %run_scoped3A = tpu.sem_alloc : memref<!tpu.dma_semaphore, #tpu.memory_space<semaphore_mem>>
      %dma_start3A = arith.constant 0 : i32
      %dma_start3A_17 = arith.constant 0 : i32
      %dma_start3A_18 = tpu.memref_slice %arg3[%add3A, %dma_start3A, %dma_start3A_17] : memref<32x80x128xi32, #tpu.memory_space<hbm>> -> memref<1x80x128xi32, #tpu.memory_space<hbm>>
      %dma_start3A_19 = tpu.memref_squeeze %dma_start3A_18 : memref<1x80x128xi32, #tpu.memory_space<hbm>> -> memref<80x128xi32, #tpu.memory_space<hbm>>
      %dma_start3A_20 = arith.constant 0 : i32
      %dma_start3A_21 = arith.constant 0 : i32
      %dma_start3A_22 = tpu.memref_slice %arg3[%add3A, %dma_start3A_20, %dma_start3A_21] : memref<32x80x128xi32, #tpu.memory_space<hbm>> -> memref<1x80x128xi32, #tpu.memory_space<hbm>>
      %dma_start3A_23 = tpu.memref_squeeze %dma_start3A_22 : memref<1x80x128xi32, #tpu.memory_space<hbm>> -> memref<80x128xi32, #tpu.memory_space<hbm>>
      tpu.enqueue_dma source(%dma_start3A_23 : memref<80x128xi32, #tpu.memory_space<hbm>>) target(%arg7 : memref<80x128xi32, #tpu.memory_space<vmem>>) target_semaphore(%run_scoped3A : memref<!tpu.dma_semaphore, #tpu.memory_space<semaphore_mem>>)
      %dma_wait3A = arith.constant 0 : i32
      %dma_wait3A_24 = arith.constant 0 : i32
      %dma_wait3A_25 = tpu.memref_slice %arg3[%add3A, %dma_wait3A, %dma_wait3A_24] : memref<32x80x128xi32, #tpu.memory_space<hbm>> -> memref<1x80x128xi32, #tpu.memory_space<hbm>>
      %dma_wait3A_26 = tpu.memref_squeeze %dma_wait3A_25 : memref<1x80x128xi32, #tpu.memory_space<hbm>> -> memref<80x128xi32, #tpu.memory_space<hbm>>
      %dma_wait3A_27 = arith.constant 0 : i32
      %dma_wait3A_28 = arith.constant 0 : i32
      %dma_wait3A_29 = tpu.memref_slice %arg3[%add3A, %dma_wait3A_27, %dma_wait3A_28] : memref<32x80x128xi32, #tpu.memory_space<hbm>> -> memref<1x80x128xi32, #tpu.memory_space<hbm>>
      %dma_wait3A_30 = tpu.memref_squeeze %dma_wait3A_29 : memref<1x80x128xi32, #tpu.memory_space<hbm>> -> memref<80x128xi32, #tpu.memory_space<hbm>>
      tpu.wait_dma2 semaphore(%run_scoped3A : memref<!tpu.dma_semaphore, #tpu.memory_space<semaphore_mem>>) src(%dma_wait3A_30 : memref<80x128xi32, #tpu.memory_space<hbm>>) dst(%arg7 : memref<80x128xi32, #tpu.memory_space<vmem>>)
      tpu.yield
    }) : () -> ()
    "tpu.region"() ({
      %run_scoped3A = tpu.sem_alloc : memref<!tpu.dma_semaphore, #tpu.memory_space<semaphore_mem>>
      %dma_start3A = arith.constant 0 : i32
      %dma_start3A_17 = arith.constant 0 : i32
      %dma_start3A_18 = tpu.memref_slice %arg4[%add3A, %dma_start3A, %dma_start3A_17] : memref<32x80x128xi32, #tpu.memory_space<hbm>> -> memref<1x80x128xi32, #tpu.memory_space<hbm>>
      %dma_start3A_19 = tpu.memref_squeeze %dma_start3A_18 : memref<1x80x128xi32, #tpu.memory_space<hbm>> -> memref<80x128xi32, #tpu.memory_space<hbm>>
      %dma_start3A_20 = arith.constant 0 : i32
      %dma_start3A_21 = arith.constant 0 : i32
      %dma_start3A_22 = tpu.memref_slice %arg4[%add3A, %dma_start3A_20, %dma_start3A_21] : memref<32x80x128xi32, #tpu.memory_space<hbm>> -> memref<1x80x128xi32, #tpu.memory_space<hbm>>
      %dma_start3A_23 = tpu.memref_squeeze %dma_start3A_22 : memref<1x80x128xi32, #tpu.memory_space<hbm>> -> memref<80x128xi32, #tpu.memory_space<hbm>>
      tpu.enqueue_dma source(%dma_start3A_23 : memref<80x128xi32, #tpu.memory_space<hbm>>) target(%arg8 : memref<80x128xi32, #tpu.memory_space<vmem>>) target_semaphore(%run_scoped3A : memref<!tpu.dma_semaphore, #tpu.memory_space<semaphore_mem>>)
      %dma_wait3A = arith.constant 0 : i32
      %dma_wait3A_24 = arith.constant 0 : i32
      %dma_wait3A_25 = tpu.memref_slice %arg4[%add3A, %dma_wait3A, %dma_wait3A_24] : memref<32x80x128xi32, #tpu.memory_space<hbm>> -> memref<1x80x128xi32, #tpu.memory_space<hbm>>
      %dma_wait3A_26 = tpu.memref_squeeze %dma_wait3A_25 : memref<1x80x128xi32, #tpu.memory_space<hbm>> -> memref<80x128xi32, #tpu.memory_space<hbm>>
      %dma_wait3A_27 = arith.constant 0 : i32
      %dma_wait3A_28 = arith.constant 0 : i32
      %dma_wait3A_29 = tpu.memref_slice %arg4[%add3A, %dma_wait3A_27, %dma_wait3A_28] : memref<32x80x128xi32, #tpu.memory_space<hbm>> -> memref<1x80x128xi32, #tpu.memory_space<hbm>>
      %dma_wait3A_30 = tpu.memref_squeeze %dma_wait3A_29 : memref<1x80x128xi32, #tpu.memory_space<hbm>> -> memref<80x128xi32, #tpu.memory_space<hbm>>
      tpu.wait_dma2 semaphore(%run_scoped3A : memref<!tpu.dma_semaphore, #tpu.memory_space<semaphore_mem>>) src(%dma_wait3A_30 : memref<80x128xi32, #tpu.memory_space<hbm>>) dst(%arg8 : memref<80x128xi32, #tpu.memory_space<vmem>>)
      tpu.yield
    }) : () -> ()
    %barrier3A = arith.constant 0 : index
    tpu.barrier barrier_id(%barrier3A)
    %scan3A = arith.constant 0 : i32
    %scan3A_9 = arith.constant 10 : i32
    %scan3A_10 = arith.addi %scan3A, %scan3A_9 : i32
    %scan3A_11 = arith.constant 1 : i32
    scf.for %scan3A_17 = %scan3A to %scan3A_10 step %scan3A_11  : i32 {
      %mul3A_18 = arith.constant 1 : i32
      %mul3A_19 = arith.muli %scan3A_17, %mul3A_18 : i32
      %add3A_20 = arith.constant 0 : i32
      %add3A_21 = arith.addi %add3A_20, %mul3A_19 : i32
      %mul3A_22 = arith.constant 8 : i32
      %mul3A_23 = arith.muli %mul3A_22, %add3A_21 : i32
      %add3A_24 = arith.constant 0 : i32
      %add3A_25 = arith.addi %mul3A_23, %add3A_24 : i32
      %dma_start3A = arith.constant 0 : i32
      %dma_start3A_26 = arith.constant 0 : i32
      %dma_start3A_27 = arith.constant 0 : i32
      %dma_start3A_28 = tpu.memref_slice %arg9[%dma_start3A, %dma_start3A_26, %dma_start3A_27] : memref<8x128x64xf32, #tpu.memory_space<vmem>> -> memref<1x128x64xf32, #tpu.memory_space<vmem>>
      %dma_start3A_29 = tpu.memref_squeeze %dma_start3A_28 : memref<1x128x64xf32, #tpu.memory_space<vmem>> -> memref<128x64xf32, #tpu.memory_space<vmem>>
      %dma_start3A_30 = arith.constant 0 : i32
      %dma_start3A_31 = tpu.memref_slice %arg7[%add3A_25, %dma_start3A_30] : memref<80x128xi32, #tpu.memory_space<vmem>> -> memref<1x128xi32, #tpu.memory_space<vmem>>
      %dma_start3A_32 = tpu.memref_squeeze %dma_start3A_31 : memref<1x128xi32, #tpu.memory_space<vmem>> -> memref<128xi32, #tpu.memory_space<vmem>>
      %dma_start3A_33 = arith.constant 0 : i32
      %dma_start3A_34 = arith.constant 0 : i32
      %dma_start3A_35 = tpu.memref_slice %arg2[%dma_start3A_33, %dma_start3A_34] : memref<10240x64xf32, #tpu.memory_space<hbm>> -> memref<10240x64xf32, #tpu.memory_space<hbm>>
      tpu.enqueue_indirect_dma source(%dma_start3A_35 : memref<10240x64xf32, #tpu.memory_space<hbm>>) target(%dma_start3A_29 : memref<128x64xf32, #tpu.memory_space<vmem>>) offsets(%dma_start3A_32 : memref<128xi32, #tpu.memory_space<vmem>>) semaphore(%arg11 : memref<!tpu.dma_semaphore, #tpu.memory_space<semaphore_mem>>)
      %add3A_36 = arith.constant 1 : i32
      %add3A_37 = arith.addi %mul3A_23, %add3A_36 : i32
      %dma_start3A_38 = arith.constant 1 : i32
      %dma_start3A_39 = arith.constant 0 : i32
      %dma_start3A_40 = arith.constant 0 : i32
      %dma_start3A_41 = tpu.memref_slice %arg9[%dma_start3A_38, %dma_start3A_39, %dma_start3A_40] : memref<8x128x64xf32, #tpu.memory_space<vmem>> -> memref<1x128x64xf32, #tpu.memory_space<vmem>>
      %dma_start3A_42 = tpu.memref_squeeze %dma_start3A_41 : memref<1x128x64xf32, #tpu.memory_space<vmem>> -> memref<128x64xf32, #tpu.memory_space<vmem>>
      %dma_start3A_43 = arith.constant 0 : i32
      %dma_start3A_44 = tpu.memref_slice %arg7[%add3A_37, %dma_start3A_43] : memref<80x128xi32, #tpu.memory_space<vmem>> -> memref<1x128xi32, #tpu.memory_space<vmem>>
      %dma_start3A_45 = tpu.memref_squeeze %dma_start3A_44 : memref<1x128xi32, #tpu.memory_space<vmem>> -> memref<128xi32, #tpu.memory_space<vmem>>
      %dma_start3A_46 = arith.constant 0 : i32
      %dma_start3A_47 = arith.constant 0 : i32
      %dma_start3A_48 = tpu.memref_slice %arg2[%dma_start3A_46, %dma_start3A_47] : memref<10240x64xf32, #tpu.memory_space<hbm>> -> memref<10240x64xf32, #tpu.memory_space<hbm>>
      tpu.enqueue_indirect_dma source(%dma_start3A_48 : memref<10240x64xf32, #tpu.memory_space<hbm>>) target(%dma_start3A_42 : memref<128x64xf32, #tpu.memory_space<vmem>>) offsets(%dma_start3A_45 : memref<128xi32, #tpu.memory_space<vmem>>) semaphore(%arg12 : memref<!tpu.dma_semaphore, #tpu.memory_space<semaphore_mem>>)
      %add3A_49 = arith.constant 2 : i32
      %add3A_50 = arith.addi %mul3A_23, %add3A_49 : i32
      %dma_start3A_51 = arith.constant 2 : i32
      %dma_start3A_52 = arith.constant 0 : i32
      %dma_start3A_53 = arith.constant 0 : i32
      %dma_start3A_54 = tpu.memref_slice %arg9[%dma_start3A_51, %dma_start3A_52, %dma_start3A_53] : memref<8x128x64xf32, #tpu.memory_space<vmem>> -> memref<1x128x64xf32, #tpu.memory_space<vmem>>
      %dma_start3A_55 = tpu.memref_squeeze %dma_start3A_54 : memref<1x128x64xf32, #tpu.memory_space<vmem>> -> memref<128x64xf32, #tpu.memory_space<vmem>>
      %dma_start3A_56 = arith.constant 0 : i32
      %dma_start3A_57 = tpu.memref_slice %arg7[%add3A_50, %dma_start3A_56] : memref<80x128xi32, #tpu.memory_space<vmem>> -> memref<1x128xi32, #tpu.memory_space<vmem>>
      %dma_start3A_58 = tpu.memref_squeeze %dma_start3A_57 : memref<1x128xi32, #tpu.memory_space<vmem>> -> memref<128xi32, #tpu.memory_space<vmem>>
      %dma_start3A_59 = arith.constant 0 : i32
      %dma_start3A_60 = arith.constant 0 : i32
      %dma_start3A_61 = tpu.memref_slice %arg2[%dma_start3A_59, %dma_start3A_60] : memref<10240x64xf32, #tpu.memory_space<hbm>> -> memref<10240x64xf32, #tpu.memory_space<hbm>>
      tpu.enqueue_indirect_dma source(%dma_start3A_61 : memref<10240x64xf32, #tpu.memory_space<hbm>>) target(%dma_start3A_55 : memref<128x64xf32, #tpu.memory_space<vmem>>) offsets(%dma_start3A_58 : memref<128xi32, #tpu.memory_space<vmem>>) semaphore(%arg13 : memref<!tpu.dma_semaphore, #tpu.memory_space<semaphore_mem>>)
      %add3A_62 = arith.constant 3 : i32
      %add3A_63 = arith.addi %mul3A_23, %add3A_62 : i32
      %dma_start3A_64 = arith.constant 3 : i32
      %dma_start3A_65 = arith.constant 0 : i32
      %dma_start3A_66 = arith.constant 0 : i32
      %dma_start3A_67 = tpu.memref_slice %arg9[%dma_start3A_64, %dma_start3A_65, %dma_start3A_66] : memref<8x128x64xf32, #tpu.memory_space<vmem>> -> memref<1x128x64xf32, #tpu.memory_space<vmem>>
      %dma_start3A_68 = tpu.memref_squeeze %dma_start3A_67 : memref<1x128x64xf32, #tpu.memory_space<vmem>> -> memref<128x64xf32, #tpu.memory_space<vmem>>
      %dma_start3A_69 = arith.constant 0 : i32
      %dma_start3A_70 = tpu.memref_slice %arg7[%add3A_63, %dma_start3A_69] : memref<80x128xi32, #tpu.memory_space<vmem>> -> memref<1x128xi32, #tpu.memory_space<vmem>>
      %dma_start3A_71 = tpu.memref_squeeze %dma_start3A_70 : memref<1x128xi32, #tpu.memory_space<vmem>> -> memref<128xi32, #tpu.memory_space<vmem>>
      %dma_start3A_72 = arith.constant 0 : i32
      %dma_start3A_73 = arith.constant 0 : i32
      %dma_start3A_74 = tpu.memref_slice %arg2[%dma_start3A_72, %dma_start3A_73] : memref<10240x64xf32, #tpu.memory_space<hbm>> -> memref<10240x64xf32, #tpu.memory_space<hbm>>
      tpu.enqueue_indirect_dma source(%dma_start3A_74 : memref<10240x64xf32, #tpu.memory_space<hbm>>) target(%dma_start3A_68 : memref<128x64xf32, #tpu.memory_space<vmem>>) offsets(%dma_start3A_71 : memref<128xi32, #tpu.memory_space<vmem>>) semaphore(%arg14 : memref<!tpu.dma_semaphore, #tpu.memory_space<semaphore_mem>>)
      %add3A_75 = arith.constant 4 : i32
      %add3A_76 = arith.addi %mul3A_23, %add3A_75 : i32
      %dma_start3A_77 = arith.constant 4 : i32
      %dma_start3A_78 = arith.constant 0 : i32
      %dma_start3A_79 = arith.constant 0 : i32
      %dma_start3A_80 = tpu.memref_slice %arg9[%dma_start3A_77, %dma_start3A_78, %dma_start3A_79] : memref<8x128x64xf32, #tpu.memory_space<vmem>> -> memref<1x128x64xf32, #tpu.memory_space<vmem>>
      %dma_start3A_81 = tpu.memref_squeeze %dma_start3A_80 : memref<1x128x64xf32, #tpu.memory_space<vmem>> -> memref<128x64xf32, #tpu.memory_space<vmem>>
      %dma_start3A_82 = arith.constant 0 : i32
      %dma_start3A_83 = tpu.memref_slice %arg7[%add3A_76, %dma_start3A_82] : memref<80x128xi32, #tpu.memory_space<vmem>> -> memref<1x128xi32, #tpu.memory_space<vmem>>
      %dma_start3A_84 = tpu.memref_squeeze %dma_start3A_83 : memref<1x128xi32, #tpu.memory_space<vmem>> -> memref<128xi32, #tpu.memory_space<vmem>>
      %dma_start3A_85 = arith.constant 0 : i32
      %dma_start3A_86 = arith.constant 0 : i32
      %dma_start3A_87 = tpu.memref_slice %arg2[%dma_start3A_85, %dma_start3A_86] : memref<10240x64xf32, #tpu.memory_space<hbm>> -> memref<10240x64xf32, #tpu.memory_space<hbm>>
      tpu.enqueue_indirect_dma source(%dma_start3A_87 : memref<10240x64xf32, #tpu.memory_space<hbm>>) target(%dma_start3A_81 : memref<128x64xf32, #tpu.memory_space<vmem>>) offsets(%dma_start3A_84 : memref<128xi32, #tpu.memory_space<vmem>>) semaphore(%arg15 : memref<!tpu.dma_semaphore, #tpu.memory_space<semaphore_mem>>)
      %add3A_88 = arith.constant 5 : i32
      %add3A_89 = arith.addi %mul3A_23, %add3A_88 : i32
      %dma_start3A_90 = arith.constant 5 : i32
      %dma_start3A_91 = arith.constant 0 : i32
      %dma_start3A_92 = arith.constant 0 : i32
      %dma_start3A_93 = tpu.memref_slice %arg9[%dma_start3A_90, %dma_start3A_91, %dma_start3A_92] : memref<8x128x64xf32, #tpu.memory_space<vmem>> -> memref<1x128x64xf32, #tpu.memory_space<vmem>>
      %dma_start3A_94 = tpu.memref_squeeze %dma_start3A_93 : memref<1x128x64xf32, #tpu.memory_space<vmem>> -> memref<128x64xf32, #tpu.memory_space<vmem>>
      %dma_start3A_95 = arith.constant 0 : i32
      %dma_start3A_96 = tpu.memref_slice %arg7[%add3A_89, %dma_start3A_95] : memref<80x128xi32, #tpu.memory_space<vmem>> -> memref<1x128xi32, #tpu.memory_space<vmem>>
      %dma_start3A_97 = tpu.memref_squeeze %dma_start3A_96 : memref<1x128xi32, #tpu.memory_space<vmem>> -> memref<128xi32, #tpu.memory_space<vmem>>
      %dma_start3A_98 = arith.constant 0 : i32
      %dma_start3A_99 = arith.constant 0 : i32
      %dma_start3A_100 = tpu.memref_slice %arg2[%dma_start3A_98, %dma_start3A_99] : memref<10240x64xf32, #tpu.memory_space<hbm>> -> memref<10240x64xf32, #tpu.memory_space<hbm>>
      tpu.enqueue_indirect_dma source(%dma_start3A_100 : memref<10240x64xf32, #tpu.memory_space<hbm>>) target(%dma_start3A_94 : memref<128x64xf32, #tpu.memory_space<vmem>>) offsets(%dma_start3A_97 : memref<128xi32, #tpu.memory_space<vmem>>) semaphore(%arg16 : memref<!tpu.dma_semaphore, #tpu.memory_space<semaphore_mem>>)
      %add3A_101 = arith.constant 6 : i32
      %add3A_102 = arith.addi %mul3A_23, %add3A_101 : i32
      %dma_start3A_103 = arith.constant 6 : i32
      %dma_start3A_104 = arith.constant 0 : i32
      %dma_start3A_105 = arith.constant 0 : i32
      %dma_start3A_106 = tpu.memref_slice %arg9[%dma_start3A_103, %dma_start3A_104, %dma_start3A_105] : memref<8x128x64xf32, #tpu.memory_space<vmem>> -> memref<1x128x64xf32, #tpu.memory_space<vmem>>
      %dma_start3A_107 = tpu.memref_squeeze %dma_start3A_106 : memref<1x128x64xf32, #tpu.memory_space<vmem>> -> memref<128x64xf32, #tpu.memory_space<vmem>>
      %dma_start3A_108 = arith.constant 0 : i32
      %dma_start3A_109 = tpu.memref_slice %arg7[%add3A_102, %dma_start3A_108] : memref<80x128xi32, #tpu.memory_space<vmem>> -> memref<1x128xi32, #tpu.memory_space<vmem>>
      %dma_start3A_110 = tpu.memref_squeeze %dma_start3A_109 : memref<1x128xi32, #tpu.memory_space<vmem>> -> memref<128xi32, #tpu.memory_space<vmem>>
      %dma_start3A_111 = arith.constant 0 : i32
      %dma_start3A_112 = arith.constant 0 : i32
      %dma_start3A_113 = tpu.memref_slice %arg2[%dma_start3A_111, %dma_start3A_112] : memref<10240x64xf32, #tpu.memory_space<hbm>> -> memref<10240x64xf32, #tpu.memory_space<hbm>>
      tpu.enqueue_indirect_dma source(%dma_start3A_113 : memref<10240x64xf32, #tpu.memory_space<hbm>>) target(%dma_start3A_107 : memref<128x64xf32, #tpu.memory_space<vmem>>) offsets(%dma_start3A_110 : memref<128xi32, #tpu.memory_space<vmem>>) semaphore(%arg17 : memref<!tpu.dma_semaphore, #tpu.memory_space<semaphore_mem>>)
      %add3A_114 = arith.constant 7 : i32
      %add3A_115 = arith.addi %mul3A_23, %add3A_114 : i32
      %dma_start3A_116 = arith.constant 7 : i32
      %dma_start3A_117 = arith.constant 0 : i32
      %dma_start3A_118 = arith.constant 0 : i32
      %dma_start3A_119 = tpu.memref_slice %arg9[%dma_start3A_116, %dma_start3A_117, %dma_start3A_118] : memref<8x128x64xf32, #tpu.memory_space<vmem>> -> memref<1x128x64xf32, #tpu.memory_space<vmem>>
      %dma_start3A_120 = tpu.memref_squeeze %dma_start3A_119 : memref<1x128x64xf32, #tpu.memory_space<vmem>> -> memref<128x64xf32, #tpu.memory_space<vmem>>
      %dma_start3A_121 = arith.constant 0 : i32
      %dma_start3A_122 = tpu.memref_slice %arg7[%add3A_115, %dma_start3A_121] : memref<80x128xi32, #tpu.memory_space<vmem>> -> memref<1x128xi32, #tpu.memory_space<vmem>>
      %dma_start3A_123 = tpu.memref_squeeze %dma_start3A_122 : memref<1x128xi32, #tpu.memory_space<vmem>> -> memref<128xi32, #tpu.memory_space<vmem>>
      %dma_start3A_124 = arith.constant 0 : i32
      %dma_start3A_125 = arith.constant 0 : i32
      %dma_start3A_126 = tpu.memref_slice %arg2[%dma_start3A_124, %dma_start3A_125] : memref<10240x64xf32, #tpu.memory_space<hbm>> -> memref<10240x64xf32, #tpu.memory_space<hbm>>
      tpu.enqueue_indirect_dma source(%dma_start3A_126 : memref<10240x64xf32, #tpu.memory_space<hbm>>) target(%dma_start3A_120 : memref<128x64xf32, #tpu.memory_space<vmem>>) offsets(%dma_start3A_123 : memref<128xi32, #tpu.memory_space<vmem>>) semaphore(%arg18 : memref<!tpu.dma_semaphore, #tpu.memory_space<semaphore_mem>>)
      %add3A_127 = arith.constant 0 : i32
      %add3A_128 = arith.addi %mul3A_23, %add3A_127 : i32
      %dma_wait3A = arith.constant 0 : i32
      %dma_wait3A_129 = arith.constant 0 : i32
      %dma_wait3A_130 = arith.constant 0 : i32
      %dma_wait3A_131 = tpu.memref_slice %arg9[%dma_wait3A, %dma_wait3A_129, %dma_wait3A_130] : memref<8x128x64xf32, #tpu.memory_space<vmem>> -> memref<1x128x64xf32, #tpu.memory_space<vmem>>
      %dma_wait3A_132 = tpu.memref_squeeze %dma_wait3A_131 : memref<1x128x64xf32, #tpu.memory_space<vmem>> -> memref<128x64xf32, #tpu.memory_space<vmem>>
      %dma_wait3A_133 = arith.constant 0 : i32
      %dma_wait3A_134 = tpu.memref_slice %arg7[%add3A_128, %dma_wait3A_133] : memref<80x128xi32, #tpu.memory_space<vmem>> -> memref<1x128xi32, #tpu.memory_space<vmem>>
      %dma_wait3A_135 = tpu.memref_squeeze %dma_wait3A_134 : memref<1x128xi32, #tpu.memory_space<vmem>> -> memref<128xi32, #tpu.memory_space<vmem>>
      %dma_wait3A_136 = arith.constant 0 : i32
      %dma_wait3A_137 = arith.constant 0 : i32
      %dma_wait3A_138 = tpu.memref_slice %arg2[%dma_wait3A_136, %dma_wait3A_137] : memref<10240x64xf32, #tpu.memory_space<hbm>> -> memref<10240x64xf32, #tpu.memory_space<hbm>>
      tpu.wait_indirect_dma semaphore(%arg11 : memref<!tpu.dma_semaphore, #tpu.memory_space<semaphore_mem>>) src(%dma_wait3A_138 : memref<10240x64xf32, #tpu.memory_space<hbm>>) dst(%dma_wait3A_132 : memref<128x64xf32, #tpu.memory_space<vmem>>)
      %add3A_139 = arith.constant 0 : i32
      %add3A_140 = arith.addi %mul3A_23, %add3A_139 : i32
      %run_scoped3A = arith.constant 0 : i32
      "tpu.region"() ({
        %run_scoped3A_253 = tpu.sem_alloc : memref<!tpu.dma_semaphore, #tpu.memory_space<semaphore_mem>>
        %dma_start3A_254 = arith.constant 0 : i32
        %dma_start3A_255 = arith.constant 0 : i32
        %dma_start3A_256 = tpu.memref_slice %arg9[%run_scoped3A, %dma_start3A_254, %dma_start3A_255] : memref<8x128x64xf32, #tpu.memory_space<vmem>> -> memref<1x128x64xf32, #tpu.memory_space<vmem>>
        %dma_start3A_257 = tpu.memref_squeeze %dma_start3A_256 : memref<1x128x64xf32, #tpu.memory_space<vmem>> -> memref<128x64xf32, #tpu.memory_space<vmem>>
        %dma_start3A_258 = arith.constant 0 : i32
        %dma_start3A_259 = tpu.memref_slice %arg8[%add3A_140, %dma_start3A_258] : memref<80x128xi32, #tpu.memory_space<vmem>> -> memref<1x128xi32, #tpu.memory_space<vmem>>
        %dma_start3A_260 = tpu.memref_squeeze %dma_start3A_259 : memref<1x128xi32, #tpu.memory_space<vmem>> -> memref<128xi32, #tpu.memory_space<vmem>>
        %dma_start3A_261 = arith.constant 0 : i32
        %dma_start3A_262 = arith.constant 0 : i32
        %dma_start3A_263 = tpu.memref_slice %arg10[%dma_start3A_261, %dma_start3A_262] : memref<10240x64xf32, #tpu.memory_space<vmem_shared>> -> memref<10240x64xf32, #tpu.memory_space<vmem_shared>>
        tpu.enqueue_indirect_dma source(%dma_start3A_257 : memref<128x64xf32, #tpu.memory_space<vmem>>) target(%dma_start3A_263 : memref<10240x64xf32, #tpu.memory_space<vmem_shared>>) offsets(%dma_start3A_260 : memref<128xi32, #tpu.memory_space<vmem>>) semaphore(%run_scoped3A_253 : memref<!tpu.dma_semaphore, #tpu.memory_space<semaphore_mem>>) {add = true}
        %dma_wait3A_264 = arith.constant 0 : i32
        %dma_wait3A_265 = arith.constant 0 : i32
        %dma_wait3A_266 = tpu.memref_slice %arg9[%run_scoped3A, %dma_wait3A_264, %dma_wait3A_265] : memref<8x128x64xf32, #tpu.memory_space<vmem>> -> memref<1x128x64xf32, #tpu.memory_space<vmem>>
        %dma_wait3A_267 = tpu.memref_squeeze %dma_wait3A_266 : memref<1x128x64xf32, #tpu.memory_space<vmem>> -> memref<128x64xf32, #tpu.memory_space<vmem>>
        %dma_wait3A_268 = arith.constant 0 : i32
        %dma_wait3A_269 = tpu.memref_slice %arg8[%add3A_140, %dma_wait3A_268] : memref<80x128xi32, #tpu.memory_space<vmem>> -> memref<1x128xi32, #tpu.memory_space<vmem>>
        %dma_wait3A_270 = tpu.memref_squeeze %dma_wait3A_269 : memref<1x128xi32, #tpu.memory_space<vmem>> -> memref<128xi32, #tpu.memory_space<vmem>>
        %dma_wait3A_271 = arith.constant 0 : i32
        %dma_wait3A_272 = arith.constant 0 : i32
        %dma_wait3A_273 = tpu.memref_slice %arg10[%dma_wait3A_271, %dma_wait3A_272] : memref<10240x64xf32, #tpu.memory_space<vmem_shared>> -> memref<10240x64xf32, #tpu.memory_space<vmem_shared>>
        tpu.wait_indirect_dma semaphore(%run_scoped3A_253 : memref<!tpu.dma_semaphore, #tpu.memory_space<semaphore_mem>>) src(%dma_wait3A_267 : memref<128x64xf32, #tpu.memory_space<vmem>>) dst(%dma_wait3A_273 : memref<10240x64xf32, #tpu.memory_space<vmem_shared>>)
        tpu.yield
      }) : () -> ()
      %add3A_141 = arith.constant 1 : i32
      %add3A_142 = arith.addi %mul3A_23, %add3A_141 : i32
      %dma_wait3A_143 = arith.constant 1 : i32
      %dma_wait3A_144 = arith.constant 0 : i32
      %dma_wait3A_145 = arith.constant 0 : i32
      %dma_wait3A_146 = tpu.memref_slice %arg9[%dma_wait3A_143, %dma_wait3A_144, %dma_wait3A_145] : memref<8x128x64xf32, #tpu.memory_space<vmem>> -> memref<1x128x64xf32, #tpu.memory_space<vmem>>
      %dma_wait3A_147 = tpu.memref_squeeze %dma_wait3A_146 : memref<1x128x64xf32, #tpu.memory_space<vmem>> -> memref<128x64xf32, #tpu.memory_space<vmem>>
      %dma_wait3A_148 = arith.constant 0 : i32
      %dma_wait3A_149 = tpu.memref_slice %arg7[%add3A_142, %dma_wait3A_148] : memref<80x128xi32, #tpu.memory_space<vmem>> -> memref<1x128xi32, #tpu.memory_space<vmem>>
      %dma_wait3A_150 = tpu.memref_squeeze %dma_wait3A_149 : memref<1x128xi32, #tpu.memory_space<vmem>> -> memref<128xi32, #tpu.memory_space<vmem>>
      %dma_wait3A_151 = arith.constant 0 : i32
      %dma_wait3A_152 = arith.constant 0 : i32
      %dma_wait3A_153 = tpu.memref_slice %arg2[%dma_wait3A_151, %dma_wait3A_152] : memref<10240x64xf32, #tpu.memory_space<hbm>> -> memref<10240x64xf32, #tpu.memory_space<hbm>>
      tpu.wait_indirect_dma semaphore(%arg12 : memref<!tpu.dma_semaphore, #tpu.memory_space<semaphore_mem>>) src(%dma_wait3A_153 : memref<10240x64xf32, #tpu.memory_space<hbm>>) dst(%dma_wait3A_147 : memref<128x64xf32, #tpu.memory_space<vmem>>)
      %add3A_154 = arith.constant 1 : i32
      %add3A_155 = arith.addi %mul3A_23, %add3A_154 : i32
      %run_scoped3A_156 = arith.constant 1 : i32
      "tpu.region"() ({
        %run_scoped3A_253 = tpu.sem_alloc : memref<!tpu.dma_semaphore, #tpu.memory_space<semaphore_mem>>
        %dma_start3A_254 = arith.constant 0 : i32
        %dma_start3A_255 = arith.constant 0 : i32
        %dma_start3A_256 = tpu.memref_slice %arg9[%run_scoped3A_156, %dma_start3A_254, %dma_start3A_255] : memref<8x128x64xf32, #tpu.memory_space<vmem>> -> memref<1x128x64xf32, #tpu.memory_space<vmem>>
        %dma_start3A_257 = tpu.memref_squeeze %dma_start3A_256 : memref<1x128x64xf32, #tpu.memory_space<vmem>> -> memref<128x64xf32, #tpu.memory_space<vmem>>
        %dma_start3A_258 = arith.constant 0 : i32
        %dma_start3A_259 = tpu.memref_slice %arg8[%add3A_155, %dma_start3A_258] : memref<80x128xi32, #tpu.memory_space<vmem>> -> memref<1x128xi32, #tpu.memory_space<vmem>>
        %dma_start3A_260 = tpu.memref_squeeze %dma_start3A_259 : memref<1x128xi32, #tpu.memory_space<vmem>> -> memref<128xi32, #tpu.memory_space<vmem>>
        %dma_start3A_261 = arith.constant 0 : i32
        %dma_start3A_262 = arith.constant 0 : i32
        %dma_start3A_263 = tpu.memref_slice %arg10[%dma_start3A_261, %dma_start3A_262] : memref<10240x64xf32, #tpu.memory_space<vmem_shared>> -> memref<10240x64xf32, #tpu.memory_space<vmem_shared>>
        tpu.enqueue_indirect_dma source(%dma_start3A_257 : memref<128x64xf32, #tpu.memory_space<vmem>>) target(%dma_start3A_263 : memref<10240x64xf32, #tpu.memory_space<vmem_shared>>) offsets(%dma_start3A_260 : memref<128xi32, #tpu.memory_space<vmem>>) semaphore(%run_scoped3A_253 : memref<!tpu.dma_semaphore, #tpu.memory_space<semaphore_mem>>) {add = true}
        %dma_wait3A_264 = arith.constant 0 : i32
        %dma_wait3A_265 = arith.constant 0 : i32
        %dma_wait3A_266 = tpu.memref_slice %arg9[%run_scoped3A_156, %dma_wait3A_264, %dma_wait3A_265] : memref<8x128x64xf32, #tpu.memory_space<vmem>> -> memref<1x128x64xf32, #tpu.memory_space<vmem>>
        %dma_wait3A_267 = tpu.memref_squeeze %dma_wait3A_266 : memref<1x128x64xf32, #tpu.memory_space<vmem>> -> memref<128x64xf32, #tpu.memory_space<vmem>>
        %dma_wait3A_268 = arith.constant 0 : i32
        %dma_wait3A_269 = tpu.memref_slice %arg8[%add3A_155, %dma_wait3A_268] : memref<80x128xi32, #tpu.memory_space<vmem>> -> memref<1x128xi32, #tpu.memory_space<vmem>>
        %dma_wait3A_270 = tpu.memref_squeeze %dma_wait3A_269 : memref<1x128xi32, #tpu.memory_space<vmem>> -> memref<128xi32, #tpu.memory_space<vmem>>
        %dma_wait3A_271 = arith.constant 0 : i32
        %dma_wait3A_272 = arith.constant 0 : i32
        %dma_wait3A_273 = tpu.memref_slice %arg10[%dma_wait3A_271, %dma_wait3A_272] : memref<10240x64xf32, #tpu.memory_space<vmem_shared>> -> memref<10240x64xf32, #tpu.memory_space<vmem_shared>>
        tpu.wait_indirect_dma semaphore(%run_scoped3A_253 : memref<!tpu.dma_semaphore, #tpu.memory_space<semaphore_mem>>) src(%dma_wait3A_267 : memref<128x64xf32, #tpu.memory_space<vmem>>) dst(%dma_wait3A_273 : memref<10240x64xf32, #tpu.memory_space<vmem_shared>>)
        tpu.yield
      }) : () -> ()
      %add3A_157 = arith.constant 2 : i32
      %add3A_158 = arith.addi %mul3A_23, %add3A_157 : i32
      %dma_wait3A_159 = arith.constant 2 : i32
      %dma_wait3A_160 = arith.constant 0 : i32
      %dma_wait3A_161 = arith.constant 0 : i32
      %dma_wait3A_162 = tpu.memref_slice %arg9[%dma_wait3A_159, %dma_wait3A_160, %dma_wait3A_161] : memref<8x128x64xf32, #tpu.memory_space<vmem>> -> memref<1x128x64xf32, #tpu.memory_space<vmem>>
      %dma_wait3A_163 = tpu.memref_squeeze %dma_wait3A_162 : memref<1x128x64xf32, #tpu.memory_space<vmem>> -> memref<128x64xf32, #tpu.memory_space<vmem>>
      %dma_wait3A_164 = arith.constant 0 : i32
      %dma_wait3A_165 = tpu.memref_slice %arg7[%add3A_158, %dma_wait3A_164] : memref<80x128xi32, #tpu.memory_space<vmem>> -> memref<1x128xi32, #tpu.memory_space<vmem>>
      %dma_wait3A_166 = tpu.memref_squeeze %dma_wait3A_165 : memref<1x128xi32, #tpu.memory_space<vmem>> -> memref<128xi32, #tpu.memory_space<vmem>>
      %dma_wait3A_167 = arith.constant 0 : i32
      %dma_wait3A_168 = arith.constant 0 : i32
      %dma_wait3A_169 = tpu.memref_slice %arg2[%dma_wait3A_167, %dma_wait3A_168] : memref<10240x64xf32, #tpu.memory_space<hbm>> -> memref<10240x64xf32, #tpu.memory_space<hbm>>
      tpu.wait_indirect_dma semaphore(%arg13 : memref<!tpu.dma_semaphore, #tpu.memory_space<semaphore_mem>>) src(%dma_wait3A_169 : memref<10240x64xf32, #tpu.memory_space<hbm>>) dst(%dma_wait3A_163 : memref<128x64xf32, #tpu.memory_space<vmem>>)
      %add3A_170 = arith.constant 2 : i32
      %add3A_171 = arith.addi %mul3A_23, %add3A_170 : i32
      %run_scoped3A_172 = arith.constant 2 : i32
      "tpu.region"() ({
        %run_scoped3A_253 = tpu.sem_alloc : memref<!tpu.dma_semaphore, #tpu.memory_space<semaphore_mem>>
        %dma_start3A_254 = arith.constant 0 : i32
        %dma_start3A_255 = arith.constant 0 : i32
        %dma_start3A_256 = tpu.memref_slice %arg9[%run_scoped3A_172, %dma_start3A_254, %dma_start3A_255] : memref<8x128x64xf32, #tpu.memory_space<vmem>> -> memref<1x128x64xf32, #tpu.memory_space<vmem>>
        %dma_start3A_257 = tpu.memref_squeeze %dma_start3A_256 : memref<1x128x64xf32, #tpu.memory_space<vmem>> -> memref<128x64xf32, #tpu.memory_space<vmem>>
        %dma_start3A_258 = arith.constant 0 : i32
        %dma_start3A_259 = tpu.memref_slice %arg8[%add3A_171, %dma_start3A_258] : memref<80x128xi32, #tpu.memory_space<vmem>> -> memref<1x128xi32, #tpu.memory_space<vmem>>
        %dma_start3A_260 = tpu.memref_squeeze %dma_start3A_259 : memref<1x128xi32, #tpu.memory_space<vmem>> -> memref<128xi32, #tpu.memory_space<vmem>>
        %dma_start3A_261 = arith.constant 0 : i32
        %dma_start3A_262 = arith.constant 0 : i32
        %dma_start3A_263 = tpu.memref_slice %arg10[%dma_start3A_261, %dma_start3A_262] : memref<10240x64xf32, #tpu.memory_space<vmem_shared>> -> memref<10240x64xf32, #tpu.memory_space<vmem_shared>>
        tpu.enqueue_indirect_dma source(%dma_start3A_257 : memref<128x64xf32, #tpu.memory_space<vmem>>) target(%dma_start3A_263 : memref<10240x64xf32, #tpu.memory_space<vmem_shared>>) offsets(%dma_start3A_260 : memref<128xi32, #tpu.memory_space<vmem>>) semaphore(%run_scoped3A_253 : memref<!tpu.dma_semaphore, #tpu.memory_space<semaphore_mem>>) {add = true}
        %dma_wait3A_264 = arith.constant 0 : i32
        %dma_wait3A_265 = arith.constant 0 : i32
        %dma_wait3A_266 = tpu.memref_slice %arg9[%run_scoped3A_172, %dma_wait3A_264, %dma_wait3A_265] : memref<8x128x64xf32, #tpu.memory_space<vmem>> -> memref<1x128x64xf32, #tpu.memory_space<vmem>>
        %dma_wait3A_267 = tpu.memref_squeeze %dma_wait3A_266 : memref<1x128x64xf32, #tpu.memory_space<vmem>> -> memref<128x64xf32, #tpu.memory_space<vmem>>
        %dma_wait3A_268 = arith.constant 0 : i32
        %dma_wait3A_269 = tpu.memref_slice %arg8[%add3A_171, %dma_wait3A_268] : memref<80x128xi32, #tpu.memory_space<vmem>> -> memref<1x128xi32, #tpu.memory_space<vmem>>
        %dma_wait3A_270 = tpu.memref_squeeze %dma_wait3A_269 : memref<1x128xi32, #tpu.memory_space<vmem>> -> memref<128xi32, #tpu.memory_space<vmem>>
        %dma_wait3A_271 = arith.constant 0 : i32
        %dma_wait3A_272 = arith.constant 0 : i32
        %dma_wait3A_273 = tpu.memref_slice %arg10[%dma_wait3A_271, %dma_wait3A_272] : memref<10240x64xf32, #tpu.memory_space<vmem_shared>> -> memref<10240x64xf32, #tpu.memory_space<vmem_shared>>
        tpu.wait_indirect_dma semaphore(%run_scoped3A_253 : memref<!tpu.dma_semaphore, #tpu.memory_space<semaphore_mem>>) src(%dma_wait3A_267 : memref<128x64xf32, #tpu.memory_space<vmem>>) dst(%dma_wait3A_273 : memref<10240x64xf32, #tpu.memory_space<vmem_shared>>)
        tpu.yield
      }) : () -> ()
      %add3A_173 = arith.constant 3 : i32
      %add3A_174 = arith.addi %mul3A_23, %add3A_173 : i32
      %dma_wait3A_175 = arith.constant 3 : i32
      %dma_wait3A_176 = arith.constant 0 : i32
      %dma_wait3A_177 = arith.constant 0 : i32
      %dma_wait3A_178 = tpu.memref_slice %arg9[%dma_wait3A_175, %dma_wait3A_176, %dma_wait3A_177] : memref<8x128x64xf32, #tpu.memory_space<vmem>> -> memref<1x128x64xf32, #tpu.memory_space<vmem>>
      %dma_wait3A_179 = tpu.memref_squeeze %dma_wait3A_178 : memref<1x128x64xf32, #tpu.memory_space<vmem>> -> memref<128x64xf32, #tpu.memory_space<vmem>>
      %dma_wait3A_180 = arith.constant 0 : i32
      %dma_wait3A_181 = tpu.memref_slice %arg7[%add3A_174, %dma_wait3A_180] : memref<80x128xi32, #tpu.memory_space<vmem>> -> memref<1x128xi32, #tpu.memory_space<vmem>>
      %dma_wait3A_182 = tpu.memref_squeeze %dma_wait3A_181 : memref<1x128xi32, #tpu.memory_space<vmem>> -> memref<128xi32, #tpu.memory_space<vmem>>
      %dma_wait3A_183 = arith.constant 0 : i32
      %dma_wait3A_184 = arith.constant 0 : i32
      %dma_wait3A_185 = tpu.memref_slice %arg2[%dma_wait3A_183, %dma_wait3A_184] : memref<10240x64xf32, #tpu.memory_space<hbm>> -> memref<10240x64xf32, #tpu.memory_space<hbm>>
      tpu.wait_indirect_dma semaphore(%arg14 : memref<!tpu.dma_semaphore, #tpu.memory_space<semaphore_mem>>) src(%dma_wait3A_185 : memref<10240x64xf32, #tpu.memory_space<hbm>>) dst(%dma_wait3A_179 : memref<128x64xf32, #tpu.memory_space<vmem>>)
      %add3A_186 = arith.constant 3 : i32
      %add3A_187 = arith.addi %mul3A_23, %add3A_186 : i32
      %run_scoped3A_188 = arith.constant 3 : i32
      "tpu.region"() ({
        %run_scoped3A_253 = tpu.sem_alloc : memref<!tpu.dma_semaphore, #tpu.memory_space<semaphore_mem>>
        %dma_start3A_254 = arith.constant 0 : i32
        %dma_start3A_255 = arith.constant 0 : i32
        %dma_start3A_256 = tpu.memref_slice %arg9[%run_scoped3A_188, %dma_start3A_254, %dma_start3A_255] : memref<8x128x64xf32, #tpu.memory_space<vmem>> -> memref<1x128x64xf32, #tpu.memory_space<vmem>>
        %dma_start3A_257 = tpu.memref_squeeze %dma_start3A_256 : memref<1x128x64xf32, #tpu.memory_space<vmem>> -> memref<128x64xf32, #tpu.memory_space<vmem>>
        %dma_start3A_258 = arith.constant 0 : i32
        %dma_start3A_259 = tpu.memref_slice %arg8[%add3A_187, %dma_start3A_258] : memref<80x128xi32, #tpu.memory_space<vmem>> -> memref<1x128xi32, #tpu.memory_space<vmem>>
        %dma_start3A_260 = tpu.memref_squeeze %dma_start3A_259 : memref<1x128xi32, #tpu.memory_space<vmem>> -> memref<128xi32, #tpu.memory_space<vmem>>
        %dma_start3A_261 = arith.constant 0 : i32
        %dma_start3A_262 = arith.constant 0 : i32
        %dma_start3A_263 = tpu.memref_slice %arg10[%dma_start3A_261, %dma_start3A_262] : memref<10240x64xf32, #tpu.memory_space<vmem_shared>> -> memref<10240x64xf32, #tpu.memory_space<vmem_shared>>
        tpu.enqueue_indirect_dma source(%dma_start3A_257 : memref<128x64xf32, #tpu.memory_space<vmem>>) target(%dma_start3A_263 : memref<10240x64xf32, #tpu.memory_space<vmem_shared>>) offsets(%dma_start3A_260 : memref<128xi32, #tpu.memory_space<vmem>>) semaphore(%run_scoped3A_253 : memref<!tpu.dma_semaphore, #tpu.memory_space<semaphore_mem>>) {add = true}
        %dma_wait3A_264 = arith.constant 0 : i32
        %dma_wait3A_265 = arith.constant 0 : i32
        %dma_wait3A_266 = tpu.memref_slice %arg9[%run_scoped3A_188, %dma_wait3A_264, %dma_wait3A_265] : memref<8x128x64xf32, #tpu.memory_space<vmem>> -> memref<1x128x64xf32, #tpu.memory_space<vmem>>
        %dma_wait3A_267 = tpu.memref_squeeze %dma_wait3A_266 : memref<1x128x64xf32, #tpu.memory_space<vmem>> -> memref<128x64xf32, #tpu.memory_space<vmem>>
        %dma_wait3A_268 = arith.constant 0 : i32
        %dma_wait3A_269 = tpu.memref_slice %arg8[%add3A_187, %dma_wait3A_268] : memref<80x128xi32, #tpu.memory_space<vmem>> -> memref<1x128xi32, #tpu.memory_space<vmem>>
        %dma_wait3A_270 = tpu.memref_squeeze %dma_wait3A_269 : memref<1x128xi32, #tpu.memory_space<vmem>> -> memref<128xi32, #tpu.memory_space<vmem>>
        %dma_wait3A_271 = arith.constant 0 : i32
        %dma_wait3A_272 = arith.constant 0 : i32
        %dma_wait3A_273 = tpu.memref_slice %arg10[%dma_wait3A_271, %dma_wait3A_272] : memref<10240x64xf32, #tpu.memory_space<vmem_shared>> -> memref<10240x64xf32, #tpu.memory_space<vmem_shared>>
        tpu.wait_indirect_dma semaphore(%run_scoped3A_253 : memref<!tpu.dma_semaphore, #tpu.memory_space<semaphore_mem>>) src(%dma_wait3A_267 : memref<128x64xf32, #tpu.memory_space<vmem>>) dst(%dma_wait3A_273 : memref<10240x64xf32, #tpu.memory_space<vmem_shared>>)
        tpu.yield
      }) : () -> ()
      %add3A_189 = arith.constant 4 : i32
      %add3A_190 = arith.addi %mul3A_23, %add3A_189 : i32
      %dma_wait3A_191 = arith.constant 4 : i32
      %dma_wait3A_192 = arith.constant 0 : i32
      %dma_wait3A_193 = arith.constant 0 : i32
      %dma_wait3A_194 = tpu.memref_slice %arg9[%dma_wait3A_191, %dma_wait3A_192, %dma_wait3A_193] : memref<8x128x64xf32, #tpu.memory_space<vmem>> -> memref<1x128x64xf32, #tpu.memory_space<vmem>>
      %dma_wait3A_195 = tpu.memref_squeeze %dma_wait3A_194 : memref<1x128x64xf32, #tpu.memory_space<vmem>> -> memref<128x64xf32, #tpu.memory_space<vmem>>
      %dma_wait3A_196 = arith.constant 0 : i32
      %dma_wait3A_197 = tpu.memref_slice %arg7[%add3A_190, %dma_wait3A_196] : memref<80x128xi32, #tpu.memory_space<vmem>> -> memref<1x128xi32, #tpu.memory_space<vmem>>
      %dma_wait3A_198 = tpu.memref_squeeze %dma_wait3A_197 : memref<1x128xi32, #tpu.memory_space<vmem>> -> memref<128xi32, #tpu.memory_space<vmem>>
      %dma_wait3A_199 = arith.constant 0 : i32
      %dma_wait3A_200 = arith.constant 0 : i32
      %dma_wait3A_201 = tpu.memref_slice %arg2[%dma_wait3A_199, %dma_wait3A_200] : memref<10240x64xf32, #tpu.memory_space<hbm>> -> memref<10240x64xf32, #tpu.memory_space<hbm>>
      tpu.wait_indirect_dma semaphore(%arg15 : memref<!tpu.dma_semaphore, #tpu.memory_space<semaphore_mem>>) src(%dma_wait3A_201 : memref<10240x64xf32, #tpu.memory_space<hbm>>) dst(%dma_wait3A_195 : memref<128x64xf32, #tpu.memory_space<vmem>>)
      %add3A_202 = arith.constant 4 : i32
      %add3A_203 = arith.addi %mul3A_23, %add3A_202 : i32
      %run_scoped3A_204 = arith.constant 4 : i32
      "tpu.region"() ({
        %run_scoped3A_253 = tpu.sem_alloc : memref<!tpu.dma_semaphore, #tpu.memory_space<semaphore_mem>>
        %dma_start3A_254 = arith.constant 0 : i32
        %dma_start3A_255 = arith.constant 0 : i32
        %dma_start3A_256 = tpu.memref_slice %arg9[%run_scoped3A_204, %dma_start3A_254, %dma_start3A_255] : memref<8x128x64xf32, #tpu.memory_space<vmem>> -> memref<1x128x64xf32, #tpu.memory_space<vmem>>
        %dma_start3A_257 = tpu.memref_squeeze %dma_start3A_256 : memref<1x128x64xf32, #tpu.memory_space<vmem>> -> memref<128x64xf32, #tpu.memory_space<vmem>>
        %dma_start3A_258 = arith.constant 0 : i32
        %dma_start3A_259 = tpu.memref_slice %arg8[%add3A_203, %dma_start3A_258] : memref<80x128xi32, #tpu.memory_space<vmem>> -> memref<1x128xi32, #tpu.memory_space<vmem>>
        %dma_start3A_260 = tpu.memref_squeeze %dma_start3A_259 : memref<1x128xi32, #tpu.memory_space<vmem>> -> memref<128xi32, #tpu.memory_space<vmem>>
        %dma_start3A_261 = arith.constant 0 : i32
        %dma_start3A_262 = arith.constant 0 : i32
        %dma_start3A_263 = tpu.memref_slice %arg10[%dma_start3A_261, %dma_start3A_262] : memref<10240x64xf32, #tpu.memory_space<vmem_shared>> -> memref<10240x64xf32, #tpu.memory_space<vmem_shared>>
        tpu.enqueue_indirect_dma source(%dma_start3A_257 : memref<128x64xf32, #tpu.memory_space<vmem>>) target(%dma_start3A_263 : memref<10240x64xf32, #tpu.memory_space<vmem_shared>>) offsets(%dma_start3A_260 : memref<128xi32, #tpu.memory_space<vmem>>) semaphore(%run_scoped3A_253 : memref<!tpu.dma_semaphore, #tpu.memory_space<semaphore_mem>>) {add = true}
        %dma_wait3A_264 = arith.constant 0 : i32
        %dma_wait3A_265 = arith.constant 0 : i32
        %dma_wait3A_266 = tpu.memref_slice %arg9[%run_scoped3A_204, %dma_wait3A_264, %dma_wait3A_265] : memref<8x128x64xf32, #tpu.memory_space<vmem>> -> memref<1x128x64xf32, #tpu.memory_space<vmem>>
        %dma_wait3A_267 = tpu.memref_squeeze %dma_wait3A_266 : memref<1x128x64xf32, #tpu.memory_space<vmem>> -> memref<128x64xf32, #tpu.memory_space<vmem>>
        %dma_wait3A_268 = arith.constant 0 : i32
        %dma_wait3A_269 = tpu.memref_slice %arg8[%add3A_203, %dma_wait3A_268] : memref<80x128xi32, #tpu.memory_space<vmem>> -> memref<1x128xi32, #tpu.memory_space<vmem>>
        %dma_wait3A_270 = tpu.memref_squeeze %dma_wait3A_269 : memref<1x128xi32, #tpu.memory_space<vmem>> -> memref<128xi32, #tpu.memory_space<vmem>>
        %dma_wait3A_271 = arith.constant 0 : i32
        %dma_wait3A_272 = arith.constant 0 : i32
        %dma_wait3A_273 = tpu.memref_slice %arg10[%dma_wait3A_271, %dma_wait3A_272] : memref<10240x64xf32, #tpu.memory_space<vmem_shared>> -> memref<10240x64xf32, #tpu.memory_space<vmem_shared>>
        tpu.wait_indirect_dma semaphore(%run_scoped3A_253 : memref<!tpu.dma_semaphore, #tpu.memory_space<semaphore_mem>>) src(%dma_wait3A_267 : memref<128x64xf32, #tpu.memory_space<vmem>>) dst(%dma_wait3A_273 : memref<10240x64xf32, #tpu.memory_space<vmem_shared>>)
        tpu.yield
      }) : () -> ()
      %add3A_205 = arith.constant 5 : i32
      %add3A_206 = arith.addi %mul3A_23, %add3A_205 : i32
      %dma_wait3A_207 = arith.constant 5 : i32
      %dma_wait3A_208 = arith.constant 0 : i32
      %dma_wait3A_209 = arith.constant 0 : i32
      %dma_wait3A_210 = tpu.memref_slice %arg9[%dma_wait3A_207, %dma_wait3A_208, %dma_wait3A_209] : memref<8x128x64xf32, #tpu.memory_space<vmem>> -> memref<1x128x64xf32, #tpu.memory_space<vmem>>
      %dma_wait3A_211 = tpu.memref_squeeze %dma_wait3A_210 : memref<1x128x64xf32, #tpu.memory_space<vmem>> -> memref<128x64xf32, #tpu.memory_space<vmem>>
      %dma_wait3A_212 = arith.constant 0 : i32
      %dma_wait3A_213 = tpu.memref_slice %arg7[%add3A_206, %dma_wait3A_212] : memref<80x128xi32, #tpu.memory_space<vmem>> -> memref<1x128xi32, #tpu.memory_space<vmem>>
      %dma_wait3A_214 = tpu.memref_squeeze %dma_wait3A_213 : memref<1x128xi32, #tpu.memory_space<vmem>> -> memref<128xi32, #tpu.memory_space<vmem>>
      %dma_wait3A_215 = arith.constant 0 : i32
      %dma_wait3A_216 = arith.constant 0 : i32
      %dma_wait3A_217 = tpu.memref_slice %arg2[%dma_wait3A_215, %dma_wait3A_216] : memref<10240x64xf32, #tpu.memory_space<hbm>> -> memref<10240x64xf32, #tpu.memory_space<hbm>>
      tpu.wait_indirect_dma semaphore(%arg16 : memref<!tpu.dma_semaphore, #tpu.memory_space<semaphore_mem>>) src(%dma_wait3A_217 : memref<10240x64xf32, #tpu.memory_space<hbm>>) dst(%dma_wait3A_211 : memref<128x64xf32, #tpu.memory_space<vmem>>)
      %add3A_218 = arith.constant 5 : i32
      %add3A_219 = arith.addi %mul3A_23, %add3A_218 : i32
      %run_scoped3A_220 = arith.constant 5 : i32
      "tpu.region"() ({
        %run_scoped3A_253 = tpu.sem_alloc : memref<!tpu.dma_semaphore, #tpu.memory_space<semaphore_mem>>
        %dma_start3A_254 = arith.constant 0 : i32
        %dma_start3A_255 = arith.constant 0 : i32
        %dma_start3A_256 = tpu.memref_slice %arg9[%run_scoped3A_220, %dma_start3A_254, %dma_start3A_255] : memref<8x128x64xf32, #tpu.memory_space<vmem>> -> memref<1x128x64xf32, #tpu.memory_space<vmem>>
        %dma_start3A_257 = tpu.memref_squeeze %dma_start3A_256 : memref<1x128x64xf32, #tpu.memory_space<vmem>> -> memref<128x64xf32, #tpu.memory_space<vmem>>
        %dma_start3A_258 = arith.constant 0 : i32
        %dma_start3A_259 = tpu.memref_slice %arg8[%add3A_219, %dma_start3A_258] : memref<80x128xi32, #tpu.memory_space<vmem>> -> memref<1x128xi32, #tpu.memory_space<vmem>>
        %dma_start3A_260 = tpu.memref_squeeze %dma_start3A_259 : memref<1x128xi32, #tpu.memory_space<vmem>> -> memref<128xi32, #tpu.memory_space<vmem>>
        %dma_start3A_261 = arith.constant 0 : i32
        %dma_start3A_262 = arith.constant 0 : i32
        %dma_start3A_263 = tpu.memref_slice %arg10[%dma_start3A_261, %dma_start3A_262] : memref<10240x64xf32, #tpu.memory_space<vmem_shared>> -> memref<10240x64xf32, #tpu.memory_space<vmem_shared>>
        tpu.enqueue_indirect_dma source(%dma_start3A_257 : memref<128x64xf32, #tpu.memory_space<vmem>>) target(%dma_start3A_263 : memref<10240x64xf32, #tpu.memory_space<vmem_shared>>) offsets(%dma_start3A_260 : memref<128xi32, #tpu.memory_space<vmem>>) semaphore(%run_scoped3A_253 : memref<!tpu.dma_semaphore, #tpu.memory_space<semaphore_mem>>) {add = true}
        %dma_wait3A_264 = arith.constant 0 : i32
        %dma_wait3A_265 = arith.constant 0 : i32
        %dma_wait3A_266 = tpu.memref_slice %arg9[%run_scoped3A_220, %dma_wait3A_264, %dma_wait3A_265] : memref<8x128x64xf32, #tpu.memory_space<vmem>> -> memref<1x128x64xf32, #tpu.memory_space<vmem>>
        %dma_wait3A_267 = tpu.memref_squeeze %dma_wait3A_266 : memref<1x128x64xf32, #tpu.memory_space<vmem>> -> memref<128x64xf32, #tpu.memory_space<vmem>>
        %dma_wait3A_268 = arith.constant 0 : i32
        %dma_wait3A_269 = tpu.memref_slice %arg8[%add3A_219, %dma_wait3A_268] : memref<80x128xi32, #tpu.memory_space<vmem>> -> memref<1x128xi32, #tpu.memory_space<vmem>>
        %dma_wait3A_270 = tpu.memref_squeeze %dma_wait3A_269 : memref<1x128xi32, #tpu.memory_space<vmem>> -> memref<128xi32, #tpu.memory_space<vmem>>
        %dma_wait3A_271 = arith.constant 0 : i32
        %dma_wait3A_272 = arith.constant 0 : i32
        %dma_wait3A_273 = tpu.memref_slice %arg10[%dma_wait3A_271, %dma_wait3A_272] : memref<10240x64xf32, #tpu.memory_space<vmem_shared>> -> memref<10240x64xf32, #tpu.memory_space<vmem_shared>>
        tpu.wait_indirect_dma semaphore(%run_scoped3A_253 : memref<!tpu.dma_semaphore, #tpu.memory_space<semaphore_mem>>) src(%dma_wait3A_267 : memref<128x64xf32, #tpu.memory_space<vmem>>) dst(%dma_wait3A_273 : memref<10240x64xf32, #tpu.memory_space<vmem_shared>>)
        tpu.yield
      }) : () -> ()
      %add3A_221 = arith.constant 6 : i32
      %add3A_222 = arith.addi %mul3A_23, %add3A_221 : i32
      %dma_wait3A_223 = arith.constant 6 : i32
      %dma_wait3A_224 = arith.constant 0 : i32
      %dma_wait3A_225 = arith.constant 0 : i32
      %dma_wait3A_226 = tpu.memref_slice %arg9[%dma_wait3A_223, %dma_wait3A_224, %dma_wait3A_225] : memref<8x128x64xf32, #tpu.memory_space<vmem>> -> memref<1x128x64xf32, #tpu.memory_space<vmem>>
      %dma_wait3A_227 = tpu.memref_squeeze %dma_wait3A_226 : memref<1x128x64xf32, #tpu.memory_space<vmem>> -> memref<128x64xf32, #tpu.memory_space<vmem>>
      %dma_wait3A_228 = arith.constant 0 : i32
      %dma_wait3A_229 = tpu.memref_slice %arg7[%add3A_222, %dma_wait3A_228] : memref<80x128xi32, #tpu.memory_space<vmem>> -> memref<1x128xi32, #tpu.memory_space<vmem>>
      %dma_wait3A_230 = tpu.memref_squeeze %dma_wait3A_229 : memref<1x128xi32, #tpu.memory_space<vmem>> -> memref<128xi32, #tpu.memory_space<vmem>>
      %dma_wait3A_231 = arith.constant 0 : i32
      %dma_wait3A_232 = arith.constant 0 : i32
      %dma_wait3A_233 = tpu.memref_slice %arg2[%dma_wait3A_231, %dma_wait3A_232] : memref<10240x64xf32, #tpu.memory_space<hbm>> -> memref<10240x64xf32, #tpu.memory_space<hbm>>
      tpu.wait_indirect_dma semaphore(%arg17 : memref<!tpu.dma_semaphore, #tpu.memory_space<semaphore_mem>>) src(%dma_wait3A_233 : memref<10240x64xf32, #tpu.memory_space<hbm>>) dst(%dma_wait3A_227 : memref<128x64xf32, #tpu.memory_space<vmem>>)
      %add3A_234 = arith.constant 6 : i32
      %add3A_235 = arith.addi %mul3A_23, %add3A_234 : i32
      %run_scoped3A_236 = arith.constant 6 : i32
      "tpu.region"() ({
        %run_scoped3A_253 = tpu.sem_alloc : memref<!tpu.dma_semaphore, #tpu.memory_space<semaphore_mem>>
        %dma_start3A_254 = arith.constant 0 : i32
        %dma_start3A_255 = arith.constant 0 : i32
        %dma_start3A_256 = tpu.memref_slice %arg9[%run_scoped3A_236, %dma_start3A_254, %dma_start3A_255] : memref<8x128x64xf32, #tpu.memory_space<vmem>> -> memref<1x128x64xf32, #tpu.memory_space<vmem>>
        %dma_start3A_257 = tpu.memref_squeeze %dma_start3A_256 : memref<1x128x64xf32, #tpu.memory_space<vmem>> -> memref<128x64xf32, #tpu.memory_space<vmem>>
        %dma_start3A_258 = arith.constant 0 : i32
        %dma_start3A_259 = tpu.memref_slice %arg8[%add3A_235, %dma_start3A_258] : memref<80x128xi32, #tpu.memory_space<vmem>> -> memref<1x128xi32, #tpu.memory_space<vmem>>
        %dma_start3A_260 = tpu.memref_squeeze %dma_start3A_259 : memref<1x128xi32, #tpu.memory_space<vmem>> -> memref<128xi32, #tpu.memory_space<vmem>>
        %dma_start3A_261 = arith.constant 0 : i32
        %dma_start3A_262 = arith.constant 0 : i32
        %dma_start3A_263 = tpu.memref_slice %arg10[%dma_start3A_261, %dma_start3A_262] : memref<10240x64xf32, #tpu.memory_space<vmem_shared>> -> memref<10240x64xf32, #tpu.memory_space<vmem_shared>>
        tpu.enqueue_indirect_dma source(%dma_start3A_257 : memref<128x64xf32, #tpu.memory_space<vmem>>) target(%dma_start3A_263 : memref<10240x64xf32, #tpu.memory_space<vmem_shared>>) offsets(%dma_start3A_260 : memref<128xi32, #tpu.memory_space<vmem>>) semaphore(%run_scoped3A_253 : memref<!tpu.dma_semaphore, #tpu.memory_space<semaphore_mem>>) {add = true}
        %dma_wait3A_264 = arith.constant 0 : i32
        %dma_wait3A_265 = arith.constant 0 : i32
        %dma_wait3A_266 = tpu.memref_slice %arg9[%run_scoped3A_236, %dma_wait3A_264, %dma_wait3A_265] : memref<8x128x64xf32, #tpu.memory_space<vmem>> -> memref<1x128x64xf32, #tpu.memory_space<vmem>>
        %dma_wait3A_267 = tpu.memref_squeeze %dma_wait3A_266 : memref<1x128x64xf32, #tpu.memory_space<vmem>> -> memref<128x64xf32, #tpu.memory_space<vmem>>
        %dma_wait3A_268 = arith.constant 0 : i32
        %dma_wait3A_269 = tpu.memref_slice %arg8[%add3A_235, %dma_wait3A_268] : memref<80x128xi32, #tpu.memory_space<vmem>> -> memref<1x128xi32, #tpu.memory_space<vmem>>
        %dma_wait3A_270 = tpu.memref_squeeze %dma_wait3A_269 : memref<1x128xi32, #tpu.memory_space<vmem>> -> memref<128xi32, #tpu.memory_space<vmem>>
        %dma_wait3A_271 = arith.constant 0 : i32
        %dma_wait3A_272 = arith.constant 0 : i32
        %dma_wait3A_273 = tpu.memref_slice %arg10[%dma_wait3A_271, %dma_wait3A_272] : memref<10240x64xf32, #tpu.memory_space<vmem_shared>> -> memref<10240x64xf32, #tpu.memory_space<vmem_shared>>
        tpu.wait_indirect_dma semaphore(%run_scoped3A_253 : memref<!tpu.dma_semaphore, #tpu.memory_space<semaphore_mem>>) src(%dma_wait3A_267 : memref<128x64xf32, #tpu.memory_space<vmem>>) dst(%dma_wait3A_273 : memref<10240x64xf32, #tpu.memory_space<vmem_shared>>)
        tpu.yield
      }) : () -> ()
      %add3A_237 = arith.constant 7 : i32
      %add3A_238 = arith.addi %mul3A_23, %add3A_237 : i32
      %dma_wait3A_239 = arith.constant 7 : i32
      %dma_wait3A_240 = arith.constant 0 : i32
      %dma_wait3A_241 = arith.constant 0 : i32
      %dma_wait3A_242 = tpu.memref_slice %arg9[%dma_wait3A_239, %dma_wait3A_240, %dma_wait3A_241] : memref<8x128x64xf32, #tpu.memory_space<vmem>> -> memref<1x128x64xf32, #tpu.memory_space<vmem>>
      %dma_wait3A_243 = tpu.memref_squeeze %dma_wait3A_242 : memref<1x128x64xf32, #tpu.memory_space<vmem>> -> memref<128x64xf32, #tpu.memory_space<vmem>>
      %dma_wait3A_244 = arith.constant 0 : i32
      %dma_wait3A_245 = tpu.memref_slice %arg7[%add3A_238, %dma_wait3A_244] : memref<80x128xi32, #tpu.memory_space<vmem>> -> memref<1x128xi32, #tpu.memory_space<vmem>>
      %dma_wait3A_246 = tpu.memref_squeeze %dma_wait3A_245 : memref<1x128xi32, #tpu.memory_space<vmem>> -> memref<128xi32, #tpu.memory_space<vmem>>
      %dma_wait3A_247 = arith.constant 0 : i32
      %dma_wait3A_248 = arith.constant 0 : i32
      %dma_wait3A_249 = tpu.memref_slice %arg2[%dma_wait3A_247, %dma_wait3A_248] : memref<10240x64xf32, #tpu.memory_space<hbm>> -> memref<10240x64xf32, #tpu.memory_space<hbm>>
      tpu.wait_indirect_dma semaphore(%arg18 : memref<!tpu.dma_semaphore, #tpu.memory_space<semaphore_mem>>) src(%dma_wait3A_249 : memref<10240x64xf32, #tpu.memory_space<hbm>>) dst(%dma_wait3A_243 : memref<128x64xf32, #tpu.memory_space<vmem>>)
      %add3A_250 = arith.constant 7 : i32
      %add3A_251 = arith.addi %mul3A_23, %add3A_250 : i32
      %run_scoped3A_252 = arith.constant 7 : i32
      "tpu.region"() ({
        %run_scoped3A_253 = tpu.sem_alloc : memref<!tpu.dma_semaphore, #tpu.memory_space<semaphore_mem>>
        %dma_start3A_254 = arith.constant 0 : i32
        %dma_start3A_255 = arith.constant 0 : i32
        %dma_start3A_256 = tpu.memref_slice %arg9[%run_scoped3A_252, %dma_start3A_254, %dma_start3A_255] : memref<8x128x64xf32, #tpu.memory_space<vmem>> -> memref<1x128x64xf32, #tpu.memory_space<vmem>>
        %dma_start3A_257 = tpu.memref_squeeze %dma_start3A_256 : memref<1x128x64xf32, #tpu.memory_space<vmem>> -> memref<128x64xf32, #tpu.memory_space<vmem>>
        %dma_start3A_258 = arith.constant 0 : i32
        %dma_start3A_259 = tpu.memref_slice %arg8[%add3A_251, %dma_start3A_258] : memref<80x128xi32, #tpu.memory_space<vmem>> -> memref<1x128xi32, #tpu.memory_space<vmem>>
        %dma_start3A_260 = tpu.memref_squeeze %dma_start3A_259 : memref<1x128xi32, #tpu.memory_space<vmem>> -> memref<128xi32, #tpu.memory_space<vmem>>
        %dma_start3A_261 = arith.constant 0 : i32
        %dma_start3A_262 = arith.constant 0 : i32
        %dma_start3A_263 = tpu.memref_slice %arg10[%dma_start3A_261, %dma_start3A_262] : memref<10240x64xf32, #tpu.memory_space<vmem_shared>> -> memref<10240x64xf32, #tpu.memory_space<vmem_shared>>
        tpu.enqueue_indirect_dma source(%dma_start3A_257 : memref<128x64xf32, #tpu.memory_space<vmem>>) target(%dma_start3A_263 : memref<10240x64xf32, #tpu.memory_space<vmem_shared>>) offsets(%dma_start3A_260 : memref<128xi32, #tpu.memory_space<vmem>>) semaphore(%run_scoped3A_253 : memref<!tpu.dma_semaphore, #tpu.memory_space<semaphore_mem>>) {add = true}
        %dma_wait3A_264 = arith.constant 0 : i32
        %dma_wait3A_265 = arith.constant 0 : i32
        %dma_wait3A_266 = tpu.memref_slice %arg9[%run_scoped3A_252, %dma_wait3A_264, %dma_wait3A_265] : memref<8x128x64xf32, #tpu.memory_space<vmem>> -> memref<1x128x64xf32, #tpu.memory_space<vmem>>
        %dma_wait3A_267 = tpu.memref_squeeze %dma_wait3A_266 : memref<1x128x64xf32, #tpu.memory_space<vmem>> -> memref<128x64xf32, #tpu.memory_space<vmem>>
        %dma_wait3A_268 = arith.constant 0 : i32
        %dma_wait3A_269 = tpu.memref_slice %arg8[%add3A_251, %dma_wait3A_268] : memref<80x128xi32, #tpu.memory_space<vmem>> -> memref<1x128xi32, #tpu.memory_space<vmem>>
        %dma_wait3A_270 = tpu.memref_squeeze %dma_wait3A_269 : memref<1x128xi32, #tpu.memory_space<vmem>> -> memref<128xi32, #tpu.memory_space<vmem>>
        %dma_wait3A_271 = arith.constant 0 : i32
        %dma_wait3A_272 = arith.constant 0 : i32
        %dma_wait3A_273 = tpu.memref_slice %arg10[%dma_wait3A_271, %dma_wait3A_272] : memref<10240x64xf32, #tpu.memory_space<vmem_shared>> -> memref<10240x64xf32, #tpu.memory_space<vmem_shared>>
        tpu.wait_indirect_dma semaphore(%run_scoped3A_253 : memref<!tpu.dma_semaphore, #tpu.memory_space<semaphore_mem>>) src(%dma_wait3A_267 : memref<128x64xf32, #tpu.memory_space<vmem>>) dst(%dma_wait3A_273 : memref<10240x64xf32, #tpu.memory_space<vmem_shared>>)
        tpu.yield
      }) : () -> ()
    }
    %scan3A_12 = arith.constant 10 : i32
    %barrier3A_13 = arith.constant 0 : index
    tpu.barrier barrier_id(%barrier3A_13)
    %mul3A_14 = arith.constant 10240 : i32
    %mul3A_15 = arith.muli %arg0, %mul3A_14 : i32
    %add3A_16 = arith.addi %mul3A_15, %mul3A_2 : i32
    "tpu.region"() ({
      %run_scoped3A = tpu.sem_alloc : memref<!tpu.dma_semaphore, #tpu.memory_space<semaphore_mem>>
      %dma_start3A = arith.constant 0 : i32
      %dma_start3A_17 = tpu.memref_slice %arg6[%add3A_16, %dma_start3A] : memref<20480x64xf32, #tpu.memory_space<hbm>> -> memref<640x64xf32, #tpu.memory_space<hbm>>
      %dma_start3A_18 = arith.constant 0 : i32
      %dma_start3A_19 = tpu.memref_slice %arg10[%mul3A_2, %dma_start3A_18] : memref<10240x64xf32, #tpu.memory_space<vmem_shared>> -> memref<640x64xf32, #tpu.memory_space<vmem_shared>>
      tpu.enqueue_dma source(%dma_start3A_19 : memref<640x64xf32, #tpu.memory_space<vmem_shared>>) target(%dma_start3A_17 : memref<640x64xf32, #tpu.memory_space<hbm>>) target_semaphore(%run_scoped3A : memref<!tpu.dma_semaphore, #tpu.memory_space<semaphore_mem>>)
      %dma_wait3A = arith.constant 0 : i32
      %dma_wait3A_20 = tpu.memref_slice %arg6[%add3A_16, %dma_wait3A] : memref<20480x64xf32, #tpu.memory_space<hbm>> -> memref<640x64xf32, #tpu.memory_space<hbm>>
      %dma_wait3A_21 = arith.constant 0 : i32
      %dma_wait3A_22 = tpu.memref_slice %arg10[%mul3A_2, %dma_wait3A_21] : memref<10240x64xf32, #tpu.memory_space<vmem_shared>> -> memref<640x64xf32, #tpu.memory_space<vmem_shared>>
      tpu.wait_dma2 semaphore(%run_scoped3A : memref<!tpu.dma_semaphore, #tpu.memory_space<semaphore_mem>>) src(%dma_wait3A_22 : memref<640x64xf32, #tpu.memory_space<vmem_shared>>) dst(%dma_wait3A_20 : memref<640x64xf32, #tpu.memory_space<hbm>>)
      tpu.yield
    }) : () -> ()
    return
  }
}

module attributes {stable_mosaic.version = 14 : i64} {
  func.func @_prep_body(%arg0: i32, %arg1: memref<32x1280xf32, #tpu.memory_space<vmem>>, %arg2: memref<1280x128xf32, #tpu.memory_space<vmem>>, %arg3: memref<128x64xf32, #tpu.memory_space<vmem>>, %arg4: memref<1280x64xf32, #tpu.memory_space<vmem>>, %arg5: memref<1280x1xf32, #tpu.memory_space<vmem>>) attributes {dimension_semantics = [#tpu.dimension_semantics<arbitrary>], iteration_bounds = array<i64: 8>, scalar_prefetch = 0 : i64, scratch_operands = 0 : i64, tpu.core_type = #tpu.core_type<tc>, window_params = [{transform_indices = @transform_0, window_bounds = array<i64: 32, 1280>}, {transform_indices = @transform_1, window_bounds = array<i64: 1280, 128>}, {pipeline_mode = #tpu.pipeline_mode<synchronous>, transform_indices = @transform_2, window_bounds = array<i64: 128, 64>}, {transform_indices = @transform_3, window_bounds = array<i64: 1280, 64>}, {transform_indices = @transform_4, window_bounds = array<i64: 1280, 1>}]} {
    %get3A = arith.constant 0 : index
    %get3A_0 = arith.constant 0 : index
    %get3A_1 = vector.load %arg1[%get3A, %get3A_0] : memref<32x1280xf32, #tpu.memory_space<vmem>>, vector<32x1280xf32>
    %reduce_sum3A = arith.constant dense<0.000000e+00> : vector<1280xf32>
    %reduce_sum3A_2 = vector.multi_reduction <add>, %get3A_1, %reduce_sum3A [0] : vector<32x1280xf32> to vector<1280xf32>
    %add3A = arith.constant 1.000000e+00 : f32
    %add3A_3 = vector.broadcast %add3A : f32 to vector<1280xf32>
    %add3A_4 = arith.addf %reduce_sum3A_2, %add3A_3 : vector<1280xf32>
    %rsqrt3A = math.rsqrt %add3A_4 : vector<1280xf32>
    %broadcast_in_dim3A = vector.shape_cast %rsqrt3A : vector<1280xf32> to vector<1280x1xf32>
    %swap3A = arith.constant 0 : index
    %swap3A_5 = arith.constant 0 : index
    %swap3A_6 = vector.load %arg5[%swap3A, %swap3A_5] : memref<1280x1xf32, #tpu.memory_space<vmem>>, vector<1280x1xf32>
    tpu.vector_store %arg5[%swap3A, %swap3A_5], %broadcast_in_dim3A {strides = array<i32>} : memref<1280x1xf32, #tpu.memory_space<vmem>>, vector<1280x1xf32>,
    %get3A_7 = arith.constant 0 : index
    %get3A_8 = arith.constant 0 : index
    %get3A_9 = vector.load %arg2[%get3A_7, %get3A_8] : memref<1280x128xf32, #tpu.memory_space<vmem>>, vector<1280x128xf32>
    %get3A_10 = arith.constant 0 : index
    %get3A_11 = arith.constant 0 : index
    %get3A_12 = vector.load %arg3[%get3A_10, %get3A_11] : memref<128x64xf32, #tpu.memory_space<vmem>>, vector<128x64xf32>
    %dot_general3A = arith.constant dense<0.000000e+00> : vector<1280x64xf32>
    %dot_general3A_13 = tpu.matmul %get3A_9, %get3A_12, %dot_general3A {dimension_numbers = #tpu.dot_dimension_numbers<[1], [0], [0], [1], [0, 0, 1, 1], [], []>, transpose_lhs_hint = false} : vector<1280x128xf32>, vector<128x64xf32>, vector<1280x64xf32> -> vector<1280x64xf32>
    %mul3A = vector.broadcast %broadcast_in_dim3A : vector<1280x1xf32> to vector<1280x64xf32>
    %mul3A_14 = arith.mulf %dot_general3A_13, %mul3A : vector<1280x64xf32>
    %swap3A_15 = arith.constant 0 : index
    %swap3A_16 = arith.constant 0 : index
    %swap3A_17 = vector.load %arg4[%swap3A_15, %swap3A_16] : memref<1280x64xf32, #tpu.memory_space<vmem>>, vector<1280x64xf32>
    tpu.vector_store %arg4[%swap3A_15, %swap3A_16], %mul3A_14 {strides = array<i32>} : memref<1280x64xf32, #tpu.memory_space<vmem>>, vector<1280x64xf32>,
    return
  }
  func.func @transform_0(%arg0: i32) -> (i32, i32) {
    %c0_i32 = arith.constant 0 : i32
    %c0_i32_0 = arith.constant 0 : i32
    return %c0_i32, %arg0 : i32, i32
  }
  func.func @transform_1(%arg0: i32) -> (i32, i32) {
    %c0_i32 = arith.constant 0 : i32
    %c0_i32_0 = arith.constant 0 : i32
    return %arg0, %c0_i32 : i32, i32
  }
  func.func @transform_2(%arg0: i32) -> (i32, i32) {
    %c0_i32 = arith.constant 0 : i32
    %c0_i32_0 = arith.constant 0 : i32
    %c0_i32_1 = arith.constant 0 : i32
    return %c0_i32, %c0_i32_0 : i32, i32
  }
  func.func @transform_3(%arg0: i32) -> (i32, i32) {
    %c0_i32 = arith.constant 0 : i32
    %c0_i32_0 = arith.constant 0 : i32
    return %arg0, %c0_i32 : i32, i32
  }
  func.func @transform_4(%arg0: i32) -> (i32, i32) {
    %c0_i32 = arith.constant 0 : i32
    %c0_i32_0 = arith.constant 0 : i32
    return %arg0, %c0_i32 : i32, i32
  }
}

module attributes {stable_mosaic.version = 14 : i64} {
  func.func @_mid_body(%arg0: i32, %arg1: memref<2x1280x64xf32, #tpu.memory_space<vmem>>, %arg2: memref<1280x1xf32, #tpu.memory_space<vmem>>, %arg3: memref<1x64xf32, #tpu.memory_space<vmem>>, %arg4: memref<1x64xf32, #tpu.memory_space<vmem>>, %arg5: memref<1x64xf32, #tpu.memory_space<vmem>>, %arg6: memref<1x64xf32, #tpu.memory_space<vmem>>, %arg7: memref<1x64xf32, #tpu.memory_space<vmem>>, %arg8: memref<64x64xf32, #tpu.memory_space<vmem>>, %arg9: memref<1280x64xf32, #tpu.memory_space<vmem>>) attributes {dimension_semantics = [#tpu.dimension_semantics<arbitrary>], iteration_bounds = array<i64: 8>, scalar_prefetch = 0 : i64, scratch_operands = 0 : i64, tpu.core_type = #tpu.core_type<tc>, window_params = [{transform_indices = @transform_0, window_bounds = array<i64: 2, 1280, 64>}, {transform_indices = @transform_1, window_bounds = array<i64: 1280, 1>}, {pipeline_mode = #tpu.pipeline_mode<synchronous>, transform_indices = @transform_2, window_bounds = array<i64: 1, 64>}, {pipeline_mode = #tpu.pipeline_mode<synchronous>, transform_indices = @transform_3, window_bounds = array<i64: 1, 64>}, {pipeline_mode = #tpu.pipeline_mode<synchronous>, transform_indices = @transform_4, window_bounds = array<i64: 1, 64>}, {pipeline_mode = #tpu.pipeline_mode<synchronous>, transform_indices = @transform_5, window_bounds = array<i64: 1, 64>}, {pipeline_mode = #tpu.pipeline_mode<synchronous>, transform_indices = @transform_6, window_bounds = array<i64: 1, 64>}, {pipeline_mode = #tpu.pipeline_mode<synchronous>, transform_indices = @transform_7, window_bounds = array<i64: 64, 64>}, {transform_indices = @transform_8, window_bounds = array<i64: 1280, 64>}]} {
    %get3A = arith.constant 0 : index
    %get3A_0 = arith.constant 0 : index
    %get3A_1 = arith.constant 0 : index
    %get3A_2 = vector.load %arg1[%get3A, %get3A_0, %get3A_1] : memref<2x1280x64xf32, #tpu.memory_space<vmem>>, vector<1x1280x64xf32>
    %get3A_3 = vector.shape_cast %get3A_2 : vector<1x1280x64xf32> to vector<1280x64xf32>
    %get3A_4 = arith.constant 1 : index
    %get3A_5 = arith.constant 0 : index
    %get3A_6 = arith.constant 0 : index
    %get3A_7 = vector.load %arg1[%get3A_4, %get3A_5, %get3A_6] : memref<2x1280x64xf32, #tpu.memory_space<vmem>>, vector<1x1280x64xf32>
    %get3A_8 = vector.shape_cast %get3A_7 : vector<1x1280x64xf32> to vector<1280x64xf32>
    %add3A = arith.addf %get3A_3, %get3A_8 : vector<1280x64xf32>
    %get3A_9 = arith.constant 0 : index
    %get3A_10 = arith.constant 0 : index
    %get3A_11 = vector.load %arg2[%get3A_9, %get3A_10] : memref<1280x1xf32, #tpu.memory_space<vmem>>, vector<1280x1xf32>
    %get3A_12 = arith.constant 0 : index
    %get3A_13 = arith.constant 0 : index
    %get3A_14 = vector.load %arg3[%get3A_12, %get3A_13] : memref<1x64xf32, #tpu.memory_space<vmem>>, vector<1x64xf32>
    %get3A_15 = arith.constant 0 : index
    %get3A_16 = arith.constant 0 : index
    %get3A_17 = vector.load %arg4[%get3A_15, %get3A_16] : memref<1x64xf32, #tpu.memory_space<vmem>>, vector<1x64xf32>
    %get3A_18 = arith.constant 0 : index
    %get3A_19 = arith.constant 0 : index
    %get3A_20 = vector.load %arg5[%get3A_18, %get3A_19] : memref<1x64xf32, #tpu.memory_space<vmem>>, vector<1x64xf32>
    %get3A_21 = arith.constant 0 : index
    %get3A_22 = arith.constant 0 : index
    %get3A_23 = vector.load %arg6[%get3A_21, %get3A_22] : memref<1x64xf32, #tpu.memory_space<vmem>>, vector<1x64xf32>
    %get3A_24 = arith.constant 0 : index
    %get3A_25 = arith.constant 0 : index
    %get3A_26 = vector.load %arg7[%get3A_24, %get3A_25] : memref<1x64xf32, #tpu.memory_space<vmem>>, vector<1x64xf32>
    %mul3A = vector.broadcast %get3A_11 : vector<1280x1xf32> to vector<1280x64xf32>
    %mul3A_27 = arith.mulf %mul3A, %add3A : vector<1280x64xf32>
    %add3A_28 = vector.broadcast %get3A_14 : vector<1x64xf32> to vector<1280x64xf32>
    %add3A_29 = arith.addf %mul3A_27, %add3A_28 : vector<1280x64xf32>
    %sub3A = vector.broadcast %get3A_23 : vector<1x64xf32> to vector<1280x64xf32>
    %sub3A_30 = arith.subf %add3A_29, %sub3A : vector<1280x64xf32>
    %mul3A_31 = vector.broadcast %get3A_17 : vector<1x64xf32> to vector<1280x64xf32>
    %mul3A_32 = arith.mulf %mul3A_31, %sub3A_30 : vector<1280x64xf32>
    %add3A_33 = arith.constant 9.99999974E-6 : f32
    %add3A_34 = vector.broadcast %add3A_33 : f32 to vector<1x64xf32>
    %add3A_35 = arith.addf %get3A_26, %add3A_34 : vector<1x64xf32>
    %rsqrt3A = math.rsqrt %add3A_35 : vector<1x64xf32>
    %mul3A_36 = vector.broadcast %rsqrt3A : vector<1x64xf32> to vector<1280x64xf32>
    %mul3A_37 = arith.mulf %mul3A_32, %mul3A_36 : vector<1280x64xf32>
    %add3A_38 = vector.broadcast %get3A_20 : vector<1x64xf32> to vector<1280x64xf32>
    %add3A_39 = arith.addf %mul3A_37, %add3A_38 : vector<1280x64xf32>
    %max3A = arith.constant 0.000000e+00 : f32
    %max3A_40 = vector.broadcast %max3A : f32 to vector<1280x64xf32>
    %max3A_41 = arith.maximumf %add3A_39, %max3A_40 : vector<1280x64xf32>
    %get3A_42 = arith.constant 0 : index
    %get3A_43 = arith.constant 0 : index
    %get3A_44 = vector.load %arg8[%get3A_42, %get3A_43] : memref<64x64xf32, #tpu.memory_space<vmem>>, vector<64x64xf32>
    %dot_general3A = arith.constant dense<0.000000e+00> : vector<1280x64xf32>
    %dot_general3A_45 = tpu.matmul %max3A_41, %get3A_44, %dot_general3A {dimension_numbers = #tpu.dot_dimension_numbers<[1], [0], [0], [1], [0, 0, 1, 1], [], []>, transpose_lhs_hint = false} : vector<1280x64xf32>, vector<64x64xf32>, vector<1280x64xf32> -> vector<1280x64xf32>
    %mul3A_46 = vector.broadcast %get3A_11 : vector<1280x1xf32> to vector<1280x64xf32>
    %mul3A_47 = arith.mulf %dot_general3A_45, %mul3A_46 : vector<1280x64xf32>
    %swap3A = arith.constant 0 : index
    %swap3A_48 = arith.constant 0 : index
    %swap3A_49 = vector.load %arg9[%swap3A, %swap3A_48] : memref<1280x64xf32, #tpu.memory_space<vmem>>, vector<1280x64xf32>
    tpu.vector_store %arg9[%swap3A, %swap3A_48], %mul3A_47 {strides = array<i32>} : memref<1280x64xf32, #tpu.memory_space<vmem>>, vector<1280x64xf32>,
    return
  }
  func.func @transform_0(%arg0: i32) -> (i32, i32, i32) {
    %c0_i32 = arith.constant 0 : i32
    %c0_i32_0 = arith.constant 0 : i32
    %c0_i32_1 = arith.constant 0 : i32
    return %c0_i32, %arg0, %c0_i32_0 : i32, i32, i32
  }
  func.func @transform_1(%arg0: i32) -> (i32, i32) {
    %c0_i32 = arith.constant 0 : i32
    %c0_i32_0 = arith.constant 0 : i32
    return %arg0, %c0_i32 : i32, i32
  }
  func.func @transform_2(%arg0: i32) -> (i32, i32) {
    %c0_i32 = arith.constant 0 : i32
    %c0_i32_0 = arith.constant 0 : i32
    %c0_i32_1 = arith.constant 0 : i32
    return %c0_i32, %c0_i32_0 : i32, i32
  }
  func.func @transform_3(%arg0: i32) -> (i32, i32) {
    %c0_i32 = arith.constant 0 : i32
    %c0_i32_0 = arith.constant 0 : i32
    %c0_i32_1 = arith.constant 0 : i32
    return %c0_i32, %c0_i32_0 : i32, i32
  }
  func.func @transform_4(%arg0: i32) -> (i32, i32) {
    %c0_i32 = arith.constant 0 : i32
    %c0_i32_0 = arith.constant 0 : i32
    %c0_i32_1 = arith.constant 0 : i32
    return %c0_i32, %c0_i32_0 : i32, i32
  }
  func.func @transform_5(%arg0: i32) -> (i32, i32) {
    %c0_i32 = arith.constant 0 : i32
    %c0_i32_0 = arith.constant 0 : i32
    %c0_i32_1 = arith.constant 0 : i32
    return %c0_i32, %c0_i32_0 : i32, i32
  }
  func.func @transform_6(%arg0: i32) -> (i32, i32) {
    %c0_i32 = arith.constant 0 : i32
    %c0_i32_0 = arith.constant 0 : i32
    %c0_i32_1 = arith.constant 0 : i32
    return %c0_i32, %c0_i32_0 : i32, i32
  }
  func.func @transform_7(%arg0: i32) -> (i32, i32) {
    %c0_i32 = arith.constant 0 : i32
    %c0_i32_0 = arith.constant 0 : i32
    %c0_i32_1 = arith.constant 0 : i32
    return %c0_i32, %c0_i32_0 : i32, i32
  }
  func.func @transform_8(%arg0: i32) -> (i32, i32) {
    %c0_i32 = arith.constant 0 : i32
    %c0_i32_0 = arith.constant 0 : i32
    return %arg0, %c0_i32 : i32, i32
  }
}

module attributes {stable_mosaic.version = 14 : i64} {
  func.func @_final_body(%arg0: i32, %arg1: memref<2x1280x64xf32, #tpu.memory_space<vmem>>, %arg2: memref<1280x1xf32, #tpu.memory_space<vmem>>, %arg3: memref<1x64xf32, #tpu.memory_space<vmem>>, %arg4: memref<1x64xf32, #tpu.memory_space<vmem>>, %arg5: memref<1x64xf32, #tpu.memory_space<vmem>>, %arg6: memref<1x64xf32, #tpu.memory_space<vmem>>, %arg7: memref<1x64xf32, #tpu.memory_space<vmem>>, %arg8: memref<1280x1xi32, #tpu.memory_space<vmem>>, %arg9: memref<64x64xf32, #tpu.memory_space<vmem>>, %arg10: memref<1x64xf32, #tpu.memory_space<vmem>>, %arg11: memref<64x10xf32, #tpu.memory_space<vmem>>, %arg12: memref<1x10xf32, #tpu.memory_space<vmem>>, %arg13: memref<128x10xf32, #tpu.memory_space<vmem>>, %arg14: memref<128x65xf32, #tpu.memory_space<vmem>>) attributes {dimension_semantics = [#tpu.dimension_semantics<arbitrary>], iteration_bounds = array<i64: 8>, scalar_prefetch = 0 : i64, scratch_operands = 1 : i64, tpu.core_type = #tpu.core_type<tc>, window_params = [{transform_indices = @transform_0, window_bounds = array<i64: 2, 1280, 64>}, {transform_indices = @transform_1, window_bounds = array<i64: 1280, 1>}, {pipeline_mode = #tpu.pipeline_mode<synchronous>, transform_indices = @transform_2, window_bounds = array<i64: 1, 64>}, {pipeline_mode = #tpu.pipeline_mode<synchronous>, transform_indices = @transform_3, window_bounds = array<i64: 1, 64>}, {pipeline_mode = #tpu.pipeline_mode<synchronous>, transform_indices = @transform_4, window_bounds = array<i64: 1, 64>}, {pipeline_mode = #tpu.pipeline_mode<synchronous>, transform_indices = @transform_5, window_bounds = array<i64: 1, 64>}, {pipeline_mode = #tpu.pipeline_mode<synchronous>, transform_indices = @transform_6, window_bounds = array<i64: 1, 64>}, {transform_indices = @transform_7, window_bounds = array<i64: 1280, 1>}, {pipeline_mode = #tpu.pipeline_mode<synchronous>, transform_indices = @transform_8, window_bounds = array<i64: 64, 64>}, {pipeline_mode = #tpu.pipeline_mode<synchronous>, transform_indices = @transform_9, window_bounds = array<i64: 1, 64>}, {pipeline_mode = #tpu.pipeline_mode<synchronous>, transform_indices = @transform_10, window_bounds = array<i64: 64, 10>}, {pipeline_mode = #tpu.pipeline_mode<synchronous>, transform_indices = @transform_11, window_bounds = array<i64: 1, 10>}, {pipeline_mode = #tpu.pipeline_mode<synchronous>, transform_indices = @transform_12, window_bounds = array<i64: 128, 10>}]} {
    %eq3A = arith.constant 0 : i32
    %eq3A_0 = arith.cmpi eq, %arg0, %eq3A : i32
    %convert_element_type3A = arith.extui %eq3A_0 : i1 to i32
    %cond3A = arith.constant 0 : i32
    %cond3A_1 = arith.cmpi ne, %convert_element_type3A, %cond3A : i32
    scf.if %cond3A_1 {
      %broadcast_in_dim3A_65 = arith.constant 0.000000e+00 : f32
      %broadcast_in_dim3A_66 = vector.broadcast %broadcast_in_dim3A_65 : f32 to vector<128x65xf32>
      %swap3A_67 = arith.constant 0 : index
      %swap3A_68 = arith.constant 0 : index
      %swap3A_69 = vector.load %arg14[%swap3A_67, %swap3A_68] : memref<128x65xf32, #tpu.memory_space<vmem>>, vector<128x65xf32>
      tpu.vector_store %arg14[%swap3A_67, %swap3A_68], %broadcast_in_dim3A_66 {strides = array<i32>} : memref<128x65xf32, #tpu.memory_space<vmem>>, vector<128x65xf32>,
    } else {
    }
    %get3A = arith.constant 0 : index
    %get3A_2 = arith.constant 0 : index
    %get3A_3 = arith.constant 0 : index
    %get3A_4 = vector.load %arg1[%get3A, %get3A_2, %get3A_3] : memref<2x1280x64xf32, #tpu.memory_space<vmem>>, vector<1x1280x64xf32>
    %get3A_5 = vector.shape_cast %get3A_4 : vector<1x1280x64xf32> to vector<1280x64xf32>
    %get3A_6 = arith.constant 1 : index
    %get3A_7 = arith.constant 0 : index
    %get3A_8 = arith.constant 0 : index
    %get3A_9 = vector.load %arg1[%get3A_6, %get3A_7, %get3A_8] : memref<2x1280x64xf32, #tpu.memory_space<vmem>>, vector<1x1280x64xf32>
    %get3A_10 = vector.shape_cast %get3A_9 : vector<1x1280x64xf32> to vector<1280x64xf32>
    %add3A = arith.addf %get3A_5, %get3A_10 : vector<1280x64xf32>
    %get3A_11 = arith.constant 0 : index
    %get3A_12 = arith.constant 0 : index
    %get3A_13 = vector.load %arg2[%get3A_11, %get3A_12] : memref<1280x1xf32, #tpu.memory_space<vmem>>, vector<1280x1xf32>
    %get3A_14 = arith.constant 0 : index
    %get3A_15 = arith.constant 0 : index
    %get3A_16 = vector.load %arg3[%get3A_14, %get3A_15] : memref<1x64xf32, #tpu.memory_space<vmem>>, vector<1x64xf32>
    %get3A_17 = arith.constant 0 : index
    %get3A_18 = arith.constant 0 : index
    %get3A_19 = vector.load %arg4[%get3A_17, %get3A_18] : memref<1x64xf32, #tpu.memory_space<vmem>>, vector<1x64xf32>
    %get3A_20 = arith.constant 0 : index
    %get3A_21 = arith.constant 0 : index
    %get3A_22 = vector.load %arg5[%get3A_20, %get3A_21] : memref<1x64xf32, #tpu.memory_space<vmem>>, vector<1x64xf32>
    %get3A_23 = arith.constant 0 : index
    %get3A_24 = arith.constant 0 : index
    %get3A_25 = vector.load %arg6[%get3A_23, %get3A_24] : memref<1x64xf32, #tpu.memory_space<vmem>>, vector<1x64xf32>
    %get3A_26 = arith.constant 0 : index
    %get3A_27 = arith.constant 0 : index
    %get3A_28 = vector.load %arg7[%get3A_26, %get3A_27] : memref<1x64xf32, #tpu.memory_space<vmem>>, vector<1x64xf32>
    %mul3A = vector.broadcast %get3A_13 : vector<1280x1xf32> to vector<1280x64xf32>
    %mul3A_29 = arith.mulf %mul3A, %add3A : vector<1280x64xf32>
    %add3A_30 = vector.broadcast %get3A_16 : vector<1x64xf32> to vector<1280x64xf32>
    %add3A_31 = arith.addf %mul3A_29, %add3A_30 : vector<1280x64xf32>
    %sub3A = vector.broadcast %get3A_25 : vector<1x64xf32> to vector<1280x64xf32>
    %sub3A_32 = arith.subf %add3A_31, %sub3A : vector<1280x64xf32>
    %mul3A_33 = vector.broadcast %get3A_19 : vector<1x64xf32> to vector<1280x64xf32>
    %mul3A_34 = arith.mulf %mul3A_33, %sub3A_32 : vector<1280x64xf32>
    %add3A_35 = arith.constant 9.99999974E-6 : f32
    %add3A_36 = vector.broadcast %add3A_35 : f32 to vector<1x64xf32>
    %add3A_37 = arith.addf %get3A_28, %add3A_36 : vector<1x64xf32>
    %rsqrt3A = math.rsqrt %add3A_37 : vector<1x64xf32>
    %mul3A_38 = vector.broadcast %rsqrt3A : vector<1x64xf32> to vector<1280x64xf32>
    %mul3A_39 = arith.mulf %mul3A_34, %mul3A_38 : vector<1280x64xf32>
    %add3A_40 = vector.broadcast %get3A_22 : vector<1x64xf32> to vector<1280x64xf32>
    %add3A_41 = arith.addf %mul3A_39, %add3A_40 : vector<1280x64xf32>
    %max3A = arith.constant 0.000000e+00 : f32
    %max3A_42 = vector.broadcast %max3A : f32 to vector<1280x64xf32>
    %max3A_43 = arith.maximumf %add3A_41, %max3A_42 : vector<1280x64xf32>
    %iota3A = tpu.iota {dimensions = array<i32: 1>} : vector<1x128xi32>
    %get3A_44 = arith.constant 0 : index
    %get3A_45 = arith.constant 0 : index
    %get3A_46 = vector.load %arg8[%get3A_44, %get3A_45] : memref<1280x1xi32, #tpu.memory_space<vmem>>, vector<1280x1xi32>
    %eq3A_47 = vector.broadcast %get3A_46 : vector<1280x1xi32> to vector<1280x128xi32>
    %eq3A_48 = vector.broadcast %iota3A : vector<1x128xi32> to vector<1280x128xi32>
    %eq3A_49 = arith.cmpi eq, %eq3A_47, %eq3A_48 : vector<1280x128xi32>
    %convert_element_type3A_50 = arith.extui %eq3A_49 : vector<1280x128xi1> to vector<1280x128xi32>
    %convert_element_type3A_51 = arith.sitofp %convert_element_type3A_50 : vector<1280x128xi32> to vector<1280x128xf32>
    %broadcast_in_dim3A = arith.constant 1.000000e+00 : f32
    %broadcast_in_dim3A_52 = vector.broadcast %broadcast_in_dim3A : f32 to vector<1280x1xf32>
    %concatenate3A = tpu.concatenate %max3A_43, %broadcast_in_dim3A_52 in 1 : vector<1280x64xf32>, vector<1280x1xf32> -> vector<1280x65xf32>
    %get3A_53 = arith.constant 0 : index
    %get3A_54 = arith.constant 0 : index
    %get3A_55 = vector.load %arg14[%get3A_53, %get3A_54] : memref<128x65xf32, #tpu.memory_space<vmem>>, vector<128x65xf32>
    %dot_general3A = arith.constant dense<0.000000e+00> : vector<128x65xf32>
    %dot_general3A_56 = tpu.matmul %convert_element_type3A_51, %concatenate3A, %dot_general3A {dimension_numbers = #tpu.dot_dimension_numbers<[0], [0], [1], [1], [0, 1, 1, 1], [], []>, transpose_lhs_hint = false} : vector<1280x128xf32>, vector<1280x65xf32>, vector<128x65xf32> -> vector<128x65xf32>
    %add3A_57 = arith.addf %get3A_55, %dot_general3A_56 : vector<128x65xf32>
    %swap3A = arith.constant 0 : index
    %swap3A_58 = arith.constant 0 : index
    %swap3A_59 = vector.load %arg14[%swap3A, %swap3A_58] : memref<128x65xf32, #tpu.memory_space<vmem>>, vector<128x65xf32>
    tpu.vector_store %arg14[%swap3A, %swap3A_58], %add3A_57 {strides = array<i32>} : memref<128x65xf32, #tpu.memory_space<vmem>>, vector<128x65xf32>,
    %eq3A_60 = arith.constant 7 : i32
    %eq3A_61 = arith.cmpi eq, %arg0, %eq3A_60 : i32
    %convert_element_type3A_62 = arith.extui %eq3A_61 : i1 to i32
    %cond3A_63 = arith.constant 0 : i32
    %cond3A_64 = arith.cmpi ne, %convert_element_type3A_62, %cond3A_63 : i32
    scf.if %cond3A_64 {
      %get3A_65 = arith.constant 0 : index
      %get3A_66 = arith.constant 0 : index
      %get3A_67 = vector.load %arg14[%get3A_65, %get3A_66] : memref<128x65xf32, #tpu.memory_space<vmem>>, vector<128x65xf32>
      %slice3A = vector.extract_strided_slice %get3A_67 {offsets = [0, 64], sizes = [128, 1], strides = [1, 1]} : vector<128x65xf32> to vector<128x1xf32>
      %max3A_68 = arith.constant 1.000000e+00 : f32
      %max3A_69 = vector.broadcast %max3A_68 : f32 to vector<128x1xf32>
      %max3A_70 = arith.maximumf %slice3A, %max3A_69 : vector<128x1xf32>
      %slice3A_71 = vector.extract_strided_slice %get3A_67 {offsets = [0, 0], sizes = [128, 64], strides = [1, 1]} : vector<128x65xf32> to vector<128x64xf32>
      %div3A = vector.broadcast %max3A_70 : vector<128x1xf32> to vector<128x64xf32>
      %div3A_72 = arith.divf %slice3A_71, %div3A : vector<128x64xf32>
      %get3A_73 = arith.constant 0 : index
      %get3A_74 = arith.constant 0 : index
      %get3A_75 = vector.load %arg9[%get3A_73, %get3A_74] : memref<64x64xf32, #tpu.memory_space<vmem>>, vector<64x64xf32>
      %dot_general3A_76 = arith.constant dense<0.000000e+00> : vector<128x64xf32>
      %dot_general3A_77 = tpu.matmul %div3A_72, %get3A_75, %dot_general3A_76 {dimension_numbers = #tpu.dot_dimension_numbers<[1], [0], [0], [1], [0, 0, 1, 1], [], []>, transpose_lhs_hint = false} : vector<128x64xf32>, vector<64x64xf32>, vector<128x64xf32> -> vector<128x64xf32>
      %get3A_78 = arith.constant 0 : index
      %get3A_79 = arith.constant 0 : index
      %get3A_80 = vector.load %arg10[%get3A_78, %get3A_79] : memref<1x64xf32, #tpu.memory_space<vmem>>, vector<1x64xf32>
      %add3A_81 = vector.broadcast %get3A_80 : vector<1x64xf32> to vector<128x64xf32>
      %add3A_82 = arith.addf %dot_general3A_77, %add3A_81 : vector<128x64xf32>
      %max3A_83 = arith.constant 0.000000e+00 : f32
      %max3A_84 = vector.broadcast %max3A_83 : f32 to vector<128x64xf32>
      %max3A_85 = arith.maximumf %add3A_82, %max3A_84 : vector<128x64xf32>
      %get3A_86 = arith.constant 0 : index
      %get3A_87 = arith.constant 0 : index
      %get3A_88 = vector.load %arg11[%get3A_86, %get3A_87] : memref<64x10xf32, #tpu.memory_space<vmem>>, vector<64x10xf32>
      %dot_general3A_89 = arith.constant dense<0.000000e+00> : vector<128x10xf32>
      %dot_general3A_90 = tpu.matmul %max3A_85, %get3A_88, %dot_general3A_89 {dimension_numbers = #tpu.dot_dimension_numbers<[1], [0], [0], [1], [0, 0, 1, 1], [], []>, transpose_lhs_hint = false} : vector<128x64xf32>, vector<64x10xf32>, vector<128x10xf32> -> vector<128x10xf32>
      %get3A_91 = arith.constant 0 : index
      %get3A_92 = arith.constant 0 : index
      %get3A_93 = vector.load %arg12[%get3A_91, %get3A_92] : memref<1x10xf32, #tpu.memory_space<vmem>>, vector<1x10xf32>
      %add3A_94 = vector.broadcast %get3A_93 : vector<1x10xf32> to vector<128x10xf32>
      %add3A_95 = arith.addf %dot_general3A_90, %add3A_94 : vector<128x10xf32>
      %swap3A_96 = arith.constant 0 : index
      %swap3A_97 = arith.constant 0 : index
      %swap3A_98 = vector.load %arg13[%swap3A_96, %swap3A_97] : memref<128x10xf32, #tpu.memory_space<vmem>>, vector<128x10xf32>
      tpu.vector_store %arg13[%swap3A_96, %swap3A_97], %add3A_95 {strides = array<i32>} : memref<128x10xf32, #tpu.memory_space<vmem>>, vector<128x10xf32>,
    } else {
    }
    return
  }
  func.func @transform_0(%arg0: i32) -> (i32, i32, i32) {
    %c0_i32 = arith.constant 0 : i32
    %c0_i32_0 = arith.constant 0 : i32
    %c0_i32_1 = arith.constant 0 : i32
    return %c0_i32, %arg0, %c0_i32_0 : i32, i32, i32
  }
  func.func @transform_1(%arg0: i32) -> (i32, i32) {
    %c0_i32 = arith.constant 0 : i32
    %c0_i32_0 = arith.constant 0 : i32
    return %arg0, %c0_i32 : i32, i32
  }
  func.func @transform_2(%arg0: i32) -> (i32, i32) {
    %c0_i32 = arith.constant 0 : i32
    %c0_i32_0 = arith.constant 0 : i32
    %c0_i32_1 = arith.constant 0 : i32
    return %c0_i32, %c0_i32_0 : i32, i32
  }
  func.func @transform_3(%arg0: i32) -> (i32, i32) {
    %c0_i32 = arith.constant 0 : i32
    %c0_i32_0 = arith.constant 0 : i32
    %c0_i32_1 = arith.constant 0 : i32
    return %c0_i32, %c0_i32_0 : i32, i32
  }
  func.func @transform_4(%arg0: i32) -> (i32, i32) {
    %c0_i32 = arith.constant 0 : i32
    %c0_i32_0 = arith.constant 0 : i32
    %c0_i32_1 = arith.constant 0 : i32
    return %c0_i32, %c0_i32_0 : i32, i32
  }
  func.func @transform_5(%arg0: i32) -> (i32, i32) {
    %c0_i32 = arith.constant 0 : i32
    %c0_i32_0 = arith.constant 0 : i32
    %c0_i32_1 = arith.constant 0 : i32
    return %c0_i32, %c0_i32_0 : i32, i32
  }
  func.func @transform_6(%arg0: i32) -> (i32, i32) {
    %c0_i32 = arith.constant 0 : i32
    %c0_i32_0 = arith.constant 0 : i32
    %c0_i32_1 = arith.constant 0 : i32
    return %c0_i32, %c0_i32_0 : i32, i32
  }
  func.func @transform_7(%arg0: i32) -> (i32, i32) {
    %c0_i32 = arith.constant 0 : i32
    %c0_i32_0 = arith.constant 0 : i32
    return %arg0, %c0_i32 : i32, i32
  }
  func.func @transform_8(%arg0: i32) -> (i32, i32) {
    %c0_i32 = arith.constant 0 : i32
    %c0_i32_0 = arith.constant 0 : i32
    %c0_i32_1 = arith.constant 0 : i32
    return %c0_i32, %c0_i32_0 : i32, i32
  }
  func.func @transform_9(%arg0: i32) -> (i32, i32) {
    %c0_i32 = arith.constant 0 : i32
    %c0_i32_0 = arith.constant 0 : i32
    %c0_i32_1 = arith.constant 0 : i32
    return %c0_i32, %c0_i32_0 : i32, i32
  }
  func.func @transform_10(%arg0: i32) -> (i32, i32) {
    %c0_i32 = arith.constant 0 : i32
    %c0_i32_0 = arith.constant 0 : i32
    %c0_i32_1 = arith.constant 0 : i32
    return %c0_i32, %c0_i32_0 : i32, i32
  }
  func.func @transform_11(%arg0: i32) -> (i32, i32) {
    %c0_i32 = arith.constant 0 : i32
    %c0_i32_0 = arith.constant 0 : i32
    %c0_i32_1 = arith.constant 0 : i32
    return %c0_i32, %c0_i32_0 : i32, i32
  }
  func.func @transform_12(%arg0: i32) -> (i32, i32) {
    %c0_i32 = arith.constant 0 : i32
    %c0_i32_0 = arith.constant 0 : i32
    %c0_i32_1 = arith.constant 0 : i32
    return %c0_i32, %c0_i32_0 : i32, i32
  }
}

</mosaic_0001>

<sc_bundles>
// kernel: kernel.10.cloned.1.call-start
scs
__scs_entry_jumppad:
0x0: {  	(pc) =	sbr.rel $0x88, $3  }
0x1: {  	(tag) =	ssettag $0x0;
	lr =	simm.s32 $0x1  }
0x2: {  	[smem:$0x3F88] =	sst lr;
	_ =	strace $0xD0000000  }
0x3: {  	_ = 	snop  }
0x4: {  	_ = 	snop  }
0x5: {  	_ = 	snop  }
0x6: {  	_ = 	snop  }
0x7: {  	_ = 	snop  }
__scs_overlays_trampoline_lowered:
0x8: {  	[smem:$0x3F97] =	sst s0  }
0x9: {  	[smem:$0x3F98] =	sst s1  }
0xa: {  	[smem:$0x3F99] =	sst s2  }
0xb: {  	[smem:$0x3F9A] =	sst s3  }
0xc: {  	[smem:$0x3F9B] =	sst s4  }
0xd: {  	[smem:$0x3F9C] =	sst s5  }
0xe: {  	[smem:$0x3F9D] =	sst s6  }
0xf: {  	[smem:$0x3F9E] =	sst s7  }
0x10: {  	[smem:$0x3F9F] =	sst s8  }
0x11: {  	[smem:$0x3FA0] =	sst s9;
	s0 =	simm.s32 @!p0 $0x0  }
0x12: {  	s1 =	sld [smem:$0x3F86];
	s0 =	simm.s32 @p0 $0x1  }
0x13: {  	[smem:$0x3FA1] =	sst s0;
	s0 =	simm.s32 @!p1 $0x0  }
0x14: {  	s2 =	sld [smem:$0x3F85];
	s0 =	simm.s32 @p1 $0x1  }
0x15: {  	[smem:$0x3FA2] =	sst s0;
	s0 =	simm.s32 @!p2 $0x0  }
0x16: {  	s3 =	sld [smem:$0x3FDB];
	s0 =	simm.s32 @p2 $0x1  }
0x17: {  	s4 =	simm.s32 $0x1BF5;
	[smem:$0x3FA4] =	sst s0  }
0x18: {  	s0 =	sld [smem:$0x3F87];
	_ =	swait.ge [sflag:s4], $0x0  }
0x19: {  	s7 =	sld [smem:$0x3F88]  }
0x1a: {  	s8 =	sadd.s32 $0xFFFFE003, lr  }
0x1b: {  	s9 =	sadd.s32 $0xFFFFFEF7, lr;
	s5 =	simm.s32 $0xFFFFFFFF;
	p2 =	slt.u32 s8, $0xFFFFF086  }
0x1c: {  	p1 =	slt.u32 s9, $0xF7A;
	s5 =	simm.s32 @!p2 $0x0  }
0x1d: {  	s5 =	simm.s32 @p1 $0x1;
	p0 =	seq.s32 s7, s2  }
0x1e: {  	s7 =	smul.u32 @!p0 $0xF7A, s2;
	p2 =	seq.s32 @!p0 s5, $0x0  }
0x1f: {  	s9 =	smul.u32 $0xF7A, s1;
	s8 =	simm.s32 @!p0 $0x1BF5;
	p2 =	por !p2, p0  }
0x20: {  	[sflag:s8] =	ssyncset.s32 @!p0 $0xFFFFF086;
	s6 =	sadd.s32 @!p0 s3, s7;
	s7 =	simm.s32 @!p0 $0x108  }
0x21: {  	s3 =	sadd.s32 s3, s9;
	s6 =	sadd.s32 @!p0 $0x88, s6;
	s7 =	simm.s32 @p2 $0x1082  }
0x22: {  	[simem:s7], [sflag:s8] =	dma.local @!p0 [hbm:s6], $0xF7A  }
0x23: {  	s9 =	sor.u32 $0xD0000000, s2;
	s6 =	simm.s32 $0x108;
	_ =	swait.ge @!p0 [sflag:s8], $0x0  }
0x24: {  	s3 =	sadd.s32 $0x88, s3;
	s6 =	simm.s32 @!p1 $0x1082;
	[sflag:s4] =	ssyncset.s32 $0xFFFFF086  }
0x25: {  	[simem:s6], [sflag:s4] =	dma.local [hbm:s3], $0xF7A  }
0x26: {  	[smem:$0x3F88] =	sst s1;
	(tag) =	ssettag s2;
	_ =	strace s9  }
0x27: {  	s1 =	sld [smem:$0x3F98]  }
0x28: {  	s2 =	sld [smem:$0x3F99]  }
0x29: {  	s4 =	sld [smem:$0x3F9B]  }
0x2a: {  	p0 =	seq.s32 s5, $0x0;
	s5 =	sld [smem:$0x3F9C]  }
0x2b: {  	s6 =	sld [smem:$0x3F9D]  }
0x2c: {  	s7 =	sld [smem:$0x3F9E]  }
0x2d: {  	s3 =	simm.s32 $0x108;
	s8 =	sld [smem:$0x3F9F]  }
0x2e: {  	s3 =	simm.s32 @!p0 $0x1082;
	s9 =	sld [smem:$0x3FA0]  }
0x2f: {  	lr =	sadd.s32 s0, s3;
	s0 =	sld [smem:$0x3F97]  }
0x30: {  	s3 =	sld [smem:$0x3F9A]  }
0x31: {  	[smem:$0x3FA3] =	sst s10  }
0x32: {  	s10 =	sld [smem:$0x3FA1];
	_ =	sdelay $0x3  }
0x33: {  	p0 =	seq.s32 s10, $0x1;
	s10 =	sld [smem:$0x3FA3];
	_ =	sdelay $0x3  }
0x34: {  	[smem:$0x3FA3] =	sst s10  }
0x35: {  	s10 =	sld [smem:$0x3FA2];
	_ =	sdelay $0x3  }
0x36: {  	p1 =	seq.s32 s10, $0x1;
	s10 =	sld [smem:$0x3FA3];
	_ =	sdelay $0x3  }
0x37: {  	[smem:$0x3FA3] =	sst s10  }
0x38: {  	s10 =	sld [smem:$0x3FA4]  }
0x39: {  	_ = 	snop;
	(pc) =	sbr.ind lr, $3  }
0x3a: {  	_ = 	snop  }
0x3b: {  	_ = 	snop  }
0x3c: {  	p2 =	seq.s32 s10, $0x1;
	s10 =	sld [smem:$0x3FA3]  }
0x3d: {  	_ =	shalt  }
0x3e: {  	_ =	shalt  }
0x3f: {  	_ =	shalt  }
0x40: {  	_ =	shalt  }
0x41: {  	_ =	shalt  }
0x42: {  	_ =	shalt  }
0x43: {  	_ =	shalt  }
0x44: {  	_ =	shalt  }
0x45: {  	_ =	shalt  }
0x46: {  	_ =	shalt  }
0x47: {  	_ =	shalt  }
0x48: {  	_ =	shalt  }
0x49: {  	_ =	shalt  }
0x4a: {  	_ =	shalt  }
0x4b: {  	_ =	shalt  }
0x4c: {  	_ =	shalt  }
0x4d: {  	_ =	shalt  }
0x4e: {  	_ =	shalt  }
0x4f: {  	_ =	shalt  }
0x50: {  	_ =	shalt  }
0x51: {  	_ =	shalt  }
0x52: {  	_ =	shalt  }
0x53: {  	_ =	shalt  }
0x54: {  	_ =	shalt  }
0x55: {  	_ =	shalt  }
0x56: {  	_ =	shalt  }
0x57: {  	_ =	shalt  }
0x58: {  	_ =	shalt  }
0x59: {  	_ =	shalt  }
0x5a: {  	_ =	shalt  }
0x5b: {  	_ =	shalt  }
0x5c: {  	_ =	shalt  }
0x5d: {  	_ =	shalt  }
0x5e: {  	_ =	shalt  }
0x5f: {  	_ =	shalt  }
0x60: {  	_ =	shalt  }
0x61: {  	_ =	shalt  }
0x62: {  	_ =	shalt  }
0x63: {  	_ =	shalt  }
0x64: {  	_ =	shalt  }
0x65: {  	_ =	shalt  }
0x66: {  	_ =	shalt  }
0x67: {  	_ =	shalt  }
0x68: {  	_ =	shalt  }
0x69: {  	_ =	shalt  }
0x6a: {  	_ =	shalt  }
0x6b: {  	_ =	shalt  }
0x6c: {  	_ =	shalt  }
0x6d: {  	_ =	shalt  }
0x6e: {  	_ =	shalt  }
0x6f: {  	_ =	shalt  }
0x70: {  	_ =	shalt  }
0x71: {  	_ =	shalt  }
0x72: {  	_ =	shalt  }
0x73: {  	_ =	shalt  }
0x74: {  	_ =	shalt  }
0x75: {  	_ =	shalt  }
0x76: {  	_ =	shalt  }
0x77: {  	_ =	shalt  }
0x78: {  	_ =	shalt  }
0x79: {  	_ =	shalt  }
0x7a: {  	_ =	shalt  }
0x7b: {  	_ =	shalt  }
0x7c: {  	_ =	shalt  }
0x7d: {  	_ =	shalt  }
0x7e: {  	_ =	shalt  }
0x7f: {  	_ =	shalt  }
0x80: {  	_ =	shalt  }
0x81: {  	_ =	shalt  }
0x82: {  	_ =	shalt  }
0x83: {  	_ =	shalt  }
0x84: {  	_ =	shalt  }
0x85: {  	_ =	shalt  }
0x86: {  	_ =	shalt  }
0x87: {  	_ =	shalt  }
.Lfunc_end0:
.L_simem_size_0:
called_computation_lowered:
.L_overlay_start_0:
0x88: {  	s2 =	sld [smem:$0x3FD9]  }
0x89: {  	s3 =	sld [smem:$0x3FFE];
	_ =	sdelay $0x1  }
0x8a: {  	s1 =	srdreg.scid  }
0x8b: {  	s0 =	sand.u32 $0x1, s1  }
0x8c: {  	s16 =	sshll.u32 s0, $0xA;
	s2 =	sadd.s32 s3, s2  }
0x8d: {  	s2 =	sadd.s32 s2, s16  }
0x8e: {  	[smem:$0x3FAF] =	sst s2  }
0x8f: {  	_ = 	snop  }
0x90: {  	(tm) =	ssettm $0x1  }
0x91: {  	s17 =	sld [smem:$0x3FFB];
	_ =	sdelay $0x3  }
0x92: {  	_ =	strace s17  }
0x93: {  	s2 =	sld [smem:$0x3FFC];
	_ =	sdelay $0x3  }
0x94: {  	_ =	strace s2  }
0x95: {  	s2 =	sld [smem:$0x3FFD];
	_ =	sdelay $0x3  }
0x96: {  	_ =	strace s2  }
0x97: {  	_ =	strace $0x8FFFFFFF  }
0x98: {  	s18 =	sld [smem:$0x3FDB];
	_ =	sdelay $0x1  }
0x99: {  	s19 =	simm.s32 $_scs_section_size  }
0x9a: {  	s4 =	simm.s32 $_size__tile_overlayer_lowered;
	s5 =	simm.s32 $_tile_overlayer_lowered  }
0x9b: {  	s22 =	simm.s32 $0x1BFF;
	s21 =	sshll.u32 s5, $0x1;
	s2 =	sadd.s32 s19, s18  }
0x9c: {  	s6 =	simm.s32 $0x0;
	s20 =	sshll.u32 s4, $0x1;
	s4 =	sadd.s32 s21, s2  }
0x9d: {  	[timem:s6], [sflag:s22] =	dma.local [hbm:s4], s20  }
0x9e: {  	_ =	swait.ge [sflag:s22], s20  }
0x9f: {  	s3 =	ssub.s32 $0x0, s20;
	[sflag:s22] =	ssyncset.done $0x0  }
0xa0: {  	[sflag:s22] =	ssyncadd.s32 s3;
	_ =	sdelay $0x1  }
0xa1: {  	s23 =	simm.s32 $0x1B8B  }
0xa2: {  	_ =	swait.ge [sflag:s23], $0x1  }
0xa3: {  	[sflag:s23] =	ssyncset.done $0x0  }
0xa4: {  	s25 =	simm.s32 $0x1B8E;
	s24 =	sld [smem:$0x3FFE];
	[sflag:s23] =	ssyncadd.s32 $0xFFFFFFFF  }
0xa5: {  	s26 =	simm.s32 $execute0_lowered;
	[smem:$0x3FD2] =	sst s25  }
0xa6: {  	s4 =	sshll.u32 s26, $0x1;
	_ =	strace $0x80000046;
	[dreg:$0x1] =	wrdreg $0xFFFFFFFF  }
0xa7: {  	s28 =	simm.s32 $_size_execute0_lowered;
	s2 =	sadd.s32 s2, s4;
	[dreg:$0x0] =	wrdreg $0x0  }
0xa8: {  	s4 =	sshll.u32 s28, $0x1;
	[dreg:$0x2] =	wrdreg s2  }
0xa9: {  	[dreg:$0x3] =	wrdreg s4  }
0xaa: {  	[dreg:$0x4] =	wrdreg $0xC0  }
0xab: {  	_ =	task [dreg:s6], $0x5FFFF  }
0xac: {  	[dreg:$0x1] =	wrdreg $0xFFFFFFFF  }
0xad: {  	[dreg:$0x0] =	wrdreg $0x60  }
0xae: {  	[dreg:$0x2] =	wrdreg s24  }
0xaf: {  	[dreg:$0x3] =	wrdreg $0x9  }
0xb0: {  	_ =	task.clear_ibuf [dreg:s6], $0x4FFFF;
	_ =	strace $0x90000046  }
0xb1: {  	s29 =	simm.s32 $0x9;
	_ =	strace $0x80000048  }
0xb2: {  	_ =	swait.ge [sflag:s29], $0x1  }
0xb3: {  	[sflag:s29] =	ssyncadd.s32 $0xFFFFFFFF  }
0xb4: {  	_ =	strace $0x90000048  }
0xb5: {  	_ =	sfence  }
0xb6: {  	s30 =	sld [smem:$0x0];
	_ =	sdelay $0x2  }
0xb7: {  	s31 =	sshll.u32 s1, $0xD;
	s1 =	sshrl.u32 s1, $0x2  }
0xb8: {  	s3 =	sand.u32 $0x4000, s31;
	s1 =	sadd.s32 s1, s30  }
0xb9: {  	s0 =	sor.u32 s3, s0;
	s1 =	sshll.u32 s1, $0x11  }
0xba: {  	s0 =	sor.u32 s1, s0  }
0xbb: {  	s0 =	sadd.s32 $0x8F2B, s0  }
0xbc: {  	[sflag:s0] =	ssyncadd.remote.s32 $0x1  }
0xbd: {  	_ =	sfence.sel $0xFFFF  }
0xbe: {  	[dreg:$0x0] =	wrdreg $0xFFFFFFFF;
	(pc) =	sbr.abs _section_cstart, $3  }
0xbf: {  	[dreg:$0x1] =	wrdreg $0xFFFFFFFF  }
0xc0: {  	_ =	task.clear_ibuf [dreg:s6], $0x2FFFF;
	_ =	strace $0x9FFFFFFF  }
0xc1: {  	(tm) =	ssettm $0x7FFFFFFF  }
tec
execute0_lowered:
.L_overlay_start_1:
0x0: {  	(tag) =	ssettag $0x1  }
0x1: {  	s0 =	srdreg.scid  }
0x2: {  	s5 =	rddreg [dreg:$0x0];
	s3 =	sand.u32 $0x1, s0  }
0x3: {  	s2 =	simm.s32 $0x0;
	s0 =	stileid.u32;
	s1 =	sshll.u32 s3, $0x4  }
0x4: {  	s8 =	simm.s32 $0x1;
	s9 =	simm.s32 $0x2800;
	s4 =	sor.u32 s0, s1  }
0x5: {  	s10 =	simm.s32 $0x0;
	s1 =	sshrl.u32 s4, $0x3;
	s4 =	smul.u32 $0x500, s4  }
0x6: {  	s7 =	sshll.u32 s0, $0x7;
	s3 =	ssub.s32 $0x2, s3;
	s6 =	smul.u32 $0x14000, s1  }
0x7: {  	[smem:$0x7FF] =	sst s2;
	s7 =	sand.u32 $0x380, s7;
	s31 =	sshrl.u32 s3, $0x1  }
0x8: {  	s1 =	rddreg [dreg:$0x1];
	s4 =	sadd.s32 s4, s5;
	s6 =	sor.u32 s7, s6  }
0x9: {  	_ =	strace $0x80000047;
	s4 =	sadd.s32 $0xE000, s4;
	s6 =	sshrl.u32 s6, $0x3  }
0xa: {  	s7 =	simm.s32 $0x400;
	s6 =	sadd.s32 s6, s5;
	s5 =	ssub.s32 s3, s31  }
0xb: {  	v0 =	vimm.f32 $0.0e+00;
	v1 =	vimm.f32 $1.000000000e+00;
	s3 =	sadd.s32 $0x4000, s6;
	s5 =	smax.u32 s5, $0x1;
	s6 =	simm.s32 $0x80  }
.LBB2_1:
0xc: {  	[tilespmem:s2], [sflag:$0x1] =	stream.strided.gather [hbm4b:s3+s6], $0x2800, s7, s6, $0x38;
	[tilespmem:$0x5000] =	vst v63  }
0xd: {  	_ =	swait.ge [sflag:s8], $0x2800  }
0xe: {  	[sflag:s8] =	ssyncset.done $0x0  }
0xf: {  	s11 =	simm.s32 $0x0;
	[sflag:s8] =	ssyncadd.s32 $0xFFFFD800  }
.LBB2_2:
0x10: {  	p0 =	sne.s32 s11, $0x9FC0  }
.Ltmp0:
0x11: {  	_ = 	snop;
	(pc) =	sbr.rel @p0 .LBB2_2-.Ltmp0, $3  }
0x12: {  	_ =	sdelay $0x1  }
0x13: {  	s12 =	sshra.s32 s11, $0x2  }
0x14: {  	s11 =	sadd.s32 $0x40, s11;
	[tilespmem:s12+$0x2800] =	vst v0  }
0x15: {  	s12 =	simm.s32 $0x0;
	s11 =	simm.s32 $0x40  }
.LBB2_4:
0x16: {  	p0 =	sne.s32 s11, $0x9FC0;
	v2 =	vld [tilespmem:s12+$0x0];
	_ =	sdelay $0x3  }
.Ltmp1:
0x17: {  	(pc) =	sbr.rel @p0 .LBB2_4-.Ltmp1, $2  }
0x18: {  	_ =	sdelay $0x2  }
0x19: {  	s12 =	sshra.s32 s11, $0x2;
	s11 =	sadd.s32 $0x40, s11;
	[tilespmem:v2+s9+$0x0] =	vst.idx.add.f32.msk $0xffff, v1  }
0x1a: {  	v2 =	vld [tilespmem:s12+$0x0];
	_ =	sdelay $0x5  }
0x1b: {  	s10 =	sadd.s32 $0x1, s10  }
0x1c: {  	p0 =	sne.s32 s10, s5  }
.Ltmp2:
0x1d: {  	[tilespmem:v2+s9+$0x0] =	vst.idx.add.f32.msk $0xffff, v1;
	(pc) =	sbr.rel @p0 .LBB2_1-.Ltmp2, $4  }
0x1e: {  	[hbm4b:s4+s2] =	stream.linear.scatter [tilespmem:s9], [sflag:$0x1], $0x2800, $0x38;
	[tilespmem:$0x5000] =	vst v63  }
0x1f: {  	_ =	swait.ge [sflag:s8], $0x2800  }
0x20: {  	[sflag:s8] =	ssyncset.done $0x0  }
0x21: {  	[sflag:s8] =	ssyncadd.s32 $0xFFFFD800  }
0x22: {  	_ =	sfence.sel $0x180000  }
0x23: {  	[bflag:$0x0] =	sbarrier.arrive $0xFFFF  }
0x24: {  	p0 =	sne.s32 s0, $0x0;
	_ =	strace $0x90000047  }
0x25: {  	s0 =	sadd.s32 @!p0 $0x100000, s1;
	[bflag:$0x2] =	sbarrier.arrive $0xFFFF  }
0x26: {  	[sflag:s0] =	ssyncadd.tile.s32 @!p0 $0x1;
	_ =	shalt  }
.Lfunc_end2:
_tile_overlayer_lowered:
.L_overlay_start_2:
0x27: {  	(tag) =	ssettag $0x2  }
0x28: {  	s0 =	rddreg [dreg:$0x0];
	s2 =	stileid.u32  }
0x29: {  	s1 =	rddreg [dreg:$0x1];
	p0 =	sne.s32 s2, $0x0  }
0x2a: {  	s3 =	rddreg [dreg:$0x2];
	[bflag:$0x3] =	sbarrier.arrive $0xFFFF;
	s2 =	simm.s32 @!p0 $0x1C01  }
0x2b: {  	[timem:s3], [sflag:s2] =	dma.local @!p0 [hbm:s0], s1  }
0x2c: {  	s0 =	simm.s32 @!p0 $0x1  }
0x2d: {  	_ =	swait.ge @!p0 [sflag:s0], s1  }
0x2e: {  	s1 =	ssub.s32 @!p0 $0x0, s1;
	[sflag:s0] =	ssyncset.done @!p0 $0x0  }
0x2f: {  	[sflag:s0] =	ssyncadd.s32 @!p0 s1  }
0x30: {  	[bflag:$0x3] =	sbarrier.arrive $0xFFFF  }
0x31: {  	_ =	shalt  }

// kernel: kernel.13.cloned.1.call-start
scs
__scs_entry_jumppad:
0x0: {  	(pc) =	sbr.rel $0x88, $3  }
0x1: {  	(tag) =	ssettag $0x0;
	lr =	simm.s32 $0x1  }
0x2: {  	[smem:$0x3F88] =	sst lr;
	_ =	strace $0xD0000000  }
0x3: {  	_ = 	snop  }
0x4: {  	_ = 	snop  }
0x5: {  	_ = 	snop  }
0x6: {  	_ = 	snop  }
0x7: {  	_ = 	snop  }
__scs_overlays_trampoline_lowered:
0x8: {  	[smem:$0x3F97] =	sst s0  }
0x9: {  	[smem:$0x3F98] =	sst s1  }
0xa: {  	[smem:$0x3F99] =	sst s2  }
0xb: {  	[smem:$0x3F9A] =	sst s3  }
0xc: {  	[smem:$0x3F9B] =	sst s4  }
0xd: {  	[smem:$0x3F9C] =	sst s5  }
0xe: {  	[smem:$0x3F9D] =	sst s6  }
0xf: {  	[smem:$0x3F9E] =	sst s7  }
0x10: {  	[smem:$0x3F9F] =	sst s8  }
0x11: {  	[smem:$0x3FA0] =	sst s9;
	s0 =	simm.s32 @!p0 $0x0  }
0x12: {  	s1 =	sld [smem:$0x3F86];
	s0 =	simm.s32 @p0 $0x1  }
0x13: {  	[smem:$0x3FA1] =	sst s0;
	s0 =	simm.s32 @!p1 $0x0  }
0x14: {  	s2 =	sld [smem:$0x3F85];
	s0 =	simm.s32 @p1 $0x1  }
0x15: {  	[smem:$0x3FA2] =	sst s0;
	s0 =	simm.s32 @!p2 $0x0  }
0x16: {  	s3 =	sld [smem:$0x3FDB];
	s0 =	simm.s32 @p2 $0x1  }
0x17: {  	s4 =	simm.s32 $0x1BF5;
	[smem:$0x3FA4] =	sst s0  }
0x18: {  	s0 =	sld [smem:$0x3F87];
	_ =	swait.ge [sflag:s4], $0x0  }
0x19: {  	s7 =	sld [smem:$0x3F88]  }
0x1a: {  	s8 =	sadd.s32 $0xFFFFE003, lr  }
0x1b: {  	s9 =	sadd.s32 $0xFFFFFEF7, lr;
	s5 =	simm.s32 $0xFFFFFFFF;
	p2 =	slt.u32 s8, $0xFFFFF086  }
0x1c: {  	p1 =	slt.u32 s9, $0xF7A;
	s5 =	simm.s32 @!p2 $0x0  }
0x1d: {  	s5 =	simm.s32 @p1 $0x1;
	p0 =	seq.s32 s7, s2  }
0x1e: {  	s7 =	smul.u32 @!p0 $0xF7A, s2;
	p2 =	seq.s32 @!p0 s5, $0x0  }
0x1f: {  	s9 =	smul.u32 $0xF7A, s1;
	s8 =	simm.s32 @!p0 $0x1BF5;
	p2 =	por !p2, p0  }
0x20: {  	[sflag:s8] =	ssyncset.s32 @!p0 $0xFFFFF086;
	s6 =	sadd.s32 @!p0 s3, s7;
	s7 =	simm.s32 @!p0 $0x108  }
0x21: {  	s3 =	sadd.s32 s3, s9;
	s6 =	sadd.s32 @!p0 $0x88, s6;
	s7 =	simm.s32 @p2 $0x1082  }
0x22: {  	[simem:s7], [sflag:s8] =	dma.local @!p0 [hbm:s6], $0xF7A  }
0x23: {  	s9 =	sor.u32 $0xD0000000, s2;
	s6 =	simm.s32 $0x108;
	_ =	swait.ge @!p0 [sflag:s8], $0x0  }
0x24: {  	s3 =	sadd.s32 $0x88, s3;
	s6 =	simm.s32 @!p1 $0x1082;
	[sflag:s4] =	ssyncset.s32 $0xFFFFF086  }
0x25: {  	[simem:s6], [sflag:s4] =	dma.local [hbm:s3], $0xF7A  }
0x26: {  	[smem:$0x3F88] =	sst s1;
	(tag) =	ssettag s2;
	_ =	strace s9  }
0x27: {  	s1 =	sld [smem:$0x3F98]  }
0x28: {  	s2 =	sld [smem:$0x3F99]  }
0x29: {  	s4 =	sld [smem:$0x3F9B]  }
0x2a: {  	p0 =	seq.s32 s5, $0x0;
	s5 =	sld [smem:$0x3F9C]  }
0x2b: {  	s6 =	sld [smem:$0x3F9D]  }
0x2c: {  	s7 =	sld [smem:$0x3F9E]  }
0x2d: {  	s3 =	simm.s32 $0x108;
	s8 =	sld [smem:$0x3F9F]  }
0x2e: {  	s3 =	simm.s32 @!p0 $0x1082;
	s9 =	sld [smem:$0x3FA0]  }
0x2f: {  	lr =	sadd.s32 s0, s3;
	s0 =	sld [smem:$0x3F97]  }
0x30: {  	s3 =	sld [smem:$0x3F9A]  }
0x31: {  	[smem:$0x3FA3] =	sst s10  }
0x32: {  	s10 =	sld [smem:$0x3FA1];
	_ =	sdelay $0x3  }
0x33: {  	p0 =	seq.s32 s10, $0x1;
	s10 =	sld [smem:$0x3FA3];
	_ =	sdelay $0x3  }
0x34: {  	[smem:$0x3FA3] =	sst s10  }
0x35: {  	s10 =	sld [smem:$0x3FA2];
	_ =	sdelay $0x3  }
0x36: {  	p1 =	seq.s32 s10, $0x1;
	s10 =	sld [smem:$0x3FA3];
	_ =	sdelay $0x3  }
0x37: {  	[smem:$0x3FA3] =	sst s10  }
0x38: {  	s10 =	sld [smem:$0x3FA4]  }
0x39: {  	_ = 	snop;
	(pc) =	sbr.ind lr, $3  }
0x3a: {  	_ = 	snop  }
0x3b: {  	_ = 	snop  }
0x3c: {  	p2 =	seq.s32 s10, $0x1;
	s10 =	sld [smem:$0x3FA3]  }
0x3d: {  	_ =	shalt  }
0x3e: {  	_ =	shalt  }
0x3f: {  	_ =	shalt  }
0x40: {  	_ =	shalt  }
0x41: {  	_ =	shalt  }
0x42: {  	_ =	shalt  }
0x43: {  	_ =	shalt  }
0x44: {  	_ =	shalt  }
0x45: {  	_ =	shalt  }
0x46: {  	_ =	shalt  }
0x47: {  	_ =	shalt  }
0x48: {  	_ =	shalt  }
0x49: {  	_ =	shalt  }
0x4a: {  	_ =	shalt  }
0x4b: {  	_ =	shalt  }
0x4c: {  	_ =	shalt  }
0x4d: {  	_ =	shalt  }
0x4e: {  	_ =	shalt  }
0x4f: {  	_ =	shalt  }
0x50: {  	_ =	shalt  }
0x51: {  	_ =	shalt  }
0x52: {  	_ =	shalt  }
0x53: {  	_ =	shalt  }
0x54: {  	_ =	shalt  }
0x55: {  	_ =	shalt  }
0x56: {  	_ =	shalt  }
0x57: {  	_ =	shalt  }
0x58: {  	_ =	shalt  }
0x59: {  	_ =	shalt  }
0x5a: {  	_ =	shalt  }
0x5b: {  	_ =	shalt  }
0x5c: {  	_ =	shalt  }
0x5d: {  	_ =	shalt  }
0x5e: {  	_ =	shalt  }
0x5f: {  	_ =	shalt  }
0x60: {  	_ =	shalt  }
0x61: {  	_ =	shalt  }
0x62: {  	_ =	shalt  }
0x63: {  	_ =	shalt  }
0x64: {  	_ =	shalt  }
0x65: {  	_ =	shalt  }
0x66: {  	_ =	shalt  }
0x67: {  	_ =	shalt  }
0x68: {  	_ =	shalt  }
0x69: {  	_ =	shalt  }
0x6a: {  	_ =	shalt  }
0x6b: {  	_ =	shalt  }
0x6c: {  	_ =	shalt  }
0x6d: {  	_ =	shalt  }
0x6e: {  	_ =	shalt  }
0x6f: {  	_ =	shalt  }
0x70: {  	_ =	shalt  }
0x71: {  	_ =	shalt  }
0x72: {  	_ =	shalt  }
0x73: {  	_ =	shalt  }
0x74: {  	_ =	shalt  }
0x75: {  	_ =	shalt  }
0x76: {  	_ =	shalt  }
0x77: {  	_ =	shalt  }
0x78: {  	_ =	shalt  }
0x79: {  	_ =	shalt  }
0x7a: {  	_ =	shalt  }
0x7b: {  	_ =	shalt  }
0x7c: {  	_ =	shalt  }
0x7d: {  	_ =	shalt  }
0x7e: {  	_ =	shalt  }
0x7f: {  	_ =	shalt  }
0x80: {  	_ =	shalt  }
0x81: {  	_ =	shalt  }
0x82: {  	_ =	shalt  }
0x83: {  	_ =	shalt  }
0x84: {  	_ =	shalt  }
0x85: {  	_ =	shalt  }
0x86: {  	_ =	shalt  }
0x87: {  	_ =	shalt  }
.Lfunc_end0:
.L_simem_size_0:
called_computation.1_lowered:
.L_overlay_start_0:
0x88: {  	s2 =	sld [smem:$0x3FD9]  }
0x89: {  	s3 =	sld [smem:$0x3FFE];
	_ =	sdelay $0x1  }
0x8a: {  	s1 =	srdreg.scid  }
0x8b: {  	s0 =	sand.u32 $0x1, s1  }
0x8c: {  	s16 =	sshll.u32 s0, $0xA;
	s2 =	sadd.s32 s3, s2  }
0x8d: {  	s2 =	sadd.s32 s2, s16  }
0x8e: {  	[smem:$0x3FAF] =	sst s2  }
0x8f: {  	_ = 	snop  }
0x90: {  	(tm) =	ssettm $0x1  }
0x91: {  	s17 =	sld [smem:$0x3FFB];
	_ =	sdelay $0x3  }
0x92: {  	_ =	strace s17  }
0x93: {  	s2 =	sld [smem:$0x3FFC];
	_ =	sdelay $0x3  }
0x94: {  	_ =	strace s2  }
0x95: {  	s2 =	sld [smem:$0x3FFD];
	_ =	sdelay $0x3  }
0x96: {  	_ =	strace s2  }
0x97: {  	_ =	strace $0x8FFFFFFF  }
0x98: {  	s18 =	sld [smem:$0x3FDB];
	_ =	sdelay $0x1  }
0x99: {  	s19 =	simm.s32 $_scs_section_size  }
0x9a: {  	s4 =	simm.s32 $_size__tile_overlayer_lowered;
	s5 =	simm.s32 $_tile_overlayer_lowered  }
0x9b: {  	s22 =	simm.s32 $0x1BFF;
	s21 =	sshll.u32 s5, $0x1;
	s2 =	sadd.s32 s19, s18  }
0x9c: {  	s6 =	simm.s32 $0x0;
	s20 =	sshll.u32 s4, $0x1;
	s4 =	sadd.s32 s21, s2  }
0x9d: {  	[timem:s6], [sflag:s22] =	dma.local [hbm:s4], s20  }
0x9e: {  	_ =	swait.ge [sflag:s22], s20  }
0x9f: {  	s3 =	ssub.s32 $0x0, s20;
	[sflag:s22] =	ssyncset.done $0x0  }
0xa0: {  	[sflag:s22] =	ssyncadd.s32 s3;
	_ =	sdelay $0x1  }
0xa1: {  	s23 =	simm.s32 $0x1B8B  }
0xa2: {  	_ =	swait.ge [sflag:s23], $0x1  }
0xa3: {  	[sflag:s23] =	ssyncset.done $0x0  }
0xa4: {  	s25 =	simm.s32 $0x1B8E;
	s24 =	sld [smem:$0x3FFE];
	[sflag:s23] =	ssyncadd.s32 $0xFFFFFFFF  }
0xa5: {  	s26 =	simm.s32 $execute0_lowered;
	[smem:$0x3FD2] =	sst s25  }
0xa6: {  	s4 =	sshll.u32 s26, $0x1;
	_ =	strace $0x80000049;
	[dreg:$0x1] =	wrdreg $0xFFFFFFFF  }
0xa7: {  	s28 =	simm.s32 $_size_execute0_lowered;
	s2 =	sadd.s32 s2, s4;
	[dreg:$0x0] =	wrdreg $0x0  }
0xa8: {  	s4 =	sshll.u32 s28, $0x1;
	[dreg:$0x2] =	wrdreg s2  }
0xa9: {  	[dreg:$0x3] =	wrdreg s4  }
0xaa: {  	[dreg:$0x4] =	wrdreg $0xC0  }
0xab: {  	_ =	task [dreg:s6], $0x5FFFF  }
0xac: {  	[dreg:$0x1] =	wrdreg $0xFFFFFFFF  }
0xad: {  	[dreg:$0x0] =	wrdreg $0x60  }
0xae: {  	[dreg:$0x2] =	wrdreg s24  }
0xaf: {  	[dreg:$0x3] =	wrdreg $0x150000  }
0xb0: {  	[dreg:$0x4] =	wrdreg $0x9  }
0xb1: {  	_ =	task.clear_ibuf [dreg:s6], $0x5FFFF;
	_ =	strace $0x90000049  }
0xb2: {  	s29 =	simm.s32 $0x9;
	_ =	strace $0x8000004B  }
0xb3: {  	_ =	swait.ge [sflag:s29], $0x1  }
0xb4: {  	[sflag:s29] =	ssyncadd.s32 $0xFFFFFFFF  }
0xb5: {  	_ =	strace $0x9000004B  }
0xb6: {  	_ =	sfence  }
0xb7: {  	s30 =	sld [smem:$0x0];
	_ =	sdelay $0x2  }
0xb8: {  	s31 =	sshll.u32 s1, $0xD;
	s1 =	sshrl.u32 s1, $0x2  }
0xb9: {  	s3 =	sand.u32 $0x4000, s31;
	s1 =	sadd.s32 s1, s30  }
0xba: {  	s0 =	sor.u32 s3, s0;
	s1 =	sshll.u32 s1, $0x11  }
0xbb: {  	s0 =	sor.u32 s1, s0  }
0xbc: {  	s0 =	sadd.s32 $0x8F2B, s0  }
0xbd: {  	[sflag:s0] =	ssyncadd.remote.s32 $0x1  }
0xbe: {  	_ =	sfence.sel $0xFFFF  }
0xbf: {  	[dreg:$0x0] =	wrdreg $0xFFFFFFFF;
	(pc) =	sbr.abs _section_cstart, $3  }
0xc0: {  	[dreg:$0x1] =	wrdreg $0xFFFFFFFF  }
0xc1: {  	_ =	task.clear_ibuf [dreg:s6], $0x2FFFF;
	_ =	strace $0x9FFFFFFF  }
0xc2: {  	(tm) =	ssettm $0x7FFFFFFF  }
0xc3: {  	_ =	shalt  }
tec
execute0_lowered:
.L_overlay_start_1:
0x0: {  	(tag) =	ssettag $0x1  }
0x1: {  	s0 =	srdreg.scid;
	s1 =	rddreg [dreg:$0x0]  }
0x2: {  	s10 =	stileid.u32;
	s2 =	rddreg [dreg:$0x1];
	s4 =	simm.s32 $0x0  }
0x3: {  	s12 =	simm.s32 $0x9;
	s14 =	simm.s32 $0x80;
	s15 =	simm.s32 $0x5000  }
0x4: {  	s16 =	simm.s32 $0x7000;
	s17 =	simm.s32 $0x9000;
	s18 =	simm.s32 $0xB000  }
0x5: {  	s19 =	simm.s32 $0xD000;
	s28 =	simm.s32 $0x4;
	s29 =	simm.s32 $0x5  }
0x6: {  	s30 =	simm.s32 $0x6;
	s31 =	simm.s32 $0x7;
	s5 =	smul.u32 $0x1400, s10  }
0x7: {  	s0 =	sand.u32 $0x1, s0;
	[smem:$0x7FF] =	sst s4;
	s7 =	smul.u32 $0xA000, s10  }
0x8: {  	s4 =	sadd.s32 $0x4000, s1;
	s9 =	sadd.s32 $0x2C000, s1;
	s8 =	smul.u32 $0x28000, s10  }
0x9: {  	s26 =	sshll.u32 s10, $0x6;
	s3 =	sshll.u32 s0, $0x4;
	_ =	strace $0x8000004A  }
0xa: {  	s6 =	smul.u32 $0x14000, s0;
	s20 =	ssub.s32 $0x2, s0;
	p0 =	seq.s32 s0, $0x0  }
0xb: {  	s0 =	simm.s32 $0x0;
	s3 =	sor.u32 s10, s3;
	s21 =	sshrl.u32 s20, $0x1  }
0xc: {  	s22 =	sadd.s32 s7, s2;
	s23 =	sshrl.u32 s7, $0x3;
	s8 =	sshrl.u32 s8, $0x2  }
0xd: {  	s9 =	smov.u32 @p0 s4;
	s10 =	sor.u32 $0x1C09, s26;
	s26 =	simm.s32 $0x3  }
0xe: {  	s3 =	smul.u32 $0x500, s3;
	s5 =	sadd.s32 s5, s6;
	s25 =	sadd.s32 s8, s2  }
0xf: {  	s9 =	sadd.s32 s9, s23;
	s11 =	sshrl.u32 s22, $0x3;
	s22 =	simm.s32 $0x13000  }
0x10: {  	s23 =	simm.s32 $0x1;
	s25 =	sshrl.u32 s25, $0x3;
	s3 =	sadd.s32 s3, s1  }
0x11: {  	s1 =	sadd.s32 s5, s1;
	s5 =	ssub.s32 s20, s21;
	s20 =	simm.s32 $0xF000  }
0x12: {  	s21 =	simm.s32 $0x11000;
	s24 =	sadd.s32 $0x22000, s3;
	s3 =	sadd.s32 $0x18000, s3  }
0x13: {  	s7 =	sadd.s32 $0x40000, s1;
	s8 =	smax.u32 s5, $0x1;
	[dreg:$0x3] =	wrdreg s24  }
0x14: {  	s1 =	simm.s32 $0x8;
	[dreg:$0x4] =	wrdreg s3;
	s24 =	simm.s32 $0x2  }
.LBB2_1:
0x15: {  	[spmem:s11], [sflag:s10] =	dma.local [hbm:s9], $0x1400  }
0x16: {  	_ =	swait.ge [sflag:s12], $0x1400  }
0x17: {  	[sflag:s12] =	ssyncset.done $0x0  }
0x18: {  	s3 =	simm.s32 $0x0;
	s5 =	rddreg [dreg:$0x3];
	[sflag:s12] =	ssyncadd.s32 $0xFFFFEC00  }
0x19: {  	[tilespmem:s3], [sflag:$0x9] =	stream.linear.gather [hbm4b:s5+s3], $0x2800, $0x38;
	[tilespmem:$0x1F000] =	vst v63  }
0x1a: {  	_ =	swait.ge [sflag:s12], $0x2800  }
0x1b: {  	[sflag:s12] =	ssyncset.done $0x0  }
0x1c: {  	s6 =	simm.s32 $0x2800;
	s13 =	rddreg [dreg:$0x4];
	[sflag:s12] =	ssyncadd.s32 $0xFFFFD800  }
0x1d: {  	[tilespmem:s6], [sflag:$0x9] =	stream.linear.gather [hbm4b:s13+s3], $0x2800, $0x38;
	[tilespmem:$0x1F000] =	vst v63  }
0x1e: {  	_ =	swait.ge [sflag:s12], $0x2800  }
0x1f: {  	[sflag:s12] =	ssyncset.done $0x0  }
0x20: {  	[sflag:s12] =	ssyncadd.s32 $0xFFFFD800  }
0x21: {  	s13 =	simm.s32 $0x0;
	[bflag:$0x0] =	sbarrier.arrive $0xFFFF  }
0x22: {  	[tilespmem:s15], [sflag:$0x1] =	stream.indirect.gather [hbm4b:s4+s14], $0x40, s13, s14, $0xb8;
	[tilespmem:$0x1F000] =	vst v63  }
0x23: {  	s5 =	simm.s32 $0x80  }
0x24: {  	[tilespmem:s16], [sflag:$0x2] =	stream.indirect.gather [hbm4b:s4+s14], $0x40, s5, s14, $0xb8;
	[tilespmem:$0x1F000] =	vst v63  }
0x25: {  	s6 =	simm.s32 $0x100  }
0x26: {  	[tilespmem:s17], [sflag:$0x3] =	stream.indirect.gather [hbm4b:s4+s14], $0x40, s6, s14, $0xb8;
	[tilespmem:$0x1F000] =	vst v63  }
0x27: {  	s13 =	simm.s32 $0x180  }
0x28: {  	[tilespmem:s18], [sflag:$0x4] =	stream.indirect.gather [hbm4b:s4+s14], $0x40, s13, s14, $0xb8;
	[tilespmem:$0x1F000] =	vst v63  }
0x29: {  	s5 =	simm.s32 $0x200  }
0x2a: {  	[tilespmem:s19], [sflag:$0x5] =	stream.indirect.gather [hbm4b:s4+s14], $0x40, s5, s14, $0xb8;
	[tilespmem:$0x1F000] =	vst v63  }
0x2b: {  	s6 =	simm.s32 $0x280  }
0x2c: {  	[tilespmem:s20], [sflag:$0x6] =	stream.indirect.gather [hbm4b:s4+s14], $0x40, s6, s14, $0xb8;
	[tilespmem:$0x1F000] =	vst v63  }
0x2d: {  	s13 =	simm.s32 $0x300  }
0x2e: {  	[tilespmem:s21], [sflag:$0x7] =	stream.indirect.gather [hbm4b:s4+s14], $0x40, s13, s14, $0xb8;
	[tilespmem:$0x1F000] =	vst v63  }
0x2f: {  	s5 =	simm.s32 $0x380  }
0x30: {  	[tilespmem:s22], [sflag:$0x8] =	stream.indirect.gather [hbm4b:s4+s14], $0x40, s5, s14, $0xb8;
	[tilespmem:$0x1F000] =	vst v63  }
0x31: {  	_ =	swait.ge [sflag:s23], $0x2000  }
0x32: {  	[sflag:s23] =	ssyncset.done $0x0  }
0x33: {  	s6 =	simm.s32 $0x2800;
	[sflag:s23] =	ssyncadd.s32 $0xFFFFE000  }
0x34: {  	[spmem:s2] =	stream.indirect.scatter.add.f32 [tilespmem:s15], [sflag:$0x9], $0x40, s6, s14, $0xb8;
	[tilespmem:$0x1F000] =	vst v63  }
0x35: {  	_ =	swait.ge [sflag:s12], $0x2000  }
0x36: {  	[sflag:s12] =	ssyncset.done $0x0  }
0x37: {  	[sflag:s12] =	ssyncadd.s32 $0xFFFFE000  }
0x38: {  	_ =	swait.ge [sflag:s24], $0x2000  }
0x39: {  	[sflag:s24] =	ssyncset.done $0x0  }
0x3a: {  	s13 =	simm.s32 $0x2880;
	[sflag:s24] =	ssyncadd.s32 $0xFFFFE000  }
0x3b: {  	[spmem:s2] =	stream.indirect.scatter.add.f32 [tilespmem:s16], [sflag:$0x9], $0x40, s13, s14, $0xb8;
	[tilespmem:$0x1F000] =	vst v63  }
0x3c: {  	_ =	swait.ge [sflag:s12], $0x2000  }
0x3d: {  	[sflag:s12] =	ssyncset.done $0x0  }
0x3e: {  	[sflag:s12] =	ssyncadd.s32 $0xFFFFE000  }
0x3f: {  	_ =	swait.ge [sflag:s26], $0x2000  }
0x40: {  	[sflag:s26] =	ssyncset.done $0x0  }
0x41: {  	s5 =	simm.s32 $0x2900;
	[sflag:s26] =	ssyncadd.s32 $0xFFFFE000  }
0x42: {  	[spmem:s2] =	stream.indirect.scatter.add.f32 [tilespmem:s17], [sflag:$0x9], $0x40, s5, s14, $0xb8;
	[tilespmem:$0x1F000] =	vst v63  }
0x43: {  	_ =	swait.ge [sflag:s12], $0x2000  }
0x44: {  	[sflag:s12] =	ssyncset.done $0x0  }
0x45: {  	[sflag:s12] =	ssyncadd.s32 $0xFFFFE000  }
0x46: {  	_ =	swait.ge [sflag:s28], $0x2000  }
0x47: {  	[sflag:s28] =	ssyncset.done $0x0  }
0x48: {  	s6 =	simm.s32 $0x2980;
	[sflag:s28] =	ssyncadd.s32 $0xFFFFE000  }
0x49: {  	[spmem:s2] =	stream.indirect.scatter.add.f32 [tilespmem:s18], [sflag:$0x9], $0x40, s6, s14, $0xb8;
	[tilespmem:$0x1F000] =	vst v63  }
0x4a: {  	_ =	swait.ge [sflag:s12], $0x2000  }
0x4b: {  	[sflag:s12] =	ssyncset.done $0x0  }
0x4c: {  	[sflag:s12] =	ssyncadd.s32 $0xFFFFE000  }
0x4d: {  	_ =	swait.ge [sflag:s29], $0x2000  }
0x4e: {  	[sflag:s29] =	ssyncset.done $0x0  }
0x4f: {  	s13 =	simm.s32 $0x2A00;
	[sflag:s29] =	ssyncadd.s32 $0xFFFFE000  }
0x50: {  	[spmem:s2] =	stream.indirect.scatter.add.f32 [tilespmem:s19], [sflag:$0x9], $0x40, s13, s14, $0xb8;
	[tilespmem:$0x1F000] =	vst v63  }
0x51: {  	_ =	swait.ge [sflag:s12], $0x2000  }
0x52: {  	[sflag:s12] =	ssyncset.done $0x0  }
0x53: {  	[sflag:s12] =	ssyncadd.s32 $0xFFFFE000  }
0x54: {  	_ =	swait.ge [sflag:s30], $0x2000  }
0x55: {  	[sflag:s30] =	ssyncset.done $0x0  }
0x56: {  	s5 =	simm.s32 $0x2A80;
	[sflag:s30] =	ssyncadd.s32 $0xFFFFE000  }
0x57: {  	[spmem:s2] =	stream.indirect.scatter.add.f32 [tilespmem:s20], [sflag:$0x9], $0x40, s5, s14, $0xb8;
	[tilespmem:$0x1F000] =	vst v63  }
0x58: {  	_ =	swait.ge [sflag:s12], $0x2000  }
0x59: {  	[sflag:s12] =	ssyncset.done $0x0  }
0x5a: {  	[sflag:s12] =	ssyncadd.s32 $0xFFFFE000  }
0x5b: {  	_ =	swait.ge [sflag:s31], $0x2000  }
0x5c: {  	[sflag:s31] =	ssyncset.done $0x0  }
0x5d: {  	s6 =	simm.s32 $0x2B00;
	[sflag:s31] =	ssyncadd.s32 $0xFFFFE000  }
0x5e: {  	[spmem:s2] =	stream.indirect.scatter.add.f32 [tilespmem:s21], [sflag:$0x9], $0x40, s6, s14, $0xb8;
	[tilespmem:$0x1F000] =	vst v63  }
0x5f: {  	_ =	swait.ge [sflag:s12], $0x2000  }
0x60: {  	[sflag:s12] =	ssyncset.done $0x0  }
0x61: {  	[sflag:s12] =	ssyncadd.s32 $0xFFFFE000  }
0x62: {  	_ =	swait.ge [sflag:s1], $0x2000  }
0x63: {  	[sflag:s1] =	ssyncset.done $0x0  }
0x64: {  	s13 =	simm.s32 $0x2B80;
	[sflag:s1] =	ssyncadd.s32 $0xFFFFE000  }
0x65: {  	[spmem:s2] =	stream.indirect.scatter.add.f32 [tilespmem:s22], [sflag:$0x9], $0x40, s13, s14, $0xb8;
	[tilespmem:$0x1F000] =	vst v63  }
0x66: {  	_ =	swait.ge [sflag:s12], $0x2000  }
0x67: {  	s3 =	simm.s32 $0x2000;
	s13 =	simm.s32 $0x1000;
	[sflag:s12] =	ssyncset.done $0x0  }
.LBB2_2:
0x68: {  	s5 =	sshra.s32 s13, $0x2  }
0x69: {  	[sflag:s12] =	ssyncadd.s32 $0xFFFFE000;
	s13 =	smov.u32 s3;
	s6 =	sadd.s32 $0x1000, s3  }
0x6a: {  	[tilespmem:s15], [sflag:$0x1] =	stream.indirect.gather [hbm4b:s4+s14], $0x40, s5, s14, $0xb8;
	[tilespmem:$0x1F000] =	vst v63  }
0x6b: {  	p0 =	sne.s32 s3, $0x9000;
	s3 =	sadd.s32 $0x80, s5  }
0x6c: {  	[tilespmem:s16], [sflag:$0x2] =	stream.indirect.gather [hbm4b:s4+s14], $0x40, s3, s14, $0xb8;
	[tilespmem:$0x1F000] =	vst v63  }
0x6d: {  	s3 =	sadd.s32 $0x100, s5  }
0x6e: {  	[tilespmem:s17], [sflag:$0x3] =	stream.indirect.gather [hbm4b:s4+s14], $0x40, s3, s14, $0xb8;
	[tilespmem:$0x1F000] =	vst v63  }
0x6f: {  	s3 =	sadd.s32 $0x180, s5  }
0x70: {  	[tilespmem:s18], [sflag:$0x4] =	stream.indirect.gather [hbm4b:s4+s14], $0x40, s3, s14, $0xb8;
	[tilespmem:$0x1F000] =	vst v63  }
0x71: {  	s3 =	sadd.s32 $0x200, s5  }
0x72: {  	[tilespmem:s19], [sflag:$0x5] =	stream.indirect.gather [hbm4b:s4+s14], $0x40, s3, s14, $0xb8;
	[tilespmem:$0x1F000] =	vst v63  }
0x73: {  	s3 =	sadd.s32 $0x280, s5  }
0x74: {  	[tilespmem:s20], [sflag:$0x6] =	stream.indirect.gather [hbm4b:s4+s14], $0x40, s3, s14, $0xb8;
	[tilespmem:$0x1F000] =	vst v63  }
0x75: {  	s3 =	sadd.s32 $0x300, s5  }
0x76: {  	[tilespmem:s21], [sflag:$0x7] =	stream.indirect.gather [hbm4b:s4+s14], $0x40, s3, s14, $0xb8;
	[tilespmem:$0x1F000] =	vst v63  }
0x77: {  	s3 =	sadd.s32 $0x380, s5  }
0x78: {  	[tilespmem:s22], [sflag:$0x8] =	stream.indirect.gather [hbm4b:s4+s14], $0x40, s3, s14, $0xb8;
	[tilespmem:$0x1F000] =	vst v63  }
0x79: {  	_ =	swait.ge [sflag:s23], $0x2000  }
0x7a: {  	[sflag:s23] =	ssyncset.done $0x0  }
0x7b: {  	s3 =	sadd.s32 $0x2800, s5;
	[sflag:s23] =	ssyncadd.s32 $0xFFFFE000  }
0x7c: {  	[spmem:s2] =	stream.indirect.scatter.add.f32 [tilespmem:s15], [sflag:$0x9], $0x40, s3, s14, $0xb8;
	[tilespmem:$0x1F000] =	vst v63  }
0x7d: {  	_ =	swait.ge [sflag:s12], $0x2000  }
0x7e: {  	[sflag:s12] =	ssyncset.done $0x0  }
0x7f: {  	[sflag:s12] =	ssyncadd.s32 $0xFFFFE000  }
0x80: {  	_ =	swait.ge [sflag:s24], $0x2000  }
0x81: {  	[sflag:s24] =	ssyncset.done $0x0  }
0x82: {  	s3 =	sadd.s32 $0x2880, s5;
	[sflag:s24] =	ssyncadd.s32 $0xFFFFE000  }
0x83: {  	[spmem:s2] =	stream.indirect.scatter.add.f32 [tilespmem:s16], [sflag:$0x9], $0x40, s3, s14, $0xb8;
	[tilespmem:$0x1F000] =	vst v63  }
0x84: {  	_ =	swait.ge [sflag:s12], $0x2000  }
0x85: {  	[sflag:s12] =	ssyncset.done $0x0  }
0x86: {  	[sflag:s12] =	ssyncadd.s32 $0xFFFFE000  }
0x87: {  	_ =	swait.ge [sflag:s26], $0x2000  }
0x88: {  	[sflag:s26] =	ssyncset.done $0x0  }
0x89: {  	s3 =	sadd.s32 $0x2900, s5;
	[sflag:s26] =	ssyncadd.s32 $0xFFFFE000  }
0x8a: {  	[spmem:s2] =	stream.indirect.scatter.add.f32 [tilespmem:s17], [sflag:$0x9], $0x40, s3, s14, $0xb8;
	[tilespmem:$0x1F000] =	vst v63  }
0x8b: {  	_ =	swait.ge [sflag:s12], $0x2000  }
0x8c: {  	[sflag:s12] =	ssyncset.done $0x0  }
0x8d: {  	[sflag:s12] =	ssyncadd.s32 $0xFFFFE000  }
0x8e: {  	_ =	swait.ge [sflag:s28], $0x2000  }
0x8f: {  	[sflag:s28] =	ssyncset.done $0x0  }
0x90: {  	s3 =	sadd.s32 $0x2980, s5;
	[sflag:s28] =	ssyncadd.s32 $0xFFFFE000  }
0x91: {  	[spmem:s2] =	stream.indirect.scatter.add.f32 [tilespmem:s18], [sflag:$0x9], $0x40, s3, s14, $0xb8;
	[tilespmem:$0x1F000] =	vst v63  }
0x92: {  	_ =	swait.ge [sflag:s12], $0x2000  }
0x93: {  	[sflag:s12] =	ssyncset.done $0x0  }
0x94: {  	[sflag:s12] =	ssyncadd.s32 $0xFFFFE000  }
0x95: {  	_ =	swait.ge [sflag:s29], $0x2000  }
0x96: {  	[sflag:s29] =	ssyncset.done $0x0  }
0x97: {  	s3 =	sadd.s32 $0x2A00, s5;
	[sflag:s29] =	ssyncadd.s32 $0xFFFFE000  }
0x98: {  	[spmem:s2] =	stream.indirect.scatter.add.f32 [tilespmem:s19], [sflag:$0x9], $0x40, s3, s14, $0xb8;
	[tilespmem:$0x1F000] =	vst v63  }
0x99: {  	_ =	swait.ge [sflag:s12], $0x2000  }
0x9a: {  	[sflag:s12] =	ssyncset.done $0x0  }
0x9b: {  	[sflag:s12] =	ssyncadd.s32 $0xFFFFE000  }
0x9c: {  	_ =	swait.ge [sflag:s30], $0x2000  }
0x9d: {  	[sflag:s30] =	ssyncset.done $0x0  }
0x9e: {  	s3 =	sadd.s32 $0x2A80, s5;
	[sflag:s30] =	ssyncadd.s32 $0xFFFFE000  }
0x9f: {  	[spmem:s2] =	stream.indirect.scatter.add.f32 [tilespmem:s20], [sflag:$0x9], $0x40, s3, s14, $0xb8;
	[tilespmem:$0x1F000] =	vst v63  }
0xa0: {  	_ =	swait.ge [sflag:s12], $0x2000  }
0xa1: {  	[sflag:s12] =	ssyncset.done $0x0  }
0xa2: {  	[sflag:s12] =	ssyncadd.s32 $0xFFFFE000  }
0xa3: {  	_ =	swait.ge [sflag:s31], $0x2000  }
0xa4: {  	[sflag:s31] =	ssyncset.done $0x0  }
0xa5: {  	s3 =	sadd.s32 $0x2B00, s5;
	[sflag:s31] =	ssyncadd.s32 $0xFFFFE000  }
0xa6: {  	[spmem:s2] =	stream.indirect.scatter.add.f32 [tilespmem:s21], [sflag:$0x9], $0x40, s3, s14, $0xb8;
	[tilespmem:$0x1F000] =	vst v63  }
0xa7: {  	_ =	swait.ge [sflag:s12], $0x2000  }
0xa8: {  	[sflag:s12] =	ssyncset.done $0x0  }
0xa9: {  	[sflag:s12] =	ssyncadd.s32 $0xFFFFE000  }
0xaa: {  	_ =	swait.ge [sflag:s1], $0x2000  }
.Ltmp0:
0xab: {  	[sflag:s1] =	ssyncset.done $0x0;
	(pc) =	sbr.rel @p0 .LBB2_2-.Ltmp0, $4  }
0xac: {  	s3 =	sadd.s32 $0x2B80, s5;
	[sflag:s1] =	ssyncadd.s32 $0xFFFFE000  }
0xad: {  	[spmem:s2] =	stream.indirect.scatter.add.f32 [tilespmem:s22], [sflag:$0x9], $0x40, s3, s14, $0xb8;
	[tilespmem:$0x1F000] =	vst v63  }
0xae: {  	_ =	swait.ge [sflag:s12], $0x2000  }
0xaf: {  	s3 =	smov.u32 s6;
	[sflag:s12] =	ssyncset.done $0x0  }
0xb0: {  	s3 =	sshra.s32 s13, $0x2;
	[sflag:s12] =	ssyncadd.s32 $0xFFFFE000  }
0xb1: {  	[tilespmem:s15], [sflag:$0x1] =	stream.indirect.gather [hbm4b:s4+s14], $0x40, s3, s14, $0xb8;
	[tilespmem:$0x1F000] =	vst v63  }
0xb2: {  	s5 =	sadd.s32 $0x80, s3  }
0xb3: {  	[tilespmem:s16], [sflag:$0x2] =	stream.indirect.gather [hbm4b:s4+s14], $0x40, s5, s14, $0xb8;
	[tilespmem:$0x1F000] =	vst v63  }
0xb4: {  	s13 =	sadd.s32 $0x100, s3  }
0xb5: {  	[tilespmem:s17], [sflag:$0x3] =	stream.indirect.gather [hbm4b:s4+s14], $0x40, s13, s14, $0xb8;
	[tilespmem:$0x1F000] =	vst v63  }
0xb6: {  	s6 =	sadd.s32 $0x180, s3  }
0xb7: {  	[tilespmem:s18], [sflag:$0x4] =	stream.indirect.gather [hbm4b:s4+s14], $0x40, s6, s14, $0xb8;
	[tilespmem:$0x1F000] =	vst v63  }
0xb8: {  	s13 =	sadd.s32 $0x200, s3  }
0xb9: {  	[tilespmem:s19], [sflag:$0x5] =	stream.indirect.gather [hbm4b:s4+s14], $0x40, s13, s14, $0xb8;
	[tilespmem:$0x1F000] =	vst v63  }
0xba: {  	s6 =	sadd.s32 $0x280, s3  }
0xbb: {  	[tilespmem:s20], [sflag:$0x6] =	stream.indirect.gather [hbm4b:s4+s14], $0x40, s6, s14, $0xb8;
	[tilespmem:$0x1F000] =	vst v63  }
0xbc: {  	s13 =	sadd.s32 $0x300, s3  }
0xbd: {  	[tilespmem:s21], [sflag:$0x7] =	stream.indirect.gather [hbm4b:s4+s14], $0x40, s13, s14, $0xb8;
	[tilespmem:$0x1F000] =	vst v63  }
0xbe: {  	s6 =	sadd.s32 $0x380, s3  }
0xbf: {  	[tilespmem:s22], [sflag:$0x8] =	stream.indirect.gather [hbm4b:s4+s14], $0x40, s6, s14, $0xb8;
	[tilespmem:$0x1F000] =	vst v63  }
0xc0: {  	_ =	swait.ge [sflag:s23], $0x2000  }
0xc1: {  	[sflag:s23] =	ssyncset.done $0x0  }
0xc2: {  	s13 =	sadd.s32 $0x2800, s3;
	[sflag:s23] =	ssyncadd.s32 $0xFFFFE000  }
0xc3: {  	[spmem:s2] =	stream.indirect.scatter.add.f32 [tilespmem:s15], [sflag:$0x9], $0x40, s13, s14, $0xb8;
	[tilespmem:$0x1F000] =	vst v63  }
0xc4: {  	_ =	swait.ge [sflag:s12], $0x2000  }
0xc5: {  	[sflag:s12] =	ssyncset.done $0x0  }
0xc6: {  	[sflag:s12] =	ssyncadd.s32 $0xFFFFE000  }
0xc7: {  	_ =	swait.ge [sflag:s24], $0x2000  }
0xc8: {  	[sflag:s24] =	ssyncset.done $0x0  }
0xc9: {  	s6 =	sadd.s32 $0x2880, s3;
	[sflag:s24] =	ssyncadd.s32 $0xFFFFE000  }
0xca: {  	[spmem:s2] =	stream.indirect.scatter.add.f32 [tilespmem:s16], [sflag:$0x9], $0x40, s6, s14, $0xb8;
	[tilespmem:$0x1F000] =	vst v63  }
0xcb: {  	_ =	swait.ge [sflag:s12], $0x2000  }
0xcc: {  	[sflag:s12] =	ssyncset.done $0x0  }
0xcd: {  	[sflag:s12] =	ssyncadd.s32 $0xFFFFE000  }
0xce: {  	_ =	swait.ge [sflag:s26], $0x2000  }
0xcf: {  	[sflag:s26] =	ssyncset.done $0x0  }
0xd0: {  	s13 =	sadd.s32 $0x2900, s3;
	[sflag:s26] =	ssyncadd.s32 $0xFFFFE000  }
0xd1: {  	[spmem:s2] =	stream.indirect.scatter.add.f32 [tilespmem:s17], [sflag:$0x9], $0x40, s13, s14, $0xb8;
	[tilespmem:$0x1F000] =	vst v63  }
0xd2: {  	_ =	swait.ge [sflag:s12], $0x2000  }
0xd3: {  	[sflag:s12] =	ssyncset.done $0x0  }
0xd4: {  	[sflag:s12] =	ssyncadd.s32 $0xFFFFE000  }
0xd5: {  	_ =	swait.ge [sflag:s28], $0x2000  }
0xd6: {  	[sflag:s28] =	ssyncset.done $0x0  }
0xd7: {  	s6 =	sadd.s32 $0x2980, s3;
	[sflag:s28] =	ssyncadd.s32 $0xFFFFE000  }
0xd8: {  	[spmem:s2] =	stream.indirect.scatter.add.f32 [tilespmem:s18], [sflag:$0x9], $0x40, s6, s14, $0xb8;
	[tilespmem:$0x1F000] =	vst v63  }
0xd9: {  	_ =	swait.ge [sflag:s12], $0x2000  }
0xda: {  	[sflag:s12] =	ssyncset.done $0x0  }
0xdb: {  	[sflag:s12] =	ssyncadd.s32 $0xFFFFE000  }
0xdc: {  	_ =	swait.ge [sflag:s29], $0x2000  }
0xdd: {  	[sflag:s29] =	ssyncset.done $0x0  }
0xde: {  	s13 =	sadd.s32 $0x2A00, s3;
	[sflag:s29] =	ssyncadd.s32 $0xFFFFE000  }
0xdf: {  	[spmem:s2] =	stream.indirect.scatter.add.f32 [tilespmem:s19], [sflag:$0x9], $0x40, s13, s14, $0xb8;
	[tilespmem:$0x1F000] =	vst v63  }
0xe0: {  	_ =	swait.ge [sflag:s12], $0x2000  }
0xe1: {  	[sflag:s12] =	ssyncset.done $0x0  }
0xe2: {  	[sflag:s12] =	ssyncadd.s32 $0xFFFFE000  }
0xe3: {  	_ =	swait.ge [sflag:s30], $0x2000  }
0xe4: {  	[sflag:s30] =	ssyncset.done $0x0  }
0xe5: {  	s6 =	sadd.s32 $0x2A80, s3;
	[sflag:s30] =	ssyncadd.s32 $0xFFFFE000  }
0xe6: {  	[spmem:s2] =	stream.indirect.scatter.add.f32 [tilespmem:s20], [sflag:$0x9], $0x40, s6, s14, $0xb8;
	[tilespmem:$0x1F000] =	vst v63  }
0xe7: {  	_ =	swait.ge [sflag:s12], $0x2000  }
0xe8: {  	[sflag:s12] =	ssyncset.done $0x0  }
0xe9: {  	[sflag:s12] =	ssyncadd.s32 $0xFFFFE000  }
0xea: {  	_ =	swait.ge [sflag:s31], $0x2000  }
0xeb: {  	[sflag:s31] =	ssyncset.done $0x0  }
0xec: {  	s13 =	sadd.s32 $0x2B00, s3;
	[sflag:s31] =	ssyncadd.s32 $0xFFFFE000  }
0xed: {  	[spmem:s2] =	stream.indirect.scatter.add.f32 [tilespmem:s21], [sflag:$0x9], $0x40, s13, s14, $0xb8;
	[tilespmem:$0x1F000] =	vst v63  }
0xee: {  	_ =	swait.ge [sflag:s12], $0x2000  }
0xef: {  	[sflag:s12] =	ssyncset.done $0x0  }
0xf0: {  	[sflag:s12] =	ssyncadd.s32 $0xFFFFE000  }
0xf1: {  	_ =	swait.ge [sflag:s1], $0x2000  }
0xf2: {  	[sflag:s1] =	ssyncset.done $0x0  }
0xf3: {  	s3 =	sadd.s32 $0x2B80, s3;
	[sflag:s1] =	ssyncadd.s32 $0xFFFFE000  }
0xf4: {  	[spmem:s2] =	stream.indirect.scatter.add.f32 [tilespmem:s22], [sflag:$0x9], $0x40, s3, s14, $0xb8;
	[tilespmem:$0x1F000] =	vst v63  }
0xf5: {  	_ =	swait.ge [sflag:s12], $0x2000  }
0xf6: {  	s0 =	sadd.s32 $0x1, s0;
	[sflag:s12] =	ssyncset.done $0x0  }
0xf7: {  	p0 =	sne.s32 s0, s8;
	[sflag:s12] =	ssyncadd.s32 $0xFFFFE000  }
.Ltmp1:
0xf8: {  	[bflag:$0x0] =	sbarrier.arrive $0xFFFF;
	(pc) =	sbr.rel @p0 .LBB2_1-.Ltmp1, $4  }
0xf9: {  	[hbm:s7], [sflag:s10] =	dma.local [spmem:s25], $0x1400  }
0xfa: {  	_ =	swait.ge [sflag:s12], $0x1400  }
0xfb: {  	[sflag:s12] =	ssyncset.done $0x0  }
0xfc: {  	[sflag:s12] =	ssyncadd.s32 $0xFFFFEC00  }
0xfd: {  	_ =	sfence.sel $0x180000  }
0xfe: {  	[bflag:$0x0] =	sbarrier.arrive $0xFFFF  }
0xff: {  	_ =	strace $0x9000004A  }
0x100: {  	s0 =	stileid.u32;
	[bflag:$0x2] =	sbarrier.arrive $0xFFFF  }
0x101: {  	p0 =	sne.s32 s0, $0x0;
	s0 =	rddreg [dreg:$0x2]  }
0x102: {  	s0 =	sadd.s32 @!p0 $0x100000, s0  }
0x103: {  	[sflag:s0] =	ssyncadd.tile.s32 @!p0 $0x1;
	_ =	shalt  }
.Lfunc_end2:
_tile_overlayer_lowered:
.L_overlay_start_2:
0x104: {  	(tag) =	ssettag $0x2  }
0x105: {  	s0 =	rddreg [dreg:$0x0];
	s2 =	stileid.u32  }
0x106: {  	s1 =	rddreg [dreg:$0x1];
	p0 =	sne.s32 s2, $0x0  }
0x107: {  	s3 =	rddreg [dreg:$0x2];
	[bflag:$0x3] =	sbarrier.arrive $0xFFFF;
	s2 =	simm.s32 @!p0 $0x1C09  }
0x108: {  	[timem:s3], [sflag:s2] =	dma.local @!p0 [hbm:s0], s1  }
0x109: {  	s0 =	simm.s32 @!p0 $0x9  }
0x10a: {  	_ =	swait.ge @!p0 [sflag:s0], s1  }
0x10b: {  	s1 =	ssub.s32 @!p0 $0x0, s1;
	[sflag:s0] =	ssyncset.done @!p0 $0x0  }
0x10c: {  	[sflag:s0] =	ssyncadd.s32 @!p0 s1  }
0x10d: {  	[bflag:$0x3] =	sbarrier.arrive $0xFFFF  }
0x10e: {  	_ =	shalt  }

// kernel: kernel.16.cloned.1.call-start
scs
__scs_entry_jumppad:
0x0: {  	(pc) =	sbr.rel $0x88, $3  }
0x1: {  	(tag) =	ssettag $0x0;
	lr =	simm.s32 $0x1  }
0x2: {  	[smem:$0x3F88] =	sst lr;
	_ =	strace $0xD0000000  }
0x3: {  	_ = 	snop  }
0x4: {  	_ = 	snop  }
0x5: {  	_ = 	snop  }
0x6: {  	_ = 	snop  }
0x7: {  	_ = 	snop  }
__scs_overlays_trampoline_lowered:
0x8: {  	[smem:$0x3F97] =	sst s0  }
0x9: {  	[smem:$0x3F98] =	sst s1  }
0xa: {  	[smem:$0x3F99] =	sst s2  }
0xb: {  	[smem:$0x3F9A] =	sst s3  }
0xc: {  	[smem:$0x3F9B] =	sst s4  }
0xd: {  	[smem:$0x3F9C] =	sst s5  }
0xe: {  	[smem:$0x3F9D] =	sst s6  }
0xf: {  	[smem:$0x3F9E] =	sst s7  }
0x10: {  	[smem:$0x3F9F] =	sst s8  }
0x11: {  	[smem:$0x3FA0] =	sst s9;
	s0 =	simm.s32 @!p0 $0x0  }
0x12: {  	s1 =	sld [smem:$0x3F86];
	s0 =	simm.s32 @p0 $0x1  }
0x13: {  	[smem:$0x3FA1] =	sst s0;
	s0 =	simm.s32 @!p1 $0x0  }
0x14: {  	s2 =	sld [smem:$0x3F85];
	s0 =	simm.s32 @p1 $0x1  }
0x15: {  	[smem:$0x3FA2] =	sst s0;
	s0 =	simm.s32 @!p2 $0x0  }
0x16: {  	s3 =	sld [smem:$0x3FDB];
	s0 =	simm.s32 @p2 $0x1  }
0x17: {  	s4 =	simm.s32 $0x1BF5;
	[smem:$0x3FA4] =	sst s0  }
0x18: {  	s0 =	sld [smem:$0x3F87];
	_ =	swait.ge [sflag:s4], $0x0  }
0x19: {  	s7 =	sld [smem:$0x3F88]  }
0x1a: {  	s8 =	sadd.s32 $0xFFFFE003, lr  }
0x1b: {  	s9 =	sadd.s32 $0xFFFFFEF7, lr;
	s5 =	simm.s32 $0xFFFFFFFF;
	p2 =	slt.u32 s8, $0xFFFFF086  }
0x1c: {  	p1 =	slt.u32 s9, $0xF7A;
	s5 =	simm.s32 @!p2 $0x0  }
0x1d: {  	s5 =	simm.s32 @p1 $0x1;
	p0 =	seq.s32 s7, s2  }
0x1e: {  	s7 =	smul.u32 @!p0 $0xF7A, s2;
	p2 =	seq.s32 @!p0 s5, $0x0  }
0x1f: {  	s9 =	smul.u32 $0xF7A, s1;
	s8 =	simm.s32 @!p0 $0x1BF5;
	p2 =	por !p2, p0  }
0x20: {  	[sflag:s8] =	ssyncset.s32 @!p0 $0xFFFFF086;
	s6 =	sadd.s32 @!p0 s3, s7;
	s7 =	simm.s32 @!p0 $0x108  }
0x21: {  	s3 =	sadd.s32 s3, s9;
	s6 =	sadd.s32 @!p0 $0x88, s6;
	s7 =	simm.s32 @p2 $0x1082  }
0x22: {  	[simem:s7], [sflag:s8] =	dma.local @!p0 [hbm:s6], $0xF7A  }
0x23: {  	s9 =	sor.u32 $0xD0000000, s2;
	s6 =	simm.s32 $0x108;
	_ =	swait.ge @!p0 [sflag:s8], $0x0  }
0x24: {  	s3 =	sadd.s32 $0x88, s3;
	s6 =	simm.s32 @!p1 $0x1082;
	[sflag:s4] =	ssyncset.s32 $0xFFFFF086  }
0x25: {  	[simem:s6], [sflag:s4] =	dma.local [hbm:s3], $0xF7A  }
0x26: {  	[smem:$0x3F88] =	sst s1;
	(tag) =	ssettag s2;
	_ =	strace s9  }
0x27: {  	s1 =	sld [smem:$0x3F98]  }
0x28: {  	s2 =	sld [smem:$0x3F99]  }
0x29: {  	s4 =	sld [smem:$0x3F9B]  }
0x2a: {  	p0 =	seq.s32 s5, $0x0;
	s5 =	sld [smem:$0x3F9C]  }
0x2b: {  	s6 =	sld [smem:$0x3F9D]  }
0x2c: {  	s7 =	sld [smem:$0x3F9E]  }
0x2d: {  	s3 =	simm.s32 $0x108;
	s8 =	sld [smem:$0x3F9F]  }
0x2e: {  	s3 =	simm.s32 @!p0 $0x1082;
	s9 =	sld [smem:$0x3FA0]  }
0x2f: {  	lr =	sadd.s32 s0, s3;
	s0 =	sld [smem:$0x3F97]  }
0x30: {  	s3 =	sld [smem:$0x3F9A]  }
0x31: {  	[smem:$0x3FA3] =	sst s10  }
0x32: {  	s10 =	sld [smem:$0x3FA1];
	_ =	sdelay $0x3  }
0x33: {  	p0 =	seq.s32 s10, $0x1;
	s10 =	sld [smem:$0x3FA3];
	_ =	sdelay $0x3  }
0x34: {  	[smem:$0x3FA3] =	sst s10  }
0x35: {  	s10 =	sld [smem:$0x3FA2];
	_ =	sdelay $0x3  }
0x36: {  	p1 =	seq.s32 s10, $0x1;
	s10 =	sld [smem:$0x3FA3];
	_ =	sdelay $0x3  }
0x37: {  	[smem:$0x3FA3] =	sst s10  }
0x38: {  	s10 =	sld [smem:$0x3FA4]  }
0x39: {  	_ = 	snop;
	(pc) =	sbr.ind lr, $3  }
0x3a: {  	_ = 	snop  }
0x3b: {  	_ = 	snop  }
0x3c: {  	p2 =	seq.s32 s10, $0x1;
	s10 =	sld [smem:$0x3FA3]  }
0x3d: {  	_ =	shalt  }
0x3e: {  	_ =	shalt  }
0x3f: {  	_ =	shalt  }
0x40: {  	_ =	shalt  }
0x41: {  	_ =	shalt  }
0x42: {  	_ =	shalt  }
0x43: {  	_ =	shalt  }
0x44: {  	_ =	shalt  }
0x45: {  	_ =	shalt  }
0x46: {  	_ =	shalt  }
0x47: {  	_ =	shalt  }
0x48: {  	_ =	shalt  }
0x49: {  	_ =	shalt  }
0x4a: {  	_ =	shalt  }
0x4b: {  	_ =	shalt  }
0x4c: {  	_ =	shalt  }
0x4d: {  	_ =	shalt  }
0x4e: {  	_ =	shalt  }
0x4f: {  	_ =	shalt  }
0x50: {  	_ =	shalt  }
0x51: {  	_ =	shalt  }
0x52: {  	_ =	shalt  }
0x53: {  	_ =	shalt  }
0x54: {  	_ =	shalt  }
0x55: {  	_ =	shalt  }
0x56: {  	_ =	shalt  }
0x57: {  	_ =	shalt  }
0x58: {  	_ =	shalt  }
0x59: {  	_ =	shalt  }
0x5a: {  	_ =	shalt  }
0x5b: {  	_ =	shalt  }
0x5c: {  	_ =	shalt  }
0x5d: {  	_ =	shalt  }
0x5e: {  	_ =	shalt  }
0x5f: {  	_ =	shalt  }
0x60: {  	_ =	shalt  }
0x61: {  	_ =	shalt  }
0x62: {  	_ =	shalt  }
0x63: {  	_ =	shalt  }
0x64: {  	_ =	shalt  }
0x65: {  	_ =	shalt  }
0x66: {  	_ =	shalt  }
0x67: {  	_ =	shalt  }
0x68: {  	_ =	shalt  }
0x69: {  	_ =	shalt  }
0x6a: {  	_ =	shalt  }
0x6b: {  	_ =	shalt  }
0x6c: {  	_ =	shalt  }
0x6d: {  	_ =	shalt  }
0x6e: {  	_ =	shalt  }
0x6f: {  	_ =	shalt  }
0x70: {  	_ =	shalt  }
0x71: {  	_ =	shalt  }
0x72: {  	_ =	shalt  }
0x73: {  	_ =	shalt  }
0x74: {  	_ =	shalt  }
0x75: {  	_ =	shalt  }
0x76: {  	_ =	shalt  }
0x77: {  	_ =	shalt  }
0x78: {  	_ =	shalt  }
0x79: {  	_ =	shalt  }
0x7a: {  	_ =	shalt  }
0x7b: {  	_ =	shalt  }
0x7c: {  	_ =	shalt  }
0x7d: {  	_ =	shalt  }
0x7e: {  	_ =	shalt  }
0x7f: {  	_ =	shalt  }
0x80: {  	_ =	shalt  }
0x81: {  	_ =	shalt  }
0x82: {  	_ =	shalt  }
0x83: {  	_ =	shalt  }
0x84: {  	_ =	shalt  }
0x85: {  	_ =	shalt  }
0x86: {  	_ =	shalt  }
0x87: {  	_ =	shalt  }
.Lfunc_end0:
.L_simem_size_0:
called_computation.2_lowered:
.L_overlay_start_0:
0x88: {  	s2 =	sld [smem:$0x3FD9]  }
0x89: {  	s3 =	sld [smem:$0x3FFE];
	_ =	sdelay $0x1  }
0x8a: {  	s1 =	srdreg.scid  }
0x8b: {  	s0 =	sand.u32 $0x1, s1  }
0x8c: {  	s16 =	sshll.u32 s0, $0xA;
	s2 =	sadd.s32 s3, s2  }
0x8d: {  	s2 =	sadd.s32 s2, s16  }
0x8e: {  	[smem:$0x3FAF] =	sst s2  }
0x8f: {  	_ = 	snop  }
0x90: {  	(tm) =	ssettm $0x1  }
0x91: {  	s17 =	sld [smem:$0x3FFB];
	_ =	sdelay $0x3  }
0x92: {  	_ =	strace s17  }
0x93: {  	s2 =	sld [smem:$0x3FFC];
	_ =	sdelay $0x3  }
0x94: {  	_ =	strace s2  }
0x95: {  	s2 =	sld [smem:$0x3FFD];
	_ =	sdelay $0x3  }
0x96: {  	_ =	strace s2  }
0x97: {  	_ =	strace $0x8FFFFFFF  }
0x98: {  	s18 =	sld [smem:$0x3FDB];
	_ =	sdelay $0x1  }
0x99: {  	s19 =	simm.s32 $_scs_section_size  }
0x9a: {  	s4 =	simm.s32 $_size__tile_overlayer_lowered;
	s5 =	simm.s32 $_tile_overlayer_lowered  }
0x9b: {  	s22 =	simm.s32 $0x1BFF;
	s21 =	sshll.u32 s5, $0x1;
	s2 =	sadd.s32 s19, s18  }
0x9c: {  	s6 =	simm.s32 $0x0;
	s20 =	sshll.u32 s4, $0x1;
	s4 =	sadd.s32 s21, s2  }
0x9d: {  	[timem:s6], [sflag:s22] =	dma.local [hbm:s4], s20  }
0x9e: {  	_ =	swait.ge [sflag:s22], s20  }
0x9f: {  	s3 =	ssub.s32 $0x0, s20;
	[sflag:s22] =	ssyncset.done $0x0  }
0xa0: {  	[sflag:s22] =	ssyncadd.s32 s3;
	_ =	sdelay $0x1  }
0xa1: {  	s23 =	simm.s32 $0x1B8B  }
0xa2: {  	_ =	swait.ge [sflag:s23], $0x1  }
0xa3: {  	[sflag:s23] =	ssyncset.done $0x0  }
0xa4: {  	s25 =	simm.s32 $0x1B8E;
	s24 =	sld [smem:$0x3FFE];
	[sflag:s23] =	ssyncadd.s32 $0xFFFFFFFF  }
0xa5: {  	s26 =	simm.s32 $execute0_lowered;
	[smem:$0x3FD2] =	sst s25  }
0xa6: {  	s4 =	sshll.u32 s26, $0x1;
	_ =	strace $0x8000004C;
	[dreg:$0x1] =	wrdreg $0xFFFFFFFF  }
0xa7: {  	s28 =	simm.s32 $_size_execute0_lowered;
	s2 =	sadd.s32 s2, s4;
	[dreg:$0x0] =	wrdreg $0x0  }
0xa8: {  	s4 =	sshll.u32 s28, $0x1;
	[dreg:$0x2] =	wrdreg s2  }
0xa9: {  	[dreg:$0x3] =	wrdreg s4  }
0xaa: {  	[dreg:$0x4] =	wrdreg $0xC0  }
0xab: {  	_ =	task [dreg:s6], $0x5FFFF  }
0xac: {  	[dreg:$0x1] =	wrdreg $0xFFFFFFFF  }
0xad: {  	[dreg:$0x0] =	wrdreg $0x60  }
0xae: {  	[dreg:$0x2] =	wrdreg s24  }
0xaf: {  	[dreg:$0x3] =	wrdreg $0x150000  }
0xb0: {  	[dreg:$0x4] =	wrdreg $0x9  }
0xb1: {  	_ =	task.clear_ibuf [dreg:s6], $0x5FFFF;
	_ =	strace $0x9000004C  }
0xb2: {  	s29 =	simm.s32 $0x9;
	_ =	strace $0x8000004E  }
0xb3: {  	_ =	swait.ge [sflag:s29], $0x1  }
0xb4: {  	[sflag:s29] =	ssyncadd.s32 $0xFFFFFFFF  }
0xb5: {  	_ =	strace $0x9000004E  }
0xb6: {  	_ =	sfence  }
0xb7: {  	s30 =	sld [smem:$0x0];
	_ =	sdelay $0x2  }
0xb8: {  	s31 =	sshll.u32 s1, $0xD;
	s1 =	sshrl.u32 s1, $0x2  }
0xb9: {  	s3 =	sand.u32 $0x4000, s31;
	s1 =	sadd.s32 s1, s30  }
0xba: {  	s0 =	sor.u32 s3, s0;
	s1 =	sshll.u32 s1, $0x11  }
0xbb: {  	s0 =	sor.u32 s1, s0  }
0xbc: {  	s0 =	sadd.s32 $0x8F2B, s0  }
0xbd: {  	[sflag:s0] =	ssyncadd.remote.s32 $0x1  }
0xbe: {  	_ =	sfence.sel $0xFFFF  }
0xbf: {  	[dreg:$0x0] =	wrdreg $0xFFFFFFFF;
	(pc) =	sbr.abs _section_cstart, $3  }
0xc0: {  	[dreg:$0x1] =	wrdreg $0xFFFFFFFF  }
0xc1: {  	_ =	task.clear_ibuf [dreg:s6], $0x2FFFF;
	_ =	strace $0x9FFFFFFF  }
0xc2: {  	(tm) =	ssettm $0x7FFFFFFF  }
0xc3: {  	_ =	shalt  }
tec
execute0_lowered:
.L_overlay_start_1:
0x0: {  	(tag) =	ssettag $0x1  }
0x1: {  	s0 =	srdreg.scid;
	s1 =	rddreg [dreg:$0x0]  }
0x2: {  	s10 =	stileid.u32;
	s2 =	rddreg [dreg:$0x1];
	s4 =	simm.s32 $0x0  }
0x3: {  	s12 =	simm.s32 $0x9;
	s14 =	simm.s32 $0x80;
	s15 =	simm.s32 $0x5000  }
0x4: {  	s16 =	simm.s32 $0x7000;
	s17 =	simm.s32 $0x9000;
	s18 =	simm.s32 $0xB000  }
0x5: {  	s19 =	simm.s32 $0xD000;
	s28 =	simm.s32 $0x4;
	s29 =	simm.s32 $0x5  }
0x6: {  	s30 =	simm.s32 $0x6;
	s31 =	simm.s32 $0x7;
	s5 =	smul.u32 $0x1400, s10  }
0x7: {  	s0 =	sand.u32 $0x1, s0;
	[smem:$0x7FF] =	sst s4;
	s7 =	smul.u32 $0xA000, s10  }
0x8: {  	s4 =	sadd.s32 $0x4000, s1;
	s9 =	sadd.s32 $0x2C000, s1;
	s8 =	smul.u32 $0x28000, s10  }
0x9: {  	s26 =	sshll.u32 s10, $0x6;
	s3 =	sshll.u32 s0, $0x4;
	_ =	strace $0x8000004D  }
0xa: {  	s6 =	smul.u32 $0x14000, s0;
	s20 =	ssub.s32 $0x2, s0;
	p0 =	seq.s32 s0, $0x0  }
0xb: {  	s0 =	simm.s32 $0x0;
	s3 =	sor.u32 s10, s3;
	s21 =	sshrl.u32 s20, $0x1  }
0xc: {  	s22 =	sadd.s32 s7, s2;
	s23 =	sshrl.u32 s7, $0x3;
	s8 =	sshrl.u32 s8, $0x2  }
0xd: {  	s9 =	smov.u32 @p0 s4;
	s10 =	sor.u32 $0x1C09, s26;
	s26 =	simm.s32 $0x3  }
0xe: {  	s3 =	smul.u32 $0x500, s3;
	s5 =	sadd.s32 s5, s6;
	s25 =	sadd.s32 s8, s2  }
0xf: {  	s9 =	sadd.s32 s9, s23;
	s11 =	sshrl.u32 s22, $0x3;
	s22 =	simm.s32 $0x13000  }
0x10: {  	s23 =	simm.s32 $0x1;
	s25 =	sshrl.u32 s25, $0x3;
	s3 =	sadd.s32 s3, s1  }
0x11: {  	s1 =	sadd.s32 s5, s1;
	s5 =	ssub.s32 s20, s21;
	s20 =	simm.s32 $0xF000  }
0x12: {  	s21 =	simm.s32 $0x11000;
	s24 =	sadd.s32 $0x22000, s3;
	s3 =	sadd.s32 $0x18000, s3  }
0x13: {  	s7 =	sadd.s32 $0x40000, s1;
	s8 =	smax.u32 s5, $0x1;
	[dreg:$0x3] =	wrdreg s24  }
0x14: {  	s1 =	simm.s32 $0x8;
	[dreg:$0x4] =	wrdreg s3;
	s24 =	simm.s32 $0x2  }
.LBB2_1:
0x15: {  	[spmem:s11], [sflag:s10] =	dma.local [hbm:s9], $0x1400  }
0x16: {  	_ =	swait.ge [sflag:s12], $0x1400  }
0x17: {  	[sflag:s12] =	ssyncset.done $0x0  }
0x18: {  	s3 =	simm.s32 $0x0;
	s5 =	rddreg [dreg:$0x3];
	[sflag:s12] =	ssyncadd.s32 $0xFFFFEC00  }
0x19: {  	[tilespmem:s3], [sflag:$0x9] =	stream.linear.gather [hbm4b:s5+s3], $0x2800, $0x38;
	[tilespmem:$0x1F000] =	vst v63  }
0x1a: {  	_ =	swait.ge [sflag:s12], $0x2800  }
0x1b: {  	[sflag:s12] =	ssyncset.done $0x0  }
0x1c: {  	s6 =	simm.s32 $0x2800;
	s13 =	rddreg [dreg:$0x4];
	[sflag:s12] =	ssyncadd.s32 $0xFFFFD800  }
0x1d: {  	[tilespmem:s6], [sflag:$0x9] =	stream.linear.gather [hbm4b:s13+s3], $0x2800, $0x38;
	[tilespmem:$0x1F000] =	vst v63  }
0x1e: {  	_ =	swait.ge [sflag:s12], $0x2800  }
0x1f: {  	[sflag:s12] =	ssyncset.done $0x0  }
0x20: {  	[sflag:s12] =	ssyncadd.s32 $0xFFFFD800  }
0x21: {  	s13 =	simm.s32 $0x0;
	[bflag:$0x0] =	sbarrier.arrive $0xFFFF  }
0x22: {  	[tilespmem:s15], [sflag:$0x1] =	stream.indirect.gather [hbm4b:s4+s14], $0x40, s13, s14, $0xb8;
	[tilespmem:$0x1F000] =	vst v63  }
0x23: {  	s5 =	simm.s32 $0x80  }
0x24: {  	[tilespmem:s16], [sflag:$0x2] =	stream.indirect.gather [hbm4b:s4+s14], $0x40, s5, s14, $0xb8;
	[tilespmem:$0x1F000] =	vst v63  }
0x25: {  	s6 =	simm.s32 $0x100  }
0x26: {  	[tilespmem:s17], [sflag:$0x3] =	stream.indirect.gather [hbm4b:s4+s14], $0x40, s6, s14, $0xb8;
	[tilespmem:$0x1F000] =	vst v63  }
0x27: {  	s13 =	simm.s32 $0x180  }
0x28: {  	[tilespmem:s18], [sflag:$0x4] =	stream.indirect.gather [hbm4b:s4+s14], $0x40, s13, s14, $0xb8;
	[tilespmem:$0x1F000] =	vst v63  }
0x29: {  	s5 =	simm.s32 $0x200  }
0x2a: {  	[tilespmem:s19], [sflag:$0x5] =	stream.indirect.gather [hbm4b:s4+s14], $0x40, s5, s14, $0xb8;
	[tilespmem:$0x1F000] =	vst v63  }
0x2b: {  	s6 =	simm.s32 $0x280  }
0x2c: {  	[tilespmem:s20], [sflag:$0x6] =	stream.indirect.gather [hbm4b:s4+s14], $0x40, s6, s14, $0xb8;
	[tilespmem:$0x1F000] =	vst v63  }
0x2d: {  	s13 =	simm.s32 $0x300  }
0x2e: {  	[tilespmem:s21], [sflag:$0x7] =	stream.indirect.gather [hbm4b:s4+s14], $0x40, s13, s14, $0xb8;
	[tilespmem:$0x1F000] =	vst v63  }
0x2f: {  	s5 =	simm.s32 $0x380  }
0x30: {  	[tilespmem:s22], [sflag:$0x8] =	stream.indirect.gather [hbm4b:s4+s14], $0x40, s5, s14, $0xb8;
	[tilespmem:$0x1F000] =	vst v63  }
0x31: {  	_ =	swait.ge [sflag:s23], $0x2000  }
0x32: {  	[sflag:s23] =	ssyncset.done $0x0  }
0x33: {  	s6 =	simm.s32 $0x2800;
	[sflag:s23] =	ssyncadd.s32 $0xFFFFE000  }
0x34: {  	[spmem:s2] =	stream.indirect.scatter.add.f32 [tilespmem:s15], [sflag:$0x9], $0x40, s6, s14, $0xb8;
	[tilespmem:$0x1F000] =	vst v63  }
0x35: {  	_ =	swait.ge [sflag:s12], $0x2000  }
0x36: {  	[sflag:s12] =	ssyncset.done $0x0  }
0x37: {  	[sflag:s12] =	ssyncadd.s32 $0xFFFFE000  }
0x38: {  	_ =	swait.ge [sflag:s24], $0x2000  }
0x39: {  	[sflag:s24] =	ssyncset.done $0x0  }
0x3a: {  	s13 =	simm.s32 $0x2880;
	[sflag:s24] =	ssyncadd.s32 $0xFFFFE000  }
0x3b: {  	[spmem:s2] =	stream.indirect.scatter.add.f32 [tilespmem:s16], [sflag:$0x9], $0x40, s13, s14, $0xb8;
	[tilespmem:$0x1F000] =	vst v63  }
0x3c: {  	_ =	swait.ge [sflag:s12], $0x2000  }
0x3d: {  	[sflag:s12] =	ssyncset.done $0x0  }
0x3e: {  	[sflag:s12] =	ssyncadd.s32 $0xFFFFE000  }
0x3f: {  	_ =	swait.ge [sflag:s26], $0x2000  }
0x40: {  	[sflag:s26] =	ssyncset.done $0x0  }
0x41: {  	s5 =	simm.s32 $0x2900;
	[sflag:s26] =	ssyncadd.s32 $0xFFFFE000  }
0x42: {  	[spmem:s2] =	stream.indirect.scatter.add.f32 [tilespmem:s17], [sflag:$0x9], $0x40, s5, s14, $0xb8;
	[tilespmem:$0x1F000] =	vst v63  }
0x43: {  	_ =	swait.ge [sflag:s12], $0x2000  }
0x44: {  	[sflag:s12] =	ssyncset.done $0x0  }
0x45: {  	[sflag:s12] =	ssyncadd.s32 $0xFFFFE000  }
0x46: {  	_ =	swait.ge [sflag:s28], $0x2000  }
0x47: {  	[sflag:s28] =	ssyncset.done $0x0  }
0x48: {  	s6 =	simm.s32 $0x2980;
	[sflag:s28] =	ssyncadd.s32 $0xFFFFE000  }
0x49: {  	[spmem:s2] =	stream.indirect.scatter.add.f32 [tilespmem:s18], [sflag:$0x9], $0x40, s6, s14, $0xb8;
	[tilespmem:$0x1F000] =	vst v63  }
0x4a: {  	_ =	swait.ge [sflag:s12], $0x2000  }
0x4b: {  	[sflag:s12] =	ssyncset.done $0x0  }
0x4c: {  	[sflag:s12] =	ssyncadd.s32 $0xFFFFE000  }
0x4d: {  	_ =	swait.ge [sflag:s29], $0x2000  }
0x4e: {  	[sflag:s29] =	ssyncset.done $0x0  }
0x4f: {  	s13 =	simm.s32 $0x2A00;
	[sflag:s29] =	ssyncadd.s32 $0xFFFFE000  }
0x50: {  	[spmem:s2] =	stream.indirect.scatter.add.f32 [tilespmem:s19], [sflag:$0x9], $0x40, s13, s14, $0xb8;
	[tilespmem:$0x1F000] =	vst v63  }
0x51: {  	_ =	swait.ge [sflag:s12], $0x2000  }
0x52: {  	[sflag:s12] =	ssyncset.done $0x0  }
0x53: {  	[sflag:s12] =	ssyncadd.s32 $0xFFFFE000  }
0x54: {  	_ =	swait.ge [sflag:s30], $0x2000  }
0x55: {  	[sflag:s30] =	ssyncset.done $0x0  }
0x56: {  	s5 =	simm.s32 $0x2A80;
	[sflag:s30] =	ssyncadd.s32 $0xFFFFE000  }
0x57: {  	[spmem:s2] =	stream.indirect.scatter.add.f32 [tilespmem:s20], [sflag:$0x9], $0x40, s5, s14, $0xb8;
	[tilespmem:$0x1F000] =	vst v63  }
0x58: {  	_ =	swait.ge [sflag:s12], $0x2000  }
0x59: {  	[sflag:s12] =	ssyncset.done $0x0  }
0x5a: {  	[sflag:s12] =	ssyncadd.s32 $0xFFFFE000  }
0x5b: {  	_ =	swait.ge [sflag:s31], $0x2000  }
0x5c: {  	[sflag:s31] =	ssyncset.done $0x0  }
0x5d: {  	s6 =	simm.s32 $0x2B00;
	[sflag:s31] =	ssyncadd.s32 $0xFFFFE000  }
0x5e: {  	[spmem:s2] =	stream.indirect.scatter.add.f32 [tilespmem:s21], [sflag:$0x9], $0x40, s6, s14, $0xb8;
	[tilespmem:$0x1F000] =	vst v63  }
0x5f: {  	_ =	swait.ge [sflag:s12], $0x2000  }
0x60: {  	[sflag:s12] =	ssyncset.done $0x0  }
0x61: {  	[sflag:s12] =	ssyncadd.s32 $0xFFFFE000  }
0x62: {  	_ =	swait.ge [sflag:s1], $0x2000  }
0x63: {  	[sflag:s1] =	ssyncset.done $0x0  }
0x64: {  	s13 =	simm.s32 $0x2B80;
	[sflag:s1] =	ssyncadd.s32 $0xFFFFE000  }
0x65: {  	[spmem:s2] =	stream.indirect.scatter.add.f32 [tilespmem:s22], [sflag:$0x9], $0x40, s13, s14, $0xb8;
	[tilespmem:$0x1F000] =	vst v63  }
0x66: {  	_ =	swait.ge [sflag:s12], $0x2000  }
0x67: {  	s3 =	simm.s32 $0x2000;
	s13 =	simm.s32 $0x1000;
	[sflag:s12] =	ssyncset.done $0x0  }
.LBB2_2:
0x68: {  	s5 =	sshra.s32 s13, $0x2  }
0x69: {  	[sflag:s12] =	ssyncadd.s32 $0xFFFFE000;
	s13 =	smov.u32 s3;
	s6 =	sadd.s32 $0x1000, s3  }
0x6a: {  	[tilespmem:s15], [sflag:$0x1] =	stream.indirect.gather [hbm4b:s4+s14], $0x40, s5, s14, $0xb8;
	[tilespmem:$0x1F000] =	vst v63  }
0x6b: {  	p0 =	sne.s32 s3, $0x9000;
	s3 =	sadd.s32 $0x80, s5  }
0x6c: {  	[tilespmem:s16], [sflag:$0x2] =	stream.indirect.gather [hbm4b:s4+s14], $0x40, s3, s14, $0xb8;
	[tilespmem:$0x1F000] =	vst v63  }
0x6d: {  	s3 =	sadd.s32 $0x100, s5  }
0x6e: {  	[tilespmem:s17], [sflag:$0x3] =	stream.indirect.gather [hbm4b:s4+s14], $0x40, s3, s14, $0xb8;
	[tilespmem:$0x1F000] =	vst v63  }
0x6f: {  	s3 =	sadd.s32 $0x180, s5  }
0x70: {  	[tilespmem:s18], [sflag:$0x4] =	stream.indirect.gather [hbm4b:s4+s14], $0x40, s3, s14, $0xb8;
	[tilespmem:$0x1F000] =	vst v63  }
0x71: {  	s3 =	sadd.s32 $0x200, s5  }
0x72: {  	[tilespmem:s19], [sflag:$0x5] =	stream.indirect.gather [hbm4b:s4+s14], $0x40, s3, s14, $0xb8;
	[tilespmem:$0x1F000] =	vst v63  }
0x73: {  	s3 =	sadd.s32 $0x280, s5  }
0x74: {  	[tilespmem:s20], [sflag:$0x6] =	stream.indirect.gather [hbm4b:s4+s14], $0x40, s3, s14, $0xb8;
	[tilespmem:$0x1F000] =	vst v63  }
0x75: {  	s3 =	sadd.s32 $0x300, s5  }
0x76: {  	[tilespmem:s21], [sflag:$0x7] =	stream.indirect.gather [hbm4b:s4+s14], $0x40, s3, s14, $0xb8;
	[tilespmem:$0x1F000] =	vst v63  }
0x77: {  	s3 =	sadd.s32 $0x380, s5  }
0x78: {  	[tilespmem:s22], [sflag:$0x8] =	stream.indirect.gather [hbm4b:s4+s14], $0x40, s3, s14, $0xb8;
	[tilespmem:$0x1F000] =	vst v63  }
0x79: {  	_ =	swait.ge [sflag:s23], $0x2000  }
0x7a: {  	[sflag:s23] =	ssyncset.done $0x0  }
0x7b: {  	s3 =	sadd.s32 $0x2800, s5;
	[sflag:s23] =	ssyncadd.s32 $0xFFFFE000  }
0x7c: {  	[spmem:s2] =	stream.indirect.scatter.add.f32 [tilespmem:s15], [sflag:$0x9], $0x40, s3, s14, $0xb8;
	[tilespmem:$0x1F000] =	vst v63  }
0x7d: {  	_ =	swait.ge [sflag:s12], $0x2000  }
0x7e: {  	[sflag:s12] =	ssyncset.done $0x0  }
0x7f: {  	[sflag:s12] =	ssyncadd.s32 $0xFFFFE000  }
0x80: {  	_ =	swait.ge [sflag:s24], $0x2000  }
0x81: {  	[sflag:s24] =	ssyncset.done $0x0  }
0x82: {  	s3 =	sadd.s32 $0x2880, s5;
	[sflag:s24] =	ssyncadd.s32 $0xFFFFE000  }
0x83: {  	[spmem:s2] =	stream.indirect.scatter.add.f32 [tilespmem:s16], [sflag:$0x9], $0x40, s3, s14, $0xb8;
	[tilespmem:$0x1F000] =	vst v63  }
0x84: {  	_ =	swait.ge [sflag:s12], $0x2000  }
0x85: {  	[sflag:s12] =	ssyncset.done $0x0  }
0x86: {  	[sflag:s12] =	ssyncadd.s32 $0xFFFFE000  }
0x87: {  	_ =	swait.ge [sflag:s26], $0x2000  }
0x88: {  	[sflag:s26] =	ssyncset.done $0x0  }
0x89: {  	s3 =	sadd.s32 $0x2900, s5;
	[sflag:s26] =	ssyncadd.s32 $0xFFFFE000  }
0x8a: {  	[spmem:s2] =	stream.indirect.scatter.add.f32 [tilespmem:s17], [sflag:$0x9], $0x40, s3, s14, $0xb8;
	[tilespmem:$0x1F000] =	vst v63  }
0x8b: {  	_ =	swait.ge [sflag:s12], $0x2000  }
0x8c: {  	[sflag:s12] =	ssyncset.done $0x0  }
0x8d: {  	[sflag:s12] =	ssyncadd.s32 $0xFFFFE000  }
0x8e: {  	_ =	swait.ge [sflag:s28], $0x2000  }
0x8f: {  	[sflag:s28] =	ssyncset.done $0x0  }
0x90: {  	s3 =	sadd.s32 $0x2980, s5;
	[sflag:s28] =	ssyncadd.s32 $0xFFFFE000  }
0x91: {  	[spmem:s2] =	stream.indirect.scatter.add.f32 [tilespmem:s18], [sflag:$0x9], $0x40, s3, s14, $0xb8;
	[tilespmem:$0x1F000] =	vst v63  }
0x92: {  	_ =	swait.ge [sflag:s12], $0x2000  }
0x93: {  	[sflag:s12] =	ssyncset.done $0x0  }
0x94: {  	[sflag:s12] =	ssyncadd.s32 $0xFFFFE000  }
0x95: {  	_ =	swait.ge [sflag:s29], $0x2000  }
0x96: {  	[sflag:s29] =	ssyncset.done $0x0  }
0x97: {  	s3 =	sadd.s32 $0x2A00, s5;
	[sflag:s29] =	ssyncadd.s32 $0xFFFFE000  }
0x98: {  	[spmem:s2] =	stream.indirect.scatter.add.f32 [tilespmem:s19], [sflag:$0x9], $0x40, s3, s14, $0xb8;
	[tilespmem:$0x1F000] =	vst v63  }
0x99: {  	_ =	swait.ge [sflag:s12], $0x2000  }
0x9a: {  	[sflag:s12] =	ssyncset.done $0x0  }
0x9b: {  	[sflag:s12] =	ssyncadd.s32 $0xFFFFE000  }
0x9c: {  	_ =	swait.ge [sflag:s30], $0x2000  }
0x9d: {  	[sflag:s30] =	ssyncset.done $0x0  }
0x9e: {  	s3 =	sadd.s32 $0x2A80, s5;
	[sflag:s30] =	ssyncadd.s32 $0xFFFFE000  }
0x9f: {  	[spmem:s2] =	stream.indirect.scatter.add.f32 [tilespmem:s20], [sflag:$0x9], $0x40, s3, s14, $0xb8;
	[tilespmem:$0x1F000] =	vst v63  }
0xa0: {  	_ =	swait.ge [sflag:s12], $0x2000  }
0xa1: {  	[sflag:s12] =	ssyncset.done $0x0  }
0xa2: {  	[sflag:s12] =	ssyncadd.s32 $0xFFFFE000  }
0xa3: {  	_ =	swait.ge [sflag:s31], $0x2000  }
0xa4: {  	[sflag:s31] =	ssyncset.done $0x0  }
0xa5: {  	s3 =	sadd.s32 $0x2B00, s5;
	[sflag:s31] =	ssyncadd.s32 $0xFFFFE000  }
0xa6: {  	[spmem:s2] =	stream.indirect.scatter.add.f32 [tilespmem:s21], [sflag:$0x9], $0x40, s3, s14, $0xb8;
	[tilespmem:$0x1F000] =	vst v63  }
0xa7: {  	_ =	swait.ge [sflag:s12], $0x2000  }
0xa8: {  	[sflag:s12] =	ssyncset.done $0x0  }
0xa9: {  	[sflag:s12] =	ssyncadd.s32 $0xFFFFE000  }
0xaa: {  	_ =	swait.ge [sflag:s1], $0x2000  }
.Ltmp0:
0xab: {  	[sflag:s1] =	ssyncset.done $0x0;
	(pc) =	sbr.rel @p0 .LBB2_2-.Ltmp0, $4  }
0xac: {  	s3 =	sadd.s32 $0x2B80, s5;
	[sflag:s1] =	ssyncadd.s32 $0xFFFFE000  }
0xad: {  	[spmem:s2] =	stream.indirect.scatter.add.f32 [tilespmem:s22], [sflag:$0x9], $0x40, s3, s14, $0xb8;
	[tilespmem:$0x1F000] =	vst v63  }
0xae: {  	_ =	swait.ge [sflag:s12], $0x2000  }
0xaf: {  	s3 =	smov.u32 s6;
	[sflag:s12] =	ssyncset.done $0x0  }
0xb0: {  	s3 =	sshra.s32 s13, $0x2;
	[sflag:s12] =	ssyncadd.s32 $0xFFFFE000  }
0xb1: {  	[tilespmem:s15], [sflag:$0x1] =	stream.indirect.gather [hbm4b:s4+s14], $0x40, s3, s14, $0xb8;
	[tilespmem:$0x1F000] =	vst v63  }
0xb2: {  	s5 =	sadd.s32 $0x80, s3  }
0xb3: {  	[tilespmem:s16], [sflag:$0x2] =	stream.indirect.gather [hbm4b:s4+s14], $0x40, s5, s14, $0xb8;
	[tilespmem:$0x1F000] =	vst v63  }
0xb4: {  	s13 =	sadd.s32 $0x100, s3  }
0xb5: {  	[tilespmem:s17], [sflag:$0x3] =	stream.indirect.gather [hbm4b:s4+s14], $0x40, s13, s14, $0xb8;
	[tilespmem:$0x1F000] =	vst v63  }
0xb6: {  	s6 =	sadd.s32 $0x180, s3  }
0xb7: {  	[tilespmem:s18], [sflag:$0x4] =	stream.indirect.gather [hbm4b:s4+s14], $0x40, s6, s14, $0xb8;
	[tilespmem:$0x1F000] =	vst v63  }
0xb8: {  	s13 =	sadd.s32 $0x200, s3  }
0xb9: {  	[tilespmem:s19], [sflag:$0x5] =	stream.indirect.gather [hbm4b:s4+s14], $0x40, s13, s14, $0xb8;
	[tilespmem:$0x1F000] =	vst v63  }
0xba: {  	s6 =	sadd.s32 $0x280, s3  }
0xbb: {  	[tilespmem:s20], [sflag:$0x6] =	stream.indirect.gather [hbm4b:s4+s14], $0x40, s6, s14, $0xb8;
	[tilespmem:$0x1F000] =	vst v63  }
0xbc: {  	s13 =	sadd.s32 $0x300, s3  }
0xbd: {  	[tilespmem:s21], [sflag:$0x7] =	stream.indirect.gather [hbm4b:s4+s14], $0x40, s13, s14, $0xb8;
	[tilespmem:$0x1F000] =	vst v63  }
0xbe: {  	s6 =	sadd.s32 $0x380, s3  }
0xbf: {  	[tilespmem:s22], [sflag:$0x8] =	stream.indirect.gather [hbm4b:s4+s14], $0x40, s6, s14, $0xb8;
	[tilespmem:$0x1F000] =	vst v63  }
0xc0: {  	_ =	swait.ge [sflag:s23], $0x2000  }
0xc1: {  	[sflag:s23] =	ssyncset.done $0x0  }
0xc2: {  	s13 =	sadd.s32 $0x2800, s3;
	[sflag:s23] =	ssyncadd.s32 $0xFFFFE000  }
0xc3: {  	[spmem:s2] =	stream.indirect.scatter.add.f32 [tilespmem:s15], [sflag:$0x9], $0x40, s13, s14, $0xb8;
	[tilespmem:$0x1F000] =	vst v63  }
0xc4: {  	_ =	swait.ge [sflag:s12], $0x2000  }
0xc5: {  	[sflag:s12] =	ssyncset.done $0x0  }
0xc6: {  	[sflag:s12] =	ssyncadd.s32 $0xFFFFE000  }
0xc7: {  	_ =	swait.ge [sflag:s24], $0x2000  }
0xc8: {  	[sflag:s24] =	ssyncset.done $0x0  }
0xc9: {  	s6 =	sadd.s32 $0x2880, s3;
	[sflag:s24] =	ssyncadd.s32 $0xFFFFE000  }
0xca: {  	[spmem:s2] =	stream.indirect.scatter.add.f32 [tilespmem:s16], [sflag:$0x9], $0x40, s6, s14, $0xb8;
	[tilespmem:$0x1F000] =	vst v63  }
0xcb: {  	_ =	swait.ge [sflag:s12], $0x2000  }
0xcc: {  	[sflag:s12] =	ssyncset.done $0x0  }
0xcd: {  	[sflag:s12] =	ssyncadd.s32 $0xFFFFE000  }
0xce: {  	_ =	swait.ge [sflag:s26], $0x2000  }
0xcf: {  	[sflag:s26] =	ssyncset.done $0x0  }
0xd0: {  	s13 =	sadd.s32 $0x2900, s3;
	[sflag:s26] =	ssyncadd.s32 $0xFFFFE000  }
0xd1: {  	[spmem:s2] =	stream.indirect.scatter.add.f32 [tilespmem:s17], [sflag:$0x9], $0x40, s13, s14, $0xb8;
	[tilespmem:$0x1F000] =	vst v63  }
0xd2: {  	_ =	swait.ge [sflag:s12], $0x2000  }
0xd3: {  	[sflag:s12] =	ssyncset.done $0x0  }
0xd4: {  	[sflag:s12] =	ssyncadd.s32 $0xFFFFE000  }
0xd5: {  	_ =	swait.ge [sflag:s28], $0x2000  }
0xd6: {  	[sflag:s28] =	ssyncset.done $0x0  }
0xd7: {  	s6 =	sadd.s32 $0x2980, s3;
	[sflag:s28] =	ssyncadd.s32 $0xFFFFE000  }
0xd8: {  	[spmem:s2] =	stream.indirect.scatter.add.f32 [tilespmem:s18], [sflag:$0x9], $0x40, s6, s14, $0xb8;
	[tilespmem:$0x1F000] =	vst v63  }
0xd9: {  	_ =	swait.ge [sflag:s12], $0x2000  }
0xda: {  	[sflag:s12] =	ssyncset.done $0x0  }
0xdb: {  	[sflag:s12] =	ssyncadd.s32 $0xFFFFE000  }
0xdc: {  	_ =	swait.ge [sflag:s29], $0x2000  }
0xdd: {  	[sflag:s29] =	ssyncset.done $0x0  }
0xde: {  	s13 =	sadd.s32 $0x2A00, s3;
	[sflag:s29] =	ssyncadd.s32 $0xFFFFE000  }
0xdf: {  	[spmem:s2] =	stream.indirect.scatter.add.f32 [tilespmem:s19], [sflag:$0x9], $0x40, s13, s14, $0xb8;
	[tilespmem:$0x1F000] =	vst v63  }
0xe0: {  	_ =	swait.ge [sflag:s12], $0x2000  }
0xe1: {  	[sflag:s12] =	ssyncset.done $0x0  }
0xe2: {  	[sflag:s12] =	ssyncadd.s32 $0xFFFFE000  }
0xe3: {  	_ =	swait.ge [sflag:s30], $0x2000  }
0xe4: {  	[sflag:s30] =	ssyncset.done $0x0  }
0xe5: {  	s6 =	sadd.s32 $0x2A80, s3;
	[sflag:s30] =	ssyncadd.s32 $0xFFFFE000  }
0xe6: {  	[spmem:s2] =	stream.indirect.scatter.add.f32 [tilespmem:s20], [sflag:$0x9], $0x40, s6, s14, $0xb8;
	[tilespmem:$0x1F000] =	vst v63  }
0xe7: {  	_ =	swait.ge [sflag:s12], $0x2000  }
0xe8: {  	[sflag:s12] =	ssyncset.done $0x0  }
0xe9: {  	[sflag:s12] =	ssyncadd.s32 $0xFFFFE000  }
0xea: {  	_ =	swait.ge [sflag:s31], $0x2000  }
0xeb: {  	[sflag:s31] =	ssyncset.done $0x0  }
0xec: {  	s13 =	sadd.s32 $0x2B00, s3;
	[sflag:s31] =	ssyncadd.s32 $0xFFFFE000  }
0xed: {  	[spmem:s2] =	stream.indirect.scatter.add.f32 [tilespmem:s21], [sflag:$0x9], $0x40, s13, s14, $0xb8;
	[tilespmem:$0x1F000] =	vst v63  }
0xee: {  	_ =	swait.ge [sflag:s12], $0x2000  }
0xef: {  	[sflag:s12] =	ssyncset.done $0x0  }
0xf0: {  	[sflag:s12] =	ssyncadd.s32 $0xFFFFE000  }
0xf1: {  	_ =	swait.ge [sflag:s1], $0x2000  }
0xf2: {  	[sflag:s1] =	ssyncset.done $0x0  }
0xf3: {  	s3 =	sadd.s32 $0x2B80, s3;
	[sflag:s1] =	ssyncadd.s32 $0xFFFFE000  }
0xf4: {  	[spmem:s2] =	stream.indirect.scatter.add.f32 [tilespmem:s22], [sflag:$0x9], $0x40, s3, s14, $0xb8;
	[tilespmem:$0x1F000] =	vst v63  }
0xf5: {  	_ =	swait.ge [sflag:s12], $0x2000  }
0xf6: {  	s0 =	sadd.s32 $0x1, s0;
	[sflag:s12] =	ssyncset.done $0x0  }
0xf7: {  	p0 =	sne.s32 s0, s8;
	[sflag:s12] =	ssyncadd.s32 $0xFFFFE000  }
.Ltmp1:
0xf8: {  	[bflag:$0x0] =	sbarrier.arrive $0xFFFF;
	(pc) =	sbr.rel @p0 .LBB2_1-.Ltmp1, $4  }
0xf9: {  	[hbm:s7], [sflag:s10] =	dma.local [spmem:s25], $0x1400  }
0xfa: {  	_ =	swait.ge [sflag:s12], $0x1400  }
0xfb: {  	[sflag:s12] =	ssyncset.done $0x0  }
0xfc: {  	[sflag:s12] =	ssyncadd.s32 $0xFFFFEC00  }
0xfd: {  	_ =	sfence.sel $0x180000  }
0xfe: {  	[bflag:$0x0] =	sbarrier.arrive $0xFFFF  }
0xff: {  	_ =	strace $0x9000004D  }
0x100: {  	s0 =	stileid.u32;
	[bflag:$0x2] =	sbarrier.arrive $0xFFFF  }
0x101: {  	p0 =	sne.s32 s0, $0x0;
	s0 =	rddreg [dreg:$0x2]  }
0x102: {  	s0 =	sadd.s32 @!p0 $0x100000, s0  }
0x103: {  	[sflag:s0] =	ssyncadd.tile.s32 @!p0 $0x1;
	_ =	shalt  }
.Lfunc_end2:
_tile_overlayer_lowered:
.L_overlay_start_2:
0x104: {  	(tag) =	ssettag $0x2  }
0x105: {  	s0 =	rddreg [dreg:$0x0];
	s2 =	stileid.u32  }
0x106: {  	s1 =	rddreg [dreg:$0x1];
	p0 =	sne.s32 s2, $0x0  }
0x107: {  	s3 =	rddreg [dreg:$0x2];
	[bflag:$0x3] =	sbarrier.arrive $0xFFFF;
	s2 =	simm.s32 @!p0 $0x1C09  }
0x108: {  	[timem:s3], [sflag:s2] =	dma.local @!p0 [hbm:s0], s1  }
0x109: {  	s0 =	simm.s32 @!p0 $0x9  }
0x10a: {  	_ =	swait.ge @!p0 [sflag:s0], s1  }
0x10b: {  	s1 =	ssub.s32 @!p0 $0x0, s1;
	[sflag:s0] =	ssyncset.done @!p0 $0x0  }
0x10c: {  	[sflag:s0] =	ssyncadd.s32 @!p0 s1  }
0x10d: {  	[bflag:$0x3] =	sbarrier.arrive $0xFFFF  }
0x10e: {  	_ =	shalt  }

// kernel: kernel.19.cloned.1.call-start
scs
__scs_entry_jumppad:
0x0: {  	(pc) =	sbr.rel $0x88, $3  }
0x1: {  	(tag) =	ssettag $0x0;
	lr =	simm.s32 $0x1  }
0x2: {  	[smem:$0x3F88] =	sst lr;
	_ =	strace $0xD0000000  }
0x3: {  	_ = 	snop  }
0x4: {  	_ = 	snop  }
0x5: {  	_ = 	snop  }
0x6: {  	_ = 	snop  }
0x7: {  	_ = 	snop  }
__scs_overlays_trampoline_lowered:
0x8: {  	[smem:$0x3F97] =	sst s0  }
0x9: {  	[smem:$0x3F98] =	sst s1  }
0xa: {  	[smem:$0x3F99] =	sst s2  }
0xb: {  	[smem:$0x3F9A] =	sst s3  }
0xc: {  	[smem:$0x3F9B] =	sst s4  }
0xd: {  	[smem:$0x3F9C] =	sst s5  }
0xe: {  	[smem:$0x3F9D] =	sst s6  }
0xf: {  	[smem:$0x3F9E] =	sst s7  }
0x10: {  	[smem:$0x3F9F] =	sst s8  }
0x11: {  	[smem:$0x3FA0] =	sst s9;
	s0 =	simm.s32 @!p0 $0x0  }
0x12: {  	s1 =	sld [smem:$0x3F86];
	s0 =	simm.s32 @p0 $0x1  }
0x13: {  	[smem:$0x3FA1] =	sst s0;
	s0 =	simm.s32 @!p1 $0x0  }
0x14: {  	s2 =	sld [smem:$0x3F85];
	s0 =	simm.s32 @p1 $0x1  }
0x15: {  	[smem:$0x3FA2] =	sst s0;
	s0 =	simm.s32 @!p2 $0x0  }
0x16: {  	s3 =	sld [smem:$0x3FDB];
	s0 =	simm.s32 @p2 $0x1  }
0x17: {  	s4 =	simm.s32 $0x1BF5;
	[smem:$0x3FA4] =	sst s0  }
0x18: {  	s0 =	sld [smem:$0x3F87];
	_ =	swait.ge [sflag:s4], $0x0  }
0x19: {  	s7 =	sld [smem:$0x3F88]  }
0x1a: {  	s8 =	sadd.s32 $0xFFFFE003, lr  }
0x1b: {  	s9 =	sadd.s32 $0xFFFFFEF7, lr;
	s5 =	simm.s32 $0xFFFFFFFF;
	p2 =	slt.u32 s8, $0xFFFFF086  }
0x1c: {  	p1 =	slt.u32 s9, $0xF7A;
	s5 =	simm.s32 @!p2 $0x0  }
0x1d: {  	s5 =	simm.s32 @p1 $0x1;
	p0 =	seq.s32 s7, s2  }
0x1e: {  	s7 =	smul.u32 @!p0 $0xF7A, s2;
	p2 =	seq.s32 @!p0 s5, $0x0  }
0x1f: {  	s9 =	smul.u32 $0xF7A, s1;
	s8 =	simm.s32 @!p0 $0x1BF5;
	p2 =	por !p2, p0  }
0x20: {  	[sflag:s8] =	ssyncset.s32 @!p0 $0xFFFFF086;
	s6 =	sadd.s32 @!p0 s3, s7;
	s7 =	simm.s32 @!p0 $0x108  }
0x21: {  	s3 =	sadd.s32 s3, s9;
	s6 =	sadd.s32 @!p0 $0x88, s6;
	s7 =	simm.s32 @p2 $0x1082  }
0x22: {  	[simem:s7], [sflag:s8] =	dma.local @!p0 [hbm:s6], $0xF7A  }
0x23: {  	s9 =	sor.u32 $0xD0000000, s2;
	s6 =	simm.s32 $0x108;
	_ =	swait.ge @!p0 [sflag:s8], $0x0  }
0x24: {  	s3 =	sadd.s32 $0x88, s3;
	s6 =	simm.s32 @!p1 $0x1082;
	[sflag:s4] =	ssyncset.s32 $0xFFFFF086  }
0x25: {  	[simem:s6], [sflag:s4] =	dma.local [hbm:s3], $0xF7A  }
0x26: {  	[smem:$0x3F88] =	sst s1;
	(tag) =	ssettag s2;
	_ =	strace s9  }
0x27: {  	s1 =	sld [smem:$0x3F98]  }
0x28: {  	s2 =	sld [smem:$0x3F99]  }
0x29: {  	s4 =	sld [smem:$0x3F9B]  }
0x2a: {  	p0 =	seq.s32 s5, $0x0;
	s5 =	sld [smem:$0x3F9C]  }
0x2b: {  	s6 =	sld [smem:$0x3F9D]  }
0x2c: {  	s7 =	sld [smem:$0x3F9E]  }
0x2d: {  	s3 =	simm.s32 $0x108;
	s8 =	sld [smem:$0x3F9F]  }
0x2e: {  	s3 =	simm.s32 @!p0 $0x1082;
	s9 =	sld [smem:$0x3FA0]  }
0x2f: {  	lr =	sadd.s32 s0, s3;
	s0 =	sld [smem:$0x3F97]  }
0x30: {  	s3 =	sld [smem:$0x3F9A]  }
0x31: {  	[smem:$0x3FA3] =	sst s10  }
0x32: {  	s10 =	sld [smem:$0x3FA1];
	_ =	sdelay $0x3  }
0x33: {  	p0 =	seq.s32 s10, $0x1;
	s10 =	sld [smem:$0x3FA3];
	_ =	sdelay $0x3  }
0x34: {  	[smem:$0x3FA3] =	sst s10  }
0x35: {  	s10 =	sld [smem:$0x3FA2];
	_ =	sdelay $0x3  }
0x36: {  	p1 =	seq.s32 s10, $0x1;
	s10 =	sld [smem:$0x3FA3];
	_ =	sdelay $0x3  }
0x37: {  	[smem:$0x3FA3] =	sst s10  }
0x38: {  	s10 =	sld [smem:$0x3FA4]  }
0x39: {  	_ = 	snop;
	(pc) =	sbr.ind lr, $3  }
0x3a: {  	_ = 	snop  }
0x3b: {  	_ = 	snop  }
0x3c: {  	p2 =	seq.s32 s10, $0x1;
	s10 =	sld [smem:$0x3FA3]  }
0x3d: {  	_ =	shalt  }
0x3e: {  	_ =	shalt  }
0x3f: {  	_ =	shalt  }
0x40: {  	_ =	shalt  }
0x41: {  	_ =	shalt  }
0x42: {  	_ =	shalt  }
0x43: {  	_ =	shalt  }
0x44: {  	_ =	shalt  }
0x45: {  	_ =	shalt  }
0x46: {  	_ =	shalt  }
0x47: {  	_ =	shalt  }
0x48: {  	_ =	shalt  }
0x49: {  	_ =	shalt  }
0x4a: {  	_ =	shalt  }
0x4b: {  	_ =	shalt  }
0x4c: {  	_ =	shalt  }
0x4d: {  	_ =	shalt  }
0x4e: {  	_ =	shalt  }
0x4f: {  	_ =	shalt  }
0x50: {  	_ =	shalt  }
0x51: {  	_ =	shalt  }
0x52: {  	_ =	shalt  }
0x53: {  	_ =	shalt  }
0x54: {  	_ =	shalt  }
0x55: {  	_ =	shalt  }
0x56: {  	_ =	shalt  }
0x57: {  	_ =	shalt  }
0x58: {  	_ =	shalt  }
0x59: {  	_ =	shalt  }
0x5a: {  	_ =	shalt  }
0x5b: {  	_ =	shalt  }
0x5c: {  	_ =	shalt  }
0x5d: {  	_ =	shalt  }
0x5e: {  	_ =	shalt  }
0x5f: {  	_ =	shalt  }
0x60: {  	_ =	shalt  }
0x61: {  	_ =	shalt  }
0x62: {  	_ =	shalt  }
0x63: {  	_ =	shalt  }
0x64: {  	_ =	shalt  }
0x65: {  	_ =	shalt  }
0x66: {  	_ =	shalt  }
0x67: {  	_ =	shalt  }
0x68: {  	_ =	shalt  }
0x69: {  	_ =	shalt  }
0x6a: {  	_ =	shalt  }
0x6b: {  	_ =	shalt  }
0x6c: {  	_ =	shalt  }
0x6d: {  	_ =	shalt  }
0x6e: {  	_ =	shalt  }
0x6f: {  	_ =	shalt  }
0x70: {  	_ =	shalt  }
0x71: {  	_ =	shalt  }
0x72: {  	_ =	shalt  }
0x73: {  	_ =	shalt  }
0x74: {  	_ =	shalt  }
0x75: {  	_ =	shalt  }
0x76: {  	_ =	shalt  }
0x77: {  	_ =	shalt  }
0x78: {  	_ =	shalt  }
0x79: {  	_ =	shalt  }
0x7a: {  	_ =	shalt  }
0x7b: {  	_ =	shalt  }
0x7c: {  	_ =	shalt  }
0x7d: {  	_ =	shalt  }
0x7e: {  	_ =	shalt  }
0x7f: {  	_ =	shalt  }
0x80: {  	_ =	shalt  }
0x81: {  	_ =	shalt  }
0x82: {  	_ =	shalt  }
0x83: {  	_ =	shalt  }
0x84: {  	_ =	shalt  }
0x85: {  	_ =	shalt  }
0x86: {  	_ =	shalt  }
0x87: {  	_ =	shalt  }
.Lfunc_end0:
.L_simem_size_0:
called_computation.3_lowered:
.L_overlay_start_0:
0x88: {  	s2 =	sld [smem:$0x3FD9]  }
0x89: {  	s3 =	sld [smem:$0x3FFE];
	_ =	sdelay $0x1  }
0x8a: {  	s1 =	srdreg.scid  }
0x8b: {  	s0 =	sand.u32 $0x1, s1  }
0x8c: {  	s16 =	sshll.u32 s0, $0xA;
	s2 =	sadd.s32 s3, s2  }
0x8d: {  	s2 =	sadd.s32 s2, s16  }
0x8e: {  	[smem:$0x3FAF] =	sst s2  }
0x8f: {  	_ = 	snop  }
0x90: {  	(tm) =	ssettm $0x1  }
0x91: {  	s17 =	sld [smem:$0x3FFB];
	_ =	sdelay $0x3  }
0x92: {  	_ =	strace s17  }
0x93: {  	s2 =	sld [smem:$0x3FFC];
	_ =	sdelay $0x3  }
0x94: {  	_ =	strace s2  }
0x95: {  	s2 =	sld [smem:$0x3FFD];
	_ =	sdelay $0x3  }
0x96: {  	_ =	strace s2  }
0x97: {  	_ =	strace $0x8FFFFFFF  }
0x98: {  	s18 =	sld [smem:$0x3FDB];
	_ =	sdelay $0x1  }
0x99: {  	s19 =	simm.s32 $_scs_section_size  }
0x9a: {  	s4 =	simm.s32 $_size__tile_overlayer_lowered;
	s5 =	simm.s32 $_tile_overlayer_lowered  }
0x9b: {  	s22 =	simm.s32 $0x1BFF;
	s21 =	sshll.u32 s5, $0x1;
	s2 =	sadd.s32 s19, s18  }
0x9c: {  	s6 =	simm.s32 $0x0;
	s20 =	sshll.u32 s4, $0x1;
	s4 =	sadd.s32 s21, s2  }
0x9d: {  	[timem:s6], [sflag:s22] =	dma.local [hbm:s4], s20  }
0x9e: {  	_ =	swait.ge [sflag:s22], s20  }
0x9f: {  	s3 =	ssub.s32 $0x0, s20;
	[sflag:s22] =	ssyncset.done $0x0  }
0xa0: {  	[sflag:s22] =	ssyncadd.s32 s3;
	_ =	sdelay $0x1  }
0xa1: {  	s23 =	simm.s32 $0x1B8B  }
0xa2: {  	_ =	swait.ge [sflag:s23], $0x1  }
0xa3: {  	[sflag:s23] =	ssyncset.done $0x0  }
0xa4: {  	s25 =	simm.s32 $0x1B8E;
	s24 =	sld [smem:$0x3FFE];
	[sflag:s23] =	ssyncadd.s32 $0xFFFFFFFF  }
0xa5: {  	s26 =	simm.s32 $execute0_lowered;
	[smem:$0x3FD2] =	sst s25  }
0xa6: {  	s4 =	sshll.u32 s26, $0x1;
	_ =	strace $0x8000004F;
	[dreg:$0x1] =	wrdreg $0xFFFFFFFF  }
0xa7: {  	s28 =	simm.s32 $_size_execute0_lowered;
	s2 =	sadd.s32 s2, s4;
	[dreg:$0x0] =	wrdreg $0x0  }
0xa8: {  	s4 =	sshll.u32 s28, $0x1;
	[dreg:$0x2] =	wrdreg s2  }
0xa9: {  	[dreg:$0x3] =	wrdreg s4  }
0xaa: {  	[dreg:$0x4] =	wrdreg $0xC0  }
0xab: {  	_ =	task [dreg:s6], $0x5FFFF  }
0xac: {  	[dreg:$0x1] =	wrdreg $0xFFFFFFFF  }
0xad: {  	[dreg:$0x0] =	wrdreg $0x60  }
0xae: {  	[dreg:$0x2] =	wrdreg s24  }
0xaf: {  	[dreg:$0x3] =	wrdreg $0x150000  }
0xb0: {  	[dreg:$0x4] =	wrdreg $0x9  }
0xb1: {  	_ =	task.clear_ibuf [dreg:s6], $0x5FFFF;
	_ =	strace $0x9000004F  }
0xb2: {  	s29 =	simm.s32 $0x9;
	_ =	strace $0x80000051  }
0xb3: {  	_ =	swait.ge [sflag:s29], $0x1  }
0xb4: {  	[sflag:s29] =	ssyncadd.s32 $0xFFFFFFFF  }
0xb5: {  	_ =	strace $0x90000051  }
0xb6: {  	_ =	sfence  }
0xb7: {  	s30 =	sld [smem:$0x0];
	_ =	sdelay $0x2  }
0xb8: {  	s31 =	sshll.u32 s1, $0xD;
	s1 =	sshrl.u32 s1, $0x2  }
0xb9: {  	s3 =	sand.u32 $0x4000, s31;
	s1 =	sadd.s32 s1, s30  }
0xba: {  	s0 =	sor.u32 s3, s0;
	s1 =	sshll.u32 s1, $0x11  }
0xbb: {  	s0 =	sor.u32 s1, s0  }
0xbc: {  	s0 =	sadd.s32 $0x8F2B, s0  }
0xbd: {  	[sflag:s0] =	ssyncadd.remote.s32 $0x1  }
0xbe: {  	_ =	sfence.sel $0xFFFF  }
0xbf: {  	[dreg:$0x0] =	wrdreg $0xFFFFFFFF;
	(pc) =	sbr.abs _section_cstart, $3  }
0xc0: {  	[dreg:$0x1] =	wrdreg $0xFFFFFFFF  }
0xc1: {  	_ =	task.clear_ibuf [dreg:s6], $0x2FFFF;
	_ =	strace $0x9FFFFFFF  }
0xc2: {  	(tm) =	ssettm $0x7FFFFFFF  }
0xc3: {  	_ =	shalt  }
tec
execute0_lowered:
.L_overlay_start_1:
0x0: {  	(tag) =	ssettag $0x1  }
0x1: {  	s0 =	srdreg.scid;
	s1 =	rddreg [dreg:$0x0]  }
0x2: {  	s10 =	stileid.u32;
	s2 =	rddreg [dreg:$0x1];
	s4 =	simm.s32 $0x0  }
0x3: {  	s12 =	simm.s32 $0x9;
	s14 =	simm.s32 $0x80;
	s15 =	simm.s32 $0x5000  }
0x4: {  	s16 =	simm.s32 $0x7000;
	s17 =	simm.s32 $0x9000;
	s18 =	simm.s32 $0xB000  }
0x5: {  	s19 =	simm.s32 $0xD000;
	s28 =	simm.s32 $0x4;
	s29 =	simm.s32 $0x5  }
0x6: {  	s30 =	simm.s32 $0x6;
	s31 =	simm.s32 $0x7;
	s5 =	smul.u32 $0x1400, s10  }
0x7: {  	s0 =	sand.u32 $0x1, s0;
	[smem:$0x7FF] =	sst s4;
	s7 =	smul.u32 $0xA000, s10  }
0x8: {  	s4 =	sadd.s32 $0x4000, s1;
	s9 =	sadd.s32 $0x2C000, s1;
	s8 =	smul.u32 $0x28000, s10  }
0x9: {  	s26 =	sshll.u32 s10, $0x6;
	s3 =	sshll.u32 s0, $0x4;
	_ =	strace $0x80000050  }
0xa: {  	s6 =	smul.u32 $0x14000, s0;
	s20 =	ssub.s32 $0x2, s0;
	p0 =	seq.s32 s0, $0x0  }
0xb: {  	s0 =	simm.s32 $0x0;
	s3 =	sor.u32 s10, s3;
	s21 =	sshrl.u32 s20, $0x1  }
0xc: {  	s22 =	sadd.s32 s7, s2;
	s23 =	sshrl.u32 s7, $0x3;
	s8 =	sshrl.u32 s8, $0x2  }
0xd: {  	s9 =	smov.u32 @p0 s4;
	s10 =	sor.u32 $0x1C09, s26;
	s26 =	simm.s32 $0x3  }
0xe: {  	s3 =	smul.u32 $0x500, s3;
	s5 =	sadd.s32 s5, s6;
	s25 =	sadd.s32 s8, s2  }
0xf: {  	s9 =	sadd.s32 s9, s23;
	s11 =	sshrl.u32 s22, $0x3;
	s22 =	simm.s32 $0x13000  }
0x10: {  	s23 =	simm.s32 $0x1;
	s25 =	sshrl.u32 s25, $0x3;
	s3 =	sadd.s32 s3, s1  }
0x11: {  	s1 =	sadd.s32 s5, s1;
	s5 =	ssub.s32 s20, s21;
	s20 =	simm.s32 $0xF000  }
0x12: {  	s21 =	simm.s32 $0x11000;
	s24 =	sadd.s32 $0x22000, s3;
	s3 =	sadd.s32 $0x18000, s3  }
0x13: {  	s7 =	sadd.s32 $0x40000, s1;
	s8 =	smax.u32 s5, $0x1;
	[dreg:$0x3] =	wrdreg s24  }
0x14: {  	s1 =	simm.s32 $0x8;
	[dreg:$0x4] =	wrdreg s3;
	s24 =	simm.s32 $0x2  }
.LBB2_1:
0x15: {  	[spmem:s11], [sflag:s10] =	dma.local [hbm:s9], $0x1400  }
0x16: {  	_ =	swait.ge [sflag:s12], $0x1400  }
0x17: {  	[sflag:s12] =	ssyncset.done $0x0  }
0x18: {  	s3 =	simm.s32 $0x0;
	s5 =	rddreg [dreg:$0x3];
	[sflag:s12] =	ssyncadd.s32 $0xFFFFEC00  }
0x19: {  	[tilespmem:s3], [sflag:$0x9] =	stream.linear.gather [hbm4b:s5+s3], $0x2800, $0x38;
	[tilespmem:$0x1F000] =	vst v63  }
0x1a: {  	_ =	swait.ge [sflag:s12], $0x2800  }
0x1b: {  	[sflag:s12] =	ssyncset.done $0x0  }
0x1c: {  	s6 =	simm.s32 $0x2800;
	s13 =	rddreg [dreg:$0x4];
	[sflag:s12] =	ssyncadd.s32 $0xFFFFD800  }
0x1d: {  	[tilespmem:s6], [sflag:$0x9] =	stream.linear.gather [hbm4b:s13+s3], $0x2800, $0x38;
	[tilespmem:$0x1F000] =	vst v63  }
0x1e: {  	_ =	swait.ge [sflag:s12], $0x2800  }
0x1f: {  	[sflag:s12] =	ssyncset.done $0x0  }
0x20: {  	[sflag:s12] =	ssyncadd.s32 $0xFFFFD800  }
0x21: {  	s13 =	simm.s32 $0x0;
	[bflag:$0x0] =	sbarrier.arrive $0xFFFF  }
0x22: {  	[tilespmem:s15], [sflag:$0x1] =	stream.indirect.gather [hbm4b:s4+s14], $0x40, s13, s14, $0xb8;
	[tilespmem:$0x1F000] =	vst v63  }
0x23: {  	s5 =	simm.s32 $0x80  }
0x24: {  	[tilespmem:s16], [sflag:$0x2] =	stream.indirect.gather [hbm4b:s4+s14], $0x40, s5, s14, $0xb8;
	[tilespmem:$0x1F000] =	vst v63  }
0x25: {  	s6 =	simm.s32 $0x100  }
0x26: {  	[tilespmem:s17], [sflag:$0x3] =	stream.indirect.gather [hbm4b:s4+s14], $0x40, s6, s14, $0xb8;
	[tilespmem:$0x1F000] =	vst v63  }
0x27: {  	s13 =	simm.s32 $0x180  }
0x28: {  	[tilespmem:s18], [sflag:$0x4] =	stream.indirect.gather [hbm4b:s4+s14], $0x40, s13, s14, $0xb8;
	[tilespmem:$0x1F000] =	vst v63  }
0x29: {  	s5 =	simm.s32 $0x200  }
0x2a: {  	[tilespmem:s19], [sflag:$0x5] =	stream.indirect.gather [hbm4b:s4+s14], $0x40, s5, s14, $0xb8;
	[tilespmem:$0x1F000] =	vst v63  }
0x2b: {  	s6 =	simm.s32 $0x280  }
0x2c: {  	[tilespmem:s20], [sflag:$0x6] =	stream.indirect.gather [hbm4b:s4+s14], $0x40, s6, s14, $0xb8;
	[tilespmem:$0x1F000] =	vst v63  }
0x2d: {  	s13 =	simm.s32 $0x300  }
0x2e: {  	[tilespmem:s21], [sflag:$0x7] =	stream.indirect.gather [hbm4b:s4+s14], $0x40, s13, s14, $0xb8;
	[tilespmem:$0x1F000] =	vst v63  }
0x2f: {  	s5 =	simm.s32 $0x380  }
0x30: {  	[tilespmem:s22], [sflag:$0x8] =	stream.indirect.gather [hbm4b:s4+s14], $0x40, s5, s14, $0xb8;
	[tilespmem:$0x1F000] =	vst v63  }
0x31: {  	_ =	swait.ge [sflag:s23], $0x2000  }
0x32: {  	[sflag:s23] =	ssyncset.done $0x0  }
0x33: {  	s6 =	simm.s32 $0x2800;
	[sflag:s23] =	ssyncadd.s32 $0xFFFFE000  }
0x34: {  	[spmem:s2] =	stream.indirect.scatter.add.f32 [tilespmem:s15], [sflag:$0x9], $0x40, s6, s14, $0xb8;
	[tilespmem:$0x1F000] =	vst v63  }
0x35: {  	_ =	swait.ge [sflag:s12], $0x2000  }
0x36: {  	[sflag:s12] =	ssyncset.done $0x0  }
0x37: {  	[sflag:s12] =	ssyncadd.s32 $0xFFFFE000  }
0x38: {  	_ =	swait.ge [sflag:s24], $0x2000  }
0x39: {  	[sflag:s24] =	ssyncset.done $0x0  }
0x3a: {  	s13 =	simm.s32 $0x2880;
	[sflag:s24] =	ssyncadd.s32 $0xFFFFE000  }
0x3b: {  	[spmem:s2] =	stream.indirect.scatter.add.f32 [tilespmem:s16], [sflag:$0x9], $0x40, s13, s14, $0xb8;
	[tilespmem:$0x1F000] =	vst v63  }
0x3c: {  	_ =	swait.ge [sflag:s12], $0x2000  }
0x3d: {  	[sflag:s12] =	ssyncset.done $0x0  }
0x3e: {  	[sflag:s12] =	ssyncadd.s32 $0xFFFFE000  }
0x3f: {  	_ =	swait.ge [sflag:s26], $0x2000  }
0x40: {  	[sflag:s26] =	ssyncset.done $0x0  }
0x41: {  	s5 =	simm.s32 $0x2900;
	[sflag:s26] =	ssyncadd.s32 $0xFFFFE000  }
0x42: {  	[spmem:s2] =	stream.indirect.scatter.add.f32 [tilespmem:s17], [sflag:$0x9], $0x40, s5, s14, $0xb8;
	[tilespmem:$0x1F000] =	vst v63  }
0x43: {  	_ =	swait.ge [sflag:s12], $0x2000  }
0x44: {  	[sflag:s12] =	ssyncset.done $0x0  }
0x45: {  	[sflag:s12] =	ssyncadd.s32 $0xFFFFE000  }
0x46: {  	_ =	swait.ge [sflag:s28], $0x2000  }
0x47: {  	[sflag:s28] =	ssyncset.done $0x0  }
0x48: {  	s6 =	simm.s32 $0x2980;
	[sflag:s28] =	ssyncadd.s32 $0xFFFFE000  }
0x49: {  	[spmem:s2] =	stream.indirect.scatter.add.f32 [tilespmem:s18], [sflag:$0x9], $0x40, s6, s14, $0xb8;
	[tilespmem:$0x1F000] =	vst v63  }
0x4a: {  	_ =	swait.ge [sflag:s12], $0x2000  }
0x4b: {  	[sflag:s12] =	ssyncset.done $0x0  }
0x4c: {  	[sflag:s12] =	ssyncadd.s32 $0xFFFFE000  }
0x4d: {  	_ =	swait.ge [sflag:s29], $0x2000  }
0x4e: {  	[sflag:s29] =	ssyncset.done $0x0  }
0x4f: {  	s13 =	simm.s32 $0x2A00;
	[sflag:s29] =	ssyncadd.s32 $0xFFFFE000  }
0x50: {  	[spmem:s2] =	stream.indirect.scatter.add.f32 [tilespmem:s19], [sflag:$0x9], $0x40, s13, s14, $0xb8;
	[tilespmem:$0x1F000] =	vst v63  }
0x51: {  	_ =	swait.ge [sflag:s12], $0x2000  }
0x52: {  	[sflag:s12] =	ssyncset.done $0x0  }
0x53: {  	[sflag:s12] =	ssyncadd.s32 $0xFFFFE000  }
0x54: {  	_ =	swait.ge [sflag:s30], $0x2000  }
0x55: {  	[sflag:s30] =	ssyncset.done $0x0  }
0x56: {  	s5 =	simm.s32 $0x2A80;
	[sflag:s30] =	ssyncadd.s32 $0xFFFFE000  }
0x57: {  	[spmem:s2] =	stream.indirect.scatter.add.f32 [tilespmem:s20], [sflag:$0x9], $0x40, s5, s14, $0xb8;
	[tilespmem:$0x1F000] =	vst v63  }
0x58: {  	_ =	swait.ge [sflag:s12], $0x2000  }
0x59: {  	[sflag:s12] =	ssyncset.done $0x0  }
0x5a: {  	[sflag:s12] =	ssyncadd.s32 $0xFFFFE000  }
0x5b: {  	_ =	swait.ge [sflag:s31], $0x2000  }
0x5c: {  	[sflag:s31] =	ssyncset.done $0x0  }
0x5d: {  	s6 =	simm.s32 $0x2B00;
	[sflag:s31] =	ssyncadd.s32 $0xFFFFE000  }
0x5e: {  	[spmem:s2] =	stream.indirect.scatter.add.f32 [tilespmem:s21], [sflag:$0x9], $0x40, s6, s14, $0xb8;
	[tilespmem:$0x1F000] =	vst v63  }
0x5f: {  	_ =	swait.ge [sflag:s12], $0x2000  }
0x60: {  	[sflag:s12] =	ssyncset.done $0x0  }
0x61: {  	[sflag:s12] =	ssyncadd.s32 $0xFFFFE000  }
0x62: {  	_ =	swait.ge [sflag:s1], $0x2000  }
0x63: {  	[sflag:s1] =	ssyncset.done $0x0  }
0x64: {  	s13 =	simm.s32 $0x2B80;
	[sflag:s1] =	ssyncadd.s32 $0xFFFFE000  }
0x65: {  	[spmem:s2] =	stream.indirect.scatter.add.f32 [tilespmem:s22], [sflag:$0x9], $0x40, s13, s14, $0xb8;
	[tilespmem:$0x1F000] =	vst v63  }
0x66: {  	_ =	swait.ge [sflag:s12], $0x2000  }
0x67: {  	s3 =	simm.s32 $0x2000;
	s13 =	simm.s32 $0x1000;
	[sflag:s12] =	ssyncset.done $0x0  }
.LBB2_2:
0x68: {  	s5 =	sshra.s32 s13, $0x2  }
0x69: {  	[sflag:s12] =	ssyncadd.s32 $0xFFFFE000;
	s13 =	smov.u32 s3;
	s6 =	sadd.s32 $0x1000, s3  }
0x6a: {  	[tilespmem:s15], [sflag:$0x1] =	stream.indirect.gather [hbm4b:s4+s14], $0x40, s5, s14, $0xb8;
	[tilespmem:$0x1F000] =	vst v63  }
0x6b: {  	p0 =	sne.s32 s3, $0x9000;
	s3 =	sadd.s32 $0x80, s5  }
0x6c: {  	[tilespmem:s16], [sflag:$0x2] =	stream.indirect.gather [hbm4b:s4+s14], $0x40, s3, s14, $0xb8;
	[tilespmem:$0x1F000] =	vst v63  }
0x6d: {  	s3 =	sadd.s32 $0x100, s5  }
0x6e: {  	[tilespmem:s17], [sflag:$0x3] =	stream.indirect.gather [hbm4b:s4+s14], $0x40, s3, s14, $0xb8;
	[tilespmem:$0x1F000] =	vst v63  }
0x6f: {  	s3 =	sadd.s32 $0x180, s5  }
0x70: {  	[tilespmem:s18], [sflag:$0x4] =	stream.indirect.gather [hbm4b:s4+s14], $0x40, s3, s14, $0xb8;
	[tilespmem:$0x1F000] =	vst v63  }
0x71: {  	s3 =	sadd.s32 $0x200, s5  }
0x72: {  	[tilespmem:s19], [sflag:$0x5] =	stream.indirect.gather [hbm4b:s4+s14], $0x40, s3, s14, $0xb8;
	[tilespmem:$0x1F000] =	vst v63  }
0x73: {  	s3 =	sadd.s32 $0x280, s5  }
0x74: {  	[tilespmem:s20], [sflag:$0x6] =	stream.indirect.gather [hbm4b:s4+s14], $0x40, s3, s14, $0xb8;
	[tilespmem:$0x1F000] =	vst v63  }
0x75: {  	s3 =	sadd.s32 $0x300, s5  }
0x76: {  	[tilespmem:s21], [sflag:$0x7] =	stream.indirect.gather [hbm4b:s4+s14], $0x40, s3, s14, $0xb8;
	[tilespmem:$0x1F000] =	vst v63  }
0x77: {  	s3 =	sadd.s32 $0x380, s5  }
0x78: {  	[tilespmem:s22], [sflag:$0x8] =	stream.indirect.gather [hbm4b:s4+s14], $0x40, s3, s14, $0xb8;
	[tilespmem:$0x1F000] =	vst v63  }
0x79: {  	_ =	swait.ge [sflag:s23], $0x2000  }
0x7a: {  	[sflag:s23] =	ssyncset.done $0x0  }
0x7b: {  	s3 =	sadd.s32 $0x2800, s5;
	[sflag:s23] =	ssyncadd.s32 $0xFFFFE000  }
0x7c: {  	[spmem:s2] =	stream.indirect.scatter.add.f32 [tilespmem:s15], [sflag:$0x9], $0x40, s3, s14, $0xb8;
	[tilespmem:$0x1F000] =	vst v63  }
0x7d: {  	_ =	swait.ge [sflag:s12], $0x2000  }
0x7e: {  	[sflag:s12] =	ssyncset.done $0x0  }
0x7f: {  	[sflag:s12] =	ssyncadd.s32 $0xFFFFE000  }
0x80: {  	_ =	swait.ge [sflag:s24], $0x2000  }
0x81: {  	[sflag:s24] =	ssyncset.done $0x0  }
0x82: {  	s3 =	sadd.s32 $0x2880, s5;
	[sflag:s24] =	ssyncadd.s32 $0xFFFFE000  }
0x83: {  	[spmem:s2] =	stream.indirect.scatter.add.f32 [tilespmem:s16], [sflag:$0x9], $0x40, s3, s14, $0xb8;
	[tilespmem:$0x1F000] =	vst v63  }
0x84: {  	_ =	swait.ge [sflag:s12], $0x2000  }
0x85: {  	[sflag:s12] =	ssyncset.done $0x0  }
0x86: {  	[sflag:s12] =	ssyncadd.s32 $0xFFFFE000  }
0x87: {  	_ =	swait.ge [sflag:s26], $0x2000  }
0x88: {  	[sflag:s26] =	ssyncset.done $0x0  }
0x89: {  	s3 =	sadd.s32 $0x2900, s5;
	[sflag:s26] =	ssyncadd.s32 $0xFFFFE000  }
0x8a: {  	[spmem:s2] =	stream.indirect.scatter.add.f32 [tilespmem:s17], [sflag:$0x9], $0x40, s3, s14, $0xb8;
	[tilespmem:$0x1F000] =	vst v63  }
0x8b: {  	_ =	swait.ge [sflag:s12], $0x2000  }
0x8c: {  	[sflag:s12] =	ssyncset.done $0x0  }
0x8d: {  	[sflag:s12] =	ssyncadd.s32 $0xFFFFE000  }
0x8e: {  	_ =	swait.ge [sflag:s28], $0x2000  }
0x8f: {  	[sflag:s28] =	ssyncset.done $0x0  }
0x90: {  	s3 =	sadd.s32 $0x2980, s5;
	[sflag:s28] =	ssyncadd.s32 $0xFFFFE000  }
0x91: {  	[spmem:s2] =	stream.indirect.scatter.add.f32 [tilespmem:s18], [sflag:$0x9], $0x40, s3, s14, $0xb8;
	[tilespmem:$0x1F000] =	vst v63  }
0x92: {  	_ =	swait.ge [sflag:s12], $0x2000  }
0x93: {  	[sflag:s12] =	ssyncset.done $0x0  }
0x94: {  	[sflag:s12] =	ssyncadd.s32 $0xFFFFE000  }
0x95: {  	_ =	swait.ge [sflag:s29], $0x2000  }
0x96: {  	[sflag:s29] =	ssyncset.done $0x0  }
0x97: {  	s3 =	sadd.s32 $0x2A00, s5;
	[sflag:s29] =	ssyncadd.s32 $0xFFFFE000  }
0x98: {  	[spmem:s2] =	stream.indirect.scatter.add.f32 [tilespmem:s19], [sflag:$0x9], $0x40, s3, s14, $0xb8;
	[tilespmem:$0x1F000] =	vst v63  }
0x99: {  	_ =	swait.ge [sflag:s12], $0x2000  }
0x9a: {  	[sflag:s12] =	ssyncset.done $0x0  }
0x9b: {  	[sflag:s12] =	ssyncadd.s32 $0xFFFFE000  }
0x9c: {  	_ =	swait.ge [sflag:s30], $0x2000  }
0x9d: {  	[sflag:s30] =	ssyncset.done $0x0  }
0x9e: {  	s3 =	sadd.s32 $0x2A80, s5;
	[sflag:s30] =	ssyncadd.s32 $0xFFFFE000  }
0x9f: {  	[spmem:s2] =	stream.indirect.scatter.add.f32 [tilespmem:s20], [sflag:$0x9], $0x40, s3, s14, $0xb8;
	[tilespmem:$0x1F000] =	vst v63  }
0xa0: {  	_ =	swait.ge [sflag:s12], $0x2000  }
0xa1: {  	[sflag:s12] =	ssyncset.done $0x0  }
0xa2: {  	[sflag:s12] =	ssyncadd.s32 $0xFFFFE000  }
0xa3: {  	_ =	swait.ge [sflag:s31], $0x2000  }
0xa4: {  	[sflag:s31] =	ssyncset.done $0x0  }
0xa5: {  	s3 =	sadd.s32 $0x2B00, s5;
	[sflag:s31] =	ssyncadd.s32 $0xFFFFE000  }
0xa6: {  	[spmem:s2] =	stream.indirect.scatter.add.f32 [tilespmem:s21], [sflag:$0x9], $0x40, s3, s14, $0xb8;
	[tilespmem:$0x1F000] =	vst v63  }
0xa7: {  	_ =	swait.ge [sflag:s12], $0x2000  }
0xa8: {  	[sflag:s12] =	ssyncset.done $0x0  }
0xa9: {  	[sflag:s12] =	ssyncadd.s32 $0xFFFFE000  }
0xaa: {  	_ =	swait.ge [sflag:s1], $0x2000  }
.Ltmp0:
0xab: {  	[sflag:s1] =	ssyncset.done $0x0;
	(pc) =	sbr.rel @p0 .LBB2_2-.Ltmp0, $4  }
0xac: {  	s3 =	sadd.s32 $0x2B80, s5;
	[sflag:s1] =	ssyncadd.s32 $0xFFFFE000  }
0xad: {  	[spmem:s2] =	stream.indirect.scatter.add.f32 [tilespmem:s22], [sflag:$0x9], $0x40, s3, s14, $0xb8;
	[tilespmem:$0x1F000] =	vst v63  }
0xae: {  	_ =	swait.ge [sflag:s12], $0x2000  }
0xaf: {  	s3 =	smov.u32 s6;
	[sflag:s12] =	ssyncset.done $0x0  }
0xb0: {  	s3 =	sshra.s32 s13, $0x2;
	[sflag:s12] =	ssyncadd.s32 $0xFFFFE000  }
0xb1: {  	[tilespmem:s15], [sflag:$0x1] =	stream.indirect.gather [hbm4b:s4+s14], $0x40, s3, s14, $0xb8;
	[tilespmem:$0x1F000] =	vst v63  }
0xb2: {  	s5 =	sadd.s32 $0x80, s3  }
0xb3: {  	[tilespmem:s16], [sflag:$0x2] =	stream.indirect.gather [hbm4b:s4+s14], $0x40, s5, s14, $0xb8;
	[tilespmem:$0x1F000] =	vst v63  }
0xb4: {  	s13 =	sadd.s32 $0x100, s3  }
0xb5: {  	[tilespmem:s17], [sflag:$0x3] =	stream.indirect.gather [hbm4b:s4+s14], $0x40, s13, s14, $0xb8;
	[tilespmem:$0x1F000] =	vst v63  }
0xb6: {  	s6 =	sadd.s32 $0x180, s3  }
0xb7: {  	[tilespmem:s18], [sflag:$0x4] =	stream.indirect.gather [hbm4b:s4+s14], $0x40, s6, s14, $0xb8;
	[tilespmem:$0x1F000] =	vst v63  }
0xb8: {  	s13 =	sadd.s32 $0x200, s3  }
0xb9: {  	[tilespmem:s19], [sflag:$0x5] =	stream.indirect.gather [hbm4b:s4+s14], $0x40, s13, s14, $0xb8;
	[tilespmem:$0x1F000] =	vst v63  }
0xba: {  	s6 =	sadd.s32 $0x280, s3  }
0xbb: {  	[tilespmem:s20], [sflag:$0x6] =	stream.indirect.gather [hbm4b:s4+s14], $0x40, s6, s14, $0xb8;
	[tilespmem:$0x1F000] =	vst v63  }
0xbc: {  	s13 =	sadd.s32 $0x300, s3  }
0xbd: {  	[tilespmem:s21], [sflag:$0x7] =	stream.indirect.gather [hbm4b:s4+s14], $0x40, s13, s14, $0xb8;
	[tilespmem:$0x1F000] =	vst v63  }
0xbe: {  	s6 =	sadd.s32 $0x380, s3  }
0xbf: {  	[tilespmem:s22], [sflag:$0x8] =	stream.indirect.gather [hbm4b:s4+s14], $0x40, s6, s14, $0xb8;
	[tilespmem:$0x1F000] =	vst v63  }
0xc0: {  	_ =	swait.ge [sflag:s23], $0x2000  }
0xc1: {  	[sflag:s23] =	ssyncset.done $0x0  }
0xc2: {  	s13 =	sadd.s32 $0x2800, s3;
	[sflag:s23] =	ssyncadd.s32 $0xFFFFE000  }
0xc3: {  	[spmem:s2] =	stream.indirect.scatter.add.f32 [tilespmem:s15], [sflag:$0x9], $0x40, s13, s14, $0xb8;
	[tilespmem:$0x1F000] =	vst v63  }
0xc4: {  	_ =	swait.ge [sflag:s12], $0x2000  }
0xc5: {  	[sflag:s12] =	ssyncset.done $0x0  }
0xc6: {  	[sflag:s12] =	ssyncadd.s32 $0xFFFFE000  }
0xc7: {  	_ =	swait.ge [sflag:s24], $0x2000  }
0xc8: {  	[sflag:s24] =	ssyncset.done $0x0  }
0xc9: {  	s6 =	sadd.s32 $0x2880, s3;
	[sflag:s24] =	ssyncadd.s32 $0xFFFFE000  }
0xca: {  	[spmem:s2] =	stream.indirect.scatter.add.f32 [tilespmem:s16], [sflag:$0x9], $0x40, s6, s14, $0xb8;
	[tilespmem:$0x1F000] =	vst v63  }
0xcb: {  	_ =	swait.ge [sflag:s12], $0x2000  }
0xcc: {  	[sflag:s12] =	ssyncset.done $0x0  }
0xcd: {  	[sflag:s12] =	ssyncadd.s32 $0xFFFFE000  }
0xce: {  	_ =	swait.ge [sflag:s26], $0x2000  }
0xcf: {  	[sflag:s26] =	ssyncset.done $0x0  }
0xd0: {  	s13 =	sadd.s32 $0x2900, s3;
	[sflag:s26] =	ssyncadd.s32 $0xFFFFE000  }
0xd1: {  	[spmem:s2] =	stream.indirect.scatter.add.f32 [tilespmem:s17], [sflag:$0x9], $0x40, s13, s14, $0xb8;
	[tilespmem:$0x1F000] =	vst v63  }
0xd2: {  	_ =	swait.ge [sflag:s12], $0x2000  }
0xd3: {  	[sflag:s12] =	ssyncset.done $0x0  }
0xd4: {  	[sflag:s12] =	ssyncadd.s32 $0xFFFFE000  }
0xd5: {  	_ =	swait.ge [sflag:s28], $0x2000  }
0xd6: {  	[sflag:s28] =	ssyncset.done $0x0  }
0xd7: {  	s6 =	sadd.s32 $0x2980, s3;
	[sflag:s28] =	ssyncadd.s32 $0xFFFFE000  }
0xd8: {  	[spmem:s2] =	stream.indirect.scatter.add.f32 [tilespmem:s18], [sflag:$0x9], $0x40, s6, s14, $0xb8;
	[tilespmem:$0x1F000] =	vst v63  }
0xd9: {  	_ =	swait.ge [sflag:s12], $0x2000  }
0xda: {  	[sflag:s12] =	ssyncset.done $0x0  }
0xdb: {  	[sflag:s12] =	ssyncadd.s32 $0xFFFFE000  }
0xdc: {  	_ =	swait.ge [sflag:s29], $0x2000  }
0xdd: {  	[sflag:s29] =	ssyncset.done $0x0  }
0xde: {  	s13 =	sadd.s32 $0x2A00, s3;
	[sflag:s29] =	ssyncadd.s32 $0xFFFFE000  }
0xdf: {  	[spmem:s2] =	stream.indirect.scatter.add.f32 [tilespmem:s19], [sflag:$0x9], $0x40, s13, s14, $0xb8;
	[tilespmem:$0x1F000] =	vst v63  }
0xe0: {  	_ =	swait.ge [sflag:s12], $0x2000  }
0xe1: {  	[sflag:s12] =	ssyncset.done $0x0  }
0xe2: {  	[sflag:s12] =	ssyncadd.s32 $0xFFFFE000  }
0xe3: {  	_ =	swait.ge [sflag:s30], $0x2000  }
0xe4: {  	[sflag:s30] =	ssyncset.done $0x0  }
0xe5: {  	s6 =	sadd.s32 $0x2A80, s3;
	[sflag:s30] =	ssyncadd.s32 $0xFFFFE000  }
0xe6: {  	[spmem:s2] =	stream.indirect.scatter.add.f32 [tilespmem:s20], [sflag:$0x9], $0x40, s6, s14, $0xb8;
	[tilespmem:$0x1F000] =	vst v63  }
0xe7: {  	_ =	swait.ge [sflag:s12], $0x2000  }
0xe8: {  	[sflag:s12] =	ssyncset.done $0x0  }
0xe9: {  	[sflag:s12] =	ssyncadd.s32 $0xFFFFE000  }
0xea: {  	_ =	swait.ge [sflag:s31], $0x2000  }
0xeb: {  	[sflag:s31] =	ssyncset.done $0x0  }
0xec: {  	s13 =	sadd.s32 $0x2B00, s3;
	[sflag:s31] =	ssyncadd.s32 $0xFFFFE000  }
0xed: {  	[spmem:s2] =	stream.indirect.scatter.add.f32 [tilespmem:s21], [sflag:$0x9], $0x40, s13, s14, $0xb8;
	[tilespmem:$0x1F000] =	vst v63  }
0xee: {  	_ =	swait.ge [sflag:s12], $0x2000  }
0xef: {  	[sflag:s12] =	ssyncset.done $0x0  }
0xf0: {  	[sflag:s12] =	ssyncadd.s32 $0xFFFFE000  }
0xf1: {  	_ =	swait.ge [sflag:s1], $0x2000  }
0xf2: {  	[sflag:s1] =	ssyncset.done $0x0  }
0xf3: {  	s3 =	sadd.s32 $0x2B80, s3;
	[sflag:s1] =	ssyncadd.s32 $0xFFFFE000  }
0xf4: {  	[spmem:s2] =	stream.indirect.scatter.add.f32 [tilespmem:s22], [sflag:$0x9], $0x40, s3, s14, $0xb8;
	[tilespmem:$0x1F000] =	vst v63  }
0xf5: {  	_ =	swait.ge [sflag:s12], $0x2000  }
0xf6: {  	s0 =	sadd.s32 $0x1, s0;
	[sflag:s12] =	ssyncset.done $0x0  }
0xf7: {  	p0 =	sne.s32 s0, s8;
	[sflag:s12] =	ssyncadd.s32 $0xFFFFE000  }
.Ltmp1:
0xf8: {  	[bflag:$0x0] =	sbarrier.arrive $0xFFFF;
	(pc) =	sbr.rel @p0 .LBB2_1-.Ltmp1, $4  }
0xf9: {  	[hbm:s7], [sflag:s10] =	dma.local [spmem:s25], $0x1400  }
0xfa: {  	_ =	swait.ge [sflag:s12], $0x1400  }
0xfb: {  	[sflag:s12] =	ssyncset.done $0x0  }
0xfc: {  	[sflag:s12] =	ssyncadd.s32 $0xFFFFEC00  }
0xfd: {  	_ =	sfence.sel $0x180000  }
0xfe: {  	[bflag:$0x0] =	sbarrier.arrive $0xFFFF  }
0xff: {  	_ =	strace $0x90000050  }
0x100: {  	s0 =	stileid.u32;
	[bflag:$0x2] =	sbarrier.arrive $0xFFFF  }
0x101: {  	p0 =	sne.s32 s0, $0x0;
	s0 =	rddreg [dreg:$0x2]  }
0x102: {  	s0 =	sadd.s32 @!p0 $0x100000, s0  }
0x103: {  	[sflag:s0] =	ssyncadd.tile.s32 @!p0 $0x1;
	_ =	shalt  }
.Lfunc_end2:
_tile_overlayer_lowered:
.L_overlay_start_2:
0x104: {  	(tag) =	ssettag $0x2  }
0x105: {  	s0 =	rddreg [dreg:$0x0];
	s2 =	stileid.u32  }
0x106: {  	s1 =	rddreg [dreg:$0x1];
	p0 =	sne.s32 s2, $0x0  }
0x107: {  	s3 =	rddreg [dreg:$0x2];
	[bflag:$0x3] =	sbarrier.arrive $0xFFFF;
	s2 =	simm.s32 @!p0 $0x1C09  }
0x108: {  	[timem:s3], [sflag:s2] =	dma.local @!p0 [hbm:s0], s1  }
0x109: {  	s0 =	simm.s32 @!p0 $0x9  }
0x10a: {  	_ =	swait.ge @!p0 [sflag:s0], s1  }
0x10b: {  	s1 =	ssub.s32 @!p0 $0x0, s1;
	[sflag:s0] =	ssyncset.done @!p0 $0x0  }
0x10c: {  	[sflag:s0] =	ssyncadd.s32 @!p0 s1  }
0x10d: {  	[bflag:$0x3] =	sbarrier.arrive $0xFFFF  }
0x10e: {  	_ =	shalt  }

</sc_bundles>
